<compile_context>
chip_gen: v7x
topology: tpu7x:2x2x1
jax: 0.10.2.dev20260603
libtpu: 0.0.44.dev20260713+nightly
codegen_flags: <defaults>
</compile_context>

<pallas_src>
import functools

import jax
import jax.numpy as jnp
from jax import lax
from jax.experimental import pallas as pl
from jax.experimental.pallas import tpu as pltpu
from jax.experimental.pallas import tpu_sc as plsc

_N = 10000
_NP = 10240
_E = 160000
_EP = 163840
_NG = 64
_RATIO = 0.8
_HID = 128
_CH = 128
_NSUB = 16
_NW = 2 * _NSUB
_EPW = _EP // _NW
_CPT = _EPW // _CH
_RPT = _NP // _NSUB


def _sc_segsum(xn, src, dst):
  mesh = plsc.VectorSubcoreMesh(core_axis_name="c", subcore_axis_name="s")

  def body(xn_hbm, src_hbm, dst_hbm, out_hbm, src0, dst0, rows0, src1, dst1,
           rows1, agg_sh, sem0, sem1):
    cid = lax.axis_index("c")
    sid = lax.axis_index("s")
    wid = cid * _NSUB + sid
    base = wid * _EPW

    zero = jnp.zeros((16,), jnp.float32)

    def zbody(i, _):
      r = i // (_HID // 16)
      c = i % (_HID // 16)
      rows0[r, pl.ds(c * 16, 16)] = zero
      return 0

    lax.fori_loop(0, _CH * (_HID // 16), zbody, 0)
    for j in range(_RPT // _CH):
      pltpu.sync_copy(rows0, agg_sh.at[pl.ds(sid * _RPT + j * _CH, _CH)])

    pltpu.sync_copy(src_hbm.at[pl.ds(base, _CH)], src0)
    pltpu.sync_copy(dst_hbm.at[pl.ds(base, _CH)], dst0)
    pltpu.async_copy(xn_hbm.at[src0], rows0, sem0)
    plsc.subcore_barrier()

    def pair(j, _):
      c1 = 2 * j + 1
      c2 = 2 * j + 2

      @pl.when(c1 < _CPT)
      def _():
        pltpu.sync_copy(src_hbm.at[pl.ds(base + c1 * _CH, _CH)], src1)
        pltpu.sync_copy(dst_hbm.at[pl.ds(base + c1 * _CH, _CH)], dst1)
        pltpu.async_copy(xn_hbm.at[src1], rows1, sem1)

      pltpu.make_async_copy(xn_hbm.at[src0], rows0, sem0).wait()
      pltpu.sync_copy(rows0, agg_sh.at[dst0], add=True)

      @pl.when(c2 < _CPT)
      def _():
        pltpu.sync_copy(src_hbm.at[pl.ds(base + c2 * _CH, _CH)], src0)
        pltpu.sync_copy(dst_hbm.at[pl.ds(base + c2 * _CH, _CH)], dst0)
        pltpu.async_copy(xn_hbm.at[src0], rows0, sem0)

      @pl.when(c1 < _CPT)
      def _():
        pltpu.make_async_copy(xn_hbm.at[src1], rows1, sem1).wait()
        pltpu.sync_copy(rows1, agg_sh.at[dst1], add=True)

      return 0

    lax.fori_loop(0, (_CPT + 1) // 2, pair, 0)

    plsc.subcore_barrier()
    pltpu.sync_copy(agg_sh.at[pl.ds(sid * _RPT, _RPT)],
                    out_hbm.at[cid, pl.ds(sid * _RPT, _RPT)])

  return pl.kernel(
      body,
      out_type=jax.ShapeDtypeStruct((2, _NP, _HID), jnp.float32),
      mesh=mesh,
      scratch_types=[
          pltpu.VMEM((_CH,), jnp.int32),
          pltpu.VMEM((_CH,), jnp.int32),
          pltpu.VMEM((_CH, _HID), jnp.float32),
          pltpu.VMEM((_CH,), jnp.int32),
          pltpu.VMEM((_CH,), jnp.int32),
          pltpu.VMEM((_CH, _HID), jnp.float32),
          pltpu.VMEM_SHARED((_NP, _HID), jnp.float32),
          pltpu.SemaphoreType.DMA,
          pltpu.SemaphoreType.DMA,
      ],
  )(xn, src, dst)


def _conv(hprev, parts, Wr, Wn, b, p, prow):
  K = hprev.shape[1]
  MB = 1024
  npart = len(parts)

  def body(*refs):
    h_ref, s_ref = refs[-2], refs[-1]
    hp_ref = refs[0]
    part_refs = refs[1:1 + npart]
    wr_ref, wn_ref, b_ref, p_ref = refs[1 + npart:1 + npart + 4]
    prow_ref = refs[1 + npart + 4]
    if npart == 2:
      agg = part_refs[0][...] + part_refs[1][...]
    else:
      agg = jnp.concatenate(
          [part_refs[0][...] + part_refs[1][...],
           part_refs[2][...] + part_refs[3][...]], axis=1)
    h = jnp.maximum(
        jnp.dot(agg, wn_ref[...], preferred_element_type=jnp.float32) +
        jnp.dot(hp_ref[...], wr_ref[...], preferred_element_type=jnp.float32)
        + b_ref[...], 0.0)
    h_ref[...] = h
    pr = prow_ref[...]
    nrm = jnp.sqrt(jnp.sum(pr * pr)) + 1e-16
    u = jnp.dot(h, p_ref[...], preferred_element_type=jnp.float32)
    s_ref[...] = jnp.tanh(u / nrm)

  return pl.pallas_call(
      body,
      grid=(_NP // MB,),
      in_specs=[pl.BlockSpec((MB, K), lambda i: (i, 0))] +
               [pl.BlockSpec((MB, _HID), lambda i: (i, 0))] * npart +
               [
                   pl.BlockSpec((K, _HID), lambda i: (0, 0)),
                   pl.BlockSpec((K, _HID), lambda i: (0, 0)),
                   pl.BlockSpec((1, _HID), lambda i: (0, 0)),
                   pl.BlockSpec((_HID, 1), lambda i: (0, 0)),
                   pl.BlockSpec((1, _HID), lambda i: (0, 0)),
               ],
      out_specs=[
          pl.BlockSpec((MB, _HID), lambda i: (i, 0)),
          pl.BlockSpec((MB, 1), lambda i: (i, 0)),
      ],
      out_shape=[
          jax.ShapeDtypeStruct((_NP, _HID), jnp.float32),
          jax.ShapeDtypeStruct((_NP, 1), jnp.float32),
      ],
  )(hprev, *parts, Wr, Wn, b, p, prow)


def _rank(s_c, bc_c, bo_c, t_c, s_r, bc_r, bo_r, t_r):
  MB = 1024
  NB = _NP // MB

  def body(si_ref, bci_ref, boi_ref, ti_ref, sj_ref, bcj_ref, boj_ref,
           tj_ref, rank_ref, cnt_ref, cntt_ref):
    i = pl.program_id(0)
    j = pl.program_id(1)

    @pl.when(j == 0)
    def _():
      rank_ref[...] = jnp.zeros_like(rank_ref)
      bci = bci_ref[...]
      gi = lax.broadcasted_iota(jnp.int32, (1, 128), 1)
      eq = (bci == gi).astype(jnp.int32)

      @pl.when(i == 0)
      def _():
        cnt_ref[...] = jnp.zeros_like(cnt_ref)

      cnt_ref[...] += jnp.sum(eq, axis=0, keepdims=True)

    @pl.when((i == 0) & (j == 0))
    def _():
      cntt_ref[...] = jnp.zeros_like(cntt_ref)

    @pl.when(i == 0)
    def _():
      bcj = bcj_ref[...]
      gc = lax.broadcasted_iota(jnp.int32, (128, 1), 0)
      eqt = (bcj == gc).astype(jnp.int32)
      cntt_ref[...] += jnp.sum(eqt, axis=1, keepdims=True)

    lo_i = boi_ref[0, 0]
    hi_i = boi_ref[MB - 1, 0]
    lo_j = boj_ref[0, 0]
    hi_j = boj_ref[0, MB - 1]

    @pl.when((lo_j <= hi_i) & (hi_j >= lo_i))
    def _():
      si = si_ref[...]
      ti = ti_ref[...]
      bi = bci_ref[...]
      sj = sj_ref[...]
      tj = tj_ref[...]
      bj = bcj_ref[...]
      better = (sj > si) | ((sj == si) & (tj < ti))
      m = (better & (bj == bi)).astype(jnp.int32)
      rank_ref[...] += jnp.sum(m, axis=1, keepdims=True)

  return pl.pallas_call(
      body,
      grid=(NB, NB),
      in_specs=[
          pl.BlockSpec((MB, 1), lambda i, j: (i, 0)),
          pl.BlockSpec((MB, 1), lambda i, j: (i, 0)),
          pl.BlockSpec((MB, 1), lambda i, j: (i, 0)),
          pl.BlockSpec((MB, 1), lambda i, j: (i, 0)),
          pl.BlockSpec((1, MB), lambda i, j: (0, j)),
          pl.BlockSpec((1, MB), lambda i, j: (0, j)),
          pl.BlockSpec((1, MB), lambda i, j: (0, j)),
          pl.BlockSpec((1, MB), lambda i, j: (0, j)),
      ],
      out_specs=[
          pl.BlockSpec((MB, 1), lambda i, j: (i, 0)),
          pl.BlockSpec((1, 128), lambda i, j: (0, 0)),
          pl.BlockSpec((128, 1), lambda i, j: (0, 0)),
      ],
      out_shape=[
          jax.ShapeDtypeStruct((_NP, 1), jnp.int32),
          jax.ShapeDtypeStruct((1, 128), jnp.int32),
          jax.ShapeDtypeStruct((128, 1), jnp.int32),
      ],
  )(s_c, bc_c, bo_c, t_c, s_r, bc_r, bo_r, t_r)


def _apply(h, s_c, rank_c, cnt, bc_c, bo_c):
  MB = 1024
  NB = _NP // MB

  def body(h_ref, s_ref, r_ref, cnt_ref, bc_ref, bo_ref, hn_ref, bn_ref,
           gmax_ref, gsum_ref):
    pid = pl.program_id(0)

    @pl.when(pid == 0)
    def _():
      gmax_ref[...] = jnp.full_like(gmax_ref[...], -jnp.inf)
      gsum_ref[...] = jnp.zeros_like(gsum_ref[...])

    cntv = cnt_ref[...]
    kv = jnp.ceil(cntv.astype(jnp.float32) * _RATIO).astype(jnp.int32)
    bc = bc_ref[...]
    gi = lax.broadcasted_iota(jnp.int32, (1, 128), 1)
    kn = jnp.sum(jnp.where(bc == gi, kv, 0), axis=1, keepdims=True)
    rk = r_ref[...]
    sv = s_ref[...]
    keep = (rk < kn) & (bc < _NG)
    hn = jnp.where(keep, h_ref[...] * sv, 0.0)
    hn_ref[...] = hn
    bn = jnp.where(keep, bc, _NG)
    bn_ref[...] = bn

    glo = bo_ref[0, 0]
    ghi = jnp.minimum(bo_ref[MB - 1, 0], _NG - 1)

    def gbody(g, _):
      m = bn == g
      vals = jnp.where(m, hn, -jnp.inf)
      cur = gmax_ref[pl.ds(g, 1), :]
      gmax_ref[pl.ds(g, 1), :] = jnp.maximum(
          cur, jnp.max(vals, axis=0, keepdims=True))
      gsum_ref[pl.ds(g, 1), :] += jnp.sum(
          jnp.where(m, hn, 0.0), axis=0, keepdims=True)
      return 0

    lax.fori_loop(glo, ghi + 1, gbody, 0)

  return pl.pallas_call(
      body,
      grid=(NB,),
      in_specs=[
          pl.BlockSpec((MB, _HID), lambda i: (i, 0)),
          pl.BlockSpec((MB, 1), lambda i: (i, 0)),
          pl.BlockSpec((MB, 1), lambda i: (i, 0)),
          pl.BlockSpec((1, 128), lambda i: (0, 0)),
          pl.BlockSpec((MB, 1), lambda i: (i, 0)),
          pl.BlockSpec((MB, 1), lambda i: (i, 0)),
      ],
      out_specs=[
          pl.BlockSpec((MB, _HID), lambda i: (i, 0)),
          pl.BlockSpec((MB, 1), lambda i: (i, 0)),
          pl.BlockSpec((_NG, 128), lambda i: (0, 0)),
          pl.BlockSpec((_NG, 128), lambda i: (0, 0)),
      ],
      out_shape=[
          jax.ShapeDtypeStruct((_NP, _HID), jnp.float32),
          jax.ShapeDtypeStruct((_NP, 1), jnp.int32),
          jax.ShapeDtypeStruct((_NG, 128), jnp.float32),
          jax.ShapeDtypeStruct((_NG, 128), jnp.float32),
      ],
  )(h, s_c, rank_c, cnt, bc_c, bo_c)


def _head(m1, s1, c1, m2, s2, c2, m3, s3, c3, w1a, w1b, b1, w2, b2, w3, b3):

  def body(m1_ref, s1_ref, c1_ref, m2_ref, s2_ref, c2_ref, m3_ref, s3_ref,
           c3_ref, w1a_ref, w1b_ref, b1_ref, w2_ref, b2_ref, w3_ref, b3_ref,
           out_ref):

    def rd(mref, sref, cref):
      cv = cref[...]
      kcol = jnp.ceil(cv.astype(jnp.float32) * _RATIO)[:_NG, :]
      mx = mref[...]
      mx = jnp.where(jnp.isfinite(mx), mx, 0.0)
      mean = sref[...] / jnp.maximum(kcol, 1.0)
      return mx, mean

    mA, eA = rd(m1_ref, s1_ref, c1_ref)
    mB, eB = rd(m2_ref, s2_ref, c2_ref)
    mC, eC = rd(m3_ref, s3_ref, c3_ref)
    zmax = mA + mB + mC
    zmean = eA + eB + eC
    hh = jnp.maximum(
        jnp.dot(zmax, w1a_ref[...], preferred_element_type=jnp.float32) +
        jnp.dot(zmean, w1b_ref[...], preferred_element_type=jnp.float32) +
        b1_ref[...], 0.0)
    hh = jnp.maximum(
        jnp.dot(hh, w2_ref[...], preferred_element_type=jnp.float32) +
        b2_ref[...], 0.0)
    o = jnp.dot(hh, w3_ref[...], preferred_element_type=jnp.float32) + b3_ref[...]
    o = o - jnp.max(o, axis=1, keepdims=True)
    out_ref[...] = o - jnp.log(jnp.sum(jnp.exp(o), axis=1, keepdims=True))

  return pl.pallas_call(
      body,
      out_shape=jax.ShapeDtypeStruct((_NG, 16), jnp.float32),
  )(m1, s1, c1, m2, s2, c2, m3, s3, c3, w1a, w1b, b1, w2, b2, w3, b3)


def kernel(x, edge_index, batch, W1r, W1n, b1, p1, W2r, W2n, b2, p2, W3r, W3n,
           b3, p3, L1w, L1b, L2w, L2b, L3w, L3b):
  xp = jnp.zeros((_NP, x.shape[1]), jnp.float32).at[:_N].set(x)
  xA = xp[:, :_HID]
  xB = xp[:, _HID:]
  pad_e = _N + (jnp.arange(_EP - _E, dtype=jnp.int32) % (_NP - _N))
  srcp = jnp.concatenate([edge_index[0], pad_e])
  dstp = jnp.concatenate([edge_index[1], pad_e])
  bor = jnp.full((_NP,), _NG, jnp.int32).at[:_N].set(batch)
  bor_c = bor.reshape(_NP, 1)
  bor_r = bor.reshape(1, _NP)
  bc_c, bc_r = bor_c, bor_r
  t_c = jnp.arange(_NP, dtype=jnp.int32).reshape(_NP, 1)
  t_r = t_c.reshape(1, _NP)
  hprev = xp

  reads = []
  for li, (Wr, Wn, bb, pp) in enumerate(((W1r, W1n, b1, p1), (W2r, W2n, b2, p2),
                                         (W3r, W3n, b3, p3))):
    if li == 0:
      pa = _sc_segsum(xA, srcp, dstp)
      pb = _sc_segsum(xB, srcp, dstp)
      parts = (pa[0], pa[1], pb[0], pb[1])
    else:
      pa = _sc_segsum(hprev, srcp, dstp)
      parts = (pa[0], pa[1])
    h, s_c = _conv(hprev, parts, Wr, Wn, bb.reshape(1, _HID),
                   pp.reshape(_HID, 1), pp.reshape(1, _HID))
    s_r = s_c.reshape(1, _NP)
    rank_c, cnt, cntt = _rank(s_c, bc_c, bor_c, t_c, s_r, bc_r, bor_r, t_r)
    hn, bn_c, gmax, gsum = _apply(h, s_c, rank_c, cnt, bc_c, bor_c)
    reads.append((gmax, gsum, cntt))
    hprev = hn
    bc_c, bc_r = bn_c, bn_c.reshape(1, _NP)
    t_c, t_r = rank_c, rank_c.reshape(1, _NP)

  (m1, s1, c1), (m2, s2, c2), (m3, s3, c3) = reads
  return _head(m1, s1, c1, m2, s2, c2, m3, s3, c3, L1w[:_HID], L1w[_HID:],
               L1b.reshape(1, _HID), L2w, L2b.reshape(1, 64), L3w,
               L3b.reshape(1, 16))

# --- scband reference (transcript-rebuilt; emitter-appended) ---
"""Pipeline reference for scband-graph-conv3-tkp-40535901339793 (READ-ONLY COPY).

The authoritative reference and input builder live on the scoring server;
editing this copy changes nothing except your own understanding.
"""

import jax, jax.numpy as jnp
import numpy as np

N = 10000
E = 160000
F_IN = 256
HID = 128
OUT = 16
NG = 64
RATIO = 0.8


def setup_inputs(seed: int = 0):
    key = jax.random.key(seed)
    ks = jax.random.split(key, 24)

    def lin(k, fan_in, shape):
        return (jax.random.normal(k, shape, dtype=jnp.float32) / np.sqrt(fan_in)).astype(jnp.float32)

    inp = {}
    inp["x"] = jax.random.normal(ks[0], (N, F_IN), dtype=jnp.float32)
    inp["edge_index"] = jax.random.randint(ks[1], (2, E), 0, N, dtype=jnp.int32)
    inp["batch"] = jnp.sort(jax.random.randint(ks[2], (N,), 0, NG, dtype=jnp.int32))
    inp["W1r"] = lin(ks[3], F_IN, (F_IN, HID))
    inp["W1n"] = lin(ks[4], F_IN, (F_IN, HID))
    inp["b1"] = jnp.zeros((HID,), jnp.float32)
    inp["p1"] = lin(ks[5], HID, (HID,))
    inp["W2r"] = lin(ks[6], HID, (HID, HID))
    inp["W2n"] = lin(ks[7], HID, (HID, HID))
    inp["b2"] = jnp.zeros((HID,), jnp.float32)
    inp["p2"] = lin(ks[8], HID, (HID,))
    inp["W3r"] = lin(ks[9], HID, (HID, HID))
    inp["W3n"] = lin(ks[10], HID, (HID, HID))
    inp["b3"] = jnp.zeros((HID,), jnp.float32)
    inp["p3"] = lin(ks[11], HID, (HID,))
    inp["L1w"] = lin(ks[12], 2 * HID, (2 * HID, HID))
    inp["L1b"] = jnp.zeros((HID,), jnp.float32)
    inp["L2w"] = lin(ks[13], HID, (HID, 64))
    inp["L2b"] = jnp.zeros((64,), jnp.float32)
    inp["L3w"] = lin(ks[14], 64, (64, OUT))
    inp["L3b"] = jnp.zeros((OUT,), jnp.float32)
    return inp


def _graph_conv(x, ei, Wr, Wn, b):
    # PyG GraphConv (aggr='add'): out_i = x_i @ Wr + (sum_{j->i} x_j) @ Wn + b
    src = ei[0]
    dst = ei[1]
    agg = jax.ops.segment_sum(x[src], dst, num_segments=x.shape[0])
    return agg @ Wn + x @ Wr + b


def _topk_pool(x, ei, batch, p, num_graphs):
    # PyG TopKPooling: score = tanh(x@p/||p||); keep top ceil(ratio*n_g) per graph;
    # x_out = x[perm] * score[perm]; edges with both endpoints kept are remapped.
    # Fixed-shape form: non-kept node slots carry batch id == num_graphs and
    # non-kept edge slots carry node id == n; both are out of range and are
    # dropped by segment reductions, leaving identical contributions.
    n = x.shape[0]
    score = jnp.tanh((x @ p) / (jnp.linalg.norm(p) + 1e-16))
    counts = jnp.bincount(batch, length=num_graphs)
    k = jnp.ceil(RATIO * counts.astype(jnp.float32)).astype(jnp.int32)
    order = jnp.lexsort((-score, batch))  # primary: batch, secondary: score desc
    starts = jnp.concatenate([jnp.zeros((1,), counts.dtype), jnp.cumsum(counts)[:-1]])
    ob = batch[order]
    obc = jnp.minimum(ob, num_graphs - 1)
    rank = jnp.arange(n, dtype=starts.dtype) - starts[obc]
    keep = (rank < k[obc]) & (ob < num_graphs)
    x2 = jnp.where(keep[:, None], x[order] * score[order][:, None], 0.0)
    batch2 = jnp.where(keep, ob, num_graphs)
    mapping = jnp.full((n + 1,), n, dtype=jnp.int32).at[order].set(
        jnp.where(keep, jnp.arange(n, dtype=jnp.int32), n))
    ms = mapping[ei[0]]
    md = mapping[ei[1]]
    emask = (ms < n) & (md < n)
    ei2 = jnp.stack([jnp.where(emask, ms, n), jnp.where(emask, md, n)])
    return x2, ei2, batch2, order


def _gmax(x, batch, num_graphs):
    m = jax.ops.segment_max(x, batch, num_segments=num_graphs)
    return jnp.where(jnp.isfinite(m), m, 0.0)


def _gmean(x, batch, num_graphs):
    s = jax.ops.segment_sum(x, batch, num_segments=num_graphs)
    c = jnp.bincount(batch, length=num_graphs).astype(x.dtype)
    return s / jnp.maximum(c, 1.0)[:, None]


def reference(x, edge_index, batch, W1r, W1n, b1, p1, W2r, W2n, b2, p2, W3r, W3n, b3, p3, L1w, L1b, L2w, L2b, L3w, L3b):
    h = jax.nn.relu(_graph_conv(x, edge_index, W1r, W1n, b1))
    h, ei, bt, _ = _topk_pool(h, edge_index, batch, p1, NG)
    x1 = jnp.concatenate([_gmax(h, bt, NG), _gmean(h, bt, NG)], axis=1)
    h = jax.nn.relu(_graph_conv(h, ei, W2r, W2n, b2))
    h, ei, bt, _ = _topk_pool(h, ei, bt, p2, NG)
    x2 = jnp.concatenate([_gmax(h, bt, NG), _gmean(h, bt, NG)], axis=1)
    h = jax.nn.relu(_graph_conv(h, ei, W3r, W3n, b3))
    h, ei, bt, _ = _topk_pool(h, ei, bt, p3, NG)
    x3 = jnp.concatenate([_gmax(h, bt, NG), _gmean(h, bt, NG)], axis=1)
    z = x1 + x2 + x3
    z = jax.nn.relu(z @ L1w + L1b)
    z = jax.nn.relu(z @ L2w + L2b)
    return jax.nn.log_softmax(z @ L3w + L3b, axis=-1)

if __name__ == "__main__":
    import jax
    _d = setup_inputs()
    print(jax.jit(kernel)(*tuple(_d.values())))

</pallas_src>

<mosaic_0001>
#map = affine_map<(d0, d1) -> (0, 0)>
#map1 = affine_map<(d0, d1) -> (0)>
#map2 = affine_map<(d0, d1) -> (0, 0, 0)>
module attributes {stable_mosaic.version = 14 : i64} {
  func.func @body(%arg0: i32, %arg1: i32, %arg2: memref<10240x128xf32, #tpu.memory_space<hbm>>, %arg3: memref<163840xi32, #tpu.memory_space<hbm>>, %arg4: memref<163840xi32, #tpu.memory_space<hbm>>, %arg5: memref<2x10240x128xf32, #tpu.memory_space<hbm>>, %arg6: memref<128xi32, #tpu.memory_space<vmem>>, %arg7: memref<128xi32, #tpu.memory_space<vmem>>, %arg8: memref<128x128xf32, #tpu.memory_space<vmem>>, %arg9: memref<128xi32, #tpu.memory_space<vmem>>, %arg10: memref<128xi32, #tpu.memory_space<vmem>>, %arg11: memref<128x128xf32, #tpu.memory_space<vmem>>, %arg12: memref<10240x128xf32, #tpu.memory_space<vmem_shared>>, %arg13: memref<!tpu.dma_semaphore, #tpu.memory_space<semaphore_mem>>, %arg14: memref<!tpu.dma_semaphore, #tpu.memory_space<semaphore_mem>>) attributes {dimension_semantics = [#tpu.dimension_semantics<core_parallel>, #tpu.dimension_semantics<subcore_parallel>], iteration_bounds = array<i64: 2, 16>, scalar_prefetch = 0 : i64, scratch_operands = 9 : i64, tpu.core_type = #tpu.core_type<sc_vector_subcore>, window_params = [{transform_indices = #map}, {transform_indices = #map1}, {transform_indices = #map1}, {transform_indices = #map2}]} {
    %mul3A = arith.constant 16 : i32
    %mul3A_0 = arith.muli %arg0, %mul3A : i32
    %add3A = arith.addi %mul3A_0, %arg1 : i32
    %mul3A_1 = arith.constant 5120 : i32
    %mul3A_2 = arith.muli %add3A, %mul3A_1 : i32
    %broadcast_in_dim3A = arith.constant 0.000000e+00 : f32
    %broadcast_in_dim3A_3 = vector.broadcast %broadcast_in_dim3A : f32 to vector<16xf32>
    %scan3A = arith.constant 0 : i32
    %scan3A_4 = arith.constant 0 : i32
    %scan3A_5 = arith.constant 1024 : i32
    %scan3A_6 = arith.addi %scan3A_4, %scan3A_5 : i32
    %scan3A_7 = arith.constant 1 : i32
    %scan3A_8 = scf.for %scan3A_44 = %scan3A_4 to %scan3A_6 step %scan3A_7 iter_args(%scan3A_45 = %scan3A) -> (i32)  : i32 {
      %jit3A = arith.constant 8 : i32
      %div3A = arith.divsi %scan3A_44, %jit3A : i32
      %sign3A = arith.constant 0 : i32
      %sign3A_46 = arith.cmpi sgt, %scan3A_44, %sign3A : i32
      %sign3A_47 = arith.extui %sign3A_46 : i1 to i32
      %sign3A_48 = arith.constant 0 : i32
      %sign3A_49 = arith.cmpi slt, %scan3A_44, %sign3A_48 : i32
      %sign3A_50 = arith.extui %sign3A_49 : i1 to i32
      %sign3A_51 = arith.subi %sign3A_47, %sign3A_50 : i32
      %sign3A_52 = arith.constant 0 : i32
      %sign3A_53 = arith.cmpi sgt, %jit3A, %sign3A_52 : i32
      %sign3A_54 = arith.extui %sign3A_53 : i1 to i32
      %sign3A_55 = arith.constant 0 : i32
      %sign3A_56 = arith.cmpi slt, %jit3A, %sign3A_55 : i32
      %sign3A_57 = arith.extui %sign3A_56 : i1 to i32
      %sign3A_58 = arith.subi %sign3A_54, %sign3A_57 : i32
      %ne3A = arith.cmpi ne, %sign3A_51, %sign3A_58 : i32
      %rem3A = arith.remsi %scan3A_44, %jit3A : i32
      %ne3A_59 = arith.constant 0 : i32
      %ne3A_60 = arith.cmpi ne, %rem3A, %ne3A_59 : i32
      %and3A = arith.andi %ne3A, %ne3A_60 : i1
      %sub3A = arith.constant 1 : i32
      %sub3A_61 = arith.subi %div3A, %sub3A : i32
      %select_n3A = arith.select %and3A, %sub3A_61, %div3A : i32
      %jit3A_62 = arith.constant 8 : i32
      %eq3A = arith.constant 0 : i32
      %eq3A_63 = arith.cmpi eq, %jit3A_62, %eq3A : i32
      %jit3A_64 = arith.constant 1 : i32
      %select_n3A_65 = arith.select %eq3A_63, %jit3A_64, %jit3A_62 : i32
      %rem3A_66 = arith.remsi %scan3A_44, %select_n3A_65 : i32
      %ne3A_67 = arith.constant 0 : i32
      %ne3A_68 = arith.cmpi ne, %rem3A_66, %ne3A_67 : i32
      %lt3A = arith.constant 0 : i32
      %lt3A_69 = arith.cmpi slt, %rem3A_66, %lt3A : i32
      %lt3A_70 = arith.constant 0 : i32
      %lt3A_71 = arith.cmpi slt, %select_n3A_65, %lt3A_70 : i32
      %ne3A_72 = arith.xori %lt3A_69, %lt3A_71 : i1
      %and3A_73 = arith.andi %ne3A_72, %ne3A_68 : i1
      %add3A_74 = arith.addi %rem3A_66, %select_n3A_65 : i32
      %select_n3A_75 = arith.select %and3A_73, %add3A_74, %rem3A_66 : i32
      %mul3A_76 = arith.constant 16 : i32
      %mul3A_77 = arith.muli %select_n3A_75, %mul3A_76 : i32
      %swap3A = arith.index_cast %select_n3A : i32 to index
      %swap3A_78 = arith.index_cast %mul3A_77 : i32 to index
      %swap3A_79 = tpu.vector_load %arg8[%swap3A, %swap3A_78] {strides = array<i32>} : memref<128x128xf32, #tpu.memory_space<vmem>>, vector<1x16xf32>,
      %swap3A_80 = vector.shape_cast %swap3A_79 : vector<1x16xf32> to vector<16xf32>
      %swap3A_81 = vector.shape_cast %broadcast_in_dim3A_3 : vector<16xf32> to vector<1x16xf32>
      tpu.vector_store %arg8[%swap3A, %swap3A_78], %swap3A_81 {strides = array<i32>} : memref<128x128xf32, #tpu.memory_space<vmem>>, vector<1x16xf32>,
      %scan3A_82 = arith.constant 0 : i32
      scf.yield %scan3A_82 : i32
    }
    %scan3A_9 = arith.constant 1024 : i32
    %mul3A_10 = arith.constant 640 : i32
    %mul3A_11 = arith.muli %arg1, %mul3A_10 : i32
    %add3A_12 = arith.constant 0 : i32
    %add3A_13 = arith.addi %mul3A_11, %add3A_12 : i32
    "tpu.region"() ({
      %run_scoped3A = tpu.sem_alloc : memref<!tpu.dma_semaphore, #tpu.memory_space<semaphore_mem>>
      %dma_start3A_44 = arith.constant 0 : i32
      %dma_start3A_45 = tpu.memref_slice %arg12[%add3A_13, %dma_start3A_44] : memref<10240x128xf32, #tpu.memory_space<vmem_shared>> -> memref<128x128xf32, #tpu.memory_space<vmem_shared>>
      %dma_start3A_46 = arith.constant 0 : i32
      %dma_start3A_47 = tpu.memref_slice %arg12[%add3A_13, %dma_start3A_46] : memref<10240x128xf32, #tpu.memory_space<vmem_shared>> -> memref<128x128xf32, #tpu.memory_space<vmem_shared>>
      tpu.enqueue_dma source(%arg8 : memref<128x128xf32, #tpu.memory_space<vmem>>) target(%dma_start3A_47 : memref<128x128xf32, #tpu.memory_space<vmem_shared>>) target_semaphore(%run_scoped3A : memref<!tpu.dma_semaphore, #tpu.memory_space<semaphore_mem>>)
      %dma_wait3A = arith.constant 0 : i32
      %dma_wait3A_48 = tpu.memref_slice %arg12[%add3A_13, %dma_wait3A] : memref<10240x128xf32, #tpu.memory_space<vmem_shared>> -> memref<128x128xf32, #tpu.memory_space<vmem_shared>>
      %dma_wait3A_49 = arith.constant 0 : i32
      %dma_wait3A_50 = tpu.memref_slice %arg12[%add3A_13, %dma_wait3A_49] : memref<10240x128xf32, #tpu.memory_space<vmem_shared>> -> memref<128x128xf32, #tpu.memory_space<vmem_shared>>
      tpu.wait_dma2 semaphore(%run_scoped3A : memref<!tpu.dma_semaphore, #tpu.memory_space<semaphore_mem>>) src(%arg8 : memref<128x128xf32, #tpu.memory_space<vmem>>) dst(%dma_wait3A_50 : memref<128x128xf32, #tpu.memory_space<vmem_shared>>)
      tpu.yield
    }) : () -> ()
    %mul3A_14 = arith.constant 640 : i32
    %mul3A_15 = arith.muli %arg1, %mul3A_14 : i32
    %add3A_16 = arith.constant 128 : i32
    %add3A_17 = arith.addi %mul3A_15, %add3A_16 : i32
    "tpu.region"() ({
      %run_scoped3A = tpu.sem_alloc : memref<!tpu.dma_semaphore, #tpu.memory_space<semaphore_mem>>
      %dma_start3A_44 = arith.constant 0 : i32
      %dma_start3A_45 = tpu.memref_slice %arg12[%add3A_17, %dma_start3A_44] : memref<10240x128xf32, #tpu.memory_space<vmem_shared>> -> memref<128x128xf32, #tpu.memory_space<vmem_shared>>
      %dma_start3A_46 = arith.constant 0 : i32
      %dma_start3A_47 = tpu.memref_slice %arg12[%add3A_17, %dma_start3A_46] : memref<10240x128xf32, #tpu.memory_space<vmem_shared>> -> memref<128x128xf32, #tpu.memory_space<vmem_shared>>
      tpu.enqueue_dma source(%arg8 : memref<128x128xf32, #tpu.memory_space<vmem>>) target(%dma_start3A_47 : memref<128x128xf32, #tpu.memory_space<vmem_shared>>) target_semaphore(%run_scoped3A : memref<!tpu.dma_semaphore, #tpu.memory_space<semaphore_mem>>)
      %dma_wait3A = arith.constant 0 : i32
      %dma_wait3A_48 = tpu.memref_slice %arg12[%add3A_17, %dma_wait3A] : memref<10240x128xf32, #tpu.memory_space<vmem_shared>> -> memref<128x128xf32, #tpu.memory_space<vmem_shared>>
      %dma_wait3A_49 = arith.constant 0 : i32
      %dma_wait3A_50 = tpu.memref_slice %arg12[%add3A_17, %dma_wait3A_49] : memref<10240x128xf32, #tpu.memory_space<vmem_shared>> -> memref<128x128xf32, #tpu.memory_space<vmem_shared>>
      tpu.wait_dma2 semaphore(%run_scoped3A : memref<!tpu.dma_semaphore, #tpu.memory_space<semaphore_mem>>) src(%arg8 : memref<128x128xf32, #tpu.memory_space<vmem>>) dst(%dma_wait3A_50 : memref<128x128xf32, #tpu.memory_space<vmem_shared>>)
      tpu.yield
    }) : () -> ()
    %mul3A_18 = arith.constant 640 : i32
    %mul3A_19 = arith.muli %arg1, %mul3A_18 : i32
    %add3A_20 = arith.constant 256 : i32
    %add3A_21 = arith.addi %mul3A_19, %add3A_20 : i32
    "tpu.region"() ({
      %run_scoped3A = tpu.sem_alloc : memref<!tpu.dma_semaphore, #tpu.memory_space<semaphore_mem>>
      %dma_start3A_44 = arith.constant 0 : i32
      %dma_start3A_45 = tpu.memref_slice %arg12[%add3A_21, %dma_start3A_44] : memref<10240x128xf32, #tpu.memory_space<vmem_shared>> -> memref<128x128xf32, #tpu.memory_space<vmem_shared>>
      %dma_start3A_46 = arith.constant 0 : i32
      %dma_start3A_47 = tpu.memref_slice %arg12[%add3A_21, %dma_start3A_46] : memref<10240x128xf32, #tpu.memory_space<vmem_shared>> -> memref<128x128xf32, #tpu.memory_space<vmem_shared>>
      tpu.enqueue_dma source(%arg8 : memref<128x128xf32, #tpu.memory_space<vmem>>) target(%dma_start3A_47 : memref<128x128xf32, #tpu.memory_space<vmem_shared>>) target_semaphore(%run_scoped3A : memref<!tpu.dma_semaphore, #tpu.memory_space<semaphore_mem>>)
      %dma_wait3A = arith.constant 0 : i32
      %dma_wait3A_48 = tpu.memref_slice %arg12[%add3A_21, %dma_wait3A] : memref<10240x128xf32, #tpu.memory_space<vmem_shared>> -> memref<128x128xf32, #tpu.memory_space<vmem_shared>>
      %dma_wait3A_49 = arith.constant 0 : i32
      %dma_wait3A_50 = tpu.memref_slice %arg12[%add3A_21, %dma_wait3A_49] : memref<10240x128xf32, #tpu.memory_space<vmem_shared>> -> memref<128x128xf32, #tpu.memory_space<vmem_shared>>
      tpu.wait_dma2 semaphore(%run_scoped3A : memref<!tpu.dma_semaphore, #tpu.memory_space<semaphore_mem>>) src(%arg8 : memref<128x128xf32, #tpu.memory_space<vmem>>) dst(%dma_wait3A_50 : memref<128x128xf32, #tpu.memory_space<vmem_shared>>)
      tpu.yield
    }) : () -> ()
    %mul3A_22 = arith.constant 640 : i32
    %mul3A_23 = arith.muli %arg1, %mul3A_22 : i32
    %add3A_24 = arith.constant 384 : i32
    %add3A_25 = arith.addi %mul3A_23, %add3A_24 : i32
    "tpu.region"() ({
      %run_scoped3A = tpu.sem_alloc : memref<!tpu.dma_semaphore, #tpu.memory_space<semaphore_mem>>
      %dma_start3A_44 = arith.constant 0 : i32
      %dma_start3A_45 = tpu.memref_slice %arg12[%add3A_25, %dma_start3A_44] : memref<10240x128xf32, #tpu.memory_space<vmem_shared>> -> memref<128x128xf32, #tpu.memory_space<vmem_shared>>
      %dma_start3A_46 = arith.constant 0 : i32
      %dma_start3A_47 = tpu.memref_slice %arg12[%add3A_25, %dma_start3A_46] : memref<10240x128xf32, #tpu.memory_space<vmem_shared>> -> memref<128x128xf32, #tpu.memory_space<vmem_shared>>
      tpu.enqueue_dma source(%arg8 : memref<128x128xf32, #tpu.memory_space<vmem>>) target(%dma_start3A_47 : memref<128x128xf32, #tpu.memory_space<vmem_shared>>) target_semaphore(%run_scoped3A : memref<!tpu.dma_semaphore, #tpu.memory_space<semaphore_mem>>)
      %dma_wait3A = arith.constant 0 : i32
      %dma_wait3A_48 = tpu.memref_slice %arg12[%add3A_25, %dma_wait3A] : memref<10240x128xf32, #tpu.memory_space<vmem_shared>> -> memref<128x128xf32, #tpu.memory_space<vmem_shared>>
      %dma_wait3A_49 = arith.constant 0 : i32
      %dma_wait3A_50 = tpu.memref_slice %arg12[%add3A_25, %dma_wait3A_49] : memref<10240x128xf32, #tpu.memory_space<vmem_shared>> -> memref<128x128xf32, #tpu.memory_space<vmem_shared>>
      tpu.wait_dma2 semaphore(%run_scoped3A : memref<!tpu.dma_semaphore, #tpu.memory_space<semaphore_mem>>) src(%arg8 : memref<128x128xf32, #tpu.memory_space<vmem>>) dst(%dma_wait3A_50 : memref<128x128xf32, #tpu.memory_space<vmem_shared>>)
      tpu.yield
    }) : () -> ()
    %mul3A_26 = arith.constant 640 : i32
    %mul3A_27 = arith.muli %arg1, %mul3A_26 : i32
    %add3A_28 = arith.constant 512 : i32
    %add3A_29 = arith.addi %mul3A_27, %add3A_28 : i32
    "tpu.region"() ({
      %run_scoped3A = tpu.sem_alloc : memref<!tpu.dma_semaphore, #tpu.memory_space<semaphore_mem>>
      %dma_start3A_44 = arith.constant 0 : i32
      %dma_start3A_45 = tpu.memref_slice %arg12[%add3A_29, %dma_start3A_44] : memref<10240x128xf32, #tpu.memory_space<vmem_shared>> -> memref<128x128xf32, #tpu.memory_space<vmem_shared>>
      %dma_start3A_46 = arith.constant 0 : i32
      %dma_start3A_47 = tpu.memref_slice %arg12[%add3A_29, %dma_start3A_46] : memref<10240x128xf32, #tpu.memory_space<vmem_shared>> -> memref<128x128xf32, #tpu.memory_space<vmem_shared>>
      tpu.enqueue_dma source(%arg8 : memref<128x128xf32, #tpu.memory_space<vmem>>) target(%dma_start3A_47 : memref<128x128xf32, #tpu.memory_space<vmem_shared>>) target_semaphore(%run_scoped3A : memref<!tpu.dma_semaphore, #tpu.memory_space<semaphore_mem>>)
      %dma_wait3A = arith.constant 0 : i32
      %dma_wait3A_48 = tpu.memref_slice %arg12[%add3A_29, %dma_wait3A] : memref<10240x128xf32, #tpu.memory_space<vmem_shared>> -> memref<128x128xf32, #tpu.memory_space<vmem_shared>>
      %dma_wait3A_49 = arith.constant 0 : i32
      %dma_wait3A_50 = tpu.memref_slice %arg12[%add3A_29, %dma_wait3A_49] : memref<10240x128xf32, #tpu.memory_space<vmem_shared>> -> memref<128x128xf32, #tpu.memory_space<vmem_shared>>
      tpu.wait_dma2 semaphore(%run_scoped3A : memref<!tpu.dma_semaphore, #tpu.memory_space<semaphore_mem>>) src(%arg8 : memref<128x128xf32, #tpu.memory_space<vmem>>) dst(%dma_wait3A_50 : memref<128x128xf32, #tpu.memory_space<vmem_shared>>)
      tpu.yield
    }) : () -> ()
    "tpu.region"() ({
      %run_scoped3A = tpu.sem_alloc : memref<!tpu.dma_semaphore, #tpu.memory_space<semaphore_mem>>
      %dma_start3A_44 = tpu.memref_slice %arg3[%mul3A_2] : memref<163840xi32, #tpu.memory_space<hbm>> -> memref<128xi32, #tpu.memory_space<hbm>>
      %dma_start3A_45 = tpu.memref_slice %arg3[%mul3A_2] : memref<163840xi32, #tpu.memory_space<hbm>> -> memref<128xi32, #tpu.memory_space<hbm>>
      tpu.enqueue_dma source(%dma_start3A_45 : memref<128xi32, #tpu.memory_space<hbm>>) target(%arg6 : memref<128xi32, #tpu.memory_space<vmem>>) target_semaphore(%run_scoped3A : memref<!tpu.dma_semaphore, #tpu.memory_space<semaphore_mem>>)
      %dma_wait3A = tpu.memref_slice %arg3[%mul3A_2] : memref<163840xi32, #tpu.memory_space<hbm>> -> memref<128xi32, #tpu.memory_space<hbm>>
      %dma_wait3A_46 = tpu.memref_slice %arg3[%mul3A_2] : memref<163840xi32, #tpu.memory_space<hbm>> -> memref<128xi32, #tpu.memory_space<hbm>>
      tpu.wait_dma2 semaphore(%run_scoped3A : memref<!tpu.dma_semaphore, #tpu.memory_space<semaphore_mem>>) src(%dma_wait3A_46 : memref<128xi32, #tpu.memory_space<hbm>>) dst(%arg6 : memref<128xi32, #tpu.memory_space<vmem>>)
      tpu.yield
    }) : () -> ()
    "tpu.region"() ({
      %run_scoped3A = tpu.sem_alloc : memref<!tpu.dma_semaphore, #tpu.memory_space<semaphore_mem>>
      %dma_start3A_44 = tpu.memref_slice %arg4[%mul3A_2] : memref<163840xi32, #tpu.memory_space<hbm>> -> memref<128xi32, #tpu.memory_space<hbm>>
      %dma_start3A_45 = tpu.memref_slice %arg4[%mul3A_2] : memref<163840xi32, #tpu.memory_space<hbm>> -> memref<128xi32, #tpu.memory_space<hbm>>
      tpu.enqueue_dma source(%dma_start3A_45 : memref<128xi32, #tpu.memory_space<hbm>>) target(%arg7 : memref<128xi32, #tpu.memory_space<vmem>>) target_semaphore(%run_scoped3A : memref<!tpu.dma_semaphore, #tpu.memory_space<semaphore_mem>>)
      %dma_wait3A = tpu.memref_slice %arg4[%mul3A_2] : memref<163840xi32, #tpu.memory_space<hbm>> -> memref<128xi32, #tpu.memory_space<hbm>>
      %dma_wait3A_46 = tpu.memref_slice %arg4[%mul3A_2] : memref<163840xi32, #tpu.memory_space<hbm>> -> memref<128xi32, #tpu.memory_space<hbm>>
      tpu.wait_dma2 semaphore(%run_scoped3A : memref<!tpu.dma_semaphore, #tpu.memory_space<semaphore_mem>>) src(%dma_wait3A_46 : memref<128xi32, #tpu.memory_space<hbm>>) dst(%arg7 : memref<128xi32, #tpu.memory_space<vmem>>)
      tpu.yield
    }) : () -> ()
    %dma_start3A = arith.constant 0 : i32
    %dma_start3A_30 = arith.constant 0 : i32
    %dma_start3A_31 = tpu.memref_slice %arg2[%dma_start3A, %dma_start3A_30] : memref<10240x128xf32, #tpu.memory_space<hbm>> -> memref<10240x128xf32, #tpu.memory_space<hbm>>
    tpu.enqueue_indirect_dma source(%dma_start3A_31 : memref<10240x128xf32, #tpu.memory_space<hbm>>) target(%arg8 : memref<128x128xf32, #tpu.memory_space<vmem>>) offsets(%arg6 : memref<128xi32, #tpu.memory_space<vmem>>) semaphore(%arg13 : memref<!tpu.dma_semaphore, #tpu.memory_space<semaphore_mem>>)
    %barrier3A = arith.constant 0 : index
    tpu.barrier barrier_id(%barrier3A)
    %scan3A_32 = arith.constant 0 : i32
    %scan3A_33 = arith.constant 0 : i32
    %scan3A_34 = arith.constant 20 : i32
    %scan3A_35 = arith.addi %scan3A_33, %scan3A_34 : i32
    %scan3A_36 = arith.constant 1 : i32
    %scan3A_37 = scf.for %scan3A_44 = %scan3A_33 to %scan3A_35 step %scan3A_36 iter_args(%scan3A_45 = %scan3A_32) -> (i32)  : i32 {
      %mul3A_46 = arith.constant 2 : i32
      %mul3A_47 = arith.muli %mul3A_46, %scan3A_44 : i32
      %add3A_48 = arith.constant 1 : i32
      %add3A_49 = arith.addi %mul3A_47, %add3A_48 : i32
      %mul3A_50 = arith.constant 2 : i32
      %mul3A_51 = arith.muli %mul3A_50, %scan3A_44 : i32
      %add3A_52 = arith.constant 2 : i32
      %add3A_53 = arith.addi %mul3A_51, %add3A_52 : i32
      %lt3A = arith.constant 40 : i32
      %lt3A_54 = arith.cmpi slt, %add3A_49, %lt3A : i32
      %convert_element_type3A = arith.extui %lt3A_54 : i1 to i32
      %cond3A = arith.constant 0 : i32
      %cond3A_55 = arith.cmpi ne, %convert_element_type3A, %cond3A : i32
      scf.if %cond3A_55 {
        %mul3A_69 = arith.constant 128 : i32
        %mul3A_70 = arith.muli %add3A_49, %mul3A_69 : i32
        %add3A_71 = arith.addi %mul3A_2, %mul3A_70 : i32
        "tpu.region"() ({
          %run_scoped3A = tpu.sem_alloc : memref<!tpu.dma_semaphore, #tpu.memory_space<semaphore_mem>>
          %dma_start3A_78 = tpu.memref_slice %arg3[%add3A_71] : memref<163840xi32, #tpu.memory_space<hbm>> -> memref<128xi32, #tpu.memory_space<hbm>>
          %dma_start3A_79 = tpu.memref_slice %arg3[%add3A_71] : memref<163840xi32, #tpu.memory_space<hbm>> -> memref<128xi32, #tpu.memory_space<hbm>>
          tpu.enqueue_dma source(%dma_start3A_79 : memref<128xi32, #tpu.memory_space<hbm>>) target(%arg9 : memref<128xi32, #tpu.memory_space<vmem>>) target_semaphore(%run_scoped3A : memref<!tpu.dma_semaphore, #tpu.memory_space<semaphore_mem>>)
          %dma_wait3A_80 = tpu.memref_slice %arg3[%add3A_71] : memref<163840xi32, #tpu.memory_space<hbm>> -> memref<128xi32, #tpu.memory_space<hbm>>
          %dma_wait3A_81 = tpu.memref_slice %arg3[%add3A_71] : memref<163840xi32, #tpu.memory_space<hbm>> -> memref<128xi32, #tpu.memory_space<hbm>>
          tpu.wait_dma2 semaphore(%run_scoped3A : memref<!tpu.dma_semaphore, #tpu.memory_space<semaphore_mem>>) src(%dma_wait3A_81 : memref<128xi32, #tpu.memory_space<hbm>>) dst(%arg9 : memref<128xi32, #tpu.memory_space<vmem>>)
          tpu.yield
        }) : () -> ()
        %mul3A_72 = arith.constant 128 : i32
        %mul3A_73 = arith.muli %add3A_49, %mul3A_72 : i32
        %add3A_74 = arith.addi %mul3A_2, %mul3A_73 : i32
        "tpu.region"() ({
          %run_scoped3A = tpu.sem_alloc : memref<!tpu.dma_semaphore, #tpu.memory_space<semaphore_mem>>
          %dma_start3A_78 = tpu.memref_slice %arg4[%add3A_74] : memref<163840xi32, #tpu.memory_space<hbm>> -> memref<128xi32, #tpu.memory_space<hbm>>
          %dma_start3A_79 = tpu.memref_slice %arg4[%add3A_74] : memref<163840xi32, #tpu.memory_space<hbm>> -> memref<128xi32, #tpu.memory_space<hbm>>
          tpu.enqueue_dma source(%dma_start3A_79 : memref<128xi32, #tpu.memory_space<hbm>>) target(%arg10 : memref<128xi32, #tpu.memory_space<vmem>>) target_semaphore(%run_scoped3A : memref<!tpu.dma_semaphore, #tpu.memory_space<semaphore_mem>>)
          %dma_wait3A_80 = tpu.memref_slice %arg4[%add3A_74] : memref<163840xi32, #tpu.memory_space<hbm>> -> memref<128xi32, #tpu.memory_space<hbm>>
          %dma_wait3A_81 = tpu.memref_slice %arg4[%add3A_74] : memref<163840xi32, #tpu.memory_space<hbm>> -> memref<128xi32, #tpu.memory_space<hbm>>
          tpu.wait_dma2 semaphore(%run_scoped3A : memref<!tpu.dma_semaphore, #tpu.memory_space<semaphore_mem>>) src(%dma_wait3A_81 : memref<128xi32, #tpu.memory_space<hbm>>) dst(%arg10 : memref<128xi32, #tpu.memory_space<vmem>>)
          tpu.yield
        }) : () -> ()
        %dma_start3A_75 = arith.constant 0 : i32
        %dma_start3A_76 = arith.constant 0 : i32
        %dma_start3A_77 = tpu.memref_slice %arg2[%dma_start3A_75, %dma_start3A_76] : memref<10240x128xf32, #tpu.memory_space<hbm>> -> memref<10240x128xf32, #tpu.memory_space<hbm>>
        tpu.enqueue_indirect_dma source(%dma_start3A_77 : memref<10240x128xf32, #tpu.memory_space<hbm>>) target(%arg11 : memref<128x128xf32, #tpu.memory_space<vmem>>) offsets(%arg9 : memref<128xi32, #tpu.memory_space<vmem>>) semaphore(%arg14 : memref<!tpu.dma_semaphore, #tpu.memory_space<semaphore_mem>>)
      } else {
      }
      %dma_wait3A = arith.constant 0 : i32
      %dma_wait3A_56 = arith.constant 0 : i32
      %dma_wait3A_57 = tpu.memref_slice %arg2[%dma_wait3A, %dma_wait3A_56] : memref<10240x128xf32, #tpu.memory_space<hbm>> -> memref<10240x128xf32, #tpu.memory_space<hbm>>
      tpu.wait_indirect_dma semaphore(%arg13 : memref<!tpu.dma_semaphore, #tpu.memory_space<semaphore_mem>>) src(%dma_wait3A_57 : memref<10240x128xf32, #tpu.memory_space<hbm>>) dst(%arg8 : memref<128x128xf32, #tpu.memory_space<vmem>>)
      "tpu.region"() ({
        %run_scoped3A = tpu.sem_alloc : memref<!tpu.dma_semaphore, #tpu.memory_space<semaphore_mem>>
        %dma_start3A_69 = arith.constant 0 : i32
        %dma_start3A_70 = arith.constant 0 : i32
        %dma_start3A_71 = tpu.memref_slice %arg12[%dma_start3A_69, %dma_start3A_70] : memref<10240x128xf32, #tpu.memory_space<vmem_shared>> -> memref<10240x128xf32, #tpu.memory_space<vmem_shared>>
        tpu.enqueue_indirect_dma source(%arg8 : memref<128x128xf32, #tpu.memory_space<vmem>>) target(%dma_start3A_71 : memref<10240x128xf32, #tpu.memory_space<vmem_shared>>) offsets(%arg7 : memref<128xi32, #tpu.memory_space<vmem>>) semaphore(%run_scoped3A : memref<!tpu.dma_semaphore, #tpu.memory_space<semaphore_mem>>) {add = true}
        %dma_wait3A_72 = arith.constant 0 : i32
        %dma_wait3A_73 = arith.constant 0 : i32
        %dma_wait3A_74 = tpu.memref_slice %arg12[%dma_wait3A_72, %dma_wait3A_73] : memref<10240x128xf32, #tpu.memory_space<vmem_shared>> -> memref<10240x128xf32, #tpu.memory_space<vmem_shared>>
        tpu.wait_indirect_dma semaphore(%run_scoped3A : memref<!tpu.dma_semaphore, #tpu.memory_space<semaphore_mem>>) src(%arg8 : memref<128x128xf32, #tpu.memory_space<vmem>>) dst(%dma_wait3A_74 : memref<10240x128xf32, #tpu.memory_space<vmem_shared>>)
        tpu.yield
      }) : () -> ()
      %lt3A_58 = arith.constant 40 : i32
      %lt3A_59 = arith.cmpi slt, %add3A_53, %lt3A_58 : i32
      %convert_element_type3A_60 = arith.extui %lt3A_59 : i1 to i32
      %cond3A_61 = arith.constant 0 : i32
      %cond3A_62 = arith.cmpi ne, %convert_element_type3A_60, %cond3A_61 : i32
      scf.if %cond3A_62 {
        %mul3A_69 = arith.constant 128 : i32
        %mul3A_70 = arith.muli %add3A_53, %mul3A_69 : i32
        %add3A_71 = arith.addi %mul3A_2, %mul3A_70 : i32
        "tpu.region"() ({
          %run_scoped3A = tpu.sem_alloc : memref<!tpu.dma_semaphore, #tpu.memory_space<semaphore_mem>>
          %dma_start3A_78 = tpu.memref_slice %arg3[%add3A_71] : memref<163840xi32, #tpu.memory_space<hbm>> -> memref<128xi32, #tpu.memory_space<hbm>>
          %dma_start3A_79 = tpu.memref_slice %arg3[%add3A_71] : memref<163840xi32, #tpu.memory_space<hbm>> -> memref<128xi32, #tpu.memory_space<hbm>>
          tpu.enqueue_dma source(%dma_start3A_79 : memref<128xi32, #tpu.memory_space<hbm>>) target(%arg6 : memref<128xi32, #tpu.memory_space<vmem>>) target_semaphore(%run_scoped3A : memref<!tpu.dma_semaphore, #tpu.memory_space<semaphore_mem>>)
          %dma_wait3A_80 = tpu.memref_slice %arg3[%add3A_71] : memref<163840xi32, #tpu.memory_space<hbm>> -> memref<128xi32, #tpu.memory_space<hbm>>
          %dma_wait3A_81 = tpu.memref_slice %arg3[%add3A_71] : memref<163840xi32, #tpu.memory_space<hbm>> -> memref<128xi32, #tpu.memory_space<hbm>>
          tpu.wait_dma2 semaphore(%run_scoped3A : memref<!tpu.dma_semaphore, #tpu.memory_space<semaphore_mem>>) src(%dma_wait3A_81 : memref<128xi32, #tpu.memory_space<hbm>>) dst(%arg6 : memref<128xi32, #tpu.memory_space<vmem>>)
          tpu.yield
        }) : () -> ()
        %mul3A_72 = arith.constant 128 : i32
        %mul3A_73 = arith.muli %add3A_53, %mul3A_72 : i32
        %add3A_74 = arith.addi %mul3A_2, %mul3A_73 : i32
        "tpu.region"() ({
          %run_scoped3A = tpu.sem_alloc : memref<!tpu.dma_semaphore, #tpu.memory_space<semaphore_mem>>
          %dma_start3A_78 = tpu.memref_slice %arg4[%add3A_74] : memref<163840xi32, #tpu.memory_space<hbm>> -> memref<128xi32, #tpu.memory_space<hbm>>
          %dma_start3A_79 = tpu.memref_slice %arg4[%add3A_74] : memref<163840xi32, #tpu.memory_space<hbm>> -> memref<128xi32, #tpu.memory_space<hbm>>
          tpu.enqueue_dma source(%dma_start3A_79 : memref<128xi32, #tpu.memory_space<hbm>>) target(%arg7 : memref<128xi32, #tpu.memory_space<vmem>>) target_semaphore(%run_scoped3A : memref<!tpu.dma_semaphore, #tpu.memory_space<semaphore_mem>>)
          %dma_wait3A_80 = tpu.memref_slice %arg4[%add3A_74] : memref<163840xi32, #tpu.memory_space<hbm>> -> memref<128xi32, #tpu.memory_space<hbm>>
          %dma_wait3A_81 = tpu.memref_slice %arg4[%add3A_74] : memref<163840xi32, #tpu.memory_space<hbm>> -> memref<128xi32, #tpu.memory_space<hbm>>
          tpu.wait_dma2 semaphore(%run_scoped3A : memref<!tpu.dma_semaphore, #tpu.memory_space<semaphore_mem>>) src(%dma_wait3A_81 : memref<128xi32, #tpu.memory_space<hbm>>) dst(%arg7 : memref<128xi32, #tpu.memory_space<vmem>>)
          tpu.yield
        }) : () -> ()
        %dma_start3A_75 = arith.constant 0 : i32
        %dma_start3A_76 = arith.constant 0 : i32
        %dma_start3A_77 = tpu.memref_slice %arg2[%dma_start3A_75, %dma_start3A_76] : memref<10240x128xf32, #tpu.memory_space<hbm>> -> memref<10240x128xf32, #tpu.memory_space<hbm>>
        tpu.enqueue_indirect_dma source(%dma_start3A_77 : memref<10240x128xf32, #tpu.memory_space<hbm>>) target(%arg8 : memref<128x128xf32, #tpu.memory_space<vmem>>) offsets(%arg6 : memref<128xi32, #tpu.memory_space<vmem>>) semaphore(%arg13 : memref<!tpu.dma_semaphore, #tpu.memory_space<semaphore_mem>>)
      } else {
      }
      %lt3A_63 = arith.constant 40 : i32
      %lt3A_64 = arith.cmpi slt, %add3A_49, %lt3A_63 : i32
      %convert_element_type3A_65 = arith.extui %lt3A_64 : i1 to i32
      %cond3A_66 = arith.constant 0 : i32
      %cond3A_67 = arith.cmpi ne, %convert_element_type3A_65, %cond3A_66 : i32
      scf.if %cond3A_67 {
        %dma_wait3A_69 = arith.constant 0 : i32
        %dma_wait3A_70 = arith.constant 0 : i32
        %dma_wait3A_71 = tpu.memref_slice %arg2[%dma_wait3A_69, %dma_wait3A_70] : memref<10240x128xf32, #tpu.memory_space<hbm>> -> memref<10240x128xf32, #tpu.memory_space<hbm>>
        tpu.wait_indirect_dma semaphore(%arg14 : memref<!tpu.dma_semaphore, #tpu.memory_space<semaphore_mem>>) src(%dma_wait3A_71 : memref<10240x128xf32, #tpu.memory_space<hbm>>) dst(%arg11 : memref<128x128xf32, #tpu.memory_space<vmem>>)
        "tpu.region"() ({
          %run_scoped3A = tpu.sem_alloc : memref<!tpu.dma_semaphore, #tpu.memory_space<semaphore_mem>>
          %dma_start3A_72 = arith.constant 0 : i32
          %dma_start3A_73 = arith.constant 0 : i32
          %dma_start3A_74 = tpu.memref_slice %arg12[%dma_start3A_72, %dma_start3A_73] : memref<10240x128xf32, #tpu.memory_space<vmem_shared>> -> memref<10240x128xf32, #tpu.memory_space<vmem_shared>>
          tpu.enqueue_indirect_dma source(%arg11 : memref<128x128xf32, #tpu.memory_space<vmem>>) target(%dma_start3A_74 : memref<10240x128xf32, #tpu.memory_space<vmem_shared>>) offsets(%arg10 : memref<128xi32, #tpu.memory_space<vmem>>) semaphore(%run_scoped3A : memref<!tpu.dma_semaphore, #tpu.memory_space<semaphore_mem>>) {add = true}
          %dma_wait3A_75 = arith.constant 0 : i32
          %dma_wait3A_76 = arith.constant 0 : i32
          %dma_wait3A_77 = tpu.memref_slice %arg12[%dma_wait3A_75, %dma_wait3A_76] : memref<10240x128xf32, #tpu.memory_space<vmem_shared>> -> memref<10240x128xf32, #tpu.memory_space<vmem_shared>>
          tpu.wait_indirect_dma semaphore(%run_scoped3A : memref<!tpu.dma_semaphore, #tpu.memory_space<semaphore_mem>>) src(%arg11 : memref<128x128xf32, #tpu.memory_space<vmem>>) dst(%dma_wait3A_77 : memref<10240x128xf32, #tpu.memory_space<vmem_shared>>)
          tpu.yield
        }) : () -> ()
      } else {
      }
      %scan3A_68 = arith.constant 0 : i32
      scf.yield %scan3A_68 : i32
    }
    %scan3A_38 = arith.constant 20 : i32
    %barrier3A_39 = arith.constant 0 : index
    tpu.barrier barrier_id(%barrier3A_39)
    %mul3A_40 = arith.constant 640 : i32
    %mul3A_41 = arith.muli %arg1, %mul3A_40 : i32
    %mul3A_42 = arith.constant 640 : i32
    %mul3A_43 = arith.muli %arg1, %mul3A_42 : i32
    "tpu.region"() ({
      %run_scoped3A = tpu.sem_alloc : memref<!tpu.dma_semaphore, #tpu.memory_space<semaphore_mem>>
      %dma_start3A_44 = arith.constant 0 : i32
      %dma_start3A_45 = tpu.memref_slice %arg5[%arg0, %mul3A_43, %dma_start3A_44] : memref<2x10240x128xf32, #tpu.memory_space<hbm>> -> memref<1x640x128xf32, #tpu.memory_space<hbm>>
      %dma_start3A_46 = tpu.memref_squeeze %dma_start3A_45 : memref<1x640x128xf32, #tpu.memory_space<hbm>> -> memref<640x128xf32, #tpu.memory_space<hbm>>
      %dma_start3A_47 = arith.constant 0 : i32
      %dma_start3A_48 = tpu.memref_slice %arg12[%mul3A_41, %dma_start3A_47] : memref<10240x128xf32, #tpu.memory_space<vmem_shared>> -> memref<640x128xf32, #tpu.memory_space<vmem_shared>>
      tpu.enqueue_dma source(%dma_start3A_48 : memref<640x128xf32, #tpu.memory_space<vmem_shared>>) target(%dma_start3A_46 : memref<640x128xf32, #tpu.memory_space<hbm>>) target_semaphore(%run_scoped3A : memref<!tpu.dma_semaphore, #tpu.memory_space<semaphore_mem>>)
      %dma_wait3A = arith.constant 0 : i32
      %dma_wait3A_49 = tpu.memref_slice %arg5[%arg0, %mul3A_43, %dma_wait3A] : memref<2x10240x128xf32, #tpu.memory_space<hbm>> -> memref<1x640x128xf32, #tpu.memory_space<hbm>>
      %dma_wait3A_50 = tpu.memref_squeeze %dma_wait3A_49 : memref<1x640x128xf32, #tpu.memory_space<hbm>> -> memref<640x128xf32, #tpu.memory_space<hbm>>
      %dma_wait3A_51 = arith.constant 0 : i32
      %dma_wait3A_52 = tpu.memref_slice %arg12[%mul3A_41, %dma_wait3A_51] : memref<10240x128xf32, #tpu.memory_space<vmem_shared>> -> memref<640x128xf32, #tpu.memory_space<vmem_shared>>
      tpu.wait_dma2 semaphore(%run_scoped3A : memref<!tpu.dma_semaphore, #tpu.memory_space<semaphore_mem>>) src(%dma_wait3A_52 : memref<640x128xf32, #tpu.memory_space<vmem_shared>>) dst(%dma_wait3A_50 : memref<640x128xf32, #tpu.memory_space<hbm>>)
      tpu.yield
    }) : () -> ()
    return
  }
}

#map = affine_map<(d0, d1) -> (0, 0)>
#map1 = affine_map<(d0, d1) -> (0)>
#map2 = affine_map<(d0, d1) -> (0, 0, 0)>
module attributes {stable_mosaic.version = 14 : i64} {
  func.func @body(%arg0: i32, %arg1: i32, %arg2: memref<10240x128xf32, #tpu.memory_space<hbm>>, %arg3: memref<163840xi32, #tpu.memory_space<hbm>>, %arg4: memref<163840xi32, #tpu.memory_space<hbm>>, %arg5: memref<2x10240x128xf32, #tpu.memory_space<hbm>>, %arg6: memref<128xi32, #tpu.memory_space<vmem>>, %arg7: memref<128xi32, #tpu.memory_space<vmem>>, %arg8: memref<128x128xf32, #tpu.memory_space<vmem>>, %arg9: memref<128xi32, #tpu.memory_space<vmem>>, %arg10: memref<128xi32, #tpu.memory_space<vmem>>, %arg11: memref<128x128xf32, #tpu.memory_space<vmem>>, %arg12: memref<10240x128xf32, #tpu.memory_space<vmem_shared>>, %arg13: memref<!tpu.dma_semaphore, #tpu.memory_space<semaphore_mem>>, %arg14: memref<!tpu.dma_semaphore, #tpu.memory_space<semaphore_mem>>) attributes {dimension_semantics = [#tpu.dimension_semantics<core_parallel>, #tpu.dimension_semantics<subcore_parallel>], iteration_bounds = array<i64: 2, 16>, scalar_prefetch = 0 : i64, scratch_operands = 9 : i64, tpu.core_type = #tpu.core_type<sc_vector_subcore>, window_params = [{transform_indices = #map}, {transform_indices = #map1}, {transform_indices = #map1}, {transform_indices = #map2}]} {
    %mul3A = arith.constant 16 : i32
    %mul3A_0 = arith.muli %arg0, %mul3A : i32
    %add3A = arith.addi %mul3A_0, %arg1 : i32
    %mul3A_1 = arith.constant 5120 : i32
    %mul3A_2 = arith.muli %add3A, %mul3A_1 : i32
    %broadcast_in_dim3A = arith.constant 0.000000e+00 : f32
    %broadcast_in_dim3A_3 = vector.broadcast %broadcast_in_dim3A : f32 to vector<16xf32>
    %scan3A = arith.constant 0 : i32
    %scan3A_4 = arith.constant 0 : i32
    %scan3A_5 = arith.constant 1024 : i32
    %scan3A_6 = arith.addi %scan3A_4, %scan3A_5 : i32
    %scan3A_7 = arith.constant 1 : i32
    %scan3A_8 = scf.for %scan3A_44 = %scan3A_4 to %scan3A_6 step %scan3A_7 iter_args(%scan3A_45 = %scan3A) -> (i32)  : i32 {
      %jit3A = arith.constant 8 : i32
      %div3A = arith.divsi %scan3A_44, %jit3A : i32
      %sign3A = arith.constant 0 : i32
      %sign3A_46 = arith.cmpi sgt, %scan3A_44, %sign3A : i32
      %sign3A_47 = arith.extui %sign3A_46 : i1 to i32
      %sign3A_48 = arith.constant 0 : i32
      %sign3A_49 = arith.cmpi slt, %scan3A_44, %sign3A_48 : i32
      %sign3A_50 = arith.extui %sign3A_49 : i1 to i32
      %sign3A_51 = arith.subi %sign3A_47, %sign3A_50 : i32
      %sign3A_52 = arith.constant 0 : i32
      %sign3A_53 = arith.cmpi sgt, %jit3A, %sign3A_52 : i32
      %sign3A_54 = arith.extui %sign3A_53 : i1 to i32
      %sign3A_55 = arith.constant 0 : i32
      %sign3A_56 = arith.cmpi slt, %jit3A, %sign3A_55 : i32
      %sign3A_57 = arith.extui %sign3A_56 : i1 to i32
      %sign3A_58 = arith.subi %sign3A_54, %sign3A_57 : i32
      %ne3A = arith.cmpi ne, %sign3A_51, %sign3A_58 : i32
      %rem3A = arith.remsi %scan3A_44, %jit3A : i32
      %ne3A_59 = arith.constant 0 : i32
      %ne3A_60 = arith.cmpi ne, %rem3A, %ne3A_59 : i32
      %and3A = arith.andi %ne3A, %ne3A_60 : i1
      %sub3A = arith.constant 1 : i32
      %sub3A_61 = arith.subi %div3A, %sub3A : i32
      %select_n3A = arith.select %and3A, %sub3A_61, %div3A : i32
      %jit3A_62 = arith.constant 8 : i32
      %eq3A = arith.constant 0 : i32
      %eq3A_63 = arith.cmpi eq, %jit3A_62, %eq3A : i32
      %jit3A_64 = arith.constant 1 : i32
      %select_n3A_65 = arith.select %eq3A_63, %jit3A_64, %jit3A_62 : i32
      %rem3A_66 = arith.remsi %scan3A_44, %select_n3A_65 : i32
      %ne3A_67 = arith.constant 0 : i32
      %ne3A_68 = arith.cmpi ne, %rem3A_66, %ne3A_67 : i32
      %lt3A = arith.constant 0 : i32
      %lt3A_69 = arith.cmpi slt, %rem3A_66, %lt3A : i32
      %lt3A_70 = arith.constant 0 : i32
      %lt3A_71 = arith.cmpi slt, %select_n3A_65, %lt3A_70 : i32
      %ne3A_72 = arith.xori %lt3A_69, %lt3A_71 : i1
      %and3A_73 = arith.andi %ne3A_72, %ne3A_68 : i1
      %add3A_74 = arith.addi %rem3A_66, %select_n3A_65 : i32
      %select_n3A_75 = arith.select %and3A_73, %add3A_74, %rem3A_66 : i32
      %mul3A_76 = arith.constant 16 : i32
      %mul3A_77 = arith.muli %select_n3A_75, %mul3A_76 : i32
      %swap3A = arith.index_cast %select_n3A : i32 to index
      %swap3A_78 = arith.index_cast %mul3A_77 : i32 to index
      %swap3A_79 = tpu.vector_load %arg8[%swap3A, %swap3A_78] {strides = array<i32>} : memref<128x128xf32, #tpu.memory_space<vmem>>, vector<1x16xf32>,
      %swap3A_80 = vector.shape_cast %swap3A_79 : vector<1x16xf32> to vector<16xf32>
      %swap3A_81 = vector.shape_cast %broadcast_in_dim3A_3 : vector<16xf32> to vector<1x16xf32>
      tpu.vector_store %arg8[%swap3A, %swap3A_78], %swap3A_81 {strides = array<i32>} : memref<128x128xf32, #tpu.memory_space<vmem>>, vector<1x16xf32>,
      %scan3A_82 = arith.constant 0 : i32
      scf.yield %scan3A_82 : i32
    }
    %scan3A_9 = arith.constant 1024 : i32
    %mul3A_10 = arith.constant 640 : i32
    %mul3A_11 = arith.muli %arg1, %mul3A_10 : i32
    %add3A_12 = arith.constant 0 : i32
    %add3A_13 = arith.addi %mul3A_11, %add3A_12 : i32
    "tpu.region"() ({
      %run_scoped3A = tpu.sem_alloc : memref<!tpu.dma_semaphore, #tpu.memory_space<semaphore_mem>>
      %dma_start3A_44 = arith.constant 0 : i32
      %dma_start3A_45 = tpu.memref_slice %arg12[%add3A_13, %dma_start3A_44] : memref<10240x128xf32, #tpu.memory_space<vmem_shared>> -> memref<128x128xf32, #tpu.memory_space<vmem_shared>>
      %dma_start3A_46 = arith.constant 0 : i32
      %dma_start3A_47 = tpu.memref_slice %arg12[%add3A_13, %dma_start3A_46] : memref<10240x128xf32, #tpu.memory_space<vmem_shared>> -> memref<128x128xf32, #tpu.memory_space<vmem_shared>>
      tpu.enqueue_dma source(%arg8 : memref<128x128xf32, #tpu.memory_space<vmem>>) target(%dma_start3A_47 : memref<128x128xf32, #tpu.memory_space<vmem_shared>>) target_semaphore(%run_scoped3A : memref<!tpu.dma_semaphore, #tpu.memory_space<semaphore_mem>>)
      %dma_wait3A = arith.constant 0 : i32
      %dma_wait3A_48 = tpu.memref_slice %arg12[%add3A_13, %dma_wait3A] : memref<10240x128xf32, #tpu.memory_space<vmem_shared>> -> memref<128x128xf32, #tpu.memory_space<vmem_shared>>
      %dma_wait3A_49 = arith.constant 0 : i32
      %dma_wait3A_50 = tpu.memref_slice %arg12[%add3A_13, %dma_wait3A_49] : memref<10240x128xf32, #tpu.memory_space<vmem_shared>> -> memref<128x128xf32, #tpu.memory_space<vmem_shared>>
      tpu.wait_dma2 semaphore(%run_scoped3A : memref<!tpu.dma_semaphore, #tpu.memory_space<semaphore_mem>>) src(%arg8 : memref<128x128xf32, #tpu.memory_space<vmem>>) dst(%dma_wait3A_50 : memref<128x128xf32, #tpu.memory_space<vmem_shared>>)
      tpu.yield
    }) : () -> ()
    %mul3A_14 = arith.constant 640 : i32
    %mul3A_15 = arith.muli %arg1, %mul3A_14 : i32
    %add3A_16 = arith.constant 128 : i32
    %add3A_17 = arith.addi %mul3A_15, %add3A_16 : i32
    "tpu.region"() ({
      %run_scoped3A = tpu.sem_alloc : memref<!tpu.dma_semaphore, #tpu.memory_space<semaphore_mem>>
      %dma_start3A_44 = arith.constant 0 : i32
      %dma_start3A_45 = tpu.memref_slice %arg12[%add3A_17, %dma_start3A_44] : memref<10240x128xf32, #tpu.memory_space<vmem_shared>> -> memref<128x128xf32, #tpu.memory_space<vmem_shared>>
      %dma_start3A_46 = arith.constant 0 : i32
      %dma_start3A_47 = tpu.memref_slice %arg12[%add3A_17, %dma_start3A_46] : memref<10240x128xf32, #tpu.memory_space<vmem_shared>> -> memref<128x128xf32, #tpu.memory_space<vmem_shared>>
      tpu.enqueue_dma source(%arg8 : memref<128x128xf32, #tpu.memory_space<vmem>>) target(%dma_start3A_47 : memref<128x128xf32, #tpu.memory_space<vmem_shared>>) target_semaphore(%run_scoped3A : memref<!tpu.dma_semaphore, #tpu.memory_space<semaphore_mem>>)
      %dma_wait3A = arith.constant 0 : i32
      %dma_wait3A_48 = tpu.memref_slice %arg12[%add3A_17, %dma_wait3A] : memref<10240x128xf32, #tpu.memory_space<vmem_shared>> -> memref<128x128xf32, #tpu.memory_space<vmem_shared>>
      %dma_wait3A_49 = arith.constant 0 : i32
      %dma_wait3A_50 = tpu.memref_slice %arg12[%add3A_17, %dma_wait3A_49] : memref<10240x128xf32, #tpu.memory_space<vmem_shared>> -> memref<128x128xf32, #tpu.memory_space<vmem_shared>>
      tpu.wait_dma2 semaphore(%run_scoped3A : memref<!tpu.dma_semaphore, #tpu.memory_space<semaphore_mem>>) src(%arg8 : memref<128x128xf32, #tpu.memory_space<vmem>>) dst(%dma_wait3A_50 : memref<128x128xf32, #tpu.memory_space<vmem_shared>>)
      tpu.yield
    }) : () -> ()
    %mul3A_18 = arith.constant 640 : i32
    %mul3A_19 = arith.muli %arg1, %mul3A_18 : i32
    %add3A_20 = arith.constant 256 : i32
    %add3A_21 = arith.addi %mul3A_19, %add3A_20 : i32
    "tpu.region"() ({
      %run_scoped3A = tpu.sem_alloc : memref<!tpu.dma_semaphore, #tpu.memory_space<semaphore_mem>>
      %dma_start3A_44 = arith.constant 0 : i32
      %dma_start3A_45 = tpu.memref_slice %arg12[%add3A_21, %dma_start3A_44] : memref<10240x128xf32, #tpu.memory_space<vmem_shared>> -> memref<128x128xf32, #tpu.memory_space<vmem_shared>>
      %dma_start3A_46 = arith.constant 0 : i32
      %dma_start3A_47 = tpu.memref_slice %arg12[%add3A_21, %dma_start3A_46] : memref<10240x128xf32, #tpu.memory_space<vmem_shared>> -> memref<128x128xf32, #tpu.memory_space<vmem_shared>>
      tpu.enqueue_dma source(%arg8 : memref<128x128xf32, #tpu.memory_space<vmem>>) target(%dma_start3A_47 : memref<128x128xf32, #tpu.memory_space<vmem_shared>>) target_semaphore(%run_scoped3A : memref<!tpu.dma_semaphore, #tpu.memory_space<semaphore_mem>>)
      %dma_wait3A = arith.constant 0 : i32
      %dma_wait3A_48 = tpu.memref_slice %arg12[%add3A_21, %dma_wait3A] : memref<10240x128xf32, #tpu.memory_space<vmem_shared>> -> memref<128x128xf32, #tpu.memory_space<vmem_shared>>
      %dma_wait3A_49 = arith.constant 0 : i32
      %dma_wait3A_50 = tpu.memref_slice %arg12[%add3A_21, %dma_wait3A_49] : memref<10240x128xf32, #tpu.memory_space<vmem_shared>> -> memref<128x128xf32, #tpu.memory_space<vmem_shared>>
      tpu.wait_dma2 semaphore(%run_scoped3A : memref<!tpu.dma_semaphore, #tpu.memory_space<semaphore_mem>>) src(%arg8 : memref<128x128xf32, #tpu.memory_space<vmem>>) dst(%dma_wait3A_50 : memref<128x128xf32, #tpu.memory_space<vmem_shared>>)
      tpu.yield
    }) : () -> ()
    %mul3A_22 = arith.constant 640 : i32
    %mul3A_23 = arith.muli %arg1, %mul3A_22 : i32
    %add3A_24 = arith.constant 384 : i32
    %add3A_25 = arith.addi %mul3A_23, %add3A_24 : i32
    "tpu.region"() ({
      %run_scoped3A = tpu.sem_alloc : memref<!tpu.dma_semaphore, #tpu.memory_space<semaphore_mem>>
      %dma_start3A_44 = arith.constant 0 : i32
      %dma_start3A_45 = tpu.memref_slice %arg12[%add3A_25, %dma_start3A_44] : memref<10240x128xf32, #tpu.memory_space<vmem_shared>> -> memref<128x128xf32, #tpu.memory_space<vmem_shared>>
      %dma_start3A_46 = arith.constant 0 : i32
      %dma_start3A_47 = tpu.memref_slice %arg12[%add3A_25, %dma_start3A_46] : memref<10240x128xf32, #tpu.memory_space<vmem_shared>> -> memref<128x128xf32, #tpu.memory_space<vmem_shared>>
      tpu.enqueue_dma source(%arg8 : memref<128x128xf32, #tpu.memory_space<vmem>>) target(%dma_start3A_47 : memref<128x128xf32, #tpu.memory_space<vmem_shared>>) target_semaphore(%run_scoped3A : memref<!tpu.dma_semaphore, #tpu.memory_space<semaphore_mem>>)
      %dma_wait3A = arith.constant 0 : i32
      %dma_wait3A_48 = tpu.memref_slice %arg12[%add3A_25, %dma_wait3A] : memref<10240x128xf32, #tpu.memory_space<vmem_shared>> -> memref<128x128xf32, #tpu.memory_space<vmem_shared>>
      %dma_wait3A_49 = arith.constant 0 : i32
      %dma_wait3A_50 = tpu.memref_slice %arg12[%add3A_25, %dma_wait3A_49] : memref<10240x128xf32, #tpu.memory_space<vmem_shared>> -> memref<128x128xf32, #tpu.memory_space<vmem_shared>>
      tpu.wait_dma2 semaphore(%run_scoped3A : memref<!tpu.dma_semaphore, #tpu.memory_space<semaphore_mem>>) src(%arg8 : memref<128x128xf32, #tpu.memory_space<vmem>>) dst(%dma_wait3A_50 : memref<128x128xf32, #tpu.memory_space<vmem_shared>>)
      tpu.yield
    }) : () -> ()
    %mul3A_26 = arith.constant 640 : i32
    %mul3A_27 = arith.muli %arg1, %mul3A_26 : i32
    %add3A_28 = arith.constant 512 : i32
    %add3A_29 = arith.addi %mul3A_27, %add3A_28 : i32
    "tpu.region"() ({
      %run_scoped3A = tpu.sem_alloc : memref<!tpu.dma_semaphore, #tpu.memory_space<semaphore_mem>>
      %dma_start3A_44 = arith.constant 0 : i32
      %dma_start3A_45 = tpu.memref_slice %arg12[%add3A_29, %dma_start3A_44] : memref<10240x128xf32, #tpu.memory_space<vmem_shared>> -> memref<128x128xf32, #tpu.memory_space<vmem_shared>>
      %dma_start3A_46 = arith.constant 0 : i32
      %dma_start3A_47 = tpu.memref_slice %arg12[%add3A_29, %dma_start3A_46] : memref<10240x128xf32, #tpu.memory_space<vmem_shared>> -> memref<128x128xf32, #tpu.memory_space<vmem_shared>>
      tpu.enqueue_dma source(%arg8 : memref<128x128xf32, #tpu.memory_space<vmem>>) target(%dma_start3A_47 : memref<128x128xf32, #tpu.memory_space<vmem_shared>>) target_semaphore(%run_scoped3A : memref<!tpu.dma_semaphore, #tpu.memory_space<semaphore_mem>>)
      %dma_wait3A = arith.constant 0 : i32
      %dma_wait3A_48 = tpu.memref_slice %arg12[%add3A_29, %dma_wait3A] : memref<10240x128xf32, #tpu.memory_space<vmem_shared>> -> memref<128x128xf32, #tpu.memory_space<vmem_shared>>
      %dma_wait3A_49 = arith.constant 0 : i32
      %dma_wait3A_50 = tpu.memref_slice %arg12[%add3A_29, %dma_wait3A_49] : memref<10240x128xf32, #tpu.memory_space<vmem_shared>> -> memref<128x128xf32, #tpu.memory_space<vmem_shared>>
      tpu.wait_dma2 semaphore(%run_scoped3A : memref<!tpu.dma_semaphore, #tpu.memory_space<semaphore_mem>>) src(%arg8 : memref<128x128xf32, #tpu.memory_space<vmem>>) dst(%dma_wait3A_50 : memref<128x128xf32, #tpu.memory_space<vmem_shared>>)
      tpu.yield
    }) : () -> ()
    "tpu.region"() ({
      %run_scoped3A = tpu.sem_alloc : memref<!tpu.dma_semaphore, #tpu.memory_space<semaphore_mem>>
      %dma_start3A_44 = tpu.memref_slice %arg3[%mul3A_2] : memref<163840xi32, #tpu.memory_space<hbm>> -> memref<128xi32, #tpu.memory_space<hbm>>
      %dma_start3A_45 = tpu.memref_slice %arg3[%mul3A_2] : memref<163840xi32, #tpu.memory_space<hbm>> -> memref<128xi32, #tpu.memory_space<hbm>>
      tpu.enqueue_dma source(%dma_start3A_45 : memref<128xi32, #tpu.memory_space<hbm>>) target(%arg6 : memref<128xi32, #tpu.memory_space<vmem>>) target_semaphore(%run_scoped3A : memref<!tpu.dma_semaphore, #tpu.memory_space<semaphore_mem>>)
      %dma_wait3A = tpu.memref_slice %arg3[%mul3A_2] : memref<163840xi32, #tpu.memory_space<hbm>> -> memref<128xi32, #tpu.memory_space<hbm>>
      %dma_wait3A_46 = tpu.memref_slice %arg3[%mul3A_2] : memref<163840xi32, #tpu.memory_space<hbm>> -> memref<128xi32, #tpu.memory_space<hbm>>
      tpu.wait_dma2 semaphore(%run_scoped3A : memref<!tpu.dma_semaphore, #tpu.memory_space<semaphore_mem>>) src(%dma_wait3A_46 : memref<128xi32, #tpu.memory_space<hbm>>) dst(%arg6 : memref<128xi32, #tpu.memory_space<vmem>>)
      tpu.yield
    }) : () -> ()
    "tpu.region"() ({
      %run_scoped3A = tpu.sem_alloc : memref<!tpu.dma_semaphore, #tpu.memory_space<semaphore_mem>>
      %dma_start3A_44 = tpu.memref_slice %arg4[%mul3A_2] : memref<163840xi32, #tpu.memory_space<hbm>> -> memref<128xi32, #tpu.memory_space<hbm>>
      %dma_start3A_45 = tpu.memref_slice %arg4[%mul3A_2] : memref<163840xi32, #tpu.memory_space<hbm>> -> memref<128xi32, #tpu.memory_space<hbm>>
      tpu.enqueue_dma source(%dma_start3A_45 : memref<128xi32, #tpu.memory_space<hbm>>) target(%arg7 : memref<128xi32, #tpu.memory_space<vmem>>) target_semaphore(%run_scoped3A : memref<!tpu.dma_semaphore, #tpu.memory_space<semaphore_mem>>)
      %dma_wait3A = tpu.memref_slice %arg4[%mul3A_2] : memref<163840xi32, #tpu.memory_space<hbm>> -> memref<128xi32, #tpu.memory_space<hbm>>
      %dma_wait3A_46 = tpu.memref_slice %arg4[%mul3A_2] : memref<163840xi32, #tpu.memory_space<hbm>> -> memref<128xi32, #tpu.memory_space<hbm>>
      tpu.wait_dma2 semaphore(%run_scoped3A : memref<!tpu.dma_semaphore, #tpu.memory_space<semaphore_mem>>) src(%dma_wait3A_46 : memref<128xi32, #tpu.memory_space<hbm>>) dst(%arg7 : memref<128xi32, #tpu.memory_space<vmem>>)
      tpu.yield
    }) : () -> ()
    %dma_start3A = arith.constant 0 : i32
    %dma_start3A_30 = arith.constant 0 : i32
    %dma_start3A_31 = tpu.memref_slice %arg2[%dma_start3A, %dma_start3A_30] : memref<10240x128xf32, #tpu.memory_space<hbm>> -> memref<10240x128xf32, #tpu.memory_space<hbm>>
    tpu.enqueue_indirect_dma source(%dma_start3A_31 : memref<10240x128xf32, #tpu.memory_space<hbm>>) target(%arg8 : memref<128x128xf32, #tpu.memory_space<vmem>>) offsets(%arg6 : memref<128xi32, #tpu.memory_space<vmem>>) semaphore(%arg13 : memref<!tpu.dma_semaphore, #tpu.memory_space<semaphore_mem>>)
    %barrier3A = arith.constant 0 : index
    tpu.barrier barrier_id(%barrier3A)
    %scan3A_32 = arith.constant 0 : i32
    %scan3A_33 = arith.constant 0 : i32
    %scan3A_34 = arith.constant 20 : i32
    %scan3A_35 = arith.addi %scan3A_33, %scan3A_34 : i32
    %scan3A_36 = arith.constant 1 : i32
    %scan3A_37 = scf.for %scan3A_44 = %scan3A_33 to %scan3A_35 step %scan3A_36 iter_args(%scan3A_45 = %scan3A_32) -> (i32)  : i32 {
      %mul3A_46 = arith.constant 2 : i32
      %mul3A_47 = arith.muli %mul3A_46, %scan3A_44 : i32
      %add3A_48 = arith.constant 1 : i32
      %add3A_49 = arith.addi %mul3A_47, %add3A_48 : i32
      %mul3A_50 = arith.constant 2 : i32
      %mul3A_51 = arith.muli %mul3A_50, %scan3A_44 : i32
      %add3A_52 = arith.constant 2 : i32
      %add3A_53 = arith.addi %mul3A_51, %add3A_52 : i32
      %lt3A = arith.constant 40 : i32
      %lt3A_54 = arith.cmpi slt, %add3A_49, %lt3A : i32
      %convert_element_type3A = arith.extui %lt3A_54 : i1 to i32
      %cond3A = arith.constant 0 : i32
      %cond3A_55 = arith.cmpi ne, %convert_element_type3A, %cond3A : i32
      scf.if %cond3A_55 {
        %mul3A_69 = arith.constant 128 : i32
        %mul3A_70 = arith.muli %add3A_49, %mul3A_69 : i32
        %add3A_71 = arith.addi %mul3A_2, %mul3A_70 : i32
        "tpu.region"() ({
          %run_scoped3A = tpu.sem_alloc : memref<!tpu.dma_semaphore, #tpu.memory_space<semaphore_mem>>
          %dma_start3A_78 = tpu.memref_slice %arg3[%add3A_71] : memref<163840xi32, #tpu.memory_space<hbm>> -> memref<128xi32, #tpu.memory_space<hbm>>
          %dma_start3A_79 = tpu.memref_slice %arg3[%add3A_71] : memref<163840xi32, #tpu.memory_space<hbm>> -> memref<128xi32, #tpu.memory_space<hbm>>
          tpu.enqueue_dma source(%dma_start3A_79 : memref<128xi32, #tpu.memory_space<hbm>>) target(%arg9 : memref<128xi32, #tpu.memory_space<vmem>>) target_semaphore(%run_scoped3A : memref<!tpu.dma_semaphore, #tpu.memory_space<semaphore_mem>>)
          %dma_wait3A_80 = tpu.memref_slice %arg3[%add3A_71] : memref<163840xi32, #tpu.memory_space<hbm>> -> memref<128xi32, #tpu.memory_space<hbm>>
          %dma_wait3A_81 = tpu.memref_slice %arg3[%add3A_71] : memref<163840xi32, #tpu.memory_space<hbm>> -> memref<128xi32, #tpu.memory_space<hbm>>
          tpu.wait_dma2 semaphore(%run_scoped3A : memref<!tpu.dma_semaphore, #tpu.memory_space<semaphore_mem>>) src(%dma_wait3A_81 : memref<128xi32, #tpu.memory_space<hbm>>) dst(%arg9 : memref<128xi32, #tpu.memory_space<vmem>>)
          tpu.yield
        }) : () -> ()
        %mul3A_72 = arith.constant 128 : i32
        %mul3A_73 = arith.muli %add3A_49, %mul3A_72 : i32
        %add3A_74 = arith.addi %mul3A_2, %mul3A_73 : i32
        "tpu.region"() ({
          %run_scoped3A = tpu.sem_alloc : memref<!tpu.dma_semaphore, #tpu.memory_space<semaphore_mem>>
          %dma_start3A_78 = tpu.memref_slice %arg4[%add3A_74] : memref<163840xi32, #tpu.memory_space<hbm>> -> memref<128xi32, #tpu.memory_space<hbm>>
          %dma_start3A_79 = tpu.memref_slice %arg4[%add3A_74] : memref<163840xi32, #tpu.memory_space<hbm>> -> memref<128xi32, #tpu.memory_space<hbm>>
          tpu.enqueue_dma source(%dma_start3A_79 : memref<128xi32, #tpu.memory_space<hbm>>) target(%arg10 : memref<128xi32, #tpu.memory_space<vmem>>) target_semaphore(%run_scoped3A : memref<!tpu.dma_semaphore, #tpu.memory_space<semaphore_mem>>)
          %dma_wait3A_80 = tpu.memref_slice %arg4[%add3A_74] : memref<163840xi32, #tpu.memory_space<hbm>> -> memref<128xi32, #tpu.memory_space<hbm>>
          %dma_wait3A_81 = tpu.memref_slice %arg4[%add3A_74] : memref<163840xi32, #tpu.memory_space<hbm>> -> memref<128xi32, #tpu.memory_space<hbm>>
          tpu.wait_dma2 semaphore(%run_scoped3A : memref<!tpu.dma_semaphore, #tpu.memory_space<semaphore_mem>>) src(%dma_wait3A_81 : memref<128xi32, #tpu.memory_space<hbm>>) dst(%arg10 : memref<128xi32, #tpu.memory_space<vmem>>)
          tpu.yield
        }) : () -> ()
        %dma_start3A_75 = arith.constant 0 : i32
        %dma_start3A_76 = arith.constant 0 : i32
        %dma_start3A_77 = tpu.memref_slice %arg2[%dma_start3A_75, %dma_start3A_76] : memref<10240x128xf32, #tpu.memory_space<hbm>> -> memref<10240x128xf32, #tpu.memory_space<hbm>>
        tpu.enqueue_indirect_dma source(%dma_start3A_77 : memref<10240x128xf32, #tpu.memory_space<hbm>>) target(%arg11 : memref<128x128xf32, #tpu.memory_space<vmem>>) offsets(%arg9 : memref<128xi32, #tpu.memory_space<vmem>>) semaphore(%arg14 : memref<!tpu.dma_semaphore, #tpu.memory_space<semaphore_mem>>)
      } else {
      }
      %dma_wait3A = arith.constant 0 : i32
      %dma_wait3A_56 = arith.constant 0 : i32
      %dma_wait3A_57 = tpu.memref_slice %arg2[%dma_wait3A, %dma_wait3A_56] : memref<10240x128xf32, #tpu.memory_space<hbm>> -> memref<10240x128xf32, #tpu.memory_space<hbm>>
      tpu.wait_indirect_dma semaphore(%arg13 : memref<!tpu.dma_semaphore, #tpu.memory_space<semaphore_mem>>) src(%dma_wait3A_57 : memref<10240x128xf32, #tpu.memory_space<hbm>>) dst(%arg8 : memref<128x128xf32, #tpu.memory_space<vmem>>)
      "tpu.region"() ({
        %run_scoped3A = tpu.sem_alloc : memref<!tpu.dma_semaphore, #tpu.memory_space<semaphore_mem>>
        %dma_start3A_69 = arith.constant 0 : i32
        %dma_start3A_70 = arith.constant 0 : i32
        %dma_start3A_71 = tpu.memref_slice %arg12[%dma_start3A_69, %dma_start3A_70] : memref<10240x128xf32, #tpu.memory_space<vmem_shared>> -> memref<10240x128xf32, #tpu.memory_space<vmem_shared>>
        tpu.enqueue_indirect_dma source(%arg8 : memref<128x128xf32, #tpu.memory_space<vmem>>) target(%dma_start3A_71 : memref<10240x128xf32, #tpu.memory_space<vmem_shared>>) offsets(%arg7 : memref<128xi32, #tpu.memory_space<vmem>>) semaphore(%run_scoped3A : memref<!tpu.dma_semaphore, #tpu.memory_space<semaphore_mem>>) {add = true}
        %dma_wait3A_72 = arith.constant 0 : i32
        %dma_wait3A_73 = arith.constant 0 : i32
        %dma_wait3A_74 = tpu.memref_slice %arg12[%dma_wait3A_72, %dma_wait3A_73] : memref<10240x128xf32, #tpu.memory_space<vmem_shared>> -> memref<10240x128xf32, #tpu.memory_space<vmem_shared>>
        tpu.wait_indirect_dma semaphore(%run_scoped3A : memref<!tpu.dma_semaphore, #tpu.memory_space<semaphore_mem>>) src(%arg8 : memref<128x128xf32, #tpu.memory_space<vmem>>) dst(%dma_wait3A_74 : memref<10240x128xf32, #tpu.memory_space<vmem_shared>>)
        tpu.yield
      }) : () -> ()
      %lt3A_58 = arith.constant 40 : i32
      %lt3A_59 = arith.cmpi slt, %add3A_53, %lt3A_58 : i32
      %convert_element_type3A_60 = arith.extui %lt3A_59 : i1 to i32
      %cond3A_61 = arith.constant 0 : i32
      %cond3A_62 = arith.cmpi ne, %convert_element_type3A_60, %cond3A_61 : i32
      scf.if %cond3A_62 {
        %mul3A_69 = arith.constant 128 : i32
        %mul3A_70 = arith.muli %add3A_53, %mul3A_69 : i32
        %add3A_71 = arith.addi %mul3A_2, %mul3A_70 : i32
        "tpu.region"() ({
          %run_scoped3A = tpu.sem_alloc : memref<!tpu.dma_semaphore, #tpu.memory_space<semaphore_mem>>
          %dma_start3A_78 = tpu.memref_slice %arg3[%add3A_71] : memref<163840xi32, #tpu.memory_space<hbm>> -> memref<128xi32, #tpu.memory_space<hbm>>
          %dma_start3A_79 = tpu.memref_slice %arg3[%add3A_71] : memref<163840xi32, #tpu.memory_space<hbm>> -> memref<128xi32, #tpu.memory_space<hbm>>
          tpu.enqueue_dma source(%dma_start3A_79 : memref<128xi32, #tpu.memory_space<hbm>>) target(%arg6 : memref<128xi32, #tpu.memory_space<vmem>>) target_semaphore(%run_scoped3A : memref<!tpu.dma_semaphore, #tpu.memory_space<semaphore_mem>>)
          %dma_wait3A_80 = tpu.memref_slice %arg3[%add3A_71] : memref<163840xi32, #tpu.memory_space<hbm>> -> memref<128xi32, #tpu.memory_space<hbm>>
          %dma_wait3A_81 = tpu.memref_slice %arg3[%add3A_71] : memref<163840xi32, #tpu.memory_space<hbm>> -> memref<128xi32, #tpu.memory_space<hbm>>
          tpu.wait_dma2 semaphore(%run_scoped3A : memref<!tpu.dma_semaphore, #tpu.memory_space<semaphore_mem>>) src(%dma_wait3A_81 : memref<128xi32, #tpu.memory_space<hbm>>) dst(%arg6 : memref<128xi32, #tpu.memory_space<vmem>>)
          tpu.yield
        }) : () -> ()
        %mul3A_72 = arith.constant 128 : i32
        %mul3A_73 = arith.muli %add3A_53, %mul3A_72 : i32
        %add3A_74 = arith.addi %mul3A_2, %mul3A_73 : i32
        "tpu.region"() ({
          %run_scoped3A = tpu.sem_alloc : memref<!tpu.dma_semaphore, #tpu.memory_space<semaphore_mem>>
          %dma_start3A_78 = tpu.memref_slice %arg4[%add3A_74] : memref<163840xi32, #tpu.memory_space<hbm>> -> memref<128xi32, #tpu.memory_space<hbm>>
          %dma_start3A_79 = tpu.memref_slice %arg4[%add3A_74] : memref<163840xi32, #tpu.memory_space<hbm>> -> memref<128xi32, #tpu.memory_space<hbm>>
          tpu.enqueue_dma source(%dma_start3A_79 : memref<128xi32, #tpu.memory_space<hbm>>) target(%arg7 : memref<128xi32, #tpu.memory_space<vmem>>) target_semaphore(%run_scoped3A : memref<!tpu.dma_semaphore, #tpu.memory_space<semaphore_mem>>)
          %dma_wait3A_80 = tpu.memref_slice %arg4[%add3A_74] : memref<163840xi32, #tpu.memory_space<hbm>> -> memref<128xi32, #tpu.memory_space<hbm>>
          %dma_wait3A_81 = tpu.memref_slice %arg4[%add3A_74] : memref<163840xi32, #tpu.memory_space<hbm>> -> memref<128xi32, #tpu.memory_space<hbm>>
          tpu.wait_dma2 semaphore(%run_scoped3A : memref<!tpu.dma_semaphore, #tpu.memory_space<semaphore_mem>>) src(%dma_wait3A_81 : memref<128xi32, #tpu.memory_space<hbm>>) dst(%arg7 : memref<128xi32, #tpu.memory_space<vmem>>)
          tpu.yield
        }) : () -> ()
        %dma_start3A_75 = arith.constant 0 : i32
        %dma_start3A_76 = arith.constant 0 : i32
        %dma_start3A_77 = tpu.memref_slice %arg2[%dma_start3A_75, %dma_start3A_76] : memref<10240x128xf32, #tpu.memory_space<hbm>> -> memref<10240x128xf32, #tpu.memory_space<hbm>>
        tpu.enqueue_indirect_dma source(%dma_start3A_77 : memref<10240x128xf32, #tpu.memory_space<hbm>>) target(%arg8 : memref<128x128xf32, #tpu.memory_space<vmem>>) offsets(%arg6 : memref<128xi32, #tpu.memory_space<vmem>>) semaphore(%arg13 : memref<!tpu.dma_semaphore, #tpu.memory_space<semaphore_mem>>)
      } else {
      }
      %lt3A_63 = arith.constant 40 : i32
      %lt3A_64 = arith.cmpi slt, %add3A_49, %lt3A_63 : i32
      %convert_element_type3A_65 = arith.extui %lt3A_64 : i1 to i32
      %cond3A_66 = arith.constant 0 : i32
      %cond3A_67 = arith.cmpi ne, %convert_element_type3A_65, %cond3A_66 : i32
      scf.if %cond3A_67 {
        %dma_wait3A_69 = arith.constant 0 : i32
        %dma_wait3A_70 = arith.constant 0 : i32
        %dma_wait3A_71 = tpu.memref_slice %arg2[%dma_wait3A_69, %dma_wait3A_70] : memref<10240x128xf32, #tpu.memory_space<hbm>> -> memref<10240x128xf32, #tpu.memory_space<hbm>>
        tpu.wait_indirect_dma semaphore(%arg14 : memref<!tpu.dma_semaphore, #tpu.memory_space<semaphore_mem>>) src(%dma_wait3A_71 : memref<10240x128xf32, #tpu.memory_space<hbm>>) dst(%arg11 : memref<128x128xf32, #tpu.memory_space<vmem>>)
        "tpu.region"() ({
          %run_scoped3A = tpu.sem_alloc : memref<!tpu.dma_semaphore, #tpu.memory_space<semaphore_mem>>
          %dma_start3A_72 = arith.constant 0 : i32
          %dma_start3A_73 = arith.constant 0 : i32
          %dma_start3A_74 = tpu.memref_slice %arg12[%dma_start3A_72, %dma_start3A_73] : memref<10240x128xf32, #tpu.memory_space<vmem_shared>> -> memref<10240x128xf32, #tpu.memory_space<vmem_shared>>
          tpu.enqueue_indirect_dma source(%arg11 : memref<128x128xf32, #tpu.memory_space<vmem>>) target(%dma_start3A_74 : memref<10240x128xf32, #tpu.memory_space<vmem_shared>>) offsets(%arg10 : memref<128xi32, #tpu.memory_space<vmem>>) semaphore(%run_scoped3A : memref<!tpu.dma_semaphore, #tpu.memory_space<semaphore_mem>>) {add = true}
          %dma_wait3A_75 = arith.constant 0 : i32
          %dma_wait3A_76 = arith.constant 0 : i32
          %dma_wait3A_77 = tpu.memref_slice %arg12[%dma_wait3A_75, %dma_wait3A_76] : memref<10240x128xf32, #tpu.memory_space<vmem_shared>> -> memref<10240x128xf32, #tpu.memory_space<vmem_shared>>
          tpu.wait_indirect_dma semaphore(%run_scoped3A : memref<!tpu.dma_semaphore, #tpu.memory_space<semaphore_mem>>) src(%arg11 : memref<128x128xf32, #tpu.memory_space<vmem>>) dst(%dma_wait3A_77 : memref<10240x128xf32, #tpu.memory_space<vmem_shared>>)
          tpu.yield
        }) : () -> ()
      } else {
      }
      %scan3A_68 = arith.constant 0 : i32
      scf.yield %scan3A_68 : i32
    }
    %scan3A_38 = arith.constant 20 : i32
    %barrier3A_39 = arith.constant 0 : index
    tpu.barrier barrier_id(%barrier3A_39)
    %mul3A_40 = arith.constant 640 : i32
    %mul3A_41 = arith.muli %arg1, %mul3A_40 : i32
    %mul3A_42 = arith.constant 640 : i32
    %mul3A_43 = arith.muli %arg1, %mul3A_42 : i32
    "tpu.region"() ({
      %run_scoped3A = tpu.sem_alloc : memref<!tpu.dma_semaphore, #tpu.memory_space<semaphore_mem>>
      %dma_start3A_44 = arith.constant 0 : i32
      %dma_start3A_45 = tpu.memref_slice %arg5[%arg0, %mul3A_43, %dma_start3A_44] : memref<2x10240x128xf32, #tpu.memory_space<hbm>> -> memref<1x640x128xf32, #tpu.memory_space<hbm>>
      %dma_start3A_46 = tpu.memref_squeeze %dma_start3A_45 : memref<1x640x128xf32, #tpu.memory_space<hbm>> -> memref<640x128xf32, #tpu.memory_space<hbm>>
      %dma_start3A_47 = arith.constant 0 : i32
      %dma_start3A_48 = tpu.memref_slice %arg12[%mul3A_41, %dma_start3A_47] : memref<10240x128xf32, #tpu.memory_space<vmem_shared>> -> memref<640x128xf32, #tpu.memory_space<vmem_shared>>
      tpu.enqueue_dma source(%dma_start3A_48 : memref<640x128xf32, #tpu.memory_space<vmem_shared>>) target(%dma_start3A_46 : memref<640x128xf32, #tpu.memory_space<hbm>>) target_semaphore(%run_scoped3A : memref<!tpu.dma_semaphore, #tpu.memory_space<semaphore_mem>>)
      %dma_wait3A = arith.constant 0 : i32
      %dma_wait3A_49 = tpu.memref_slice %arg5[%arg0, %mul3A_43, %dma_wait3A] : memref<2x10240x128xf32, #tpu.memory_space<hbm>> -> memref<1x640x128xf32, #tpu.memory_space<hbm>>
      %dma_wait3A_50 = tpu.memref_squeeze %dma_wait3A_49 : memref<1x640x128xf32, #tpu.memory_space<hbm>> -> memref<640x128xf32, #tpu.memory_space<hbm>>
      %dma_wait3A_51 = arith.constant 0 : i32
      %dma_wait3A_52 = tpu.memref_slice %arg12[%mul3A_41, %dma_wait3A_51] : memref<10240x128xf32, #tpu.memory_space<vmem_shared>> -> memref<640x128xf32, #tpu.memory_space<vmem_shared>>
      tpu.wait_dma2 semaphore(%run_scoped3A : memref<!tpu.dma_semaphore, #tpu.memory_space<semaphore_mem>>) src(%dma_wait3A_52 : memref<640x128xf32, #tpu.memory_space<vmem_shared>>) dst(%dma_wait3A_50 : memref<640x128xf32, #tpu.memory_space<hbm>>)
      tpu.yield
    }) : () -> ()
    return
  }
}

#map = affine_map<(d0, d1) -> (0, 0)>
#map1 = affine_map<(d0, d1) -> (0)>
#map2 = affine_map<(d0, d1) -> (0, 0, 0)>
module attributes {stable_mosaic.version = 14 : i64} {
  func.func @body(%arg0: i32, %arg1: i32, %arg2: memref<10240x128xf32, #tpu.memory_space<hbm>>, %arg3: memref<163840xi32, #tpu.memory_space<hbm>>, %arg4: memref<163840xi32, #tpu.memory_space<hbm>>, %arg5: memref<2x10240x128xf32, #tpu.memory_space<hbm>>, %arg6: memref<128xi32, #tpu.memory_space<vmem>>, %arg7: memref<128xi32, #tpu.memory_space<vmem>>, %arg8: memref<128x128xf32, #tpu.memory_space<vmem>>, %arg9: memref<128xi32, #tpu.memory_space<vmem>>, %arg10: memref<128xi32, #tpu.memory_space<vmem>>, %arg11: memref<128x128xf32, #tpu.memory_space<vmem>>, %arg12: memref<10240x128xf32, #tpu.memory_space<vmem_shared>>, %arg13: memref<!tpu.dma_semaphore, #tpu.memory_space<semaphore_mem>>, %arg14: memref<!tpu.dma_semaphore, #tpu.memory_space<semaphore_mem>>) attributes {dimension_semantics = [#tpu.dimension_semantics<core_parallel>, #tpu.dimension_semantics<subcore_parallel>], iteration_bounds = array<i64: 2, 16>, scalar_prefetch = 0 : i64, scratch_operands = 9 : i64, tpu.core_type = #tpu.core_type<sc_vector_subcore>, window_params = [{transform_indices = #map}, {transform_indices = #map1}, {transform_indices = #map1}, {transform_indices = #map2}]} {
    %mul3A = arith.constant 16 : i32
    %mul3A_0 = arith.muli %arg0, %mul3A : i32
    %add3A = arith.addi %mul3A_0, %arg1 : i32
    %mul3A_1 = arith.constant 5120 : i32
    %mul3A_2 = arith.muli %add3A, %mul3A_1 : i32
    %broadcast_in_dim3A = arith.constant 0.000000e+00 : f32
    %broadcast_in_dim3A_3 = vector.broadcast %broadcast_in_dim3A : f32 to vector<16xf32>
    %scan3A = arith.constant 0 : i32
    %scan3A_4 = arith.constant 0 : i32
    %scan3A_5 = arith.constant 1024 : i32
    %scan3A_6 = arith.addi %scan3A_4, %scan3A_5 : i32
    %scan3A_7 = arith.constant 1 : i32
    %scan3A_8 = scf.for %scan3A_44 = %scan3A_4 to %scan3A_6 step %scan3A_7 iter_args(%scan3A_45 = %scan3A) -> (i32)  : i32 {
      %jit3A = arith.constant 8 : i32
      %div3A = arith.divsi %scan3A_44, %jit3A : i32
      %sign3A = arith.constant 0 : i32
      %sign3A_46 = arith.cmpi sgt, %scan3A_44, %sign3A : i32
      %sign3A_47 = arith.extui %sign3A_46 : i1 to i32
      %sign3A_48 = arith.constant 0 : i32
      %sign3A_49 = arith.cmpi slt, %scan3A_44, %sign3A_48 : i32
      %sign3A_50 = arith.extui %sign3A_49 : i1 to i32
      %sign3A_51 = arith.subi %sign3A_47, %sign3A_50 : i32
      %sign3A_52 = arith.constant 0 : i32
      %sign3A_53 = arith.cmpi sgt, %jit3A, %sign3A_52 : i32
      %sign3A_54 = arith.extui %sign3A_53 : i1 to i32
      %sign3A_55 = arith.constant 0 : i32
      %sign3A_56 = arith.cmpi slt, %jit3A, %sign3A_55 : i32
      %sign3A_57 = arith.extui %sign3A_56 : i1 to i32
      %sign3A_58 = arith.subi %sign3A_54, %sign3A_57 : i32
      %ne3A = arith.cmpi ne, %sign3A_51, %sign3A_58 : i32
      %rem3A = arith.remsi %scan3A_44, %jit3A : i32
      %ne3A_59 = arith.constant 0 : i32
      %ne3A_60 = arith.cmpi ne, %rem3A, %ne3A_59 : i32
      %and3A = arith.andi %ne3A, %ne3A_60 : i1
      %sub3A = arith.constant 1 : i32
      %sub3A_61 = arith.subi %div3A, %sub3A : i32
      %select_n3A = arith.select %and3A, %sub3A_61, %div3A : i32
      %jit3A_62 = arith.constant 8 : i32
      %eq3A = arith.constant 0 : i32
      %eq3A_63 = arith.cmpi eq, %jit3A_62, %eq3A : i32
      %jit3A_64 = arith.constant 1 : i32
      %select_n3A_65 = arith.select %eq3A_63, %jit3A_64, %jit3A_62 : i32
      %rem3A_66 = arith.remsi %scan3A_44, %select_n3A_65 : i32
      %ne3A_67 = arith.constant 0 : i32
      %ne3A_68 = arith.cmpi ne, %rem3A_66, %ne3A_67 : i32
      %lt3A = arith.constant 0 : i32
      %lt3A_69 = arith.cmpi slt, %rem3A_66, %lt3A : i32
      %lt3A_70 = arith.constant 0 : i32
      %lt3A_71 = arith.cmpi slt, %select_n3A_65, %lt3A_70 : i32
      %ne3A_72 = arith.xori %lt3A_69, %lt3A_71 : i1
      %and3A_73 = arith.andi %ne3A_72, %ne3A_68 : i1
      %add3A_74 = arith.addi %rem3A_66, %select_n3A_65 : i32
      %select_n3A_75 = arith.select %and3A_73, %add3A_74, %rem3A_66 : i32
      %mul3A_76 = arith.constant 16 : i32
      %mul3A_77 = arith.muli %select_n3A_75, %mul3A_76 : i32
      %swap3A = arith.index_cast %select_n3A : i32 to index
      %swap3A_78 = arith.index_cast %mul3A_77 : i32 to index
      %swap3A_79 = tpu.vector_load %arg8[%swap3A, %swap3A_78] {strides = array<i32>} : memref<128x128xf32, #tpu.memory_space<vmem>>, vector<1x16xf32>,
      %swap3A_80 = vector.shape_cast %swap3A_79 : vector<1x16xf32> to vector<16xf32>
      %swap3A_81 = vector.shape_cast %broadcast_in_dim3A_3 : vector<16xf32> to vector<1x16xf32>
      tpu.vector_store %arg8[%swap3A, %swap3A_78], %swap3A_81 {strides = array<i32>} : memref<128x128xf32, #tpu.memory_space<vmem>>, vector<1x16xf32>,
      %scan3A_82 = arith.constant 0 : i32
      scf.yield %scan3A_82 : i32
    }
    %scan3A_9 = arith.constant 1024 : i32
    %mul3A_10 = arith.constant 640 : i32
    %mul3A_11 = arith.muli %arg1, %mul3A_10 : i32
    %add3A_12 = arith.constant 0 : i32
    %add3A_13 = arith.addi %mul3A_11, %add3A_12 : i32
    "tpu.region"() ({
      %run_scoped3A = tpu.sem_alloc : memref<!tpu.dma_semaphore, #tpu.memory_space<semaphore_mem>>
      %dma_start3A_44 = arith.constant 0 : i32
      %dma_start3A_45 = tpu.memref_slice %arg12[%add3A_13, %dma_start3A_44] : memref<10240x128xf32, #tpu.memory_space<vmem_shared>> -> memref<128x128xf32, #tpu.memory_space<vmem_shared>>
      %dma_start3A_46 = arith.constant 0 : i32
      %dma_start3A_47 = tpu.memref_slice %arg12[%add3A_13, %dma_start3A_46] : memref<10240x128xf32, #tpu.memory_space<vmem_shared>> -> memref<128x128xf32, #tpu.memory_space<vmem_shared>>
      tpu.enqueue_dma source(%arg8 : memref<128x128xf32, #tpu.memory_space<vmem>>) target(%dma_start3A_47 : memref<128x128xf32, #tpu.memory_space<vmem_shared>>) target_semaphore(%run_scoped3A : memref<!tpu.dma_semaphore, #tpu.memory_space<semaphore_mem>>)
      %dma_wait3A = arith.constant 0 : i32
      %dma_wait3A_48 = tpu.memref_slice %arg12[%add3A_13, %dma_wait3A] : memref<10240x128xf32, #tpu.memory_space<vmem_shared>> -> memref<128x128xf32, #tpu.memory_space<vmem_shared>>
      %dma_wait3A_49 = arith.constant 0 : i32
      %dma_wait3A_50 = tpu.memref_slice %arg12[%add3A_13, %dma_wait3A_49] : memref<10240x128xf32, #tpu.memory_space<vmem_shared>> -> memref<128x128xf32, #tpu.memory_space<vmem_shared>>
      tpu.wait_dma2 semaphore(%run_scoped3A : memref<!tpu.dma_semaphore, #tpu.memory_space<semaphore_mem>>) src(%arg8 : memref<128x128xf32, #tpu.memory_space<vmem>>) dst(%dma_wait3A_50 : memref<128x128xf32, #tpu.memory_space<vmem_shared>>)
      tpu.yield
    }) : () -> ()
    %mul3A_14 = arith.constant 640 : i32
    %mul3A_15 = arith.muli %arg1, %mul3A_14 : i32
    %add3A_16 = arith.constant 128 : i32
    %add3A_17 = arith.addi %mul3A_15, %add3A_16 : i32
    "tpu.region"() ({
      %run_scoped3A = tpu.sem_alloc : memref<!tpu.dma_semaphore, #tpu.memory_space<semaphore_mem>>
      %dma_start3A_44 = arith.constant 0 : i32
      %dma_start3A_45 = tpu.memref_slice %arg12[%add3A_17, %dma_start3A_44] : memref<10240x128xf32, #tpu.memory_space<vmem_shared>> -> memref<128x128xf32, #tpu.memory_space<vmem_shared>>
      %dma_start3A_46 = arith.constant 0 : i32
      %dma_start3A_47 = tpu.memref_slice %arg12[%add3A_17, %dma_start3A_46] : memref<10240x128xf32, #tpu.memory_space<vmem_shared>> -> memref<128x128xf32, #tpu.memory_space<vmem_shared>>
      tpu.enqueue_dma source(%arg8 : memref<128x128xf32, #tpu.memory_space<vmem>>) target(%dma_start3A_47 : memref<128x128xf32, #tpu.memory_space<vmem_shared>>) target_semaphore(%run_scoped3A : memref<!tpu.dma_semaphore, #tpu.memory_space<semaphore_mem>>)
      %dma_wait3A = arith.constant 0 : i32
      %dma_wait3A_48 = tpu.memref_slice %arg12[%add3A_17, %dma_wait3A] : memref<10240x128xf32, #tpu.memory_space<vmem_shared>> -> memref<128x128xf32, #tpu.memory_space<vmem_shared>>
      %dma_wait3A_49 = arith.constant 0 : i32
      %dma_wait3A_50 = tpu.memref_slice %arg12[%add3A_17, %dma_wait3A_49] : memref<10240x128xf32, #tpu.memory_space<vmem_shared>> -> memref<128x128xf32, #tpu.memory_space<vmem_shared>>
      tpu.wait_dma2 semaphore(%run_scoped3A : memref<!tpu.dma_semaphore, #tpu.memory_space<semaphore_mem>>) src(%arg8 : memref<128x128xf32, #tpu.memory_space<vmem>>) dst(%dma_wait3A_50 : memref<128x128xf32, #tpu.memory_space<vmem_shared>>)
      tpu.yield
    }) : () -> ()
    %mul3A_18 = arith.constant 640 : i32
    %mul3A_19 = arith.muli %arg1, %mul3A_18 : i32
    %add3A_20 = arith.constant 256 : i32
    %add3A_21 = arith.addi %mul3A_19, %add3A_20 : i32
    "tpu.region"() ({
      %run_scoped3A = tpu.sem_alloc : memref<!tpu.dma_semaphore, #tpu.memory_space<semaphore_mem>>
      %dma_start3A_44 = arith.constant 0 : i32
      %dma_start3A_45 = tpu.memref_slice %arg12[%add3A_21, %dma_start3A_44] : memref<10240x128xf32, #tpu.memory_space<vmem_shared>> -> memref<128x128xf32, #tpu.memory_space<vmem_shared>>
      %dma_start3A_46 = arith.constant 0 : i32
      %dma_start3A_47 = tpu.memref_slice %arg12[%add3A_21, %dma_start3A_46] : memref<10240x128xf32, #tpu.memory_space<vmem_shared>> -> memref<128x128xf32, #tpu.memory_space<vmem_shared>>
      tpu.enqueue_dma source(%arg8 : memref<128x128xf32, #tpu.memory_space<vmem>>) target(%dma_start3A_47 : memref<128x128xf32, #tpu.memory_space<vmem_shared>>) target_semaphore(%run_scoped3A : memref<!tpu.dma_semaphore, #tpu.memory_space<semaphore_mem>>)
      %dma_wait3A = arith.constant 0 : i32
      %dma_wait3A_48 = tpu.memref_slice %arg12[%add3A_21, %dma_wait3A] : memref<10240x128xf32, #tpu.memory_space<vmem_shared>> -> memref<128x128xf32, #tpu.memory_space<vmem_shared>>
      %dma_wait3A_49 = arith.constant 0 : i32
      %dma_wait3A_50 = tpu.memref_slice %arg12[%add3A_21, %dma_wait3A_49] : memref<10240x128xf32, #tpu.memory_space<vmem_shared>> -> memref<128x128xf32, #tpu.memory_space<vmem_shared>>
      tpu.wait_dma2 semaphore(%run_scoped3A : memref<!tpu.dma_semaphore, #tpu.memory_space<semaphore_mem>>) src(%arg8 : memref<128x128xf32, #tpu.memory_space<vmem>>) dst(%dma_wait3A_50 : memref<128x128xf32, #tpu.memory_space<vmem_shared>>)
      tpu.yield
    }) : () -> ()
    %mul3A_22 = arith.constant 640 : i32
    %mul3A_23 = arith.muli %arg1, %mul3A_22 : i32
    %add3A_24 = arith.constant 384 : i32
    %add3A_25 = arith.addi %mul3A_23, %add3A_24 : i32
    "tpu.region"() ({
      %run_scoped3A = tpu.sem_alloc : memref<!tpu.dma_semaphore, #tpu.memory_space<semaphore_mem>>
      %dma_start3A_44 = arith.constant 0 : i32
      %dma_start3A_45 = tpu.memref_slice %arg12[%add3A_25, %dma_start3A_44] : memref<10240x128xf32, #tpu.memory_space<vmem_shared>> -> memref<128x128xf32, #tpu.memory_space<vmem_shared>>
      %dma_start3A_46 = arith.constant 0 : i32
      %dma_start3A_47 = tpu.memref_slice %arg12[%add3A_25, %dma_start3A_46] : memref<10240x128xf32, #tpu.memory_space<vmem_shared>> -> memref<128x128xf32, #tpu.memory_space<vmem_shared>>
      tpu.enqueue_dma source(%arg8 : memref<128x128xf32, #tpu.memory_space<vmem>>) target(%dma_start3A_47 : memref<128x128xf32, #tpu.memory_space<vmem_shared>>) target_semaphore(%run_scoped3A : memref<!tpu.dma_semaphore, #tpu.memory_space<semaphore_mem>>)
      %dma_wait3A = arith.constant 0 : i32
      %dma_wait3A_48 = tpu.memref_slice %arg12[%add3A_25, %dma_wait3A] : memref<10240x128xf32, #tpu.memory_space<vmem_shared>> -> memref<128x128xf32, #tpu.memory_space<vmem_shared>>
      %dma_wait3A_49 = arith.constant 0 : i32
      %dma_wait3A_50 = tpu.memref_slice %arg12[%add3A_25, %dma_wait3A_49] : memref<10240x128xf32, #tpu.memory_space<vmem_shared>> -> memref<128x128xf32, #tpu.memory_space<vmem_shared>>
      tpu.wait_dma2 semaphore(%run_scoped3A : memref<!tpu.dma_semaphore, #tpu.memory_space<semaphore_mem>>) src(%arg8 : memref<128x128xf32, #tpu.memory_space<vmem>>) dst(%dma_wait3A_50 : memref<128x128xf32, #tpu.memory_space<vmem_shared>>)
      tpu.yield
    }) : () -> ()
    %mul3A_26 = arith.constant 640 : i32
    %mul3A_27 = arith.muli %arg1, %mul3A_26 : i32
    %add3A_28 = arith.constant 512 : i32
    %add3A_29 = arith.addi %mul3A_27, %add3A_28 : i32
    "tpu.region"() ({
      %run_scoped3A = tpu.sem_alloc : memref<!tpu.dma_semaphore, #tpu.memory_space<semaphore_mem>>
      %dma_start3A_44 = arith.constant 0 : i32
      %dma_start3A_45 = tpu.memref_slice %arg12[%add3A_29, %dma_start3A_44] : memref<10240x128xf32, #tpu.memory_space<vmem_shared>> -> memref<128x128xf32, #tpu.memory_space<vmem_shared>>
      %dma_start3A_46 = arith.constant 0 : i32
      %dma_start3A_47 = tpu.memref_slice %arg12[%add3A_29, %dma_start3A_46] : memref<10240x128xf32, #tpu.memory_space<vmem_shared>> -> memref<128x128xf32, #tpu.memory_space<vmem_shared>>
      tpu.enqueue_dma source(%arg8 : memref<128x128xf32, #tpu.memory_space<vmem>>) target(%dma_start3A_47 : memref<128x128xf32, #tpu.memory_space<vmem_shared>>) target_semaphore(%run_scoped3A : memref<!tpu.dma_semaphore, #tpu.memory_space<semaphore_mem>>)
      %dma_wait3A = arith.constant 0 : i32
      %dma_wait3A_48 = tpu.memref_slice %arg12[%add3A_29, %dma_wait3A] : memref<10240x128xf32, #tpu.memory_space<vmem_shared>> -> memref<128x128xf32, #tpu.memory_space<vmem_shared>>
      %dma_wait3A_49 = arith.constant 0 : i32
      %dma_wait3A_50 = tpu.memref_slice %arg12[%add3A_29, %dma_wait3A_49] : memref<10240x128xf32, #tpu.memory_space<vmem_shared>> -> memref<128x128xf32, #tpu.memory_space<vmem_shared>>
      tpu.wait_dma2 semaphore(%run_scoped3A : memref<!tpu.dma_semaphore, #tpu.memory_space<semaphore_mem>>) src(%arg8 : memref<128x128xf32, #tpu.memory_space<vmem>>) dst(%dma_wait3A_50 : memref<128x128xf32, #tpu.memory_space<vmem_shared>>)
      tpu.yield
    }) : () -> ()
    "tpu.region"() ({
      %run_scoped3A = tpu.sem_alloc : memref<!tpu.dma_semaphore, #tpu.memory_space<semaphore_mem>>
      %dma_start3A_44 = tpu.memref_slice %arg3[%mul3A_2] : memref<163840xi32, #tpu.memory_space<hbm>> -> memref<128xi32, #tpu.memory_space<hbm>>
      %dma_start3A_45 = tpu.memref_slice %arg3[%mul3A_2] : memref<163840xi32, #tpu.memory_space<hbm>> -> memref<128xi32, #tpu.memory_space<hbm>>
      tpu.enqueue_dma source(%dma_start3A_45 : memref<128xi32, #tpu.memory_space<hbm>>) target(%arg6 : memref<128xi32, #tpu.memory_space<vmem>>) target_semaphore(%run_scoped3A : memref<!tpu.dma_semaphore, #tpu.memory_space<semaphore_mem>>)
      %dma_wait3A = tpu.memref_slice %arg3[%mul3A_2] : memref<163840xi32, #tpu.memory_space<hbm>> -> memref<128xi32, #tpu.memory_space<hbm>>
      %dma_wait3A_46 = tpu.memref_slice %arg3[%mul3A_2] : memref<163840xi32, #tpu.memory_space<hbm>> -> memref<128xi32, #tpu.memory_space<hbm>>
      tpu.wait_dma2 semaphore(%run_scoped3A : memref<!tpu.dma_semaphore, #tpu.memory_space<semaphore_mem>>) src(%dma_wait3A_46 : memref<128xi32, #tpu.memory_space<hbm>>) dst(%arg6 : memref<128xi32, #tpu.memory_space<vmem>>)
      tpu.yield
    }) : () -> ()
    "tpu.region"() ({
      %run_scoped3A = tpu.sem_alloc : memref<!tpu.dma_semaphore, #tpu.memory_space<semaphore_mem>>
      %dma_start3A_44 = tpu.memref_slice %arg4[%mul3A_2] : memref<163840xi32, #tpu.memory_space<hbm>> -> memref<128xi32, #tpu.memory_space<hbm>>
      %dma_start3A_45 = tpu.memref_slice %arg4[%mul3A_2] : memref<163840xi32, #tpu.memory_space<hbm>> -> memref<128xi32, #tpu.memory_space<hbm>>
      tpu.enqueue_dma source(%dma_start3A_45 : memref<128xi32, #tpu.memory_space<hbm>>) target(%arg7 : memref<128xi32, #tpu.memory_space<vmem>>) target_semaphore(%run_scoped3A : memref<!tpu.dma_semaphore, #tpu.memory_space<semaphore_mem>>)
      %dma_wait3A = tpu.memref_slice %arg4[%mul3A_2] : memref<163840xi32, #tpu.memory_space<hbm>> -> memref<128xi32, #tpu.memory_space<hbm>>
      %dma_wait3A_46 = tpu.memref_slice %arg4[%mul3A_2] : memref<163840xi32, #tpu.memory_space<hbm>> -> memref<128xi32, #tpu.memory_space<hbm>>
      tpu.wait_dma2 semaphore(%run_scoped3A : memref<!tpu.dma_semaphore, #tpu.memory_space<semaphore_mem>>) src(%dma_wait3A_46 : memref<128xi32, #tpu.memory_space<hbm>>) dst(%arg7 : memref<128xi32, #tpu.memory_space<vmem>>)
      tpu.yield
    }) : () -> ()
    %dma_start3A = arith.constant 0 : i32
    %dma_start3A_30 = arith.constant 0 : i32
    %dma_start3A_31 = tpu.memref_slice %arg2[%dma_start3A, %dma_start3A_30] : memref<10240x128xf32, #tpu.memory_space<hbm>> -> memref<10240x128xf32, #tpu.memory_space<hbm>>
    tpu.enqueue_indirect_dma source(%dma_start3A_31 : memref<10240x128xf32, #tpu.memory_space<hbm>>) target(%arg8 : memref<128x128xf32, #tpu.memory_space<vmem>>) offsets(%arg6 : memref<128xi32, #tpu.memory_space<vmem>>) semaphore(%arg13 : memref<!tpu.dma_semaphore, #tpu.memory_space<semaphore_mem>>)
    %barrier3A = arith.constant 0 : index
    tpu.barrier barrier_id(%barrier3A)
    %scan3A_32 = arith.constant 0 : i32
    %scan3A_33 = arith.constant 0 : i32
    %scan3A_34 = arith.constant 20 : i32
    %scan3A_35 = arith.addi %scan3A_33, %scan3A_34 : i32
    %scan3A_36 = arith.constant 1 : i32
    %scan3A_37 = scf.for %scan3A_44 = %scan3A_33 to %scan3A_35 step %scan3A_36 iter_args(%scan3A_45 = %scan3A_32) -> (i32)  : i32 {
      %mul3A_46 = arith.constant 2 : i32
      %mul3A_47 = arith.muli %mul3A_46, %scan3A_44 : i32
      %add3A_48 = arith.constant 1 : i32
      %add3A_49 = arith.addi %mul3A_47, %add3A_48 : i32
      %mul3A_50 = arith.constant 2 : i32
      %mul3A_51 = arith.muli %mul3A_50, %scan3A_44 : i32
      %add3A_52 = arith.constant 2 : i32
      %add3A_53 = arith.addi %mul3A_51, %add3A_52 : i32
      %lt3A = arith.constant 40 : i32
      %lt3A_54 = arith.cmpi slt, %add3A_49, %lt3A : i32
      %convert_element_type3A = arith.extui %lt3A_54 : i1 to i32
      %cond3A = arith.constant 0 : i32
      %cond3A_55 = arith.cmpi ne, %convert_element_type3A, %cond3A : i32
      scf.if %cond3A_55 {
        %mul3A_69 = arith.constant 128 : i32
        %mul3A_70 = arith.muli %add3A_49, %mul3A_69 : i32
        %add3A_71 = arith.addi %mul3A_2, %mul3A_70 : i32
        "tpu.region"() ({
          %run_scoped3A = tpu.sem_alloc : memref<!tpu.dma_semaphore, #tpu.memory_space<semaphore_mem>>
          %dma_start3A_78 = tpu.memref_slice %arg3[%add3A_71] : memref<163840xi32, #tpu.memory_space<hbm>> -> memref<128xi32, #tpu.memory_space<hbm>>
          %dma_start3A_79 = tpu.memref_slice %arg3[%add3A_71] : memref<163840xi32, #tpu.memory_space<hbm>> -> memref<128xi32, #tpu.memory_space<hbm>>
          tpu.enqueue_dma source(%dma_start3A_79 : memref<128xi32, #tpu.memory_space<hbm>>) target(%arg9 : memref<128xi32, #tpu.memory_space<vmem>>) target_semaphore(%run_scoped3A : memref<!tpu.dma_semaphore, #tpu.memory_space<semaphore_mem>>)
          %dma_wait3A_80 = tpu.memref_slice %arg3[%add3A_71] : memref<163840xi32, #tpu.memory_space<hbm>> -> memref<128xi32, #tpu.memory_space<hbm>>
          %dma_wait3A_81 = tpu.memref_slice %arg3[%add3A_71] : memref<163840xi32, #tpu.memory_space<hbm>> -> memref<128xi32, #tpu.memory_space<hbm>>
          tpu.wait_dma2 semaphore(%run_scoped3A : memref<!tpu.dma_semaphore, #tpu.memory_space<semaphore_mem>>) src(%dma_wait3A_81 : memref<128xi32, #tpu.memory_space<hbm>>) dst(%arg9 : memref<128xi32, #tpu.memory_space<vmem>>)
          tpu.yield
        }) : () -> ()
        %mul3A_72 = arith.constant 128 : i32
        %mul3A_73 = arith.muli %add3A_49, %mul3A_72 : i32
        %add3A_74 = arith.addi %mul3A_2, %mul3A_73 : i32
        "tpu.region"() ({
          %run_scoped3A = tpu.sem_alloc : memref<!tpu.dma_semaphore, #tpu.memory_space<semaphore_mem>>
          %dma_start3A_78 = tpu.memref_slice %arg4[%add3A_74] : memref<163840xi32, #tpu.memory_space<hbm>> -> memref<128xi32, #tpu.memory_space<hbm>>
          %dma_start3A_79 = tpu.memref_slice %arg4[%add3A_74] : memref<163840xi32, #tpu.memory_space<hbm>> -> memref<128xi32, #tpu.memory_space<hbm>>
          tpu.enqueue_dma source(%dma_start3A_79 : memref<128xi32, #tpu.memory_space<hbm>>) target(%arg10 : memref<128xi32, #tpu.memory_space<vmem>>) target_semaphore(%run_scoped3A : memref<!tpu.dma_semaphore, #tpu.memory_space<semaphore_mem>>)
          %dma_wait3A_80 = tpu.memref_slice %arg4[%add3A_74] : memref<163840xi32, #tpu.memory_space<hbm>> -> memref<128xi32, #tpu.memory_space<hbm>>
          %dma_wait3A_81 = tpu.memref_slice %arg4[%add3A_74] : memref<163840xi32, #tpu.memory_space<hbm>> -> memref<128xi32, #tpu.memory_space<hbm>>
          tpu.wait_dma2 semaphore(%run_scoped3A : memref<!tpu.dma_semaphore, #tpu.memory_space<semaphore_mem>>) src(%dma_wait3A_81 : memref<128xi32, #tpu.memory_space<hbm>>) dst(%arg10 : memref<128xi32, #tpu.memory_space<vmem>>)
          tpu.yield
        }) : () -> ()
        %dma_start3A_75 = arith.constant 0 : i32
        %dma_start3A_76 = arith.constant 0 : i32
        %dma_start3A_77 = tpu.memref_slice %arg2[%dma_start3A_75, %dma_start3A_76] : memref<10240x128xf32, #tpu.memory_space<hbm>> -> memref<10240x128xf32, #tpu.memory_space<hbm>>
        tpu.enqueue_indirect_dma source(%dma_start3A_77 : memref<10240x128xf32, #tpu.memory_space<hbm>>) target(%arg11 : memref<128x128xf32, #tpu.memory_space<vmem>>) offsets(%arg9 : memref<128xi32, #tpu.memory_space<vmem>>) semaphore(%arg14 : memref<!tpu.dma_semaphore, #tpu.memory_space<semaphore_mem>>)
      } else {
      }
      %dma_wait3A = arith.constant 0 : i32
      %dma_wait3A_56 = arith.constant 0 : i32
      %dma_wait3A_57 = tpu.memref_slice %arg2[%dma_wait3A, %dma_wait3A_56] : memref<10240x128xf32, #tpu.memory_space<hbm>> -> memref<10240x128xf32, #tpu.memory_space<hbm>>
      tpu.wait_indirect_dma semaphore(%arg13 : memref<!tpu.dma_semaphore, #tpu.memory_space<semaphore_mem>>) src(%dma_wait3A_57 : memref<10240x128xf32, #tpu.memory_space<hbm>>) dst(%arg8 : memref<128x128xf32, #tpu.memory_space<vmem>>)
      "tpu.region"() ({
        %run_scoped3A = tpu.sem_alloc : memref<!tpu.dma_semaphore, #tpu.memory_space<semaphore_mem>>
        %dma_start3A_69 = arith.constant 0 : i32
        %dma_start3A_70 = arith.constant 0 : i32
        %dma_start3A_71 = tpu.memref_slice %arg12[%dma_start3A_69, %dma_start3A_70] : memref<10240x128xf32, #tpu.memory_space<vmem_shared>> -> memref<10240x128xf32, #tpu.memory_space<vmem_shared>>
        tpu.enqueue_indirect_dma source(%arg8 : memref<128x128xf32, #tpu.memory_space<vmem>>) target(%dma_start3A_71 : memref<10240x128xf32, #tpu.memory_space<vmem_shared>>) offsets(%arg7 : memref<128xi32, #tpu.memory_space<vmem>>) semaphore(%run_scoped3A : memref<!tpu.dma_semaphore, #tpu.memory_space<semaphore_mem>>) {add = true}
        %dma_wait3A_72 = arith.constant 0 : i32
        %dma_wait3A_73 = arith.constant 0 : i32
        %dma_wait3A_74 = tpu.memref_slice %arg12[%dma_wait3A_72, %dma_wait3A_73] : memref<10240x128xf32, #tpu.memory_space<vmem_shared>> -> memref<10240x128xf32, #tpu.memory_space<vmem_shared>>
        tpu.wait_indirect_dma semaphore(%run_scoped3A : memref<!tpu.dma_semaphore, #tpu.memory_space<semaphore_mem>>) src(%arg8 : memref<128x128xf32, #tpu.memory_space<vmem>>) dst(%dma_wait3A_74 : memref<10240x128xf32, #tpu.memory_space<vmem_shared>>)
        tpu.yield
      }) : () -> ()
      %lt3A_58 = arith.constant 40 : i32
      %lt3A_59 = arith.cmpi slt, %add3A_53, %lt3A_58 : i32
      %convert_element_type3A_60 = arith.extui %lt3A_59 : i1 to i32
      %cond3A_61 = arith.constant 0 : i32
      %cond3A_62 = arith.cmpi ne, %convert_element_type3A_60, %cond3A_61 : i32
      scf.if %cond3A_62 {
        %mul3A_69 = arith.constant 128 : i32
        %mul3A_70 = arith.muli %add3A_53, %mul3A_69 : i32
        %add3A_71 = arith.addi %mul3A_2, %mul3A_70 : i32
        "tpu.region"() ({
          %run_scoped3A = tpu.sem_alloc : memref<!tpu.dma_semaphore, #tpu.memory_space<semaphore_mem>>
          %dma_start3A_78 = tpu.memref_slice %arg3[%add3A_71] : memref<163840xi32, #tpu.memory_space<hbm>> -> memref<128xi32, #tpu.memory_space<hbm>>
          %dma_start3A_79 = tpu.memref_slice %arg3[%add3A_71] : memref<163840xi32, #tpu.memory_space<hbm>> -> memref<128xi32, #tpu.memory_space<hbm>>
          tpu.enqueue_dma source(%dma_start3A_79 : memref<128xi32, #tpu.memory_space<hbm>>) target(%arg6 : memref<128xi32, #tpu.memory_space<vmem>>) target_semaphore(%run_scoped3A : memref<!tpu.dma_semaphore, #tpu.memory_space<semaphore_mem>>)
          %dma_wait3A_80 = tpu.memref_slice %arg3[%add3A_71] : memref<163840xi32, #tpu.memory_space<hbm>> -> memref<128xi32, #tpu.memory_space<hbm>>
          %dma_wait3A_81 = tpu.memref_slice %arg3[%add3A_71] : memref<163840xi32, #tpu.memory_space<hbm>> -> memref<128xi32, #tpu.memory_space<hbm>>
          tpu.wait_dma2 semaphore(%run_scoped3A : memref<!tpu.dma_semaphore, #tpu.memory_space<semaphore_mem>>) src(%dma_wait3A_81 : memref<128xi32, #tpu.memory_space<hbm>>) dst(%arg6 : memref<128xi32, #tpu.memory_space<vmem>>)
          tpu.yield
        }) : () -> ()
        %mul3A_72 = arith.constant 128 : i32
        %mul3A_73 = arith.muli %add3A_53, %mul3A_72 : i32
        %add3A_74 = arith.addi %mul3A_2, %mul3A_73 : i32
        "tpu.region"() ({
          %run_scoped3A = tpu.sem_alloc : memref<!tpu.dma_semaphore, #tpu.memory_space<semaphore_mem>>
          %dma_start3A_78 = tpu.memref_slice %arg4[%add3A_74] : memref<163840xi32, #tpu.memory_space<hbm>> -> memref<128xi32, #tpu.memory_space<hbm>>
          %dma_start3A_79 = tpu.memref_slice %arg4[%add3A_74] : memref<163840xi32, #tpu.memory_space<hbm>> -> memref<128xi32, #tpu.memory_space<hbm>>
          tpu.enqueue_dma source(%dma_start3A_79 : memref<128xi32, #tpu.memory_space<hbm>>) target(%arg7 : memref<128xi32, #tpu.memory_space<vmem>>) target_semaphore(%run_scoped3A : memref<!tpu.dma_semaphore, #tpu.memory_space<semaphore_mem>>)
          %dma_wait3A_80 = tpu.memref_slice %arg4[%add3A_74] : memref<163840xi32, #tpu.memory_space<hbm>> -> memref<128xi32, #tpu.memory_space<hbm>>
          %dma_wait3A_81 = tpu.memref_slice %arg4[%add3A_74] : memref<163840xi32, #tpu.memory_space<hbm>> -> memref<128xi32, #tpu.memory_space<hbm>>
          tpu.wait_dma2 semaphore(%run_scoped3A : memref<!tpu.dma_semaphore, #tpu.memory_space<semaphore_mem>>) src(%dma_wait3A_81 : memref<128xi32, #tpu.memory_space<hbm>>) dst(%arg7 : memref<128xi32, #tpu.memory_space<vmem>>)
          tpu.yield
        }) : () -> ()
        %dma_start3A_75 = arith.constant 0 : i32
        %dma_start3A_76 = arith.constant 0 : i32
        %dma_start3A_77 = tpu.memref_slice %arg2[%dma_start3A_75, %dma_start3A_76] : memref<10240x128xf32, #tpu.memory_space<hbm>> -> memref<10240x128xf32, #tpu.memory_space<hbm>>
        tpu.enqueue_indirect_dma source(%dma_start3A_77 : memref<10240x128xf32, #tpu.memory_space<hbm>>) target(%arg8 : memref<128x128xf32, #tpu.memory_space<vmem>>) offsets(%arg6 : memref<128xi32, #tpu.memory_space<vmem>>) semaphore(%arg13 : memref<!tpu.dma_semaphore, #tpu.memory_space<semaphore_mem>>)
      } else {
      }
      %lt3A_63 = arith.constant 40 : i32
      %lt3A_64 = arith.cmpi slt, %add3A_49, %lt3A_63 : i32
      %convert_element_type3A_65 = arith.extui %lt3A_64 : i1 to i32
      %cond3A_66 = arith.constant 0 : i32
      %cond3A_67 = arith.cmpi ne, %convert_element_type3A_65, %cond3A_66 : i32
      scf.if %cond3A_67 {
        %dma_wait3A_69 = arith.constant 0 : i32
        %dma_wait3A_70 = arith.constant 0 : i32
        %dma_wait3A_71 = tpu.memref_slice %arg2[%dma_wait3A_69, %dma_wait3A_70] : memref<10240x128xf32, #tpu.memory_space<hbm>> -> memref<10240x128xf32, #tpu.memory_space<hbm>>
        tpu.wait_indirect_dma semaphore(%arg14 : memref<!tpu.dma_semaphore, #tpu.memory_space<semaphore_mem>>) src(%dma_wait3A_71 : memref<10240x128xf32, #tpu.memory_space<hbm>>) dst(%arg11 : memref<128x128xf32, #tpu.memory_space<vmem>>)
        "tpu.region"() ({
          %run_scoped3A = tpu.sem_alloc : memref<!tpu.dma_semaphore, #tpu.memory_space<semaphore_mem>>
          %dma_start3A_72 = arith.constant 0 : i32
          %dma_start3A_73 = arith.constant 0 : i32
          %dma_start3A_74 = tpu.memref_slice %arg12[%dma_start3A_72, %dma_start3A_73] : memref<10240x128xf32, #tpu.memory_space<vmem_shared>> -> memref<10240x128xf32, #tpu.memory_space<vmem_shared>>
          tpu.enqueue_indirect_dma source(%arg11 : memref<128x128xf32, #tpu.memory_space<vmem>>) target(%dma_start3A_74 : memref<10240x128xf32, #tpu.memory_space<vmem_shared>>) offsets(%arg10 : memref<128xi32, #tpu.memory_space<vmem>>) semaphore(%run_scoped3A : memref<!tpu.dma_semaphore, #tpu.memory_space<semaphore_mem>>) {add = true}
          %dma_wait3A_75 = arith.constant 0 : i32
          %dma_wait3A_76 = arith.constant 0 : i32
          %dma_wait3A_77 = tpu.memref_slice %arg12[%dma_wait3A_75, %dma_wait3A_76] : memref<10240x128xf32, #tpu.memory_space<vmem_shared>> -> memref<10240x128xf32, #tpu.memory_space<vmem_shared>>
          tpu.wait_indirect_dma semaphore(%run_scoped3A : memref<!tpu.dma_semaphore, #tpu.memory_space<semaphore_mem>>) src(%arg11 : memref<128x128xf32, #tpu.memory_space<vmem>>) dst(%dma_wait3A_77 : memref<10240x128xf32, #tpu.memory_space<vmem_shared>>)
          tpu.yield
        }) : () -> ()
      } else {
      }
      %scan3A_68 = arith.constant 0 : i32
      scf.yield %scan3A_68 : i32
    }
    %scan3A_38 = arith.constant 20 : i32
    %barrier3A_39 = arith.constant 0 : index
    tpu.barrier barrier_id(%barrier3A_39)
    %mul3A_40 = arith.constant 640 : i32
    %mul3A_41 = arith.muli %arg1, %mul3A_40 : i32
    %mul3A_42 = arith.constant 640 : i32
    %mul3A_43 = arith.muli %arg1, %mul3A_42 : i32
    "tpu.region"() ({
      %run_scoped3A = tpu.sem_alloc : memref<!tpu.dma_semaphore, #tpu.memory_space<semaphore_mem>>
      %dma_start3A_44 = arith.constant 0 : i32
      %dma_start3A_45 = tpu.memref_slice %arg5[%arg0, %mul3A_43, %dma_start3A_44] : memref<2x10240x128xf32, #tpu.memory_space<hbm>> -> memref<1x640x128xf32, #tpu.memory_space<hbm>>
      %dma_start3A_46 = tpu.memref_squeeze %dma_start3A_45 : memref<1x640x128xf32, #tpu.memory_space<hbm>> -> memref<640x128xf32, #tpu.memory_space<hbm>>
      %dma_start3A_47 = arith.constant 0 : i32
      %dma_start3A_48 = tpu.memref_slice %arg12[%mul3A_41, %dma_start3A_47] : memref<10240x128xf32, #tpu.memory_space<vmem_shared>> -> memref<640x128xf32, #tpu.memory_space<vmem_shared>>
      tpu.enqueue_dma source(%dma_start3A_48 : memref<640x128xf32, #tpu.memory_space<vmem_shared>>) target(%dma_start3A_46 : memref<640x128xf32, #tpu.memory_space<hbm>>) target_semaphore(%run_scoped3A : memref<!tpu.dma_semaphore, #tpu.memory_space<semaphore_mem>>)
      %dma_wait3A = arith.constant 0 : i32
      %dma_wait3A_49 = tpu.memref_slice %arg5[%arg0, %mul3A_43, %dma_wait3A] : memref<2x10240x128xf32, #tpu.memory_space<hbm>> -> memref<1x640x128xf32, #tpu.memory_space<hbm>>
      %dma_wait3A_50 = tpu.memref_squeeze %dma_wait3A_49 : memref<1x640x128xf32, #tpu.memory_space<hbm>> -> memref<640x128xf32, #tpu.memory_space<hbm>>
      %dma_wait3A_51 = arith.constant 0 : i32
      %dma_wait3A_52 = tpu.memref_slice %arg12[%mul3A_41, %dma_wait3A_51] : memref<10240x128xf32, #tpu.memory_space<vmem_shared>> -> memref<640x128xf32, #tpu.memory_space<vmem_shared>>
      tpu.wait_dma2 semaphore(%run_scoped3A : memref<!tpu.dma_semaphore, #tpu.memory_space<semaphore_mem>>) src(%dma_wait3A_52 : memref<640x128xf32, #tpu.memory_space<vmem_shared>>) dst(%dma_wait3A_50 : memref<640x128xf32, #tpu.memory_space<hbm>>)
      tpu.yield
    }) : () -> ()
    return
  }
}

#map = affine_map<(d0, d1) -> (0, 0)>
#map1 = affine_map<(d0, d1) -> (0)>
#map2 = affine_map<(d0, d1) -> (0, 0, 0)>
module attributes {stable_mosaic.version = 14 : i64} {
  func.func @body(%arg0: i32, %arg1: i32, %arg2: memref<10240x128xf32, #tpu.memory_space<hbm>>, %arg3: memref<163840xi32, #tpu.memory_space<hbm>>, %arg4: memref<163840xi32, #tpu.memory_space<hbm>>, %arg5: memref<2x10240x128xf32, #tpu.memory_space<hbm>>, %arg6: memref<128xi32, #tpu.memory_space<vmem>>, %arg7: memref<128xi32, #tpu.memory_space<vmem>>, %arg8: memref<128x128xf32, #tpu.memory_space<vmem>>, %arg9: memref<128xi32, #tpu.memory_space<vmem>>, %arg10: memref<128xi32, #tpu.memory_space<vmem>>, %arg11: memref<128x128xf32, #tpu.memory_space<vmem>>, %arg12: memref<10240x128xf32, #tpu.memory_space<vmem_shared>>, %arg13: memref<!tpu.dma_semaphore, #tpu.memory_space<semaphore_mem>>, %arg14: memref<!tpu.dma_semaphore, #tpu.memory_space<semaphore_mem>>) attributes {dimension_semantics = [#tpu.dimension_semantics<core_parallel>, #tpu.dimension_semantics<subcore_parallel>], iteration_bounds = array<i64: 2, 16>, scalar_prefetch = 0 : i64, scratch_operands = 9 : i64, tpu.core_type = #tpu.core_type<sc_vector_subcore>, window_params = [{transform_indices = #map}, {transform_indices = #map1}, {transform_indices = #map1}, {transform_indices = #map2}]} {
    %mul3A = arith.constant 16 : i32
    %mul3A_0 = arith.muli %arg0, %mul3A : i32
    %add3A = arith.addi %mul3A_0, %arg1 : i32
    %mul3A_1 = arith.constant 5120 : i32
    %mul3A_2 = arith.muli %add3A, %mul3A_1 : i32
    %broadcast_in_dim3A = arith.constant 0.000000e+00 : f32
    %broadcast_in_dim3A_3 = vector.broadcast %broadcast_in_dim3A : f32 to vector<16xf32>
    %scan3A = arith.constant 0 : i32
    %scan3A_4 = arith.constant 0 : i32
    %scan3A_5 = arith.constant 1024 : i32
    %scan3A_6 = arith.addi %scan3A_4, %scan3A_5 : i32
    %scan3A_7 = arith.constant 1 : i32
    %scan3A_8 = scf.for %scan3A_44 = %scan3A_4 to %scan3A_6 step %scan3A_7 iter_args(%scan3A_45 = %scan3A) -> (i32)  : i32 {
      %jit3A = arith.constant 8 : i32
      %div3A = arith.divsi %scan3A_44, %jit3A : i32
      %sign3A = arith.constant 0 : i32
      %sign3A_46 = arith.cmpi sgt, %scan3A_44, %sign3A : i32
      %sign3A_47 = arith.extui %sign3A_46 : i1 to i32
      %sign3A_48 = arith.constant 0 : i32
      %sign3A_49 = arith.cmpi slt, %scan3A_44, %sign3A_48 : i32
      %sign3A_50 = arith.extui %sign3A_49 : i1 to i32
      %sign3A_51 = arith.subi %sign3A_47, %sign3A_50 : i32
      %sign3A_52 = arith.constant 0 : i32
      %sign3A_53 = arith.cmpi sgt, %jit3A, %sign3A_52 : i32
      %sign3A_54 = arith.extui %sign3A_53 : i1 to i32
      %sign3A_55 = arith.constant 0 : i32
      %sign3A_56 = arith.cmpi slt, %jit3A, %sign3A_55 : i32
      %sign3A_57 = arith.extui %sign3A_56 : i1 to i32
      %sign3A_58 = arith.subi %sign3A_54, %sign3A_57 : i32
      %ne3A = arith.cmpi ne, %sign3A_51, %sign3A_58 : i32
      %rem3A = arith.remsi %scan3A_44, %jit3A : i32
      %ne3A_59 = arith.constant 0 : i32
      %ne3A_60 = arith.cmpi ne, %rem3A, %ne3A_59 : i32
      %and3A = arith.andi %ne3A, %ne3A_60 : i1
      %sub3A = arith.constant 1 : i32
      %sub3A_61 = arith.subi %div3A, %sub3A : i32
      %select_n3A = arith.select %and3A, %sub3A_61, %div3A : i32
      %jit3A_62 = arith.constant 8 : i32
      %eq3A = arith.constant 0 : i32
      %eq3A_63 = arith.cmpi eq, %jit3A_62, %eq3A : i32
      %jit3A_64 = arith.constant 1 : i32
      %select_n3A_65 = arith.select %eq3A_63, %jit3A_64, %jit3A_62 : i32
      %rem3A_66 = arith.remsi %scan3A_44, %select_n3A_65 : i32
      %ne3A_67 = arith.constant 0 : i32
      %ne3A_68 = arith.cmpi ne, %rem3A_66, %ne3A_67 : i32
      %lt3A = arith.constant 0 : i32
      %lt3A_69 = arith.cmpi slt, %rem3A_66, %lt3A : i32
      %lt3A_70 = arith.constant 0 : i32
      %lt3A_71 = arith.cmpi slt, %select_n3A_65, %lt3A_70 : i32
      %ne3A_72 = arith.xori %lt3A_69, %lt3A_71 : i1
      %and3A_73 = arith.andi %ne3A_72, %ne3A_68 : i1
      %add3A_74 = arith.addi %rem3A_66, %select_n3A_65 : i32
      %select_n3A_75 = arith.select %and3A_73, %add3A_74, %rem3A_66 : i32
      %mul3A_76 = arith.constant 16 : i32
      %mul3A_77 = arith.muli %select_n3A_75, %mul3A_76 : i32
      %swap3A = arith.index_cast %select_n3A : i32 to index
      %swap3A_78 = arith.index_cast %mul3A_77 : i32 to index
      %swap3A_79 = tpu.vector_load %arg8[%swap3A, %swap3A_78] {strides = array<i32>} : memref<128x128xf32, #tpu.memory_space<vmem>>, vector<1x16xf32>,
      %swap3A_80 = vector.shape_cast %swap3A_79 : vector<1x16xf32> to vector<16xf32>
      %swap3A_81 = vector.shape_cast %broadcast_in_dim3A_3 : vector<16xf32> to vector<1x16xf32>
      tpu.vector_store %arg8[%swap3A, %swap3A_78], %swap3A_81 {strides = array<i32>} : memref<128x128xf32, #tpu.memory_space<vmem>>, vector<1x16xf32>,
      %scan3A_82 = arith.constant 0 : i32
      scf.yield %scan3A_82 : i32
    }
    %scan3A_9 = arith.constant 1024 : i32
    %mul3A_10 = arith.constant 640 : i32
    %mul3A_11 = arith.muli %arg1, %mul3A_10 : i32
    %add3A_12 = arith.constant 0 : i32
    %add3A_13 = arith.addi %mul3A_11, %add3A_12 : i32
    "tpu.region"() ({
      %run_scoped3A = tpu.sem_alloc : memref<!tpu.dma_semaphore, #tpu.memory_space<semaphore_mem>>
      %dma_start3A_44 = arith.constant 0 : i32
      %dma_start3A_45 = tpu.memref_slice %arg12[%add3A_13, %dma_start3A_44] : memref<10240x128xf32, #tpu.memory_space<vmem_shared>> -> memref<128x128xf32, #tpu.memory_space<vmem_shared>>
      %dma_start3A_46 = arith.constant 0 : i32
      %dma_start3A_47 = tpu.memref_slice %arg12[%add3A_13, %dma_start3A_46] : memref<10240x128xf32, #tpu.memory_space<vmem_shared>> -> memref<128x128xf32, #tpu.memory_space<vmem_shared>>
      tpu.enqueue_dma source(%arg8 : memref<128x128xf32, #tpu.memory_space<vmem>>) target(%dma_start3A_47 : memref<128x128xf32, #tpu.memory_space<vmem_shared>>) target_semaphore(%run_scoped3A : memref<!tpu.dma_semaphore, #tpu.memory_space<semaphore_mem>>)
      %dma_wait3A = arith.constant 0 : i32
      %dma_wait3A_48 = tpu.memref_slice %arg12[%add3A_13, %dma_wait3A] : memref<10240x128xf32, #tpu.memory_space<vmem_shared>> -> memref<128x128xf32, #tpu.memory_space<vmem_shared>>
      %dma_wait3A_49 = arith.constant 0 : i32
      %dma_wait3A_50 = tpu.memref_slice %arg12[%add3A_13, %dma_wait3A_49] : memref<10240x128xf32, #tpu.memory_space<vmem_shared>> -> memref<128x128xf32, #tpu.memory_space<vmem_shared>>
      tpu.wait_dma2 semaphore(%run_scoped3A : memref<!tpu.dma_semaphore, #tpu.memory_space<semaphore_mem>>) src(%arg8 : memref<128x128xf32, #tpu.memory_space<vmem>>) dst(%dma_wait3A_50 : memref<128x128xf32, #tpu.memory_space<vmem_shared>>)
      tpu.yield
    }) : () -> ()
    %mul3A_14 = arith.constant 640 : i32
    %mul3A_15 = arith.muli %arg1, %mul3A_14 : i32
    %add3A_16 = arith.constant 128 : i32
    %add3A_17 = arith.addi %mul3A_15, %add3A_16 : i32
    "tpu.region"() ({
      %run_scoped3A = tpu.sem_alloc : memref<!tpu.dma_semaphore, #tpu.memory_space<semaphore_mem>>
      %dma_start3A_44 = arith.constant 0 : i32
      %dma_start3A_45 = tpu.memref_slice %arg12[%add3A_17, %dma_start3A_44] : memref<10240x128xf32, #tpu.memory_space<vmem_shared>> -> memref<128x128xf32, #tpu.memory_space<vmem_shared>>
      %dma_start3A_46 = arith.constant 0 : i32
      %dma_start3A_47 = tpu.memref_slice %arg12[%add3A_17, %dma_start3A_46] : memref<10240x128xf32, #tpu.memory_space<vmem_shared>> -> memref<128x128xf32, #tpu.memory_space<vmem_shared>>
      tpu.enqueue_dma source(%arg8 : memref<128x128xf32, #tpu.memory_space<vmem>>) target(%dma_start3A_47 : memref<128x128xf32, #tpu.memory_space<vmem_shared>>) target_semaphore(%run_scoped3A : memref<!tpu.dma_semaphore, #tpu.memory_space<semaphore_mem>>)
      %dma_wait3A = arith.constant 0 : i32
      %dma_wait3A_48 = tpu.memref_slice %arg12[%add3A_17, %dma_wait3A] : memref<10240x128xf32, #tpu.memory_space<vmem_shared>> -> memref<128x128xf32, #tpu.memory_space<vmem_shared>>
      %dma_wait3A_49 = arith.constant 0 : i32
      %dma_wait3A_50 = tpu.memref_slice %arg12[%add3A_17, %dma_wait3A_49] : memref<10240x128xf32, #tpu.memory_space<vmem_shared>> -> memref<128x128xf32, #tpu.memory_space<vmem_shared>>
      tpu.wait_dma2 semaphore(%run_scoped3A : memref<!tpu.dma_semaphore, #tpu.memory_space<semaphore_mem>>) src(%arg8 : memref<128x128xf32, #tpu.memory_space<vmem>>) dst(%dma_wait3A_50 : memref<128x128xf32, #tpu.memory_space<vmem_shared>>)
      tpu.yield
    }) : () -> ()
    %mul3A_18 = arith.constant 640 : i32
    %mul3A_19 = arith.muli %arg1, %mul3A_18 : i32
    %add3A_20 = arith.constant 256 : i32
    %add3A_21 = arith.addi %mul3A_19, %add3A_20 : i32
    "tpu.region"() ({
      %run_scoped3A = tpu.sem_alloc : memref<!tpu.dma_semaphore, #tpu.memory_space<semaphore_mem>>
      %dma_start3A_44 = arith.constant 0 : i32
      %dma_start3A_45 = tpu.memref_slice %arg12[%add3A_21, %dma_start3A_44] : memref<10240x128xf32, #tpu.memory_space<vmem_shared>> -> memref<128x128xf32, #tpu.memory_space<vmem_shared>>
      %dma_start3A_46 = arith.constant 0 : i32
      %dma_start3A_47 = tpu.memref_slice %arg12[%add3A_21, %dma_start3A_46] : memref<10240x128xf32, #tpu.memory_space<vmem_shared>> -> memref<128x128xf32, #tpu.memory_space<vmem_shared>>
      tpu.enqueue_dma source(%arg8 : memref<128x128xf32, #tpu.memory_space<vmem>>) target(%dma_start3A_47 : memref<128x128xf32, #tpu.memory_space<vmem_shared>>) target_semaphore(%run_scoped3A : memref<!tpu.dma_semaphore, #tpu.memory_space<semaphore_mem>>)
      %dma_wait3A = arith.constant 0 : i32
      %dma_wait3A_48 = tpu.memref_slice %arg12[%add3A_21, %dma_wait3A] : memref<10240x128xf32, #tpu.memory_space<vmem_shared>> -> memref<128x128xf32, #tpu.memory_space<vmem_shared>>
      %dma_wait3A_49 = arith.constant 0 : i32
      %dma_wait3A_50 = tpu.memref_slice %arg12[%add3A_21, %dma_wait3A_49] : memref<10240x128xf32, #tpu.memory_space<vmem_shared>> -> memref<128x128xf32, #tpu.memory_space<vmem_shared>>
      tpu.wait_dma2 semaphore(%run_scoped3A : memref<!tpu.dma_semaphore, #tpu.memory_space<semaphore_mem>>) src(%arg8 : memref<128x128xf32, #tpu.memory_space<vmem>>) dst(%dma_wait3A_50 : memref<128x128xf32, #tpu.memory_space<vmem_shared>>)
      tpu.yield
    }) : () -> ()
    %mul3A_22 = arith.constant 640 : i32
    %mul3A_23 = arith.muli %arg1, %mul3A_22 : i32
    %add3A_24 = arith.constant 384 : i32
    %add3A_25 = arith.addi %mul3A_23, %add3A_24 : i32
    "tpu.region"() ({
      %run_scoped3A = tpu.sem_alloc : memref<!tpu.dma_semaphore, #tpu.memory_space<semaphore_mem>>
      %dma_start3A_44 = arith.constant 0 : i32
      %dma_start3A_45 = tpu.memref_slice %arg12[%add3A_25, %dma_start3A_44] : memref<10240x128xf32, #tpu.memory_space<vmem_shared>> -> memref<128x128xf32, #tpu.memory_space<vmem_shared>>
      %dma_start3A_46 = arith.constant 0 : i32
      %dma_start3A_47 = tpu.memref_slice %arg12[%add3A_25, %dma_start3A_46] : memref<10240x128xf32, #tpu.memory_space<vmem_shared>> -> memref<128x128xf32, #tpu.memory_space<vmem_shared>>
      tpu.enqueue_dma source(%arg8 : memref<128x128xf32, #tpu.memory_space<vmem>>) target(%dma_start3A_47 : memref<128x128xf32, #tpu.memory_space<vmem_shared>>) target_semaphore(%run_scoped3A : memref<!tpu.dma_semaphore, #tpu.memory_space<semaphore_mem>>)
      %dma_wait3A = arith.constant 0 : i32
      %dma_wait3A_48 = tpu.memref_slice %arg12[%add3A_25, %dma_wait3A] : memref<10240x128xf32, #tpu.memory_space<vmem_shared>> -> memref<128x128xf32, #tpu.memory_space<vmem_shared>>
      %dma_wait3A_49 = arith.constant 0 : i32
      %dma_wait3A_50 = tpu.memref_slice %arg12[%add3A_25, %dma_wait3A_49] : memref<10240x128xf32, #tpu.memory_space<vmem_shared>> -> memref<128x128xf32, #tpu.memory_space<vmem_shared>>
      tpu.wait_dma2 semaphore(%run_scoped3A : memref<!tpu.dma_semaphore, #tpu.memory_space<semaphore_mem>>) src(%arg8 : memref<128x128xf32, #tpu.memory_space<vmem>>) dst(%dma_wait3A_50 : memref<128x128xf32, #tpu.memory_space<vmem_shared>>)
      tpu.yield
    }) : () -> ()
    %mul3A_26 = arith.constant 640 : i32
    %mul3A_27 = arith.muli %arg1, %mul3A_26 : i32
    %add3A_28 = arith.constant 512 : i32
    %add3A_29 = arith.addi %mul3A_27, %add3A_28 : i32
    "tpu.region"() ({
      %run_scoped3A = tpu.sem_alloc : memref<!tpu.dma_semaphore, #tpu.memory_space<semaphore_mem>>
      %dma_start3A_44 = arith.constant 0 : i32
      %dma_start3A_45 = tpu.memref_slice %arg12[%add3A_29, %dma_start3A_44] : memref<10240x128xf32, #tpu.memory_space<vmem_shared>> -> memref<128x128xf32, #tpu.memory_space<vmem_shared>>
      %dma_start3A_46 = arith.constant 0 : i32
      %dma_start3A_47 = tpu.memref_slice %arg12[%add3A_29, %dma_start3A_46] : memref<10240x128xf32, #tpu.memory_space<vmem_shared>> -> memref<128x128xf32, #tpu.memory_space<vmem_shared>>
      tpu.enqueue_dma source(%arg8 : memref<128x128xf32, #tpu.memory_space<vmem>>) target(%dma_start3A_47 : memref<128x128xf32, #tpu.memory_space<vmem_shared>>) target_semaphore(%run_scoped3A : memref<!tpu.dma_semaphore, #tpu.memory_space<semaphore_mem>>)
      %dma_wait3A = arith.constant 0 : i32
      %dma_wait3A_48 = tpu.memref_slice %arg12[%add3A_29, %dma_wait3A] : memref<10240x128xf32, #tpu.memory_space<vmem_shared>> -> memref<128x128xf32, #tpu.memory_space<vmem_shared>>
      %dma_wait3A_49 = arith.constant 0 : i32
      %dma_wait3A_50 = tpu.memref_slice %arg12[%add3A_29, %dma_wait3A_49] : memref<10240x128xf32, #tpu.memory_space<vmem_shared>> -> memref<128x128xf32, #tpu.memory_space<vmem_shared>>
      tpu.wait_dma2 semaphore(%run_scoped3A : memref<!tpu.dma_semaphore, #tpu.memory_space<semaphore_mem>>) src(%arg8 : memref<128x128xf32, #tpu.memory_space<vmem>>) dst(%dma_wait3A_50 : memref<128x128xf32, #tpu.memory_space<vmem_shared>>)
      tpu.yield
    }) : () -> ()
    "tpu.region"() ({
      %run_scoped3A = tpu.sem_alloc : memref<!tpu.dma_semaphore, #tpu.memory_space<semaphore_mem>>
      %dma_start3A_44 = tpu.memref_slice %arg3[%mul3A_2] : memref<163840xi32, #tpu.memory_space<hbm>> -> memref<128xi32, #tpu.memory_space<hbm>>
      %dma_start3A_45 = tpu.memref_slice %arg3[%mul3A_2] : memref<163840xi32, #tpu.memory_space<hbm>> -> memref<128xi32, #tpu.memory_space<hbm>>
      tpu.enqueue_dma source(%dma_start3A_45 : memref<128xi32, #tpu.memory_space<hbm>>) target(%arg6 : memref<128xi32, #tpu.memory_space<vmem>>) target_semaphore(%run_scoped3A : memref<!tpu.dma_semaphore, #tpu.memory_space<semaphore_mem>>)
      %dma_wait3A = tpu.memref_slice %arg3[%mul3A_2] : memref<163840xi32, #tpu.memory_space<hbm>> -> memref<128xi32, #tpu.memory_space<hbm>>
      %dma_wait3A_46 = tpu.memref_slice %arg3[%mul3A_2] : memref<163840xi32, #tpu.memory_space<hbm>> -> memref<128xi32, #tpu.memory_space<hbm>>
      tpu.wait_dma2 semaphore(%run_scoped3A : memref<!tpu.dma_semaphore, #tpu.memory_space<semaphore_mem>>) src(%dma_wait3A_46 : memref<128xi32, #tpu.memory_space<hbm>>) dst(%arg6 : memref<128xi32, #tpu.memory_space<vmem>>)
      tpu.yield
    }) : () -> ()
    "tpu.region"() ({
      %run_scoped3A = tpu.sem_alloc : memref<!tpu.dma_semaphore, #tpu.memory_space<semaphore_mem>>
      %dma_start3A_44 = tpu.memref_slice %arg4[%mul3A_2] : memref<163840xi32, #tpu.memory_space<hbm>> -> memref<128xi32, #tpu.memory_space<hbm>>
      %dma_start3A_45 = tpu.memref_slice %arg4[%mul3A_2] : memref<163840xi32, #tpu.memory_space<hbm>> -> memref<128xi32, #tpu.memory_space<hbm>>
      tpu.enqueue_dma source(%dma_start3A_45 : memref<128xi32, #tpu.memory_space<hbm>>) target(%arg7 : memref<128xi32, #tpu.memory_space<vmem>>) target_semaphore(%run_scoped3A : memref<!tpu.dma_semaphore, #tpu.memory_space<semaphore_mem>>)
      %dma_wait3A = tpu.memref_slice %arg4[%mul3A_2] : memref<163840xi32, #tpu.memory_space<hbm>> -> memref<128xi32, #tpu.memory_space<hbm>>
      %dma_wait3A_46 = tpu.memref_slice %arg4[%mul3A_2] : memref<163840xi32, #tpu.memory_space<hbm>> -> memref<128xi32, #tpu.memory_space<hbm>>
      tpu.wait_dma2 semaphore(%run_scoped3A : memref<!tpu.dma_semaphore, #tpu.memory_space<semaphore_mem>>) src(%dma_wait3A_46 : memref<128xi32, #tpu.memory_space<hbm>>) dst(%arg7 : memref<128xi32, #tpu.memory_space<vmem>>)
      tpu.yield
    }) : () -> ()
    %dma_start3A = arith.constant 0 : i32
    %dma_start3A_30 = arith.constant 0 : i32
    %dma_start3A_31 = tpu.memref_slice %arg2[%dma_start3A, %dma_start3A_30] : memref<10240x128xf32, #tpu.memory_space<hbm>> -> memref<10240x128xf32, #tpu.memory_space<hbm>>
    tpu.enqueue_indirect_dma source(%dma_start3A_31 : memref<10240x128xf32, #tpu.memory_space<hbm>>) target(%arg8 : memref<128x128xf32, #tpu.memory_space<vmem>>) offsets(%arg6 : memref<128xi32, #tpu.memory_space<vmem>>) semaphore(%arg13 : memref<!tpu.dma_semaphore, #tpu.memory_space<semaphore_mem>>)
    %barrier3A = arith.constant 0 : index
    tpu.barrier barrier_id(%barrier3A)
    %scan3A_32 = arith.constant 0 : i32
    %scan3A_33 = arith.constant 0 : i32
    %scan3A_34 = arith.constant 20 : i32
    %scan3A_35 = arith.addi %scan3A_33, %scan3A_34 : i32
    %scan3A_36 = arith.constant 1 : i32
    %scan3A_37 = scf.for %scan3A_44 = %scan3A_33 to %scan3A_35 step %scan3A_36 iter_args(%scan3A_45 = %scan3A_32) -> (i32)  : i32 {
      %mul3A_46 = arith.constant 2 : i32
      %mul3A_47 = arith.muli %mul3A_46, %scan3A_44 : i32
      %add3A_48 = arith.constant 1 : i32
      %add3A_49 = arith.addi %mul3A_47, %add3A_48 : i32
      %mul3A_50 = arith.constant 2 : i32
      %mul3A_51 = arith.muli %mul3A_50, %scan3A_44 : i32
      %add3A_52 = arith.constant 2 : i32
      %add3A_53 = arith.addi %mul3A_51, %add3A_52 : i32
      %lt3A = arith.constant 40 : i32
      %lt3A_54 = arith.cmpi slt, %add3A_49, %lt3A : i32
      %convert_element_type3A = arith.extui %lt3A_54 : i1 to i32
      %cond3A = arith.constant 0 : i32
      %cond3A_55 = arith.cmpi ne, %convert_element_type3A, %cond3A : i32
      scf.if %cond3A_55 {
        %mul3A_69 = arith.constant 128 : i32
        %mul3A_70 = arith.muli %add3A_49, %mul3A_69 : i32
        %add3A_71 = arith.addi %mul3A_2, %mul3A_70 : i32
        "tpu.region"() ({
          %run_scoped3A = tpu.sem_alloc : memref<!tpu.dma_semaphore, #tpu.memory_space<semaphore_mem>>
          %dma_start3A_78 = tpu.memref_slice %arg3[%add3A_71] : memref<163840xi32, #tpu.memory_space<hbm>> -> memref<128xi32, #tpu.memory_space<hbm>>
          %dma_start3A_79 = tpu.memref_slice %arg3[%add3A_71] : memref<163840xi32, #tpu.memory_space<hbm>> -> memref<128xi32, #tpu.memory_space<hbm>>
          tpu.enqueue_dma source(%dma_start3A_79 : memref<128xi32, #tpu.memory_space<hbm>>) target(%arg9 : memref<128xi32, #tpu.memory_space<vmem>>) target_semaphore(%run_scoped3A : memref<!tpu.dma_semaphore, #tpu.memory_space<semaphore_mem>>)
          %dma_wait3A_80 = tpu.memref_slice %arg3[%add3A_71] : memref<163840xi32, #tpu.memory_space<hbm>> -> memref<128xi32, #tpu.memory_space<hbm>>
          %dma_wait3A_81 = tpu.memref_slice %arg3[%add3A_71] : memref<163840xi32, #tpu.memory_space<hbm>> -> memref<128xi32, #tpu.memory_space<hbm>>
          tpu.wait_dma2 semaphore(%run_scoped3A : memref<!tpu.dma_semaphore, #tpu.memory_space<semaphore_mem>>) src(%dma_wait3A_81 : memref<128xi32, #tpu.memory_space<hbm>>) dst(%arg9 : memref<128xi32, #tpu.memory_space<vmem>>)
          tpu.yield
        }) : () -> ()
        %mul3A_72 = arith.constant 128 : i32
        %mul3A_73 = arith.muli %add3A_49, %mul3A_72 : i32
        %add3A_74 = arith.addi %mul3A_2, %mul3A_73 : i32
        "tpu.region"() ({
          %run_scoped3A = tpu.sem_alloc : memref<!tpu.dma_semaphore, #tpu.memory_space<semaphore_mem>>
          %dma_start3A_78 = tpu.memref_slice %arg4[%add3A_74] : memref<163840xi32, #tpu.memory_space<hbm>> -> memref<128xi32, #tpu.memory_space<hbm>>
          %dma_start3A_79 = tpu.memref_slice %arg4[%add3A_74] : memref<163840xi32, #tpu.memory_space<hbm>> -> memref<128xi32, #tpu.memory_space<hbm>>
          tpu.enqueue_dma source(%dma_start3A_79 : memref<128xi32, #tpu.memory_space<hbm>>) target(%arg10 : memref<128xi32, #tpu.memory_space<vmem>>) target_semaphore(%run_scoped3A : memref<!tpu.dma_semaphore, #tpu.memory_space<semaphore_mem>>)
          %dma_wait3A_80 = tpu.memref_slice %arg4[%add3A_74] : memref<163840xi32, #tpu.memory_space<hbm>> -> memref<128xi32, #tpu.memory_space<hbm>>
          %dma_wait3A_81 = tpu.memref_slice %arg4[%add3A_74] : memref<163840xi32, #tpu.memory_space<hbm>> -> memref<128xi32, #tpu.memory_space<hbm>>
          tpu.wait_dma2 semaphore(%run_scoped3A : memref<!tpu.dma_semaphore, #tpu.memory_space<semaphore_mem>>) src(%dma_wait3A_81 : memref<128xi32, #tpu.memory_space<hbm>>) dst(%arg10 : memref<128xi32, #tpu.memory_space<vmem>>)
          tpu.yield
        }) : () -> ()
        %dma_start3A_75 = arith.constant 0 : i32
        %dma_start3A_76 = arith.constant 0 : i32
        %dma_start3A_77 = tpu.memref_slice %arg2[%dma_start3A_75, %dma_start3A_76] : memref<10240x128xf32, #tpu.memory_space<hbm>> -> memref<10240x128xf32, #tpu.memory_space<hbm>>
        tpu.enqueue_indirect_dma source(%dma_start3A_77 : memref<10240x128xf32, #tpu.memory_space<hbm>>) target(%arg11 : memref<128x128xf32, #tpu.memory_space<vmem>>) offsets(%arg9 : memref<128xi32, #tpu.memory_space<vmem>>) semaphore(%arg14 : memref<!tpu.dma_semaphore, #tpu.memory_space<semaphore_mem>>)
      } else {
      }
      %dma_wait3A = arith.constant 0 : i32
      %dma_wait3A_56 = arith.constant 0 : i32
      %dma_wait3A_57 = tpu.memref_slice %arg2[%dma_wait3A, %dma_wait3A_56] : memref<10240x128xf32, #tpu.memory_space<hbm>> -> memref<10240x128xf32, #tpu.memory_space<hbm>>
      tpu.wait_indirect_dma semaphore(%arg13 : memref<!tpu.dma_semaphore, #tpu.memory_space<semaphore_mem>>) src(%dma_wait3A_57 : memref<10240x128xf32, #tpu.memory_space<hbm>>) dst(%arg8 : memref<128x128xf32, #tpu.memory_space<vmem>>)
      "tpu.region"() ({
        %run_scoped3A = tpu.sem_alloc : memref<!tpu.dma_semaphore, #tpu.memory_space<semaphore_mem>>
        %dma_start3A_69 = arith.constant 0 : i32
        %dma_start3A_70 = arith.constant 0 : i32
        %dma_start3A_71 = tpu.memref_slice %arg12[%dma_start3A_69, %dma_start3A_70] : memref<10240x128xf32, #tpu.memory_space<vmem_shared>> -> memref<10240x128xf32, #tpu.memory_space<vmem_shared>>
        tpu.enqueue_indirect_dma source(%arg8 : memref<128x128xf32, #tpu.memory_space<vmem>>) target(%dma_start3A_71 : memref<10240x128xf32, #tpu.memory_space<vmem_shared>>) offsets(%arg7 : memref<128xi32, #tpu.memory_space<vmem>>) semaphore(%run_scoped3A : memref<!tpu.dma_semaphore, #tpu.memory_space<semaphore_mem>>) {add = true}
        %dma_wait3A_72 = arith.constant 0 : i32
        %dma_wait3A_73 = arith.constant 0 : i32
        %dma_wait3A_74 = tpu.memref_slice %arg12[%dma_wait3A_72, %dma_wait3A_73] : memref<10240x128xf32, #tpu.memory_space<vmem_shared>> -> memref<10240x128xf32, #tpu.memory_space<vmem_shared>>
        tpu.wait_indirect_dma semaphore(%run_scoped3A : memref<!tpu.dma_semaphore, #tpu.memory_space<semaphore_mem>>) src(%arg8 : memref<128x128xf32, #tpu.memory_space<vmem>>) dst(%dma_wait3A_74 : memref<10240x128xf32, #tpu.memory_space<vmem_shared>>)
        tpu.yield
      }) : () -> ()
      %lt3A_58 = arith.constant 40 : i32
      %lt3A_59 = arith.cmpi slt, %add3A_53, %lt3A_58 : i32
      %convert_element_type3A_60 = arith.extui %lt3A_59 : i1 to i32
      %cond3A_61 = arith.constant 0 : i32
      %cond3A_62 = arith.cmpi ne, %convert_element_type3A_60, %cond3A_61 : i32
      scf.if %cond3A_62 {
        %mul3A_69 = arith.constant 128 : i32
        %mul3A_70 = arith.muli %add3A_53, %mul3A_69 : i32
        %add3A_71 = arith.addi %mul3A_2, %mul3A_70 : i32
        "tpu.region"() ({
          %run_scoped3A = tpu.sem_alloc : memref<!tpu.dma_semaphore, #tpu.memory_space<semaphore_mem>>
          %dma_start3A_78 = tpu.memref_slice %arg3[%add3A_71] : memref<163840xi32, #tpu.memory_space<hbm>> -> memref<128xi32, #tpu.memory_space<hbm>>
          %dma_start3A_79 = tpu.memref_slice %arg3[%add3A_71] : memref<163840xi32, #tpu.memory_space<hbm>> -> memref<128xi32, #tpu.memory_space<hbm>>
          tpu.enqueue_dma source(%dma_start3A_79 : memref<128xi32, #tpu.memory_space<hbm>>) target(%arg6 : memref<128xi32, #tpu.memory_space<vmem>>) target_semaphore(%run_scoped3A : memref<!tpu.dma_semaphore, #tpu.memory_space<semaphore_mem>>)
          %dma_wait3A_80 = tpu.memref_slice %arg3[%add3A_71] : memref<163840xi32, #tpu.memory_space<hbm>> -> memref<128xi32, #tpu.memory_space<hbm>>
          %dma_wait3A_81 = tpu.memref_slice %arg3[%add3A_71] : memref<163840xi32, #tpu.memory_space<hbm>> -> memref<128xi32, #tpu.memory_space<hbm>>
          tpu.wait_dma2 semaphore(%run_scoped3A : memref<!tpu.dma_semaphore, #tpu.memory_space<semaphore_mem>>) src(%dma_wait3A_81 : memref<128xi32, #tpu.memory_space<hbm>>) dst(%arg6 : memref<128xi32, #tpu.memory_space<vmem>>)
          tpu.yield
        }) : () -> ()
        %mul3A_72 = arith.constant 128 : i32
        %mul3A_73 = arith.muli %add3A_53, %mul3A_72 : i32
        %add3A_74 = arith.addi %mul3A_2, %mul3A_73 : i32
        "tpu.region"() ({
          %run_scoped3A = tpu.sem_alloc : memref<!tpu.dma_semaphore, #tpu.memory_space<semaphore_mem>>
          %dma_start3A_78 = tpu.memref_slice %arg4[%add3A_74] : memref<163840xi32, #tpu.memory_space<hbm>> -> memref<128xi32, #tpu.memory_space<hbm>>
          %dma_start3A_79 = tpu.memref_slice %arg4[%add3A_74] : memref<163840xi32, #tpu.memory_space<hbm>> -> memref<128xi32, #tpu.memory_space<hbm>>
          tpu.enqueue_dma source(%dma_start3A_79 : memref<128xi32, #tpu.memory_space<hbm>>) target(%arg7 : memref<128xi32, #tpu.memory_space<vmem>>) target_semaphore(%run_scoped3A : memref<!tpu.dma_semaphore, #tpu.memory_space<semaphore_mem>>)
          %dma_wait3A_80 = tpu.memref_slice %arg4[%add3A_74] : memref<163840xi32, #tpu.memory_space<hbm>> -> memref<128xi32, #tpu.memory_space<hbm>>
          %dma_wait3A_81 = tpu.memref_slice %arg4[%add3A_74] : memref<163840xi32, #tpu.memory_space<hbm>> -> memref<128xi32, #tpu.memory_space<hbm>>
          tpu.wait_dma2 semaphore(%run_scoped3A : memref<!tpu.dma_semaphore, #tpu.memory_space<semaphore_mem>>) src(%dma_wait3A_81 : memref<128xi32, #tpu.memory_space<hbm>>) dst(%arg7 : memref<128xi32, #tpu.memory_space<vmem>>)
          tpu.yield
        }) : () -> ()
        %dma_start3A_75 = arith.constant 0 : i32
        %dma_start3A_76 = arith.constant 0 : i32
        %dma_start3A_77 = tpu.memref_slice %arg2[%dma_start3A_75, %dma_start3A_76] : memref<10240x128xf32, #tpu.memory_space<hbm>> -> memref<10240x128xf32, #tpu.memory_space<hbm>>
        tpu.enqueue_indirect_dma source(%dma_start3A_77 : memref<10240x128xf32, #tpu.memory_space<hbm>>) target(%arg8 : memref<128x128xf32, #tpu.memory_space<vmem>>) offsets(%arg6 : memref<128xi32, #tpu.memory_space<vmem>>) semaphore(%arg13 : memref<!tpu.dma_semaphore, #tpu.memory_space<semaphore_mem>>)
      } else {
      }
      %lt3A_63 = arith.constant 40 : i32
      %lt3A_64 = arith.cmpi slt, %add3A_49, %lt3A_63 : i32
      %convert_element_type3A_65 = arith.extui %lt3A_64 : i1 to i32
      %cond3A_66 = arith.constant 0 : i32
      %cond3A_67 = arith.cmpi ne, %convert_element_type3A_65, %cond3A_66 : i32
      scf.if %cond3A_67 {
        %dma_wait3A_69 = arith.constant 0 : i32
        %dma_wait3A_70 = arith.constant 0 : i32
        %dma_wait3A_71 = tpu.memref_slice %arg2[%dma_wait3A_69, %dma_wait3A_70] : memref<10240x128xf32, #tpu.memory_space<hbm>> -> memref<10240x128xf32, #tpu.memory_space<hbm>>
        tpu.wait_indirect_dma semaphore(%arg14 : memref<!tpu.dma_semaphore, #tpu.memory_space<semaphore_mem>>) src(%dma_wait3A_71 : memref<10240x128xf32, #tpu.memory_space<hbm>>) dst(%arg11 : memref<128x128xf32, #tpu.memory_space<vmem>>)
        "tpu.region"() ({
          %run_scoped3A = tpu.sem_alloc : memref<!tpu.dma_semaphore, #tpu.memory_space<semaphore_mem>>
          %dma_start3A_72 = arith.constant 0 : i32
          %dma_start3A_73 = arith.constant 0 : i32
          %dma_start3A_74 = tpu.memref_slice %arg12[%dma_start3A_72, %dma_start3A_73] : memref<10240x128xf32, #tpu.memory_space<vmem_shared>> -> memref<10240x128xf32, #tpu.memory_space<vmem_shared>>
          tpu.enqueue_indirect_dma source(%arg11 : memref<128x128xf32, #tpu.memory_space<vmem>>) target(%dma_start3A_74 : memref<10240x128xf32, #tpu.memory_space<vmem_shared>>) offsets(%arg10 : memref<128xi32, #tpu.memory_space<vmem>>) semaphore(%run_scoped3A : memref<!tpu.dma_semaphore, #tpu.memory_space<semaphore_mem>>) {add = true}
          %dma_wait3A_75 = arith.constant 0 : i32
          %dma_wait3A_76 = arith.constant 0 : i32
          %dma_wait3A_77 = tpu.memref_slice %arg12[%dma_wait3A_75, %dma_wait3A_76] : memref<10240x128xf32, #tpu.memory_space<vmem_shared>> -> memref<10240x128xf32, #tpu.memory_space<vmem_shared>>
          tpu.wait_indirect_dma semaphore(%run_scoped3A : memref<!tpu.dma_semaphore, #tpu.memory_space<semaphore_mem>>) src(%arg11 : memref<128x128xf32, #tpu.memory_space<vmem>>) dst(%dma_wait3A_77 : memref<10240x128xf32, #tpu.memory_space<vmem_shared>>)
          tpu.yield
        }) : () -> ()
      } else {
      }
      %scan3A_68 = arith.constant 0 : i32
      scf.yield %scan3A_68 : i32
    }
    %scan3A_38 = arith.constant 20 : i32
    %barrier3A_39 = arith.constant 0 : index
    tpu.barrier barrier_id(%barrier3A_39)
    %mul3A_40 = arith.constant 640 : i32
    %mul3A_41 = arith.muli %arg1, %mul3A_40 : i32
    %mul3A_42 = arith.constant 640 : i32
    %mul3A_43 = arith.muli %arg1, %mul3A_42 : i32
    "tpu.region"() ({
      %run_scoped3A = tpu.sem_alloc : memref<!tpu.dma_semaphore, #tpu.memory_space<semaphore_mem>>
      %dma_start3A_44 = arith.constant 0 : i32
      %dma_start3A_45 = tpu.memref_slice %arg5[%arg0, %mul3A_43, %dma_start3A_44] : memref<2x10240x128xf32, #tpu.memory_space<hbm>> -> memref<1x640x128xf32, #tpu.memory_space<hbm>>
      %dma_start3A_46 = tpu.memref_squeeze %dma_start3A_45 : memref<1x640x128xf32, #tpu.memory_space<hbm>> -> memref<640x128xf32, #tpu.memory_space<hbm>>
      %dma_start3A_47 = arith.constant 0 : i32
      %dma_start3A_48 = tpu.memref_slice %arg12[%mul3A_41, %dma_start3A_47] : memref<10240x128xf32, #tpu.memory_space<vmem_shared>> -> memref<640x128xf32, #tpu.memory_space<vmem_shared>>
      tpu.enqueue_dma source(%dma_start3A_48 : memref<640x128xf32, #tpu.memory_space<vmem_shared>>) target(%dma_start3A_46 : memref<640x128xf32, #tpu.memory_space<hbm>>) target_semaphore(%run_scoped3A : memref<!tpu.dma_semaphore, #tpu.memory_space<semaphore_mem>>)
      %dma_wait3A = arith.constant 0 : i32
      %dma_wait3A_49 = tpu.memref_slice %arg5[%arg0, %mul3A_43, %dma_wait3A] : memref<2x10240x128xf32, #tpu.memory_space<hbm>> -> memref<1x640x128xf32, #tpu.memory_space<hbm>>
      %dma_wait3A_50 = tpu.memref_squeeze %dma_wait3A_49 : memref<1x640x128xf32, #tpu.memory_space<hbm>> -> memref<640x128xf32, #tpu.memory_space<hbm>>
      %dma_wait3A_51 = arith.constant 0 : i32
      %dma_wait3A_52 = tpu.memref_slice %arg12[%mul3A_41, %dma_wait3A_51] : memref<10240x128xf32, #tpu.memory_space<vmem_shared>> -> memref<640x128xf32, #tpu.memory_space<vmem_shared>>
      tpu.wait_dma2 semaphore(%run_scoped3A : memref<!tpu.dma_semaphore, #tpu.memory_space<semaphore_mem>>) src(%dma_wait3A_52 : memref<640x128xf32, #tpu.memory_space<vmem_shared>>) dst(%dma_wait3A_50 : memref<640x128xf32, #tpu.memory_space<hbm>>)
      tpu.yield
    }) : () -> ()
    return
  }
}

module attributes {stable_mosaic.version = 14 : i64} {
  func.func @body(%arg0: i32, %arg1: memref<1024x256xf32, #tpu.memory_space<vmem>>, %arg2: memref<1024x128xf32, #tpu.memory_space<vmem>>, %arg3: memref<1024x128xf32, #tpu.memory_space<vmem>>, %arg4: memref<1024x128xf32, #tpu.memory_space<vmem>>, %arg5: memref<1024x128xf32, #tpu.memory_space<vmem>>, %arg6: memref<256x128xf32, #tpu.memory_space<vmem>>, %arg7: memref<256x128xf32, #tpu.memory_space<vmem>>, %arg8: memref<1x128xf32, #tpu.memory_space<vmem>>, %arg9: memref<128x1xf32, #tpu.memory_space<vmem>>, %arg10: memref<1x128xf32, #tpu.memory_space<vmem>>, %arg11: memref<1024x128xf32, #tpu.memory_space<vmem>>, %arg12: memref<1024x1xf32, #tpu.memory_space<vmem>>) attributes {dimension_semantics = [#tpu.dimension_semantics<arbitrary>], iteration_bounds = array<i64: 10>, scalar_prefetch = 0 : i64, scratch_operands = 0 : i64, tpu.core_type = #tpu.core_type<tc>, window_params = [{transform_indices = @transform_0, window_bounds = array<i64: 1024, 256>}, {transform_indices = @transform_1, window_bounds = array<i64: 1024, 128>}, {transform_indices = @transform_2, window_bounds = array<i64: 1024, 128>}, {transform_indices = @transform_3, window_bounds = array<i64: 1024, 128>}, {transform_indices = @transform_4, window_bounds = array<i64: 1024, 128>}, {pipeline_mode = #tpu.pipeline_mode<synchronous>, transform_indices = @transform_5, window_bounds = array<i64: 256, 128>}, {pipeline_mode = #tpu.pipeline_mode<synchronous>, transform_indices = @transform_6, window_bounds = array<i64: 256, 128>}, {pipeline_mode = #tpu.pipeline_mode<synchronous>, transform_indices = @transform_7, window_bounds = array<i64: 1, 128>}, {pipeline_mode = #tpu.pipeline_mode<synchronous>, transform_indices = @transform_8, window_bounds = array<i64: 128, 1>}, {pipeline_mode = #tpu.pipeline_mode<synchronous>, transform_indices = @transform_9, window_bounds = array<i64: 1, 128>}, {transform_indices = @transform_10, window_bounds = array<i64: 1024, 128>}, {transform_indices = @transform_11, window_bounds = array<i64: 1024, 1>}]} {
    %get3A = arith.constant 0 : index
    %get3A_0 = arith.constant 0 : index
    %get3A_1 = vector.load %arg2[%get3A, %get3A_0] : memref<1024x128xf32, #tpu.memory_space<vmem>>, vector<1024x128xf32>
    %get3A_2 = arith.constant 0 : index
    %get3A_3 = arith.constant 0 : index
    %get3A_4 = vector.load %arg3[%get3A_2, %get3A_3] : memref<1024x128xf32, #tpu.memory_space<vmem>>, vector<1024x128xf32>
    %add3A = arith.addf %get3A_1, %get3A_4 : vector<1024x128xf32>
    %get3A_5 = arith.constant 0 : index
    %get3A_6 = arith.constant 0 : index
    %get3A_7 = vector.load %arg4[%get3A_5, %get3A_6] : memref<1024x128xf32, #tpu.memory_space<vmem>>, vector<1024x128xf32>
    %get3A_8 = arith.constant 0 : index
    %get3A_9 = arith.constant 0 : index
    %get3A_10 = vector.load %arg5[%get3A_8, %get3A_9] : memref<1024x128xf32, #tpu.memory_space<vmem>>, vector<1024x128xf32>
    %add3A_11 = arith.addf %get3A_7, %get3A_10 : vector<1024x128xf32>
    %concatenate3A = tpu.concatenate %add3A, %add3A_11 in 1 : vector<1024x128xf32>, vector<1024x128xf32> -> vector<1024x256xf32>
    %get3A_12 = arith.constant 0 : index
    %get3A_13 = arith.constant 0 : index
    %get3A_14 = vector.load %arg7[%get3A_12, %get3A_13] : memref<256x128xf32, #tpu.memory_space<vmem>>, vector<256x128xf32>
    %dot_general3A = arith.constant dense<0.000000e+00> : vector<1024x128xf32>
    %dot_general3A_15 = tpu.matmul %concatenate3A, %get3A_14, %dot_general3A {dimension_numbers = #tpu.dot_dimension_numbers<[1], [0], [0], [1], [0, 0, 1, 1], [], []>, transpose_lhs_hint = false} : vector<1024x256xf32>, vector<256x128xf32>, vector<1024x128xf32> -> vector<1024x128xf32>
    %get3A_16 = arith.constant 0 : index
    %get3A_17 = arith.constant 0 : index
    %get3A_18 = vector.load %arg1[%get3A_16, %get3A_17] : memref<1024x256xf32, #tpu.memory_space<vmem>>, vector<1024x256xf32>
    %get3A_19 = arith.constant 0 : index
    %get3A_20 = arith.constant 0 : index
    %get3A_21 = vector.load %arg6[%get3A_19, %get3A_20] : memref<256x128xf32, #tpu.memory_space<vmem>>, vector<256x128xf32>
    %dot_general3A_22 = arith.constant dense<0.000000e+00> : vector<1024x128xf32>
    %dot_general3A_23 = tpu.matmul %get3A_18, %get3A_21, %dot_general3A_22 {dimension_numbers = #tpu.dot_dimension_numbers<[1], [0], [0], [1], [0, 0, 1, 1], [], []>, transpose_lhs_hint = false} : vector<1024x256xf32>, vector<256x128xf32>, vector<1024x128xf32> -> vector<1024x128xf32>
    %add3A_24 = arith.addf %dot_general3A_15, %dot_general3A_23 : vector<1024x128xf32>
    %get3A_25 = arith.constant 0 : index
    %get3A_26 = arith.constant 0 : index
    %get3A_27 = vector.load %arg8[%get3A_25, %get3A_26] : memref<1x128xf32, #tpu.memory_space<vmem>>, vector<1x128xf32>
    %add3A_28 = vector.broadcast %get3A_27 : vector<1x128xf32> to vector<1024x128xf32>
    %add3A_29 = arith.addf %add3A_24, %add3A_28 : vector<1024x128xf32>
    %max3A = arith.constant 0.000000e+00 : f32
    %max3A_30 = vector.broadcast %max3A : f32 to vector<1024x128xf32>
    %max3A_31 = arith.maximumf %add3A_29, %max3A_30 : vector<1024x128xf32>
    %swap3A = arith.constant 0 : index
    %swap3A_32 = arith.constant 0 : index
    %swap3A_33 = vector.load %arg11[%swap3A, %swap3A_32] : memref<1024x128xf32, #tpu.memory_space<vmem>>, vector<1024x128xf32>
    tpu.vector_store %arg11[%swap3A, %swap3A_32], %max3A_31 {strides = array<i32>} : memref<1024x128xf32, #tpu.memory_space<vmem>>, vector<1024x128xf32>,
    %get3A_34 = arith.constant 0 : index
    %get3A_35 = arith.constant 0 : index
    %get3A_36 = vector.load %arg10[%get3A_34, %get3A_35] : memref<1x128xf32, #tpu.memory_space<vmem>>, vector<1x128xf32>
    %mul3A = arith.mulf %get3A_36, %get3A_36 : vector<1x128xf32>
    %reduce_sum3A = vector.shape_cast %mul3A : vector<1x128xf32> to vector<1x1x128xf32>
    %reduce_sum3A_37 = arith.constant dense<0.000000e+00> : vector<1xf32>
    %reduce_sum3A_38 = vector.multi_reduction <add>, %reduce_sum3A, %reduce_sum3A_37 [1, 2] : vector<1x1x128xf32> to vector<1xf32>
    %reduce_sum3A_39 = vector.shape_cast %reduce_sum3A_38 : vector<1xf32> to vector<1x1x1xf32>
    %reduce_sum3A_40 = vector.extract %reduce_sum3A_39[0, 0, 0] : f32 from vector<1x1x1xf32>
    %sqrt3A = math.sqrt %reduce_sum3A_40 : f32
    %add3A_41 = arith.constant 1.000000e-16 : f32
    %add3A_42 = arith.addf %sqrt3A, %add3A_41 : f32
    %get3A_43 = arith.constant 0 : index
    %get3A_44 = arith.constant 0 : index
    %get3A_45 = vector.load %arg9[%get3A_43, %get3A_44] : memref<128x1xf32, #tpu.memory_space<vmem>>, vector<128x1xf32>
    %dot_general3A_46 = arith.constant dense<0.000000e+00> : vector<1024x1xf32>
    %dot_general3A_47 = tpu.matmul %max3A_31, %get3A_45, %dot_general3A_46 {dimension_numbers = #tpu.dot_dimension_numbers<[1], [0], [0], [1], [0, 0, 1, 1], [], []>, transpose_lhs_hint = false} : vector<1024x128xf32>, vector<128x1xf32>, vector<1024x1xf32> -> vector<1024x1xf32>
    %div3A = vector.broadcast %add3A_42 : f32 to vector<1024x1xf32>
    %div3A_48 = arith.divf %dot_general3A_47, %div3A : vector<1024x1xf32>
    %tanh3A = math.tanh %div3A_48 : vector<1024x1xf32>
    %swap3A_49 = arith.constant 0 : index
    %swap3A_50 = arith.constant 0 : index
    %swap3A_51 = vector.load %arg12[%swap3A_49, %swap3A_50] : memref<1024x1xf32, #tpu.memory_space<vmem>>, vector<1024x1xf32>
    tpu.vector_store %arg12[%swap3A_49, %swap3A_50], %tanh3A {strides = array<i32>} : memref<1024x1xf32, #tpu.memory_space<vmem>>, vector<1024x1xf32>,
    return
  }
  func.func @transform_0(%arg0: i32) -> (i32, i32) {
    %c0_i32 = arith.constant 0 : i32
    %c0_i32_0 = arith.constant 0 : i32
    return %arg0, %c0_i32 : i32, i32
  }
  func.func @transform_1(%arg0: i32) -> (i32, i32) {
    %c0_i32 = arith.constant 0 : i32
    %c0_i32_0 = arith.constant 0 : i32
    return %arg0, %c0_i32 : i32, i32
  }
  func.func @transform_2(%arg0: i32) -> (i32, i32) {
    %c0_i32 = arith.constant 0 : i32
    %c0_i32_0 = arith.constant 0 : i32
    return %arg0, %c0_i32 : i32, i32
  }
  func.func @transform_3(%arg0: i32) -> (i32, i32) {
    %c0_i32 = arith.constant 0 : i32
    %c0_i32_0 = arith.constant 0 : i32
    return %arg0, %c0_i32 : i32, i32
  }
  func.func @transform_4(%arg0: i32) -> (i32, i32) {
    %c0_i32 = arith.constant 0 : i32
    %c0_i32_0 = arith.constant 0 : i32
    return %arg0, %c0_i32 : i32, i32
  }
  func.func @transform_5(%arg0: i32) -> (i32, i32) {
    %c0_i32 = arith.constant 0 : i32
    %c0_i32_0 = arith.constant 0 : i32
    %c0_i32_1 = arith.constant 0 : i32
    return %c0_i32, %c0_i32_0 : i32, i32
  }
  func.func @transform_6(%arg0: i32) -> (i32, i32) {
    %c0_i32 = arith.constant 0 : i32
    %c0_i32_0 = arith.constant 0 : i32
    %c0_i32_1 = arith.constant 0 : i32
    return %c0_i32, %c0_i32_0 : i32, i32
  }
  func.func @transform_7(%arg0: i32) -> (i32, i32) {
    %c0_i32 = arith.constant 0 : i32
    %c0_i32_0 = arith.constant 0 : i32
    %c0_i32_1 = arith.constant 0 : i32
    return %c0_i32, %c0_i32_0 : i32, i32
  }
  func.func @transform_8(%arg0: i32) -> (i32, i32) {
    %c0_i32 = arith.constant 0 : i32
    %c0_i32_0 = arith.constant 0 : i32
    %c0_i32_1 = arith.constant 0 : i32
    return %c0_i32, %c0_i32_0 : i32, i32
  }
  func.func @transform_9(%arg0: i32) -> (i32, i32) {
    %c0_i32 = arith.constant 0 : i32
    %c0_i32_0 = arith.constant 0 : i32
    %c0_i32_1 = arith.constant 0 : i32
    return %c0_i32, %c0_i32_0 : i32, i32
  }
  func.func @transform_10(%arg0: i32) -> (i32, i32) {
    %c0_i32 = arith.constant 0 : i32
    %c0_i32_0 = arith.constant 0 : i32
    return %arg0, %c0_i32 : i32, i32
  }
  func.func @transform_11(%arg0: i32) -> (i32, i32) {
    %c0_i32 = arith.constant 0 : i32
    %c0_i32_0 = arith.constant 0 : i32
    return %arg0, %c0_i32 : i32, i32
  }
}

module attributes {stable_mosaic.version = 14 : i64} {
  func.func @body(%arg0: i32, %arg1: i32, %arg2: memref<1024x1xf32, #tpu.memory_space<vmem>>, %arg3: memref<1024x1xi32, #tpu.memory_space<vmem>>, %arg4: memref<1024x1xi32, #tpu.memory_space<vmem>>, %arg5: memref<1024x1xi32, #tpu.memory_space<vmem>>, %arg6: memref<1x1024xf32, #tpu.memory_space<vmem>>, %arg7: memref<1x1024xi32, #tpu.memory_space<vmem>>, %arg8: memref<1x1024xi32, #tpu.memory_space<vmem>>, %arg9: memref<1x1024xi32, #tpu.memory_space<vmem>>, %arg10: memref<1024x1xi32, #tpu.memory_space<vmem>>, %arg11: memref<1x128xi32, #tpu.memory_space<vmem>>, %arg12: memref<128x1xi32, #tpu.memory_space<vmem>>) attributes {dimension_semantics = [#tpu.dimension_semantics<arbitrary>, #tpu.dimension_semantics<arbitrary>], iteration_bounds = array<i64: 10, 10>, scalar_prefetch = 0 : i64, scratch_operands = 0 : i64, tpu.core_type = #tpu.core_type<tc>, window_params = [{transform_indices = @transform_0, window_bounds = array<i64: 1024, 1>}, {transform_indices = @transform_1, window_bounds = array<i64: 1024, 1>}, {transform_indices = @transform_2, window_bounds = array<i64: 1024, 1>}, {transform_indices = @transform_3, window_bounds = array<i64: 1024, 1>}, {transform_indices = @transform_4, window_bounds = array<i64: 1, 1024>}, {transform_indices = @transform_5, window_bounds = array<i64: 1, 1024>}, {transform_indices = @transform_6, window_bounds = array<i64: 1, 1024>}, {transform_indices = @transform_7, window_bounds = array<i64: 1, 1024>}, {transform_indices = @transform_8, window_bounds = array<i64: 1024, 1>}, {pipeline_mode = #tpu.pipeline_mode<synchronous>, transform_indices = @transform_9, window_bounds = array<i64: 1, 128>}, {pipeline_mode = #tpu.pipeline_mode<synchronous>, transform_indices = @transform_10, window_bounds = array<i64: 128, 1>}]} {
    %eq3A = arith.constant 0 : i32
    %eq3A_0 = arith.cmpi eq, %arg1, %eq3A : i32
    %convert_element_type3A = arith.extui %eq3A_0 : i1 to i32
    %cond3A = arith.constant 0 : i32
    %cond3A_1 = arith.cmpi ne, %convert_element_type3A, %cond3A : i32
    scf.if %cond3A_1 {
      %broadcast_in_dim3A = arith.constant 0 : i32
      %broadcast_in_dim3A_33 = vector.broadcast %broadcast_in_dim3A : i32 to vector<1024x1xi32>
      %swap3A = arith.constant 0 : index
      %swap3A_34 = arith.constant 0 : index
      %swap3A_35 = vector.load %arg10[%swap3A, %swap3A_34] : memref<1024x1xi32, #tpu.memory_space<vmem>>, vector<1024x1xi32>
      tpu.vector_store %arg10[%swap3A, %swap3A_34], %broadcast_in_dim3A_33 {strides = array<i32>} : memref<1024x1xi32, #tpu.memory_space<vmem>>, vector<1024x1xi32>,
      %get3A_36 = arith.constant 0 : index
      %get3A_37 = arith.constant 0 : index
      %get3A_38 = vector.load %arg3[%get3A_36, %get3A_37] : memref<1024x1xi32, #tpu.memory_space<vmem>>, vector<1024x1xi32>
      %iota3A = tpu.iota {dimensions = array<i32: 1>} : vector<1x128xi32>
      %eq3A_39 = vector.broadcast %get3A_38 : vector<1024x1xi32> to vector<1024x128xi32>
      %eq3A_40 = vector.broadcast %iota3A : vector<1x128xi32> to vector<1024x128xi32>
      %eq3A_41 = arith.cmpi eq, %eq3A_39, %eq3A_40 : vector<1024x128xi32>
      %convert_element_type3A_42 = arith.extui %eq3A_41 : vector<1024x128xi1> to vector<1024x128xi32>
      %eq3A_43 = arith.constant 0 : i32
      %eq3A_44 = arith.cmpi eq, %arg0, %eq3A_43 : i32
      %convert_element_type3A_45 = arith.extui %eq3A_44 : i1 to i32
      %cond3A_46 = arith.constant 0 : i32
      %cond3A_47 = arith.cmpi ne, %convert_element_type3A_45, %cond3A_46 : i32
      scf.if %cond3A_47 {
        %broadcast_in_dim3A_56 = arith.constant 0 : i32
        %broadcast_in_dim3A_57 = vector.broadcast %broadcast_in_dim3A_56 : i32 to vector<1x128xi32>
        %swap3A_58 = arith.constant 0 : index
        %swap3A_59 = arith.constant 0 : index
        %swap3A_60 = vector.load %arg11[%swap3A_58, %swap3A_59] : memref<1x128xi32, #tpu.memory_space<vmem>>, vector<1x128xi32>
        tpu.vector_store %arg11[%swap3A_58, %swap3A_59], %broadcast_in_dim3A_57 {strides = array<i32>} : memref<1x128xi32, #tpu.memory_space<vmem>>, vector<1x128xi32>,
      } else {
      }
      %get3A_48 = arith.constant 0 : index
      %get3A_49 = arith.constant 0 : index
      %get3A_50 = vector.load %arg11[%get3A_48, %get3A_49] : memref<1x128xi32, #tpu.memory_space<vmem>>, vector<1x128xi32>
      %reduce_sum3A = arith.constant dense<0> : vector<128xi32>
      %reduce_sum3A_51 = vector.multi_reduction <add>, %convert_element_type3A_42, %reduce_sum3A [0] : vector<1024x128xi32> to vector<128xi32>
      %broadcast_in_dim3A_52 = vector.shape_cast %reduce_sum3A_51 : vector<128xi32> to vector<1x128xi32>
      %add3A = arith.addi %get3A_50, %broadcast_in_dim3A_52 : vector<1x128xi32>
      %swap3A_53 = arith.constant 0 : index
      %swap3A_54 = arith.constant 0 : index
      %swap3A_55 = vector.load %arg11[%swap3A_53, %swap3A_54] : memref<1x128xi32, #tpu.memory_space<vmem>>, vector<1x128xi32>
      tpu.vector_store %arg11[%swap3A_53, %swap3A_54], %add3A {strides = array<i32>} : memref<1x128xi32, #tpu.memory_space<vmem>>, vector<1x128xi32>,
    } else {
    }
    %eq3A_2 = arith.constant 0 : i32
    %eq3A_3 = arith.cmpi eq, %arg0, %eq3A_2 : i32
    %eq3A_4 = arith.constant 0 : i32
    %eq3A_5 = arith.cmpi eq, %arg1, %eq3A_4 : i32
    %and3A = arith.andi %eq3A_3, %eq3A_5 : i1
    %convert_element_type3A_6 = arith.extui %and3A : i1 to i32
    %cond3A_7 = arith.constant 0 : i32
    %cond3A_8 = arith.cmpi ne, %convert_element_type3A_6, %cond3A_7 : i32
    scf.if %cond3A_8 {
      %broadcast_in_dim3A = arith.constant 0 : i32
      %broadcast_in_dim3A_33 = vector.broadcast %broadcast_in_dim3A : i32 to vector<128x1xi32>
      %swap3A = arith.constant 0 : index
      %swap3A_34 = arith.constant 0 : index
      %swap3A_35 = vector.load %arg12[%swap3A, %swap3A_34] : memref<128x1xi32, #tpu.memory_space<vmem>>, vector<128x1xi32>
      tpu.vector_store %arg12[%swap3A, %swap3A_34], %broadcast_in_dim3A_33 {strides = array<i32>} : memref<128x1xi32, #tpu.memory_space<vmem>>, vector<128x1xi32>,
    } else {
    }
    %eq3A_9 = arith.constant 0 : i32
    %eq3A_10 = arith.cmpi eq, %arg0, %eq3A_9 : i32
    %convert_element_type3A_11 = arith.extui %eq3A_10 : i1 to i32
    %cond3A_12 = arith.constant 0 : i32
    %cond3A_13 = arith.cmpi ne, %convert_element_type3A_11, %cond3A_12 : i32
    scf.if %cond3A_13 {
      %get3A_33 = arith.constant 0 : index
      %get3A_34 = arith.constant 0 : index
      %get3A_35 = vector.load %arg7[%get3A_33, %get3A_34] : memref<1x1024xi32, #tpu.memory_space<vmem>>, vector<1x1024xi32>
      %iota3A = tpu.iota {dimensions = array<i32: 0>} : vector<128x1xi32>
      %eq3A_36 = vector.broadcast %get3A_35 : vector<1x1024xi32> to vector<128x1024xi32>
      %eq3A_37 = vector.broadcast %iota3A : vector<128x1xi32> to vector<128x1024xi32>
      %eq3A_38 = arith.cmpi eq, %eq3A_36, %eq3A_37 : vector<128x1024xi32>
      %convert_element_type3A_39 = arith.extui %eq3A_38 : vector<128x1024xi1> to vector<128x1024xi32>
      %get3A_40 = arith.constant 0 : index
      %get3A_41 = arith.constant 0 : index
      %get3A_42 = vector.load %arg12[%get3A_40, %get3A_41] : memref<128x1xi32, #tpu.memory_space<vmem>>, vector<128x1xi32>
      %reduce_sum3A = arith.constant dense<0> : vector<128xi32>
      %reduce_sum3A_43 = vector.multi_reduction <add>, %convert_element_type3A_39, %reduce_sum3A [1] : vector<128x1024xi32> to vector<128xi32>
      %broadcast_in_dim3A = vector.shape_cast %reduce_sum3A_43 : vector<128xi32> to vector<128x1xi32>
      %add3A = arith.addi %get3A_42, %broadcast_in_dim3A : vector<128x1xi32>
      %swap3A = arith.constant 0 : index
      %swap3A_44 = arith.constant 0 : index
      %swap3A_45 = vector.load %arg12[%swap3A, %swap3A_44] : memref<128x1xi32, #tpu.memory_space<vmem>>, vector<128x1xi32>
      tpu.vector_store %arg12[%swap3A, %swap3A_44], %add3A {strides = array<i32>} : memref<128x1xi32, #tpu.memory_space<vmem>>, vector<128x1xi32>,
    } else {
    }
    %get3A = arith.constant 0 : index
    %get3A_14 = arith.constant 0 : index
    %get3A_15 = vector.load %arg4[%get3A, %get3A_14] : memref<1024x1xi32, #tpu.memory_space<vmem>>, vector<1x1xi32>
    %get3A_16 = vector.extract %get3A_15[0, 0] : i32 from vector<1x1xi32>
    %get3A_17 = arith.constant 1023 : index
    %get3A_18 = arith.constant 0 : index
    %get3A_19 = vector.load %arg4[%get3A_17, %get3A_18] : memref<1024x1xi32, #tpu.memory_space<vmem>>, vector<1x1xi32>
    %get3A_20 = vector.extract %get3A_19[0, 0] : i32 from vector<1x1xi32>
    %get3A_21 = arith.constant 0 : index
    %get3A_22 = arith.constant 0 : index
    %get3A_23 = vector.load %arg8[%get3A_21, %get3A_22] : memref<1x1024xi32, #tpu.memory_space<vmem>>, vector<1x1xi32>
    %get3A_24 = vector.extract %get3A_23[0, 0] : i32 from vector<1x1xi32>
    %get3A_25 = arith.constant 0 : index
    %get3A_26 = arith.constant 1023 : index
    %get3A_27 = vector.load %arg8[%get3A_25, %get3A_26] : memref<1x1024xi32, #tpu.memory_space<vmem>>, vector<1x1xi32>
    %get3A_28 = vector.extract %get3A_27[0, 0] : i32 from vector<1x1xi32>
    %le3A = arith.cmpi sle, %get3A_24, %get3A_20 : i32
    %ge3A = arith.cmpi sge, %get3A_28, %get3A_16 : i32
    %and3A_29 = arith.andi %le3A, %ge3A : i1
    %convert_element_type3A_30 = arith.extui %and3A_29 : i1 to i32
    %cond3A_31 = arith.constant 0 : i32
    %cond3A_32 = arith.cmpi ne, %convert_element_type3A_30, %cond3A_31 : i32
    scf.if %cond3A_32 {
      %get3A_33 = arith.constant 0 : index
      %get3A_34 = arith.constant 0 : index
      %get3A_35 = vector.load %arg2[%get3A_33, %get3A_34] : memref<1024x1xf32, #tpu.memory_space<vmem>>, vector<1024x1xf32>
      %get3A_36 = arith.constant 0 : index
      %get3A_37 = arith.constant 0 : index
      %get3A_38 = vector.load %arg5[%get3A_36, %get3A_37] : memref<1024x1xi32, #tpu.memory_space<vmem>>, vector<1024x1xi32>
      %get3A_39 = arith.constant 0 : index
      %get3A_40 = arith.constant 0 : index
      %get3A_41 = vector.load %arg3[%get3A_39, %get3A_40] : memref<1024x1xi32, #tpu.memory_space<vmem>>, vector<1024x1xi32>
      %get3A_42 = arith.constant 0 : index
      %get3A_43 = arith.constant 0 : index
      %get3A_44 = vector.load %arg6[%get3A_42, %get3A_43] : memref<1x1024xf32, #tpu.memory_space<vmem>>, vector<1x1024xf32>
      %get3A_45 = arith.constant 0 : index
      %get3A_46 = arith.constant 0 : index
      %get3A_47 = vector.load %arg9[%get3A_45, %get3A_46] : memref<1x1024xi32, #tpu.memory_space<vmem>>, vector<1x1024xi32>
      %get3A_48 = arith.constant 0 : index
      %get3A_49 = arith.constant 0 : index
      %get3A_50 = vector.load %arg7[%get3A_48, %get3A_49] : memref<1x1024xi32, #tpu.memory_space<vmem>>, vector<1x1024xi32>
      %gt3A = vector.broadcast %get3A_44 : vector<1x1024xf32> to vector<1024x1024xf32>
      %gt3A_51 = vector.broadcast %get3A_35 : vector<1024x1xf32> to vector<1024x1024xf32>
      %gt3A_52 = arith.cmpf ogt, %gt3A, %gt3A_51 : vector<1024x1024xf32>
      %eq3A_53 = vector.broadcast %get3A_44 : vector<1x1024xf32> to vector<1024x1024xf32>
      %eq3A_54 = vector.broadcast %get3A_35 : vector<1024x1xf32> to vector<1024x1024xf32>
      %eq3A_55 = arith.cmpf oeq, %eq3A_53, %eq3A_54 : vector<1024x1024xf32>
      %lt3A = vector.broadcast %get3A_47 : vector<1x1024xi32> to vector<1024x1024xi32>
      %lt3A_56 = vector.broadcast %get3A_38 : vector<1024x1xi32> to vector<1024x1024xi32>
      %lt3A_57 = arith.cmpi slt, %lt3A, %lt3A_56 : vector<1024x1024xi32>
      %and3A_58 = arith.andi %eq3A_55, %lt3A_57 : vector<1024x1024xi1>
      %or3A = arith.ori %gt3A_52, %and3A_58 : vector<1024x1024xi1>
      %eq3A_59 = vector.broadcast %get3A_50 : vector<1x1024xi32> to vector<1024x1024xi32>
      %eq3A_60 = vector.broadcast %get3A_41 : vector<1024x1xi32> to vector<1024x1024xi32>
      %eq3A_61 = arith.cmpi eq, %eq3A_59, %eq3A_60 : vector<1024x1024xi32>
      %and3A_62 = arith.andi %or3A, %eq3A_61 : vector<1024x1024xi1>
      %convert_element_type3A_63 = arith.extui %and3A_62 : vector<1024x1024xi1> to vector<1024x1024xi32>
      %get3A_64 = arith.constant 0 : index
      %get3A_65 = arith.constant 0 : index
      %get3A_66 = vector.load %arg10[%get3A_64, %get3A_65] : memref<1024x1xi32, #tpu.memory_space<vmem>>, vector<1024x1xi32>
      %reduce_sum3A = arith.constant dense<0> : vector<1024xi32>
      %reduce_sum3A_67 = vector.multi_reduction <add>, %convert_element_type3A_63, %reduce_sum3A [1] : vector<1024x1024xi32> to vector<1024xi32>
      %broadcast_in_dim3A = vector.shape_cast %reduce_sum3A_67 : vector<1024xi32> to vector<1024x1xi32>
      %add3A = arith.addi %get3A_66, %broadcast_in_dim3A : vector<1024x1xi32>
      %swap3A = arith.constant 0 : index
      %swap3A_68 = arith.constant 0 : index
      %swap3A_69 = vector.load %arg10[%swap3A, %swap3A_68] : memref<1024x1xi32, #tpu.memory_space<vmem>>, vector<1024x1xi32>
      tpu.vector_store %arg10[%swap3A, %swap3A_68], %add3A {strides = array<i32>} : memref<1024x1xi32, #tpu.memory_space<vmem>>, vector<1024x1xi32>,
    } else {
    }
    return
  }
  func.func @transform_0(%arg0: i32, %arg1: i32) -> (i32, i32) {
    %c0_i32 = arith.constant 0 : i32
    %c0_i32_0 = arith.constant 0 : i32
    return %arg0, %c0_i32 : i32, i32
  }
  func.func @transform_1(%arg0: i32, %arg1: i32) -> (i32, i32) {
    %c0_i32 = arith.constant 0 : i32
    %c0_i32_0 = arith.constant 0 : i32
    return %arg0, %c0_i32 : i32, i32
  }
  func.func @transform_2(%arg0: i32, %arg1: i32) -> (i32, i32) {
    %c0_i32 = arith.constant 0 : i32
    %c0_i32_0 = arith.constant 0 : i32
    return %arg0, %c0_i32 : i32, i32
  }
  func.func @transform_3(%arg0: i32, %arg1: i32) -> (i32, i32) {
    %c0_i32 = arith.constant 0 : i32
    %c0_i32_0 = arith.constant 0 : i32
    return %arg0, %c0_i32 : i32, i32
  }
  func.func @transform_4(%arg0: i32, %arg1: i32) -> (i32, i32) {
    %c0_i32 = arith.constant 0 : i32
    %c0_i32_0 = arith.constant 0 : i32
    return %c0_i32, %arg1 : i32, i32
  }
  func.func @transform_5(%arg0: i32, %arg1: i32) -> (i32, i32) {
    %c0_i32 = arith.constant 0 : i32
    %c0_i32_0 = arith.constant 0 : i32
    return %c0_i32, %arg1 : i32, i32
  }
  func.func @transform_6(%arg0: i32, %arg1: i32) -> (i32, i32) {
    %c0_i32 = arith.constant 0 : i32
    %c0_i32_0 = arith.constant 0 : i32
    return %c0_i32, %arg1 : i32, i32
  }
  func.func @transform_7(%arg0: i32, %arg1: i32) -> (i32, i32) {
    %c0_i32 = arith.constant 0 : i32
    %c0_i32_0 = arith.constant 0 : i32
    return %c0_i32, %arg1 : i32, i32
  }
  func.func @transform_8(%arg0: i32, %arg1: i32) -> (i32, i32) {
    %c0_i32 = arith.constant 0 : i32
    %c0_i32_0 = arith.constant 0 : i32
    return %arg0, %c0_i32 : i32, i32
  }
  func.func @transform_9(%arg0: i32, %arg1: i32) -> (i32, i32) {
    %c0_i32 = arith.constant 0 : i32
    %c0_i32_0 = arith.constant 0 : i32
    %c0_i32_1 = arith.constant 0 : i32
    return %c0_i32, %c0_i32_0 : i32, i32
  }
  func.func @transform_10(%arg0: i32, %arg1: i32) -> (i32, i32) {
    %c0_i32 = arith.constant 0 : i32
    %c0_i32_0 = arith.constant 0 : i32
    %c0_i32_1 = arith.constant 0 : i32
    return %c0_i32, %c0_i32_0 : i32, i32
  }
}

module attributes {stable_mosaic.version = 14 : i64} {
  func.func @body(%arg0: i32, %arg1: memref<1024x128xf32, #tpu.memory_space<vmem>>, %arg2: memref<1024x1xf32, #tpu.memory_space<vmem>>, %arg3: memref<1024x1xi32, #tpu.memory_space<vmem>>, %arg4: memref<1x128xi32, #tpu.memory_space<vmem>>, %arg5: memref<1024x1xi32, #tpu.memory_space<vmem>>, %arg6: memref<1024x1xi32, #tpu.memory_space<vmem>>, %arg7: memref<1024x128xf32, #tpu.memory_space<vmem>>, %arg8: memref<1024x1xi32, #tpu.memory_space<vmem>>, %arg9: memref<64x128xf32, #tpu.memory_space<vmem>>, %arg10: memref<64x128xf32, #tpu.memory_space<vmem>>) attributes {dimension_semantics = [#tpu.dimension_semantics<arbitrary>], iteration_bounds = array<i64: 10>, scalar_prefetch = 0 : i64, scratch_operands = 0 : i64, tpu.core_type = #tpu.core_type<tc>, window_params = [{transform_indices = @transform_0, window_bounds = array<i64: 1024, 128>}, {transform_indices = @transform_1, window_bounds = array<i64: 1024, 1>}, {transform_indices = @transform_2, window_bounds = array<i64: 1024, 1>}, {pipeline_mode = #tpu.pipeline_mode<synchronous>, transform_indices = @transform_3, window_bounds = array<i64: 1, 128>}, {transform_indices = @transform_4, window_bounds = array<i64: 1024, 1>}, {transform_indices = @transform_5, window_bounds = array<i64: 1024, 1>}, {transform_indices = @transform_6, window_bounds = array<i64: 1024, 128>}, {transform_indices = @transform_7, window_bounds = array<i64: 1024, 1>}, {pipeline_mode = #tpu.pipeline_mode<synchronous>, transform_indices = @transform_8, window_bounds = array<i64: 64, 128>}, {pipeline_mode = #tpu.pipeline_mode<synchronous>, transform_indices = @transform_9, window_bounds = array<i64: 64, 128>}]} {
    %eq3A = arith.constant 0 : i32
    %eq3A_0 = arith.cmpi eq, %arg0, %eq3A : i32
    %convert_element_type3A = arith.extui %eq3A_0 : i1 to i32
    %cond3A = arith.constant 0 : i32
    %cond3A_1 = arith.cmpi ne, %convert_element_type3A, %cond3A : i32
    scf.if %cond3A_1 {
      %broadcast_in_dim3A_65 = arith.constant 0xFF800000 : f32
      %broadcast_in_dim3A_66 = vector.broadcast %broadcast_in_dim3A_65 : f32 to vector<64x128xf32>
      %swap3A_67 = arith.constant 0 : index
      %swap3A_68 = arith.constant 0 : index
      %swap3A_69 = vector.load %arg9[%swap3A_67, %swap3A_68] : memref<64x128xf32, #tpu.memory_space<vmem>>, vector<64x128xf32>
      tpu.vector_store %arg9[%swap3A_67, %swap3A_68], %broadcast_in_dim3A_66 {strides = array<i32>} : memref<64x128xf32, #tpu.memory_space<vmem>>, vector<64x128xf32>,
      %broadcast_in_dim3A_70 = arith.constant 0.000000e+00 : f32
      %broadcast_in_dim3A_71 = vector.broadcast %broadcast_in_dim3A_70 : f32 to vector<64x128xf32>
      %swap3A_72 = arith.constant 0 : index
      %swap3A_73 = arith.constant 0 : index
      %swap3A_74 = vector.load %arg10[%swap3A_72, %swap3A_73] : memref<64x128xf32, #tpu.memory_space<vmem>>, vector<64x128xf32>
      tpu.vector_store %arg10[%swap3A_72, %swap3A_73], %broadcast_in_dim3A_71 {strides = array<i32>} : memref<64x128xf32, #tpu.memory_space<vmem>>, vector<64x128xf32>,
    } else {
    }
    %get3A = arith.constant 0 : index
    %get3A_2 = arith.constant 0 : index
    %get3A_3 = vector.load %arg4[%get3A, %get3A_2] : memref<1x128xi32, #tpu.memory_space<vmem>>, vector<1x128xi32>
    %convert_element_type3A_4 = arith.sitofp %get3A_3 : vector<1x128xi32> to vector<1x128xf32>
    %mul3A = arith.constant 8.000000e-01 : f32
    %mul3A_5 = vector.broadcast %mul3A : f32 to vector<1x128xf32>
    %mul3A_6 = arith.mulf %convert_element_type3A_4, %mul3A_5 : vector<1x128xf32>
    %ceil3A = math.ceil %mul3A_6 : vector<1x128xf32>
    %convert_element_type3A_7 = arith.fptosi %ceil3A : vector<1x128xf32> to vector<1x128xi32>
    %get3A_8 = arith.constant 0 : index
    %get3A_9 = arith.constant 0 : index
    %get3A_10 = vector.load %arg5[%get3A_8, %get3A_9] : memref<1024x1xi32, #tpu.memory_space<vmem>>, vector<1024x1xi32>
    %iota3A = tpu.iota {dimensions = array<i32: 1>} : vector<1x128xi32>
    %eq3A_11 = vector.broadcast %get3A_10 : vector<1024x1xi32> to vector<1024x128xi32>
    %eq3A_12 = vector.broadcast %iota3A : vector<1x128xi32> to vector<1024x128xi32>
    %eq3A_13 = arith.cmpi eq, %eq3A_11, %eq3A_12 : vector<1024x128xi32>
    %jit3A = arith.constant 0 : i32
    %broadcast_in_dim3A = vector.shape_cast %convert_element_type3A_7 : vector<1x128xi32> to vector<1x128xi32>
    %broadcast_in_dim3A_14 = vector.broadcast %broadcast_in_dim3A : vector<1x128xi32> to vector<1024x128xi32>
    %broadcast_in_dim3A_15 = vector.broadcast %jit3A : i32 to vector<1024x128xi32>
    %select_n3A = arith.select %eq3A_13, %broadcast_in_dim3A_14, %broadcast_in_dim3A_15 : vector<1024x128xi1>, vector<1024x128xi32>
    %reduce_sum3A = arith.constant dense<0> : vector<1024xi32>
    %reduce_sum3A_16 = vector.multi_reduction <add>, %select_n3A, %reduce_sum3A [1] : vector<1024x128xi32> to vector<1024xi32>
    %broadcast_in_dim3A_17 = vector.shape_cast %reduce_sum3A_16 : vector<1024xi32> to vector<1024x1xi32>
    %get3A_18 = arith.constant 0 : index
    %get3A_19 = arith.constant 0 : index
    %get3A_20 = vector.load %arg3[%get3A_18, %get3A_19] : memref<1024x1xi32, #tpu.memory_space<vmem>>, vector<1024x1xi32>
    %get3A_21 = arith.constant 0 : index
    %get3A_22 = arith.constant 0 : index
    %get3A_23 = vector.load %arg2[%get3A_21, %get3A_22] : memref<1024x1xf32, #tpu.memory_space<vmem>>, vector<1024x1xf32>
    %lt3A = arith.cmpi slt, %get3A_20, %broadcast_in_dim3A_17 : vector<1024x1xi32>
    %lt3A_24 = arith.constant 64 : i32
    %lt3A_25 = vector.broadcast %lt3A_24 : i32 to vector<1024x1xi32>
    %lt3A_26 = arith.cmpi slt, %get3A_10, %lt3A_25 : vector<1024x1xi32>
    %and3A = arith.andi %lt3A, %lt3A_26 : vector<1024x1xi1>
    %get3A_27 = arith.constant 0 : index
    %get3A_28 = arith.constant 0 : index
    %get3A_29 = vector.load %arg1[%get3A_27, %get3A_28] : memref<1024x128xf32, #tpu.memory_space<vmem>>, vector<1024x128xf32>
    %mul3A_30 = vector.broadcast %get3A_23 : vector<1024x1xf32> to vector<1024x128xf32>
    %mul3A_31 = arith.mulf %get3A_29, %mul3A_30 : vector<1024x128xf32>
    %jit3A_32 = arith.constant 0.000000e+00 : f32
    %broadcast_in_dim3A_33 = vector.shape_cast %and3A : vector<1024x1xi1> to vector<1024x1xi1>
    %broadcast_in_dim3A_34 = vector.broadcast %broadcast_in_dim3A_33 : vector<1024x1xi1> to vector<1024x128xi1>
    %broadcast_in_dim3A_35 = vector.broadcast %jit3A_32 : f32 to vector<1024x128xf32>
    %select_n3A_36 = arith.select %broadcast_in_dim3A_34, %mul3A_31, %broadcast_in_dim3A_35 : vector<1024x128xi1>, vector<1024x128xf32>
    %swap3A = arith.constant 0 : index
    %swap3A_37 = arith.constant 0 : index
    %swap3A_38 = vector.load %arg7[%swap3A, %swap3A_37] : memref<1024x128xf32, #tpu.memory_space<vmem>>, vector<1024x128xf32>
    tpu.vector_store %arg7[%swap3A, %swap3A_37], %select_n3A_36 {strides = array<i32>} : memref<1024x128xf32, #tpu.memory_space<vmem>>, vector<1024x128xf32>,
    %jit3A_39 = arith.constant 64 : i32
    %broadcast_in_dim3A_40 = vector.broadcast %jit3A_39 : i32 to vector<1024x1xi32>
    %select_n3A_41 = arith.select %and3A, %get3A_10, %broadcast_in_dim3A_40 : vector<1024x1xi1>, vector<1024x1xi32>
    %swap3A_42 = arith.constant 0 : index
    %swap3A_43 = arith.constant 0 : index
    %swap3A_44 = vector.load %arg8[%swap3A_42, %swap3A_43] : memref<1024x1xi32, #tpu.memory_space<vmem>>, vector<1024x1xi32>
    tpu.vector_store %arg8[%swap3A_42, %swap3A_43], %select_n3A_41 {strides = array<i32>} : memref<1024x1xi32, #tpu.memory_space<vmem>>, vector<1024x1xi32>,
    %get3A_45 = arith.constant 0 : index
    %get3A_46 = arith.constant 0 : index
    %get3A_47 = vector.load %arg6[%get3A_45, %get3A_46] : memref<1024x1xi32, #tpu.memory_space<vmem>>, vector<1x1xi32>
    %get3A_48 = vector.extract %get3A_47[0, 0] : i32 from vector<1x1xi32>
    %get3A_49 = arith.constant 1023 : index
    %get3A_50 = arith.constant 0 : index
    %get3A_51 = vector.load %arg6[%get3A_49, %get3A_50] : memref<1024x1xi32, #tpu.memory_space<vmem>>, vector<1x1xi32>
    %get3A_52 = vector.extract %get3A_51[0, 0] : i32 from vector<1x1xi32>
    %min3A = arith.constant 63 : i32
    %min3A_53 = arith.minsi %get3A_52, %min3A : i32
    %add3A = arith.constant 1 : i32
    %add3A_54 = arith.addi %min3A_53, %add3A : i32
    %while3A = arith.constant 0 : i32
    %while3A_55 = arith.subi %add3A_54, %get3A_48 : i32
    %while3A_56 = arith.addi %get3A_48, %while3A_55 : i32
    %while3A_57 = arith.constant 1 : i32
    %while3A_58 = arith.divsi %while3A_55, %while3A_57 : i32
    %while3A_59 = arith.muli %while3A_58, %while3A_57 : i32
    %while3A_60 = arith.addi %get3A_48, %while3A_59 : i32
    %while3A_61 = arith.constant 1 : i32
    %while3A_62 = scf.for %while3A_65 = %get3A_48 to %while3A_60 step %while3A_61 iter_args(%while3A_66 = %while3A) -> (i32)  : i32 {
      %eq3A_67 = vector.broadcast %while3A_65 : i32 to vector<1024x1xi32>
      %eq3A_68 = arith.cmpi eq, %select_n3A_41, %eq3A_67 : vector<1024x1xi32>
      %jit3A_69 = arith.constant 0xFF800000 : f32
      %broadcast_in_dim3A_70 = vector.shape_cast %eq3A_68 : vector<1024x1xi1> to vector<1024x1xi1>
      %broadcast_in_dim3A_71 = vector.broadcast %broadcast_in_dim3A_70 : vector<1024x1xi1> to vector<1024x128xi1>
      %broadcast_in_dim3A_72 = vector.broadcast %jit3A_69 : f32 to vector<1024x128xf32>
      %select_n3A_73 = arith.select %broadcast_in_dim3A_71, %select_n3A_36, %broadcast_in_dim3A_72 : vector<1024x128xi1>, vector<1024x128xf32>
      %get3A_74 = arith.index_cast %while3A_65 : i32 to index
      %get3A_75 = arith.constant 0 : index
      %get3A_76 = vector.load %arg9[%get3A_74, %get3A_75] : memref<64x128xf32, #tpu.memory_space<vmem>>, vector<1x128xf32>
      %reduce_max3A = arith.constant dense<0xFF800000> : vector<128xf32>
      %reduce_max3A_77 = vector.multi_reduction <maximumf>, %select_n3A_73, %reduce_max3A [0] : vector<1024x128xf32> to vector<128xf32>
      %broadcast_in_dim3A_78 = vector.shape_cast %reduce_max3A_77 : vector<128xf32> to vector<1x128xf32>
      %max3A = arith.maximumf %get3A_76, %broadcast_in_dim3A_78 : vector<1x128xf32>
      %swap3A_79 = arith.index_cast %while3A_65 : i32 to index
      %swap3A_80 = arith.constant 0 : index
      %swap3A_81 = vector.load %arg9[%swap3A_79, %swap3A_80] : memref<64x128xf32, #tpu.memory_space<vmem>>, vector<1x128xf32>
      tpu.vector_store %arg9[%swap3A_79, %swap3A_80], %max3A {strides = array<i32>} : memref<64x128xf32, #tpu.memory_space<vmem>>, vector<1x128xf32>,
      %get3A_82 = arith.index_cast %while3A_65 : i32 to index
      %get3A_83 = arith.constant 0 : index
      %get3A_84 = vector.load %arg10[%get3A_82, %get3A_83] : memref<64x128xf32, #tpu.memory_space<vmem>>, vector<1x128xf32>
      %jit3A_85 = arith.constant 0.000000e+00 : f32
      %broadcast_in_dim3A_86 = vector.shape_cast %eq3A_68 : vector<1024x1xi1> to vector<1024x1xi1>
      %broadcast_in_dim3A_87 = vector.broadcast %broadcast_in_dim3A_86 : vector<1024x1xi1> to vector<1024x128xi1>
      %broadcast_in_dim3A_88 = vector.broadcast %jit3A_85 : f32 to vector<1024x128xf32>
      %select_n3A_89 = arith.select %broadcast_in_dim3A_87, %select_n3A_36, %broadcast_in_dim3A_88 : vector<1024x128xi1>, vector<1024x128xf32>
      %reduce_sum3A_90 = arith.constant dense<0.000000e+00> : vector<128xf32>
      %reduce_sum3A_91 = vector.multi_reduction <add>, %select_n3A_89, %reduce_sum3A_90 [0] : vector<1024x128xf32> to vector<128xf32>
      %broadcast_in_dim3A_92 = vector.shape_cast %reduce_sum3A_91 : vector<128xf32> to vector<1x128xf32>
      %add3A_93 = arith.addf %get3A_84, %broadcast_in_dim3A_92 : vector<1x128xf32>
      %swap3A_94 = arith.index_cast %while3A_65 : i32 to index
      %swap3A_95 = arith.constant 0 : index
      %swap3A_96 = vector.load %arg10[%swap3A_94, %swap3A_95] : memref<64x128xf32, #tpu.memory_space<vmem>>, vector<1x128xf32>
      tpu.vector_store %arg10[%swap3A_94, %swap3A_95], %add3A_93 {strides = array<i32>} : memref<64x128xf32, #tpu.memory_space<vmem>>, vector<1x128xf32>,
      %while3A_97 = arith.constant 0 : i32
      scf.yield %while3A_97 : i32
    }
    %while3A_63 = arith.constant 1 : i32
    %while3A_64 = scf.for %while3A_65 = %while3A_60 to %while3A_56 step %while3A_63 iter_args(%while3A_66 = %while3A_62) -> (i32)  : i32 {
      %eq3A_67 = vector.broadcast %while3A_65 : i32 to vector<1024x1xi32>
      %eq3A_68 = arith.cmpi eq, %select_n3A_41, %eq3A_67 : vector<1024x1xi32>
      %jit3A_69 = arith.constant 0xFF800000 : f32
      %broadcast_in_dim3A_70 = vector.shape_cast %eq3A_68 : vector<1024x1xi1> to vector<1024x1xi1>
      %broadcast_in_dim3A_71 = vector.broadcast %broadcast_in_dim3A_70 : vector<1024x1xi1> to vector<1024x128xi1>
      %broadcast_in_dim3A_72 = vector.broadcast %jit3A_69 : f32 to vector<1024x128xf32>
      %select_n3A_73 = arith.select %broadcast_in_dim3A_71, %select_n3A_36, %broadcast_in_dim3A_72 : vector<1024x128xi1>, vector<1024x128xf32>
      %get3A_74 = arith.index_cast %while3A_65 : i32 to index
      %get3A_75 = arith.constant 0 : index
      %get3A_76 = vector.load %arg9[%get3A_74, %get3A_75] : memref<64x128xf32, #tpu.memory_space<vmem>>, vector<1x128xf32>
      %reduce_max3A = arith.constant dense<0xFF800000> : vector<128xf32>
      %reduce_max3A_77 = vector.multi_reduction <maximumf>, %select_n3A_73, %reduce_max3A [0] : vector<1024x128xf32> to vector<128xf32>
      %broadcast_in_dim3A_78 = vector.shape_cast %reduce_max3A_77 : vector<128xf32> to vector<1x128xf32>
      %max3A = arith.maximumf %get3A_76, %broadcast_in_dim3A_78 : vector<1x128xf32>
      %swap3A_79 = arith.index_cast %while3A_65 : i32 to index
      %swap3A_80 = arith.constant 0 : index
      %swap3A_81 = vector.load %arg9[%swap3A_79, %swap3A_80] : memref<64x128xf32, #tpu.memory_space<vmem>>, vector<1x128xf32>
      tpu.vector_store %arg9[%swap3A_79, %swap3A_80], %max3A {strides = array<i32>} : memref<64x128xf32, #tpu.memory_space<vmem>>, vector<1x128xf32>,
      %get3A_82 = arith.index_cast %while3A_65 : i32 to index
      %get3A_83 = arith.constant 0 : index
      %get3A_84 = vector.load %arg10[%get3A_82, %get3A_83] : memref<64x128xf32, #tpu.memory_space<vmem>>, vector<1x128xf32>
      %jit3A_85 = arith.constant 0.000000e+00 : f32
      %broadcast_in_dim3A_86 = vector.shape_cast %eq3A_68 : vector<1024x1xi1> to vector<1024x1xi1>
      %broadcast_in_dim3A_87 = vector.broadcast %broadcast_in_dim3A_86 : vector<1024x1xi1> to vector<1024x128xi1>
      %broadcast_in_dim3A_88 = vector.broadcast %jit3A_85 : f32 to vector<1024x128xf32>
      %select_n3A_89 = arith.select %broadcast_in_dim3A_87, %select_n3A_36, %broadcast_in_dim3A_88 : vector<1024x128xi1>, vector<1024x128xf32>
      %reduce_sum3A_90 = arith.constant dense<0.000000e+00> : vector<128xf32>
      %reduce_sum3A_91 = vector.multi_reduction <add>, %select_n3A_89, %reduce_sum3A_90 [0] : vector<1024x128xf32> to vector<128xf32>
      %broadcast_in_dim3A_92 = vector.shape_cast %reduce_sum3A_91 : vector<128xf32> to vector<1x128xf32>
      %add3A_93 = arith.addf %get3A_84, %broadcast_in_dim3A_92 : vector<1x128xf32>
      %swap3A_94 = arith.index_cast %while3A_65 : i32 to index
      %swap3A_95 = arith.constant 0 : index
      %swap3A_96 = vector.load %arg10[%swap3A_94, %swap3A_95] : memref<64x128xf32, #tpu.memory_space<vmem>>, vector<1x128xf32>
      tpu.vector_store %arg10[%swap3A_94, %swap3A_95], %add3A_93 {strides = array<i32>} : memref<64x128xf32, #tpu.memory_space<vmem>>, vector<1x128xf32>,
      %while3A_97 = arith.constant 0 : i32
      scf.yield %while3A_97 : i32
    }
    return
  }
  func.func @transform_0(%arg0: i32) -> (i32, i32) {
    %c0_i32 = arith.constant 0 : i32
    %c0_i32_0 = arith.constant 0 : i32
    return %arg0, %c0_i32 : i32, i32
  }
  func.func @transform_1(%arg0: i32) -> (i32, i32) {
    %c0_i32 = arith.constant 0 : i32
    %c0_i32_0 = arith.constant 0 : i32
    return %arg0, %c0_i32 : i32, i32
  }
  func.func @transform_2(%arg0: i32) -> (i32, i32) {
    %c0_i32 = arith.constant 0 : i32
    %c0_i32_0 = arith.constant 0 : i32
    return %arg0, %c0_i32 : i32, i32
  }
  func.func @transform_3(%arg0: i32) -> (i32, i32) {
    %c0_i32 = arith.constant 0 : i32
    %c0_i32_0 = arith.constant 0 : i32
    %c0_i32_1 = arith.constant 0 : i32
    return %c0_i32, %c0_i32_0 : i32, i32
  }
  func.func @transform_4(%arg0: i32) -> (i32, i32) {
    %c0_i32 = arith.constant 0 : i32
    %c0_i32_0 = arith.constant 0 : i32
    return %arg0, %c0_i32 : i32, i32
  }
  func.func @transform_5(%arg0: i32) -> (i32, i32) {
    %c0_i32 = arith.constant 0 : i32
    %c0_i32_0 = arith.constant 0 : i32
    return %arg0, %c0_i32 : i32, i32
  }
  func.func @transform_6(%arg0: i32) -> (i32, i32) {
    %c0_i32 = arith.constant 0 : i32
    %c0_i32_0 = arith.constant 0 : i32
    return %arg0, %c0_i32 : i32, i32
  }
  func.func @transform_7(%arg0: i32) -> (i32, i32) {
    %c0_i32 = arith.constant 0 : i32
    %c0_i32_0 = arith.constant 0 : i32
    return %arg0, %c0_i32 : i32, i32
  }
  func.func @transform_8(%arg0: i32) -> (i32, i32) {
    %c0_i32 = arith.constant 0 : i32
    %c0_i32_0 = arith.constant 0 : i32
    %c0_i32_1 = arith.constant 0 : i32
    return %c0_i32, %c0_i32_0 : i32, i32
  }
  func.func @transform_9(%arg0: i32) -> (i32, i32) {
    %c0_i32 = arith.constant 0 : i32
    %c0_i32_0 = arith.constant 0 : i32
    %c0_i32_1 = arith.constant 0 : i32
    return %c0_i32, %c0_i32_0 : i32, i32
  }
}

module attributes {stable_mosaic.version = 14 : i64} {
  func.func @body(%arg0: i32, %arg1: memref<1024x128xf32, #tpu.memory_space<vmem>>, %arg2: memref<1024x128xf32, #tpu.memory_space<vmem>>, %arg3: memref<1024x128xf32, #tpu.memory_space<vmem>>, %arg4: memref<128x128xf32, #tpu.memory_space<vmem>>, %arg5: memref<128x128xf32, #tpu.memory_space<vmem>>, %arg6: memref<1x128xf32, #tpu.memory_space<vmem>>, %arg7: memref<128x1xf32, #tpu.memory_space<vmem>>, %arg8: memref<1x128xf32, #tpu.memory_space<vmem>>, %arg9: memref<1024x128xf32, #tpu.memory_space<vmem>>, %arg10: memref<1024x1xf32, #tpu.memory_space<vmem>>) attributes {dimension_semantics = [#tpu.dimension_semantics<arbitrary>], iteration_bounds = array<i64: 10>, scalar_prefetch = 0 : i64, scratch_operands = 0 : i64, tpu.core_type = #tpu.core_type<tc>, window_params = [{transform_indices = @transform_0, window_bounds = array<i64: 1024, 128>}, {transform_indices = @transform_1, window_bounds = array<i64: 1024, 128>}, {transform_indices = @transform_2, window_bounds = array<i64: 1024, 128>}, {pipeline_mode = #tpu.pipeline_mode<synchronous>, transform_indices = @transform_3, window_bounds = array<i64: 128, 128>}, {pipeline_mode = #tpu.pipeline_mode<synchronous>, transform_indices = @transform_4, window_bounds = array<i64: 128, 128>}, {pipeline_mode = #tpu.pipeline_mode<synchronous>, transform_indices = @transform_5, window_bounds = array<i64: 1, 128>}, {pipeline_mode = #tpu.pipeline_mode<synchronous>, transform_indices = @transform_6, window_bounds = array<i64: 128, 1>}, {pipeline_mode = #tpu.pipeline_mode<synchronous>, transform_indices = @transform_7, window_bounds = array<i64: 1, 128>}, {transform_indices = @transform_8, window_bounds = array<i64: 1024, 128>}, {transform_indices = @transform_9, window_bounds = array<i64: 1024, 1>}]} {
    %get3A = arith.constant 0 : index
    %get3A_0 = arith.constant 0 : index
    %get3A_1 = vector.load %arg2[%get3A, %get3A_0] : memref<1024x128xf32, #tpu.memory_space<vmem>>, vector<1024x128xf32>
    %get3A_2 = arith.constant 0 : index
    %get3A_3 = arith.constant 0 : index
    %get3A_4 = vector.load %arg3[%get3A_2, %get3A_3] : memref<1024x128xf32, #tpu.memory_space<vmem>>, vector<1024x128xf32>
    %add3A = arith.addf %get3A_1, %get3A_4 : vector<1024x128xf32>
    %get3A_5 = arith.constant 0 : index
    %get3A_6 = arith.constant 0 : index
    %get3A_7 = vector.load %arg5[%get3A_5, %get3A_6] : memref<128x128xf32, #tpu.memory_space<vmem>>, vector<128x128xf32>
    %dot_general3A = arith.constant dense<0.000000e+00> : vector<1024x128xf32>
    %dot_general3A_8 = tpu.matmul %add3A, %get3A_7, %dot_general3A {dimension_numbers = #tpu.dot_dimension_numbers<[1], [0], [0], [1], [0, 0, 1, 1], [], []>, transpose_lhs_hint = false} : vector<1024x128xf32>, vector<128x128xf32>, vector<1024x128xf32> -> vector<1024x128xf32>
    %get3A_9 = arith.constant 0 : index
    %get3A_10 = arith.constant 0 : index
    %get3A_11 = vector.load %arg1[%get3A_9, %get3A_10] : memref<1024x128xf32, #tpu.memory_space<vmem>>, vector<1024x128xf32>
    %get3A_12 = arith.constant 0 : index
    %get3A_13 = arith.constant 0 : index
    %get3A_14 = vector.load %arg4[%get3A_12, %get3A_13] : memref<128x128xf32, #tpu.memory_space<vmem>>, vector<128x128xf32>
    %dot_general3A_15 = arith.constant dense<0.000000e+00> : vector<1024x128xf32>
    %dot_general3A_16 = tpu.matmul %get3A_11, %get3A_14, %dot_general3A_15 {dimension_numbers = #tpu.dot_dimension_numbers<[1], [0], [0], [1], [0, 0, 1, 1], [], []>, transpose_lhs_hint = false} : vector<1024x128xf32>, vector<128x128xf32>, vector<1024x128xf32> -> vector<1024x128xf32>
    %add3A_17 = arith.addf %dot_general3A_8, %dot_general3A_16 : vector<1024x128xf32>
    %get3A_18 = arith.constant 0 : index
    %get3A_19 = arith.constant 0 : index
    %get3A_20 = vector.load %arg6[%get3A_18, %get3A_19] : memref<1x128xf32, #tpu.memory_space<vmem>>, vector<1x128xf32>
    %add3A_21 = vector.broadcast %get3A_20 : vector<1x128xf32> to vector<1024x128xf32>
    %add3A_22 = arith.addf %add3A_17, %add3A_21 : vector<1024x128xf32>
    %max3A = arith.constant 0.000000e+00 : f32
    %max3A_23 = vector.broadcast %max3A : f32 to vector<1024x128xf32>
    %max3A_24 = arith.maximumf %add3A_22, %max3A_23 : vector<1024x128xf32>
    %swap3A = arith.constant 0 : index
    %swap3A_25 = arith.constant 0 : index
    %swap3A_26 = vector.load %arg9[%swap3A, %swap3A_25] : memref<1024x128xf32, #tpu.memory_space<vmem>>, vector<1024x128xf32>
    tpu.vector_store %arg9[%swap3A, %swap3A_25], %max3A_24 {strides = array<i32>} : memref<1024x128xf32, #tpu.memory_space<vmem>>, vector<1024x128xf32>,
    %get3A_27 = arith.constant 0 : index
    %get3A_28 = arith.constant 0 : index
    %get3A_29 = vector.load %arg8[%get3A_27, %get3A_28] : memref<1x128xf32, #tpu.memory_space<vmem>>, vector<1x128xf32>
    %mul3A = arith.mulf %get3A_29, %get3A_29 : vector<1x128xf32>
    %reduce_sum3A = vector.shape_cast %mul3A : vector<1x128xf32> to vector<1x1x128xf32>
    %reduce_sum3A_30 = arith.constant dense<0.000000e+00> : vector<1xf32>
    %reduce_sum3A_31 = vector.multi_reduction <add>, %reduce_sum3A, %reduce_sum3A_30 [1, 2] : vector<1x1x128xf32> to vector<1xf32>
    %reduce_sum3A_32 = vector.shape_cast %reduce_sum3A_31 : vector<1xf32> to vector<1x1x1xf32>
    %reduce_sum3A_33 = vector.extract %reduce_sum3A_32[0, 0, 0] : f32 from vector<1x1x1xf32>
    %sqrt3A = math.sqrt %reduce_sum3A_33 : f32
    %add3A_34 = arith.constant 1.000000e-16 : f32
    %add3A_35 = arith.addf %sqrt3A, %add3A_34 : f32
    %get3A_36 = arith.constant 0 : index
    %get3A_37 = arith.constant 0 : index
    %get3A_38 = vector.load %arg7[%get3A_36, %get3A_37] : memref<128x1xf32, #tpu.memory_space<vmem>>, vector<128x1xf32>
    %dot_general3A_39 = arith.constant dense<0.000000e+00> : vector<1024x1xf32>
    %dot_general3A_40 = tpu.matmul %max3A_24, %get3A_38, %dot_general3A_39 {dimension_numbers = #tpu.dot_dimension_numbers<[1], [0], [0], [1], [0, 0, 1, 1], [], []>, transpose_lhs_hint = false} : vector<1024x128xf32>, vector<128x1xf32>, vector<1024x1xf32> -> vector<1024x1xf32>
    %div3A = vector.broadcast %add3A_35 : f32 to vector<1024x1xf32>
    %div3A_41 = arith.divf %dot_general3A_40, %div3A : vector<1024x1xf32>
    %tanh3A = math.tanh %div3A_41 : vector<1024x1xf32>
    %swap3A_42 = arith.constant 0 : index
    %swap3A_43 = arith.constant 0 : index
    %swap3A_44 = vector.load %arg10[%swap3A_42, %swap3A_43] : memref<1024x1xf32, #tpu.memory_space<vmem>>, vector<1024x1xf32>
    tpu.vector_store %arg10[%swap3A_42, %swap3A_43], %tanh3A {strides = array<i32>} : memref<1024x1xf32, #tpu.memory_space<vmem>>, vector<1024x1xf32>,
    return
  }
  func.func @transform_0(%arg0: i32) -> (i32, i32) {
    %c0_i32 = arith.constant 0 : i32
    %c0_i32_0 = arith.constant 0 : i32
    return %arg0, %c0_i32 : i32, i32
  }
  func.func @transform_1(%arg0: i32) -> (i32, i32) {
    %c0_i32 = arith.constant 0 : i32
    %c0_i32_0 = arith.constant 0 : i32
    return %arg0, %c0_i32 : i32, i32
  }
  func.func @transform_2(%arg0: i32) -> (i32, i32) {
    %c0_i32 = arith.constant 0 : i32
    %c0_i32_0 = arith.constant 0 : i32
    return %arg0, %c0_i32 : i32, i32
  }
  func.func @transform_3(%arg0: i32) -> (i32, i32) {
    %c0_i32 = arith.constant 0 : i32
    %c0_i32_0 = arith.constant 0 : i32
    %c0_i32_1 = arith.constant 0 : i32
    return %c0_i32, %c0_i32_0 : i32, i32
  }
  func.func @transform_4(%arg0: i32) -> (i32, i32) {
    %c0_i32 = arith.constant 0 : i32
    %c0_i32_0 = arith.constant 0 : i32
    %c0_i32_1 = arith.constant 0 : i32
    return %c0_i32, %c0_i32_0 : i32, i32
  }
  func.func @transform_5(%arg0: i32) -> (i32, i32) {
    %c0_i32 = arith.constant 0 : i32
    %c0_i32_0 = arith.constant 0 : i32
    %c0_i32_1 = arith.constant 0 : i32
    return %c0_i32, %c0_i32_0 : i32, i32
  }
  func.func @transform_6(%arg0: i32) -> (i32, i32) {
    %c0_i32 = arith.constant 0 : i32
    %c0_i32_0 = arith.constant 0 : i32
    %c0_i32_1 = arith.constant 0 : i32
    return %c0_i32, %c0_i32_0 : i32, i32
  }
  func.func @transform_7(%arg0: i32) -> (i32, i32) {
    %c0_i32 = arith.constant 0 : i32
    %c0_i32_0 = arith.constant 0 : i32
    %c0_i32_1 = arith.constant 0 : i32
    return %c0_i32, %c0_i32_0 : i32, i32
  }
  func.func @transform_8(%arg0: i32) -> (i32, i32) {
    %c0_i32 = arith.constant 0 : i32
    %c0_i32_0 = arith.constant 0 : i32
    return %arg0, %c0_i32 : i32, i32
  }
  func.func @transform_9(%arg0: i32) -> (i32, i32) {
    %c0_i32 = arith.constant 0 : i32
    %c0_i32_0 = arith.constant 0 : i32
    return %arg0, %c0_i32 : i32, i32
  }
}

module attributes {stable_mosaic.version = 14 : i64} {
  func.func @body(%arg0: i32, %arg1: i32, %arg2: memref<1024x1xf32, #tpu.memory_space<vmem>>, %arg3: memref<1024x1xi32, #tpu.memory_space<vmem>>, %arg4: memref<1024x1xi32, #tpu.memory_space<vmem>>, %arg5: memref<1024x1xi32, #tpu.memory_space<vmem>>, %arg6: memref<1x1024xf32, #tpu.memory_space<vmem>>, %arg7: memref<1x1024xi32, #tpu.memory_space<vmem>>, %arg8: memref<1x1024xi32, #tpu.memory_space<vmem>>, %arg9: memref<1x1024xi32, #tpu.memory_space<vmem>>, %arg10: memref<1024x1xi32, #tpu.memory_space<vmem>>, %arg11: memref<1x128xi32, #tpu.memory_space<vmem>>, %arg12: memref<128x1xi32, #tpu.memory_space<vmem>>) attributes {dimension_semantics = [#tpu.dimension_semantics<arbitrary>, #tpu.dimension_semantics<arbitrary>], iteration_bounds = array<i64: 10, 10>, scalar_prefetch = 0 : i64, scratch_operands = 0 : i64, tpu.core_type = #tpu.core_type<tc>, window_params = [{transform_indices = @transform_0, window_bounds = array<i64: 1024, 1>}, {transform_indices = @transform_1, window_bounds = array<i64: 1024, 1>}, {transform_indices = @transform_2, window_bounds = array<i64: 1024, 1>}, {transform_indices = @transform_3, window_bounds = array<i64: 1024, 1>}, {transform_indices = @transform_4, window_bounds = array<i64: 1, 1024>}, {transform_indices = @transform_5, window_bounds = array<i64: 1, 1024>}, {transform_indices = @transform_6, window_bounds = array<i64: 1, 1024>}, {transform_indices = @transform_7, window_bounds = array<i64: 1, 1024>}, {transform_indices = @transform_8, window_bounds = array<i64: 1024, 1>}, {pipeline_mode = #tpu.pipeline_mode<synchronous>, transform_indices = @transform_9, window_bounds = array<i64: 1, 128>}, {pipeline_mode = #tpu.pipeline_mode<synchronous>, transform_indices = @transform_10, window_bounds = array<i64: 128, 1>}]} {
    %eq3A = arith.constant 0 : i32
    %eq3A_0 = arith.cmpi eq, %arg1, %eq3A : i32
    %convert_element_type3A = arith.extui %eq3A_0 : i1 to i32
    %cond3A = arith.constant 0 : i32
    %cond3A_1 = arith.cmpi ne, %convert_element_type3A, %cond3A : i32
    scf.if %cond3A_1 {
      %broadcast_in_dim3A = arith.constant 0 : i32
      %broadcast_in_dim3A_33 = vector.broadcast %broadcast_in_dim3A : i32 to vector<1024x1xi32>
      %swap3A = arith.constant 0 : index
      %swap3A_34 = arith.constant 0 : index
      %swap3A_35 = vector.load %arg10[%swap3A, %swap3A_34] : memref<1024x1xi32, #tpu.memory_space<vmem>>, vector<1024x1xi32>
      tpu.vector_store %arg10[%swap3A, %swap3A_34], %broadcast_in_dim3A_33 {strides = array<i32>} : memref<1024x1xi32, #tpu.memory_space<vmem>>, vector<1024x1xi32>,
      %get3A_36 = arith.constant 0 : index
      %get3A_37 = arith.constant 0 : index
      %get3A_38 = vector.load %arg3[%get3A_36, %get3A_37] : memref<1024x1xi32, #tpu.memory_space<vmem>>, vector<1024x1xi32>
      %iota3A = tpu.iota {dimensions = array<i32: 1>} : vector<1x128xi32>
      %eq3A_39 = vector.broadcast %get3A_38 : vector<1024x1xi32> to vector<1024x128xi32>
      %eq3A_40 = vector.broadcast %iota3A : vector<1x128xi32> to vector<1024x128xi32>
      %eq3A_41 = arith.cmpi eq, %eq3A_39, %eq3A_40 : vector<1024x128xi32>
      %convert_element_type3A_42 = arith.extui %eq3A_41 : vector<1024x128xi1> to vector<1024x128xi32>
      %eq3A_43 = arith.constant 0 : i32
      %eq3A_44 = arith.cmpi eq, %arg0, %eq3A_43 : i32
      %convert_element_type3A_45 = arith.extui %eq3A_44 : i1 to i32
      %cond3A_46 = arith.constant 0 : i32
      %cond3A_47 = arith.cmpi ne, %convert_element_type3A_45, %cond3A_46 : i32
      scf.if %cond3A_47 {
        %broadcast_in_dim3A_56 = arith.constant 0 : i32
        %broadcast_in_dim3A_57 = vector.broadcast %broadcast_in_dim3A_56 : i32 to vector<1x128xi32>
        %swap3A_58 = arith.constant 0 : index
        %swap3A_59 = arith.constant 0 : index
        %swap3A_60 = vector.load %arg11[%swap3A_58, %swap3A_59] : memref<1x128xi32, #tpu.memory_space<vmem>>, vector<1x128xi32>
        tpu.vector_store %arg11[%swap3A_58, %swap3A_59], %broadcast_in_dim3A_57 {strides = array<i32>} : memref<1x128xi32, #tpu.memory_space<vmem>>, vector<1x128xi32>,
      } else {
      }
      %get3A_48 = arith.constant 0 : index
      %get3A_49 = arith.constant 0 : index
      %get3A_50 = vector.load %arg11[%get3A_48, %get3A_49] : memref<1x128xi32, #tpu.memory_space<vmem>>, vector<1x128xi32>
      %reduce_sum3A = arith.constant dense<0> : vector<128xi32>
      %reduce_sum3A_51 = vector.multi_reduction <add>, %convert_element_type3A_42, %reduce_sum3A [0] : vector<1024x128xi32> to vector<128xi32>
      %broadcast_in_dim3A_52 = vector.shape_cast %reduce_sum3A_51 : vector<128xi32> to vector<1x128xi32>
      %add3A = arith.addi %get3A_50, %broadcast_in_dim3A_52 : vector<1x128xi32>
      %swap3A_53 = arith.constant 0 : index
      %swap3A_54 = arith.constant 0 : index
      %swap3A_55 = vector.load %arg11[%swap3A_53, %swap3A_54] : memref<1x128xi32, #tpu.memory_space<vmem>>, vector<1x128xi32>
      tpu.vector_store %arg11[%swap3A_53, %swap3A_54], %add3A {strides = array<i32>} : memref<1x128xi32, #tpu.memory_space<vmem>>, vector<1x128xi32>,
    } else {
    }
    %eq3A_2 = arith.constant 0 : i32
    %eq3A_3 = arith.cmpi eq, %arg0, %eq3A_2 : i32
    %eq3A_4 = arith.constant 0 : i32
    %eq3A_5 = arith.cmpi eq, %arg1, %eq3A_4 : i32
    %and3A = arith.andi %eq3A_3, %eq3A_5 : i1
    %convert_element_type3A_6 = arith.extui %and3A : i1 to i32
    %cond3A_7 = arith.constant 0 : i32
    %cond3A_8 = arith.cmpi ne, %convert_element_type3A_6, %cond3A_7 : i32
    scf.if %cond3A_8 {
      %broadcast_in_dim3A = arith.constant 0 : i32
      %broadcast_in_dim3A_33 = vector.broadcast %broadcast_in_dim3A : i32 to vector<128x1xi32>
      %swap3A = arith.constant 0 : index
      %swap3A_34 = arith.constant 0 : index
      %swap3A_35 = vector.load %arg12[%swap3A, %swap3A_34] : memref<128x1xi32, #tpu.memory_space<vmem>>, vector<128x1xi32>
      tpu.vector_store %arg12[%swap3A, %swap3A_34], %broadcast_in_dim3A_33 {strides = array<i32>} : memref<128x1xi32, #tpu.memory_space<vmem>>, vector<128x1xi32>,
    } else {
    }
    %eq3A_9 = arith.constant 0 : i32
    %eq3A_10 = arith.cmpi eq, %arg0, %eq3A_9 : i32
    %convert_element_type3A_11 = arith.extui %eq3A_10 : i1 to i32
    %cond3A_12 = arith.constant 0 : i32
    %cond3A_13 = arith.cmpi ne, %convert_element_type3A_11, %cond3A_12 : i32
    scf.if %cond3A_13 {
      %get3A_33 = arith.constant 0 : index
      %get3A_34 = arith.constant 0 : index
      %get3A_35 = vector.load %arg7[%get3A_33, %get3A_34] : memref<1x1024xi32, #tpu.memory_space<vmem>>, vector<1x1024xi32>
      %iota3A = tpu.iota {dimensions = array<i32: 0>} : vector<128x1xi32>
      %eq3A_36 = vector.broadcast %get3A_35 : vector<1x1024xi32> to vector<128x1024xi32>
      %eq3A_37 = vector.broadcast %iota3A : vector<128x1xi32> to vector<128x1024xi32>
      %eq3A_38 = arith.cmpi eq, %eq3A_36, %eq3A_37 : vector<128x1024xi32>
      %convert_element_type3A_39 = arith.extui %eq3A_38 : vector<128x1024xi1> to vector<128x1024xi32>
      %get3A_40 = arith.constant 0 : index
      %get3A_41 = arith.constant 0 : index
      %get3A_42 = vector.load %arg12[%get3A_40, %get3A_41] : memref<128x1xi32, #tpu.memory_space<vmem>>, vector<128x1xi32>
      %reduce_sum3A = arith.constant dense<0> : vector<128xi32>
      %reduce_sum3A_43 = vector.multi_reduction <add>, %convert_element_type3A_39, %reduce_sum3A [1] : vector<128x1024xi32> to vector<128xi32>
      %broadcast_in_dim3A = vector.shape_cast %reduce_sum3A_43 : vector<128xi32> to vector<128x1xi32>
      %add3A = arith.addi %get3A_42, %broadcast_in_dim3A : vector<128x1xi32>
      %swap3A = arith.constant 0 : index
      %swap3A_44 = arith.constant 0 : index
      %swap3A_45 = vector.load %arg12[%swap3A, %swap3A_44] : memref<128x1xi32, #tpu.memory_space<vmem>>, vector<128x1xi32>
      tpu.vector_store %arg12[%swap3A, %swap3A_44], %add3A {strides = array<i32>} : memref<128x1xi32, #tpu.memory_space<vmem>>, vector<128x1xi32>,
    } else {
    }
    %get3A = arith.constant 0 : index
    %get3A_14 = arith.constant 0 : index
    %get3A_15 = vector.load %arg4[%get3A, %get3A_14] : memref<1024x1xi32, #tpu.memory_space<vmem>>, vector<1x1xi32>
    %get3A_16 = vector.extract %get3A_15[0, 0] : i32 from vector<1x1xi32>
    %get3A_17 = arith.constant 1023 : index
    %get3A_18 = arith.constant 0 : index
    %get3A_19 = vector.load %arg4[%get3A_17, %get3A_18] : memref<1024x1xi32, #tpu.memory_space<vmem>>, vector<1x1xi32>
    %get3A_20 = vector.extract %get3A_19[0, 0] : i32 from vector<1x1xi32>
    %get3A_21 = arith.constant 0 : index
    %get3A_22 = arith.constant 0 : index
    %get3A_23 = vector.load %arg8[%get3A_21, %get3A_22] : memref<1x1024xi32, #tpu.memory_space<vmem>>, vector<1x1xi32>
    %get3A_24 = vector.extract %get3A_23[0, 0] : i32 from vector<1x1xi32>
    %get3A_25 = arith.constant 0 : index
    %get3A_26 = arith.constant 1023 : index
    %get3A_27 = vector.load %arg8[%get3A_25, %get3A_26] : memref<1x1024xi32, #tpu.memory_space<vmem>>, vector<1x1xi32>
    %get3A_28 = vector.extract %get3A_27[0, 0] : i32 from vector<1x1xi32>
    %le3A = arith.cmpi sle, %get3A_24, %get3A_20 : i32
    %ge3A = arith.cmpi sge, %get3A_28, %get3A_16 : i32
    %and3A_29 = arith.andi %le3A, %ge3A : i1
    %convert_element_type3A_30 = arith.extui %and3A_29 : i1 to i32
    %cond3A_31 = arith.constant 0 : i32
    %cond3A_32 = arith.cmpi ne, %convert_element_type3A_30, %cond3A_31 : i32
    scf.if %cond3A_32 {
      %get3A_33 = arith.constant 0 : index
      %get3A_34 = arith.constant 0 : index
      %get3A_35 = vector.load %arg2[%get3A_33, %get3A_34] : memref<1024x1xf32, #tpu.memory_space<vmem>>, vector<1024x1xf32>
      %get3A_36 = arith.constant 0 : index
      %get3A_37 = arith.constant 0 : index
      %get3A_38 = vector.load %arg5[%get3A_36, %get3A_37] : memref<1024x1xi32, #tpu.memory_space<vmem>>, vector<1024x1xi32>
      %get3A_39 = arith.constant 0 : index
      %get3A_40 = arith.constant 0 : index
      %get3A_41 = vector.load %arg3[%get3A_39, %get3A_40] : memref<1024x1xi32, #tpu.memory_space<vmem>>, vector<1024x1xi32>
      %get3A_42 = arith.constant 0 : index
      %get3A_43 = arith.constant 0 : index
      %get3A_44 = vector.load %arg6[%get3A_42, %get3A_43] : memref<1x1024xf32, #tpu.memory_space<vmem>>, vector<1x1024xf32>
      %get3A_45 = arith.constant 0 : index
      %get3A_46 = arith.constant 0 : index
      %get3A_47 = vector.load %arg9[%get3A_45, %get3A_46] : memref<1x1024xi32, #tpu.memory_space<vmem>>, vector<1x1024xi32>
      %get3A_48 = arith.constant 0 : index
      %get3A_49 = arith.constant 0 : index
      %get3A_50 = vector.load %arg7[%get3A_48, %get3A_49] : memref<1x1024xi32, #tpu.memory_space<vmem>>, vector<1x1024xi32>
      %gt3A = vector.broadcast %get3A_44 : vector<1x1024xf32> to vector<1024x1024xf32>
      %gt3A_51 = vector.broadcast %get3A_35 : vector<1024x1xf32> to vector<1024x1024xf32>
      %gt3A_52 = arith.cmpf ogt, %gt3A, %gt3A_51 : vector<1024x1024xf32>
      %eq3A_53 = vector.broadcast %get3A_44 : vector<1x1024xf32> to vector<1024x1024xf32>
      %eq3A_54 = vector.broadcast %get3A_35 : vector<1024x1xf32> to vector<1024x1024xf32>
      %eq3A_55 = arith.cmpf oeq, %eq3A_53, %eq3A_54 : vector<1024x1024xf32>
      %lt3A = vector.broadcast %get3A_47 : vector<1x1024xi32> to vector<1024x1024xi32>
      %lt3A_56 = vector.broadcast %get3A_38 : vector<1024x1xi32> to vector<1024x1024xi32>
      %lt3A_57 = arith.cmpi slt, %lt3A, %lt3A_56 : vector<1024x1024xi32>
      %and3A_58 = arith.andi %eq3A_55, %lt3A_57 : vector<1024x1024xi1>
      %or3A = arith.ori %gt3A_52, %and3A_58 : vector<1024x1024xi1>
      %eq3A_59 = vector.broadcast %get3A_50 : vector<1x1024xi32> to vector<1024x1024xi32>
      %eq3A_60 = vector.broadcast %get3A_41 : vector<1024x1xi32> to vector<1024x1024xi32>
      %eq3A_61 = arith.cmpi eq, %eq3A_59, %eq3A_60 : vector<1024x1024xi32>
      %and3A_62 = arith.andi %or3A, %eq3A_61 : vector<1024x1024xi1>
      %convert_element_type3A_63 = arith.extui %and3A_62 : vector<1024x1024xi1> to vector<1024x1024xi32>
      %get3A_64 = arith.constant 0 : index
      %get3A_65 = arith.constant 0 : index
      %get3A_66 = vector.load %arg10[%get3A_64, %get3A_65] : memref<1024x1xi32, #tpu.memory_space<vmem>>, vector<1024x1xi32>
      %reduce_sum3A = arith.constant dense<0> : vector<1024xi32>
      %reduce_sum3A_67 = vector.multi_reduction <add>, %convert_element_type3A_63, %reduce_sum3A [1] : vector<1024x1024xi32> to vector<1024xi32>
      %broadcast_in_dim3A = vector.shape_cast %reduce_sum3A_67 : vector<1024xi32> to vector<1024x1xi32>
      %add3A = arith.addi %get3A_66, %broadcast_in_dim3A : vector<1024x1xi32>
      %swap3A = arith.constant 0 : index
      %swap3A_68 = arith.constant 0 : index
      %swap3A_69 = vector.load %arg10[%swap3A, %swap3A_68] : memref<1024x1xi32, #tpu.memory_space<vmem>>, vector<1024x1xi32>
      tpu.vector_store %arg10[%swap3A, %swap3A_68], %add3A {strides = array<i32>} : memref<1024x1xi32, #tpu.memory_space<vmem>>, vector<1024x1xi32>,
    } else {
    }
    return
  }
  func.func @transform_0(%arg0: i32, %arg1: i32) -> (i32, i32) {
    %c0_i32 = arith.constant 0 : i32
    %c0_i32_0 = arith.constant 0 : i32
    return %arg0, %c0_i32 : i32, i32
  }
  func.func @transform_1(%arg0: i32, %arg1: i32) -> (i32, i32) {
    %c0_i32 = arith.constant 0 : i32
    %c0_i32_0 = arith.constant 0 : i32
    return %arg0, %c0_i32 : i32, i32
  }
  func.func @transform_2(%arg0: i32, %arg1: i32) -> (i32, i32) {
    %c0_i32 = arith.constant 0 : i32
    %c0_i32_0 = arith.constant 0 : i32
    return %arg0, %c0_i32 : i32, i32
  }
  func.func @transform_3(%arg0: i32, %arg1: i32) -> (i32, i32) {
    %c0_i32 = arith.constant 0 : i32
    %c0_i32_0 = arith.constant 0 : i32
    return %arg0, %c0_i32 : i32, i32
  }
  func.func @transform_4(%arg0: i32, %arg1: i32) -> (i32, i32) {
    %c0_i32 = arith.constant 0 : i32
    %c0_i32_0 = arith.constant 0 : i32
    return %c0_i32, %arg1 : i32, i32
  }
  func.func @transform_5(%arg0: i32, %arg1: i32) -> (i32, i32) {
    %c0_i32 = arith.constant 0 : i32
    %c0_i32_0 = arith.constant 0 : i32
    return %c0_i32, %arg1 : i32, i32
  }
  func.func @transform_6(%arg0: i32, %arg1: i32) -> (i32, i32) {
    %c0_i32 = arith.constant 0 : i32
    %c0_i32_0 = arith.constant 0 : i32
    return %c0_i32, %arg1 : i32, i32
  }
  func.func @transform_7(%arg0: i32, %arg1: i32) -> (i32, i32) {
    %c0_i32 = arith.constant 0 : i32
    %c0_i32_0 = arith.constant 0 : i32
    return %c0_i32, %arg1 : i32, i32
  }
  func.func @transform_8(%arg0: i32, %arg1: i32) -> (i32, i32) {
    %c0_i32 = arith.constant 0 : i32
    %c0_i32_0 = arith.constant 0 : i32
    return %arg0, %c0_i32 : i32, i32
  }
  func.func @transform_9(%arg0: i32, %arg1: i32) -> (i32, i32) {
    %c0_i32 = arith.constant 0 : i32
    %c0_i32_0 = arith.constant 0 : i32
    %c0_i32_1 = arith.constant 0 : i32
    return %c0_i32, %c0_i32_0 : i32, i32
  }
  func.func @transform_10(%arg0: i32, %arg1: i32) -> (i32, i32) {
    %c0_i32 = arith.constant 0 : i32
    %c0_i32_0 = arith.constant 0 : i32
    %c0_i32_1 = arith.constant 0 : i32
    return %c0_i32, %c0_i32_0 : i32, i32
  }
}

module attributes {stable_mosaic.version = 14 : i64} {
  func.func @body(%arg0: i32, %arg1: memref<1024x128xf32, #tpu.memory_space<vmem>>, %arg2: memref<1024x1xf32, #tpu.memory_space<vmem>>, %arg3: memref<1024x1xi32, #tpu.memory_space<vmem>>, %arg4: memref<1x128xi32, #tpu.memory_space<vmem>>, %arg5: memref<1024x1xi32, #tpu.memory_space<vmem>>, %arg6: memref<1024x1xi32, #tpu.memory_space<vmem>>, %arg7: memref<1024x128xf32, #tpu.memory_space<vmem>>, %arg8: memref<1024x1xi32, #tpu.memory_space<vmem>>, %arg9: memref<64x128xf32, #tpu.memory_space<vmem>>, %arg10: memref<64x128xf32, #tpu.memory_space<vmem>>) attributes {dimension_semantics = [#tpu.dimension_semantics<arbitrary>], iteration_bounds = array<i64: 10>, scalar_prefetch = 0 : i64, scratch_operands = 0 : i64, tpu.core_type = #tpu.core_type<tc>, window_params = [{transform_indices = @transform_0, window_bounds = array<i64: 1024, 128>}, {transform_indices = @transform_1, window_bounds = array<i64: 1024, 1>}, {transform_indices = @transform_2, window_bounds = array<i64: 1024, 1>}, {pipeline_mode = #tpu.pipeline_mode<synchronous>, transform_indices = @transform_3, window_bounds = array<i64: 1, 128>}, {transform_indices = @transform_4, window_bounds = array<i64: 1024, 1>}, {transform_indices = @transform_5, window_bounds = array<i64: 1024, 1>}, {transform_indices = @transform_6, window_bounds = array<i64: 1024, 128>}, {transform_indices = @transform_7, window_bounds = array<i64: 1024, 1>}, {pipeline_mode = #tpu.pipeline_mode<synchronous>, transform_indices = @transform_8, window_bounds = array<i64: 64, 128>}, {pipeline_mode = #tpu.pipeline_mode<synchronous>, transform_indices = @transform_9, window_bounds = array<i64: 64, 128>}]} {
    %eq3A = arith.constant 0 : i32
    %eq3A_0 = arith.cmpi eq, %arg0, %eq3A : i32
    %convert_element_type3A = arith.extui %eq3A_0 : i1 to i32
    %cond3A = arith.constant 0 : i32
    %cond3A_1 = arith.cmpi ne, %convert_element_type3A, %cond3A : i32
    scf.if %cond3A_1 {
      %broadcast_in_dim3A_65 = arith.constant 0xFF800000 : f32
      %broadcast_in_dim3A_66 = vector.broadcast %broadcast_in_dim3A_65 : f32 to vector<64x128xf32>
      %swap3A_67 = arith.constant 0 : index
      %swap3A_68 = arith.constant 0 : index
      %swap3A_69 = vector.load %arg9[%swap3A_67, %swap3A_68] : memref<64x128xf32, #tpu.memory_space<vmem>>, vector<64x128xf32>
      tpu.vector_store %arg9[%swap3A_67, %swap3A_68], %broadcast_in_dim3A_66 {strides = array<i32>} : memref<64x128xf32, #tpu.memory_space<vmem>>, vector<64x128xf32>,
      %broadcast_in_dim3A_70 = arith.constant 0.000000e+00 : f32
      %broadcast_in_dim3A_71 = vector.broadcast %broadcast_in_dim3A_70 : f32 to vector<64x128xf32>
      %swap3A_72 = arith.constant 0 : index
      %swap3A_73 = arith.constant 0 : index
      %swap3A_74 = vector.load %arg10[%swap3A_72, %swap3A_73] : memref<64x128xf32, #tpu.memory_space<vmem>>, vector<64x128xf32>
      tpu.vector_store %arg10[%swap3A_72, %swap3A_73], %broadcast_in_dim3A_71 {strides = array<i32>} : memref<64x128xf32, #tpu.memory_space<vmem>>, vector<64x128xf32>,
    } else {
    }
    %get3A = arith.constant 0 : index
    %get3A_2 = arith.constant 0 : index
    %get3A_3 = vector.load %arg4[%get3A, %get3A_2] : memref<1x128xi32, #tpu.memory_space<vmem>>, vector<1x128xi32>
    %convert_element_type3A_4 = arith.sitofp %get3A_3 : vector<1x128xi32> to vector<1x128xf32>
    %mul3A = arith.constant 8.000000e-01 : f32
    %mul3A_5 = vector.broadcast %mul3A : f32 to vector<1x128xf32>
    %mul3A_6 = arith.mulf %convert_element_type3A_4, %mul3A_5 : vector<1x128xf32>
    %ceil3A = math.ceil %mul3A_6 : vector<1x128xf32>
    %convert_element_type3A_7 = arith.fptosi %ceil3A : vector<1x128xf32> to vector<1x128xi32>
    %get3A_8 = arith.constant 0 : index
    %get3A_9 = arith.constant 0 : index
    %get3A_10 = vector.load %arg5[%get3A_8, %get3A_9] : memref<1024x1xi32, #tpu.memory_space<vmem>>, vector<1024x1xi32>
    %iota3A = tpu.iota {dimensions = array<i32: 1>} : vector<1x128xi32>
    %eq3A_11 = vector.broadcast %get3A_10 : vector<1024x1xi32> to vector<1024x128xi32>
    %eq3A_12 = vector.broadcast %iota3A : vector<1x128xi32> to vector<1024x128xi32>
    %eq3A_13 = arith.cmpi eq, %eq3A_11, %eq3A_12 : vector<1024x128xi32>
    %jit3A = arith.constant 0 : i32
    %broadcast_in_dim3A = vector.shape_cast %convert_element_type3A_7 : vector<1x128xi32> to vector<1x128xi32>
    %broadcast_in_dim3A_14 = vector.broadcast %broadcast_in_dim3A : vector<1x128xi32> to vector<1024x128xi32>
    %broadcast_in_dim3A_15 = vector.broadcast %jit3A : i32 to vector<1024x128xi32>
    %select_n3A = arith.select %eq3A_13, %broadcast_in_dim3A_14, %broadcast_in_dim3A_15 : vector<1024x128xi1>, vector<1024x128xi32>
    %reduce_sum3A = arith.constant dense<0> : vector<1024xi32>
    %reduce_sum3A_16 = vector.multi_reduction <add>, %select_n3A, %reduce_sum3A [1] : vector<1024x128xi32> to vector<1024xi32>
    %broadcast_in_dim3A_17 = vector.shape_cast %reduce_sum3A_16 : vector<1024xi32> to vector<1024x1xi32>
    %get3A_18 = arith.constant 0 : index
    %get3A_19 = arith.constant 0 : index
    %get3A_20 = vector.load %arg3[%get3A_18, %get3A_19] : memref<1024x1xi32, #tpu.memory_space<vmem>>, vector<1024x1xi32>
    %get3A_21 = arith.constant 0 : index
    %get3A_22 = arith.constant 0 : index
    %get3A_23 = vector.load %arg2[%get3A_21, %get3A_22] : memref<1024x1xf32, #tpu.memory_space<vmem>>, vector<1024x1xf32>
    %lt3A = arith.cmpi slt, %get3A_20, %broadcast_in_dim3A_17 : vector<1024x1xi32>
    %lt3A_24 = arith.constant 64 : i32
    %lt3A_25 = vector.broadcast %lt3A_24 : i32 to vector<1024x1xi32>
    %lt3A_26 = arith.cmpi slt, %get3A_10, %lt3A_25 : vector<1024x1xi32>
    %and3A = arith.andi %lt3A, %lt3A_26 : vector<1024x1xi1>
    %get3A_27 = arith.constant 0 : index
    %get3A_28 = arith.constant 0 : index
    %get3A_29 = vector.load %arg1[%get3A_27, %get3A_28] : memref<1024x128xf32, #tpu.memory_space<vmem>>, vector<1024x128xf32>
    %mul3A_30 = vector.broadcast %get3A_23 : vector<1024x1xf32> to vector<1024x128xf32>
    %mul3A_31 = arith.mulf %get3A_29, %mul3A_30 : vector<1024x128xf32>
    %jit3A_32 = arith.constant 0.000000e+00 : f32
    %broadcast_in_dim3A_33 = vector.shape_cast %and3A : vector<1024x1xi1> to vector<1024x1xi1>
    %broadcast_in_dim3A_34 = vector.broadcast %broadcast_in_dim3A_33 : vector<1024x1xi1> to vector<1024x128xi1>
    %broadcast_in_dim3A_35 = vector.broadcast %jit3A_32 : f32 to vector<1024x128xf32>
    %select_n3A_36 = arith.select %broadcast_in_dim3A_34, %mul3A_31, %broadcast_in_dim3A_35 : vector<1024x128xi1>, vector<1024x128xf32>
    %swap3A = arith.constant 0 : index
    %swap3A_37 = arith.constant 0 : index
    %swap3A_38 = vector.load %arg7[%swap3A, %swap3A_37] : memref<1024x128xf32, #tpu.memory_space<vmem>>, vector<1024x128xf32>
    tpu.vector_store %arg7[%swap3A, %swap3A_37], %select_n3A_36 {strides = array<i32>} : memref<1024x128xf32, #tpu.memory_space<vmem>>, vector<1024x128xf32>,
    %jit3A_39 = arith.constant 64 : i32
    %broadcast_in_dim3A_40 = vector.broadcast %jit3A_39 : i32 to vector<1024x1xi32>
    %select_n3A_41 = arith.select %and3A, %get3A_10, %broadcast_in_dim3A_40 : vector<1024x1xi1>, vector<1024x1xi32>
    %swap3A_42 = arith.constant 0 : index
    %swap3A_43 = arith.constant 0 : index
    %swap3A_44 = vector.load %arg8[%swap3A_42, %swap3A_43] : memref<1024x1xi32, #tpu.memory_space<vmem>>, vector<1024x1xi32>
    tpu.vector_store %arg8[%swap3A_42, %swap3A_43], %select_n3A_41 {strides = array<i32>} : memref<1024x1xi32, #tpu.memory_space<vmem>>, vector<1024x1xi32>,
    %get3A_45 = arith.constant 0 : index
    %get3A_46 = arith.constant 0 : index
    %get3A_47 = vector.load %arg6[%get3A_45, %get3A_46] : memref<1024x1xi32, #tpu.memory_space<vmem>>, vector<1x1xi32>
    %get3A_48 = vector.extract %get3A_47[0, 0] : i32 from vector<1x1xi32>
    %get3A_49 = arith.constant 1023 : index
    %get3A_50 = arith.constant 0 : index
    %get3A_51 = vector.load %arg6[%get3A_49, %get3A_50] : memref<1024x1xi32, #tpu.memory_space<vmem>>, vector<1x1xi32>
    %get3A_52 = vector.extract %get3A_51[0, 0] : i32 from vector<1x1xi32>
    %min3A = arith.constant 63 : i32
    %min3A_53 = arith.minsi %get3A_52, %min3A : i32
    %add3A = arith.constant 1 : i32
    %add3A_54 = arith.addi %min3A_53, %add3A : i32
    %while3A = arith.constant 0 : i32
    %while3A_55 = arith.subi %add3A_54, %get3A_48 : i32
    %while3A_56 = arith.addi %get3A_48, %while3A_55 : i32
    %while3A_57 = arith.constant 1 : i32
    %while3A_58 = arith.divsi %while3A_55, %while3A_57 : i32
    %while3A_59 = arith.muli %while3A_58, %while3A_57 : i32
    %while3A_60 = arith.addi %get3A_48, %while3A_59 : i32
    %while3A_61 = arith.constant 1 : i32
    %while3A_62 = scf.for %while3A_65 = %get3A_48 to %while3A_60 step %while3A_61 iter_args(%while3A_66 = %while3A) -> (i32)  : i32 {
      %eq3A_67 = vector.broadcast %while3A_65 : i32 to vector<1024x1xi32>
      %eq3A_68 = arith.cmpi eq, %select_n3A_41, %eq3A_67 : vector<1024x1xi32>
      %jit3A_69 = arith.constant 0xFF800000 : f32
      %broadcast_in_dim3A_70 = vector.shape_cast %eq3A_68 : vector<1024x1xi1> to vector<1024x1xi1>
      %broadcast_in_dim3A_71 = vector.broadcast %broadcast_in_dim3A_70 : vector<1024x1xi1> to vector<1024x128xi1>
      %broadcast_in_dim3A_72 = vector.broadcast %jit3A_69 : f32 to vector<1024x128xf32>
      %select_n3A_73 = arith.select %broadcast_in_dim3A_71, %select_n3A_36, %broadcast_in_dim3A_72 : vector<1024x128xi1>, vector<1024x128xf32>
      %get3A_74 = arith.index_cast %while3A_65 : i32 to index
      %get3A_75 = arith.constant 0 : index
      %get3A_76 = vector.load %arg9[%get3A_74, %get3A_75] : memref<64x128xf32, #tpu.memory_space<vmem>>, vector<1x128xf32>
      %reduce_max3A = arith.constant dense<0xFF800000> : vector<128xf32>
      %reduce_max3A_77 = vector.multi_reduction <maximumf>, %select_n3A_73, %reduce_max3A [0] : vector<1024x128xf32> to vector<128xf32>
      %broadcast_in_dim3A_78 = vector.shape_cast %reduce_max3A_77 : vector<128xf32> to vector<1x128xf32>
      %max3A = arith.maximumf %get3A_76, %broadcast_in_dim3A_78 : vector<1x128xf32>
      %swap3A_79 = arith.index_cast %while3A_65 : i32 to index
      %swap3A_80 = arith.constant 0 : index
      %swap3A_81 = vector.load %arg9[%swap3A_79, %swap3A_80] : memref<64x128xf32, #tpu.memory_space<vmem>>, vector<1x128xf32>
      tpu.vector_store %arg9[%swap3A_79, %swap3A_80], %max3A {strides = array<i32>} : memref<64x128xf32, #tpu.memory_space<vmem>>, vector<1x128xf32>,
      %get3A_82 = arith.index_cast %while3A_65 : i32 to index
      %get3A_83 = arith.constant 0 : index
      %get3A_84 = vector.load %arg10[%get3A_82, %get3A_83] : memref<64x128xf32, #tpu.memory_space<vmem>>, vector<1x128xf32>
      %jit3A_85 = arith.constant 0.000000e+00 : f32
      %broadcast_in_dim3A_86 = vector.shape_cast %eq3A_68 : vector<1024x1xi1> to vector<1024x1xi1>
      %broadcast_in_dim3A_87 = vector.broadcast %broadcast_in_dim3A_86 : vector<1024x1xi1> to vector<1024x128xi1>
      %broadcast_in_dim3A_88 = vector.broadcast %jit3A_85 : f32 to vector<1024x128xf32>
      %select_n3A_89 = arith.select %broadcast_in_dim3A_87, %select_n3A_36, %broadcast_in_dim3A_88 : vector<1024x128xi1>, vector<1024x128xf32>
      %reduce_sum3A_90 = arith.constant dense<0.000000e+00> : vector<128xf32>
      %reduce_sum3A_91 = vector.multi_reduction <add>, %select_n3A_89, %reduce_sum3A_90 [0] : vector<1024x128xf32> to vector<128xf32>
      %broadcast_in_dim3A_92 = vector.shape_cast %reduce_sum3A_91 : vector<128xf32> to vector<1x128xf32>
      %add3A_93 = arith.addf %get3A_84, %broadcast_in_dim3A_92 : vector<1x128xf32>
      %swap3A_94 = arith.index_cast %while3A_65 : i32 to index
      %swap3A_95 = arith.constant 0 : index
      %swap3A_96 = vector.load %arg10[%swap3A_94, %swap3A_95] : memref<64x128xf32, #tpu.memory_space<vmem>>, vector<1x128xf32>
      tpu.vector_store %arg10[%swap3A_94, %swap3A_95], %add3A_93 {strides = array<i32>} : memref<64x128xf32, #tpu.memory_space<vmem>>, vector<1x128xf32>,
      %while3A_97 = arith.constant 0 : i32
      scf.yield %while3A_97 : i32
    }
    %while3A_63 = arith.constant 1 : i32
    %while3A_64 = scf.for %while3A_65 = %while3A_60 to %while3A_56 step %while3A_63 iter_args(%while3A_66 = %while3A_62) -> (i32)  : i32 {
      %eq3A_67 = vector.broadcast %while3A_65 : i32 to vector<1024x1xi32>
      %eq3A_68 = arith.cmpi eq, %select_n3A_41, %eq3A_67 : vector<1024x1xi32>
      %jit3A_69 = arith.constant 0xFF800000 : f32
      %broadcast_in_dim3A_70 = vector.shape_cast %eq3A_68 : vector<1024x1xi1> to vector<1024x1xi1>
      %broadcast_in_dim3A_71 = vector.broadcast %broadcast_in_dim3A_70 : vector<1024x1xi1> to vector<1024x128xi1>
      %broadcast_in_dim3A_72 = vector.broadcast %jit3A_69 : f32 to vector<1024x128xf32>
      %select_n3A_73 = arith.select %broadcast_in_dim3A_71, %select_n3A_36, %broadcast_in_dim3A_72 : vector<1024x128xi1>, vector<1024x128xf32>
      %get3A_74 = arith.index_cast %while3A_65 : i32 to index
      %get3A_75 = arith.constant 0 : index
      %get3A_76 = vector.load %arg9[%get3A_74, %get3A_75] : memref<64x128xf32, #tpu.memory_space<vmem>>, vector<1x128xf32>
      %reduce_max3A = arith.constant dense<0xFF800000> : vector<128xf32>
      %reduce_max3A_77 = vector.multi_reduction <maximumf>, %select_n3A_73, %reduce_max3A [0] : vector<1024x128xf32> to vector<128xf32>
      %broadcast_in_dim3A_78 = vector.shape_cast %reduce_max3A_77 : vector<128xf32> to vector<1x128xf32>
      %max3A = arith.maximumf %get3A_76, %broadcast_in_dim3A_78 : vector<1x128xf32>
      %swap3A_79 = arith.index_cast %while3A_65 : i32 to index
      %swap3A_80 = arith.constant 0 : index
      %swap3A_81 = vector.load %arg9[%swap3A_79, %swap3A_80] : memref<64x128xf32, #tpu.memory_space<vmem>>, vector<1x128xf32>
      tpu.vector_store %arg9[%swap3A_79, %swap3A_80], %max3A {strides = array<i32>} : memref<64x128xf32, #tpu.memory_space<vmem>>, vector<1x128xf32>,
      %get3A_82 = arith.index_cast %while3A_65 : i32 to index
      %get3A_83 = arith.constant 0 : index
      %get3A_84 = vector.load %arg10[%get3A_82, %get3A_83] : memref<64x128xf32, #tpu.memory_space<vmem>>, vector<1x128xf32>
      %jit3A_85 = arith.constant 0.000000e+00 : f32
      %broadcast_in_dim3A_86 = vector.shape_cast %eq3A_68 : vector<1024x1xi1> to vector<1024x1xi1>
      %broadcast_in_dim3A_87 = vector.broadcast %broadcast_in_dim3A_86 : vector<1024x1xi1> to vector<1024x128xi1>
      %broadcast_in_dim3A_88 = vector.broadcast %jit3A_85 : f32 to vector<1024x128xf32>
      %select_n3A_89 = arith.select %broadcast_in_dim3A_87, %select_n3A_36, %broadcast_in_dim3A_88 : vector<1024x128xi1>, vector<1024x128xf32>
      %reduce_sum3A_90 = arith.constant dense<0.000000e+00> : vector<128xf32>
      %reduce_sum3A_91 = vector.multi_reduction <add>, %select_n3A_89, %reduce_sum3A_90 [0] : vector<1024x128xf32> to vector<128xf32>
      %broadcast_in_dim3A_92 = vector.shape_cast %reduce_sum3A_91 : vector<128xf32> to vector<1x128xf32>
      %add3A_93 = arith.addf %get3A_84, %broadcast_in_dim3A_92 : vector<1x128xf32>
      %swap3A_94 = arith.index_cast %while3A_65 : i32 to index
      %swap3A_95 = arith.constant 0 : index
      %swap3A_96 = vector.load %arg10[%swap3A_94, %swap3A_95] : memref<64x128xf32, #tpu.memory_space<vmem>>, vector<1x128xf32>
      tpu.vector_store %arg10[%swap3A_94, %swap3A_95], %add3A_93 {strides = array<i32>} : memref<64x128xf32, #tpu.memory_space<vmem>>, vector<1x128xf32>,
      %while3A_97 = arith.constant 0 : i32
      scf.yield %while3A_97 : i32
    }
    return
  }
  func.func @transform_0(%arg0: i32) -> (i32, i32) {
    %c0_i32 = arith.constant 0 : i32
    %c0_i32_0 = arith.constant 0 : i32
    return %arg0, %c0_i32 : i32, i32
  }
  func.func @transform_1(%arg0: i32) -> (i32, i32) {
    %c0_i32 = arith.constant 0 : i32
    %c0_i32_0 = arith.constant 0 : i32
    return %arg0, %c0_i32 : i32, i32
  }
  func.func @transform_2(%arg0: i32) -> (i32, i32) {
    %c0_i32 = arith.constant 0 : i32
    %c0_i32_0 = arith.constant 0 : i32
    return %arg0, %c0_i32 : i32, i32
  }
  func.func @transform_3(%arg0: i32) -> (i32, i32) {
    %c0_i32 = arith.constant 0 : i32
    %c0_i32_0 = arith.constant 0 : i32
    %c0_i32_1 = arith.constant 0 : i32
    return %c0_i32, %c0_i32_0 : i32, i32
  }
  func.func @transform_4(%arg0: i32) -> (i32, i32) {
    %c0_i32 = arith.constant 0 : i32
    %c0_i32_0 = arith.constant 0 : i32
    return %arg0, %c0_i32 : i32, i32
  }
  func.func @transform_5(%arg0: i32) -> (i32, i32) {
    %c0_i32 = arith.constant 0 : i32
    %c0_i32_0 = arith.constant 0 : i32
    return %arg0, %c0_i32 : i32, i32
  }
  func.func @transform_6(%arg0: i32) -> (i32, i32) {
    %c0_i32 = arith.constant 0 : i32
    %c0_i32_0 = arith.constant 0 : i32
    return %arg0, %c0_i32 : i32, i32
  }
  func.func @transform_7(%arg0: i32) -> (i32, i32) {
    %c0_i32 = arith.constant 0 : i32
    %c0_i32_0 = arith.constant 0 : i32
    return %arg0, %c0_i32 : i32, i32
  }
  func.func @transform_8(%arg0: i32) -> (i32, i32) {
    %c0_i32 = arith.constant 0 : i32
    %c0_i32_0 = arith.constant 0 : i32
    %c0_i32_1 = arith.constant 0 : i32
    return %c0_i32, %c0_i32_0 : i32, i32
  }
  func.func @transform_9(%arg0: i32) -> (i32, i32) {
    %c0_i32 = arith.constant 0 : i32
    %c0_i32_0 = arith.constant 0 : i32
    %c0_i32_1 = arith.constant 0 : i32
    return %c0_i32, %c0_i32_0 : i32, i32
  }
}

module attributes {stable_mosaic.version = 14 : i64} {
  func.func @body(%arg0: memref<64x128xf32, #tpu.memory_space<vmem>>, %arg1: memref<64x128xf32, #tpu.memory_space<vmem>>, %arg2: memref<128x1xi32, #tpu.memory_space<vmem>>, %arg3: memref<64x128xf32, #tpu.memory_space<vmem>>, %arg4: memref<64x128xf32, #tpu.memory_space<vmem>>, %arg5: memref<128x1xi32, #tpu.memory_space<vmem>>, %arg6: memref<64x128xf32, #tpu.memory_space<vmem>>, %arg7: memref<64x128xf32, #tpu.memory_space<vmem>>, %arg8: memref<128x1xi32, #tpu.memory_space<vmem>>, %arg9: memref<128x128xf32, #tpu.memory_space<vmem>>, %arg10: memref<128x128xf32, #tpu.memory_space<vmem>>, %arg11: memref<1x128xf32, #tpu.memory_space<vmem>>, %arg12: memref<128x64xf32, #tpu.memory_space<vmem>>, %arg13: memref<1x64xf32, #tpu.memory_space<vmem>>, %arg14: memref<64x16xf32, #tpu.memory_space<vmem>>, %arg15: memref<1x16xf32, #tpu.memory_space<vmem>>, %arg16: memref<64x16xf32, #tpu.memory_space<vmem>>) attributes {dimension_semantics = [], scalar_prefetch = 0 : i64, scratch_operands = 0 : i64, tpu.core_type = #tpu.core_type<tc>} {
    %get3A = arith.constant 0 : index
    %get3A_0 = arith.constant 0 : index
    %get3A_1 = vector.load %arg2[%get3A, %get3A_0] : memref<128x1xi32, #tpu.memory_space<vmem>>, vector<128x1xi32>
    %convert_element_type3A = arith.sitofp %get3A_1 : vector<128x1xi32> to vector<128x1xf32>
    %mul3A = arith.constant 8.000000e-01 : f32
    %mul3A_2 = vector.broadcast %mul3A : f32 to vector<128x1xf32>
    %mul3A_3 = arith.mulf %convert_element_type3A, %mul3A_2 : vector<128x1xf32>
    %ceil3A = math.ceil %mul3A_3 : vector<128x1xf32>
    %slice3A = vector.extract_strided_slice %ceil3A {offsets = [0, 0], sizes = [64, 1], strides = [1, 1]} : vector<128x1xf32> to vector<64x1xf32>
    %get3A_4 = arith.constant 0 : index
    %get3A_5 = arith.constant 0 : index
    %get3A_6 = vector.load %arg0[%get3A_4, %get3A_5] : memref<64x128xf32, #tpu.memory_space<vmem>>, vector<64x128xf32>
    %is_finite3A = tpu.weird %get3A_6 : vector<64x128xf32> -> vector<64x128xi1>
    %is_finite3A_7 = arith.constant dense<true> : vector<64x128xi1>
    %is_finite3A_8 = arith.xori %is_finite3A, %is_finite3A_7 : vector<64x128xi1>
    %jit3A = arith.constant 0.000000e+00 : f32
    %broadcast_in_dim3A = vector.broadcast %jit3A : f32 to vector<64x128xf32>
    %select_n3A = arith.select %is_finite3A_8, %get3A_6, %broadcast_in_dim3A : vector<64x128xi1>, vector<64x128xf32>
    %get3A_9 = arith.constant 0 : index
    %get3A_10 = arith.constant 0 : index
    %get3A_11 = vector.load %arg1[%get3A_9, %get3A_10] : memref<64x128xf32, #tpu.memory_space<vmem>>, vector<64x128xf32>
    %max3A = arith.constant 1.000000e+00 : f32
    %max3A_12 = vector.broadcast %max3A : f32 to vector<64x1xf32>
    %max3A_13 = arith.maximumf %slice3A, %max3A_12 : vector<64x1xf32>
    %div3A = vector.broadcast %max3A_13 : vector<64x1xf32> to vector<64x128xf32>
    %div3A_14 = arith.divf %get3A_11, %div3A : vector<64x128xf32>
    %get3A_15 = arith.constant 0 : index
    %get3A_16 = arith.constant 0 : index
    %get3A_17 = vector.load %arg5[%get3A_15, %get3A_16] : memref<128x1xi32, #tpu.memory_space<vmem>>, vector<128x1xi32>
    %convert_element_type3A_18 = arith.sitofp %get3A_17 : vector<128x1xi32> to vector<128x1xf32>
    %mul3A_19 = arith.constant 8.000000e-01 : f32
    %mul3A_20 = vector.broadcast %mul3A_19 : f32 to vector<128x1xf32>
    %mul3A_21 = arith.mulf %convert_element_type3A_18, %mul3A_20 : vector<128x1xf32>
    %ceil3A_22 = math.ceil %mul3A_21 : vector<128x1xf32>
    %slice3A_23 = vector.extract_strided_slice %ceil3A_22 {offsets = [0, 0], sizes = [64, 1], strides = [1, 1]} : vector<128x1xf32> to vector<64x1xf32>
    %get3A_24 = arith.constant 0 : index
    %get3A_25 = arith.constant 0 : index
    %get3A_26 = vector.load %arg3[%get3A_24, %get3A_25] : memref<64x128xf32, #tpu.memory_space<vmem>>, vector<64x128xf32>
    %is_finite3A_27 = tpu.weird %get3A_26 : vector<64x128xf32> -> vector<64x128xi1>
    %is_finite3A_28 = arith.constant dense<true> : vector<64x128xi1>
    %is_finite3A_29 = arith.xori %is_finite3A_27, %is_finite3A_28 : vector<64x128xi1>
    %jit3A_30 = arith.constant 0.000000e+00 : f32
    %broadcast_in_dim3A_31 = vector.broadcast %jit3A_30 : f32 to vector<64x128xf32>
    %select_n3A_32 = arith.select %is_finite3A_29, %get3A_26, %broadcast_in_dim3A_31 : vector<64x128xi1>, vector<64x128xf32>
    %get3A_33 = arith.constant 0 : index
    %get3A_34 = arith.constant 0 : index
    %get3A_35 = vector.load %arg4[%get3A_33, %get3A_34] : memref<64x128xf32, #tpu.memory_space<vmem>>, vector<64x128xf32>
    %max3A_36 = arith.constant 1.000000e+00 : f32
    %max3A_37 = vector.broadcast %max3A_36 : f32 to vector<64x1xf32>
    %max3A_38 = arith.maximumf %slice3A_23, %max3A_37 : vector<64x1xf32>
    %div3A_39 = vector.broadcast %max3A_38 : vector<64x1xf32> to vector<64x128xf32>
    %div3A_40 = arith.divf %get3A_35, %div3A_39 : vector<64x128xf32>
    %get3A_41 = arith.constant 0 : index
    %get3A_42 = arith.constant 0 : index
    %get3A_43 = vector.load %arg8[%get3A_41, %get3A_42] : memref<128x1xi32, #tpu.memory_space<vmem>>, vector<128x1xi32>
    %convert_element_type3A_44 = arith.sitofp %get3A_43 : vector<128x1xi32> to vector<128x1xf32>
    %mul3A_45 = arith.constant 8.000000e-01 : f32
    %mul3A_46 = vector.broadcast %mul3A_45 : f32 to vector<128x1xf32>
    %mul3A_47 = arith.mulf %convert_element_type3A_44, %mul3A_46 : vector<128x1xf32>
    %ceil3A_48 = math.ceil %mul3A_47 : vector<128x1xf32>
    %slice3A_49 = vector.extract_strided_slice %ceil3A_48 {offsets = [0, 0], sizes = [64, 1], strides = [1, 1]} : vector<128x1xf32> to vector<64x1xf32>
    %get3A_50 = arith.constant 0 : index
    %get3A_51 = arith.constant 0 : index
    %get3A_52 = vector.load %arg6[%get3A_50, %get3A_51] : memref<64x128xf32, #tpu.memory_space<vmem>>, vector<64x128xf32>
    %is_finite3A_53 = tpu.weird %get3A_52 : vector<64x128xf32> -> vector<64x128xi1>
    %is_finite3A_54 = arith.constant dense<true> : vector<64x128xi1>
    %is_finite3A_55 = arith.xori %is_finite3A_53, %is_finite3A_54 : vector<64x128xi1>
    %jit3A_56 = arith.constant 0.000000e+00 : f32
    %broadcast_in_dim3A_57 = vector.broadcast %jit3A_56 : f32 to vector<64x128xf32>
    %select_n3A_58 = arith.select %is_finite3A_55, %get3A_52, %broadcast_in_dim3A_57 : vector<64x128xi1>, vector<64x128xf32>
    %get3A_59 = arith.constant 0 : index
    %get3A_60 = arith.constant 0 : index
    %get3A_61 = vector.load %arg7[%get3A_59, %get3A_60] : memref<64x128xf32, #tpu.memory_space<vmem>>, vector<64x128xf32>
    %max3A_62 = arith.constant 1.000000e+00 : f32
    %max3A_63 = vector.broadcast %max3A_62 : f32 to vector<64x1xf32>
    %max3A_64 = arith.maximumf %slice3A_49, %max3A_63 : vector<64x1xf32>
    %div3A_65 = vector.broadcast %max3A_64 : vector<64x1xf32> to vector<64x128xf32>
    %div3A_66 = arith.divf %get3A_61, %div3A_65 : vector<64x128xf32>
    %add3A = arith.addf %select_n3A, %select_n3A_32 : vector<64x128xf32>
    %add3A_67 = arith.addf %add3A, %select_n3A_58 : vector<64x128xf32>
    %add3A_68 = arith.addf %div3A_14, %div3A_40 : vector<64x128xf32>
    %add3A_69 = arith.addf %add3A_68, %div3A_66 : vector<64x128xf32>
    %get3A_70 = arith.constant 0 : index
    %get3A_71 = arith.constant 0 : index
    %get3A_72 = vector.load %arg9[%get3A_70, %get3A_71] : memref<128x128xf32, #tpu.memory_space<vmem>>, vector<128x128xf32>
    %dot_general3A = arith.constant dense<0.000000e+00> : vector<64x128xf32>
    %dot_general3A_73 = tpu.matmul %add3A_67, %get3A_72, %dot_general3A {dimension_numbers = #tpu.dot_dimension_numbers<[1], [0], [0], [1], [0, 0, 1, 1], [], []>, transpose_lhs_hint = false} : vector<64x128xf32>, vector<128x128xf32>, vector<64x128xf32> -> vector<64x128xf32>
    %get3A_74 = arith.constant 0 : index
    %get3A_75 = arith.constant 0 : index
    %get3A_76 = vector.load %arg10[%get3A_74, %get3A_75] : memref<128x128xf32, #tpu.memory_space<vmem>>, vector<128x128xf32>
    %dot_general3A_77 = arith.constant dense<0.000000e+00> : vector<64x128xf32>
    %dot_general3A_78 = tpu.matmul %add3A_69, %get3A_76, %dot_general3A_77 {dimension_numbers = #tpu.dot_dimension_numbers<[1], [0], [0], [1], [0, 0, 1, 1], [], []>, transpose_lhs_hint = false} : vector<64x128xf32>, vector<128x128xf32>, vector<64x128xf32> -> vector<64x128xf32>
    %add3A_79 = arith.addf %dot_general3A_73, %dot_general3A_78 : vector<64x128xf32>
    %get3A_80 = arith.constant 0 : index
    %get3A_81 = arith.constant 0 : index
    %get3A_82 = vector.load %arg11[%get3A_80, %get3A_81] : memref<1x128xf32, #tpu.memory_space<vmem>>, vector<1x128xf32>
    %add3A_83 = vector.broadcast %get3A_82 : vector<1x128xf32> to vector<64x128xf32>
    %add3A_84 = arith.addf %add3A_79, %add3A_83 : vector<64x128xf32>
    %max3A_85 = arith.constant 0.000000e+00 : f32
    %max3A_86 = vector.broadcast %max3A_85 : f32 to vector<64x128xf32>
    %max3A_87 = arith.maximumf %add3A_84, %max3A_86 : vector<64x128xf32>
    %get3A_88 = arith.constant 0 : index
    %get3A_89 = arith.constant 0 : index
    %get3A_90 = vector.load %arg12[%get3A_88, %get3A_89] : memref<128x64xf32, #tpu.memory_space<vmem>>, vector<128x64xf32>
    %dot_general3A_91 = arith.constant dense<0.000000e+00> : vector<64x64xf32>
    %dot_general3A_92 = tpu.matmul %max3A_87, %get3A_90, %dot_general3A_91 {dimension_numbers = #tpu.dot_dimension_numbers<[1], [0], [0], [1], [0, 0, 1, 1], [], []>, transpose_lhs_hint = false} : vector<64x128xf32>, vector<128x64xf32>, vector<64x64xf32> -> vector<64x64xf32>
    %get3A_93 = arith.constant 0 : index
    %get3A_94 = arith.constant 0 : index
    %get3A_95 = vector.load %arg13[%get3A_93, %get3A_94] : memref<1x64xf32, #tpu.memory_space<vmem>>, vector<1x64xf32>
    %add3A_96 = vector.broadcast %get3A_95 : vector<1x64xf32> to vector<64x64xf32>
    %add3A_97 = arith.addf %dot_general3A_92, %add3A_96 : vector<64x64xf32>
    %max3A_98 = arith.constant 0.000000e+00 : f32
    %max3A_99 = vector.broadcast %max3A_98 : f32 to vector<64x64xf32>
    %max3A_100 = arith.maximumf %add3A_97, %max3A_99 : vector<64x64xf32>
    %get3A_101 = arith.constant 0 : index
    %get3A_102 = arith.constant 0 : index
    %get3A_103 = vector.load %arg14[%get3A_101, %get3A_102] : memref<64x16xf32, #tpu.memory_space<vmem>>, vector<64x16xf32>
    %dot_general3A_104 = arith.constant dense<0.000000e+00> : vector<64x16xf32>
    %dot_general3A_105 = tpu.matmul %max3A_100, %get3A_103, %dot_general3A_104 {dimension_numbers = #tpu.dot_dimension_numbers<[1], [0], [0], [1], [0, 0, 1, 1], [], []>, transpose_lhs_hint = false} : vector<64x64xf32>, vector<64x16xf32>, vector<64x16xf32> -> vector<64x16xf32>
    %get3A_106 = arith.constant 0 : index
    %get3A_107 = arith.constant 0 : index
    %get3A_108 = vector.load %arg15[%get3A_106, %get3A_107] : memref<1x16xf32, #tpu.memory_space<vmem>>, vector<1x16xf32>
    %add3A_109 = vector.broadcast %get3A_108 : vector<1x16xf32> to vector<64x16xf32>
    %add3A_110 = arith.addf %dot_general3A_105, %add3A_109 : vector<64x16xf32>
    %reduce_max3A = arith.constant dense<0xFF800000> : vector<64xf32>
    %reduce_max3A_111 = vector.multi_reduction <maximumf>, %add3A_110, %reduce_max3A [1] : vector<64x16xf32> to vector<64xf32>
    %broadcast_in_dim3A_112 = vector.shape_cast %reduce_max3A_111 : vector<64xf32> to vector<64x1xf32>
    %sub3A = vector.broadcast %broadcast_in_dim3A_112 : vector<64x1xf32> to vector<64x16xf32>
    %sub3A_113 = arith.subf %add3A_110, %sub3A : vector<64x16xf32>
    %exp3A = math.exp %sub3A_113 : vector<64x16xf32>
    %reduce_sum3A = arith.constant dense<0.000000e+00> : vector<64xf32>
    %reduce_sum3A_114 = vector.multi_reduction <add>, %exp3A, %reduce_sum3A [1] : vector<64x16xf32> to vector<64xf32>
    %broadcast_in_dim3A_115 = vector.shape_cast %reduce_sum3A_114 : vector<64xf32> to vector<64x1xf32>
    %log3A = math.log %broadcast_in_dim3A_115 : vector<64x1xf32>
    %sub3A_116 = vector.broadcast %log3A : vector<64x1xf32> to vector<64x16xf32>
    %sub3A_117 = arith.subf %sub3A_113, %sub3A_116 : vector<64x16xf32>
    %swap3A = arith.constant 0 : index
    %swap3A_118 = arith.constant 0 : index
    %swap3A_119 = vector.load %arg16[%swap3A, %swap3A_118] : memref<64x16xf32, #tpu.memory_space<vmem>>, vector<64x16xf32>
    tpu.vector_store %arg16[%swap3A, %swap3A_118], %sub3A_117 {strides = array<i32>} : memref<64x16xf32, #tpu.memory_space<vmem>>, vector<64x16xf32>,
    return
  }
}

</mosaic_0001>

<sc_bundles>
// kernel: kernel.16.cloned.1.call-start
scs
__scs_entry_jumppad:
0x0: {  	(pc) =	sbr.rel $0x88, $3  }
0x1: {  	(tag) =	ssettag $0x0;
	lr =	simm.s32 $0x1  }
0x2: {  	[smem:$0x3F8C] =	sst lr;
	_ =	strace $0xD0000000  }
0x3: {  	_ = 	snop  }
0x4: {  	_ = 	snop  }
0x5: {  	_ = 	snop  }
0x6: {  	_ = 	snop  }
0x7: {  	_ = 	snop  }
__scs_overlays_trampoline_lowered:
0x8: {  	[smem:$0x3F9B] =	sst s0  }
0x9: {  	[smem:$0x3F9C] =	sst s1  }
0xa: {  	[smem:$0x3F9D] =	sst s2  }
0xb: {  	[smem:$0x3F9E] =	sst s3  }
0xc: {  	[smem:$0x3F9F] =	sst s4  }
0xd: {  	[smem:$0x3FA0] =	sst s5  }
0xe: {  	[smem:$0x3FA1] =	sst s6  }
0xf: {  	[smem:$0x3FA2] =	sst s7  }
0x10: {  	[smem:$0x3FA3] =	sst s8  }
0x11: {  	[smem:$0x3FA4] =	sst s9;
	s0 =	simm.s32 @!p0 $0x0  }
0x12: {  	s1 =	sld [smem:$0x3F8A];
	s0 =	simm.s32 @p0 $0x1  }
0x13: {  	[smem:$0x3FA5] =	sst s0;
	s0 =	simm.s32 @!p1 $0x0  }
0x14: {  	s2 =	sld [smem:$0x3F89];
	s0 =	simm.s32 @p1 $0x1  }
0x15: {  	[smem:$0x3FA6] =	sst s0;
	s0 =	simm.s32 @!p2 $0x0  }
0x16: {  	s3 =	sld [smem:$0x3FDB];
	s0 =	simm.s32 @p2 $0x1  }
0x17: {  	s4 =	simm.s32 $0x1BF5;
	[smem:$0x3FA8] =	sst s0  }
0x18: {  	s0 =	sld [smem:$0x3F8B];
	_ =	swait.ge [sflag:s4], $0x0  }
0x19: {  	s7 =	sld [smem:$0x3F8C]  }
0x1a: {  	s8 =	sadd.s32 $0xFFFFE003, lr  }
0x1b: {  	s9 =	sadd.s32 $0xFFFFFEF7, lr;
	s5 =	simm.s32 $0xFFFFFFFF;
	p2 =	slt.u32 s8, $0xFFFFF086  }
0x1c: {  	p1 =	slt.u32 s9, $0xF7A;
	s5 =	simm.s32 @!p2 $0x0  }
0x1d: {  	s5 =	simm.s32 @p1 $0x1;
	p0 =	seq.s32 s7, s2  }
0x1e: {  	s7 =	smul.u32 @!p0 $0xF7A, s2;
	p2 =	seq.s32 @!p0 s5, $0x0  }
0x1f: {  	s9 =	smul.u32 $0xF7A, s1;
	s8 =	simm.s32 @!p0 $0x1BF5;
	p2 =	por !p2, p0  }
0x20: {  	[sflag:s8] =	ssyncset.s32 @!p0 $0xFFFFF086;
	s6 =	sadd.s32 @!p0 s3, s7;
	s7 =	simm.s32 @!p0 $0x108  }
0x21: {  	s3 =	sadd.s32 s3, s9;
	s6 =	sadd.s32 @!p0 $0x88, s6;
	s7 =	simm.s32 @p2 $0x1082  }
0x22: {  	[simem:s7], [sflag:s8] =	dma.local @!p0 [hbm:s6], $0xF7A  }
0x23: {  	s9 =	sor.u32 $0xD0000000, s2;
	s6 =	simm.s32 $0x108;
	_ =	swait.ge @!p0 [sflag:s8], $0x0  }
0x24: {  	s3 =	sadd.s32 $0x88, s3;
	s6 =	simm.s32 @!p1 $0x1082;
	[sflag:s4] =	ssyncset.s32 $0xFFFFF086  }
0x25: {  	[simem:s6], [sflag:s4] =	dma.local [hbm:s3], $0xF7A  }
0x26: {  	[smem:$0x3F8C] =	sst s1;
	(tag) =	ssettag s2;
	_ =	strace s9  }
0x27: {  	s1 =	sld [smem:$0x3F9C]  }
0x28: {  	s2 =	sld [smem:$0x3F9D]  }
0x29: {  	s4 =	sld [smem:$0x3F9F]  }
0x2a: {  	p0 =	seq.s32 s5, $0x0;
	s5 =	sld [smem:$0x3FA0]  }
0x2b: {  	s6 =	sld [smem:$0x3FA1]  }
0x2c: {  	s7 =	sld [smem:$0x3FA2]  }
0x2d: {  	s3 =	simm.s32 $0x108;
	s8 =	sld [smem:$0x3FA3]  }
0x2e: {  	s3 =	simm.s32 @!p0 $0x1082;
	s9 =	sld [smem:$0x3FA4]  }
0x2f: {  	lr =	sadd.s32 s0, s3;
	s0 =	sld [smem:$0x3F9B]  }
0x30: {  	s3 =	sld [smem:$0x3F9E]  }
0x31: {  	[smem:$0x3FA7] =	sst s10  }
0x32: {  	s10 =	sld [smem:$0x3FA5];
	_ =	sdelay $0x3  }
0x33: {  	p0 =	seq.s32 s10, $0x1;
	s10 =	sld [smem:$0x3FA7];
	_ =	sdelay $0x3  }
0x34: {  	[smem:$0x3FA7] =	sst s10  }
0x35: {  	s10 =	sld [smem:$0x3FA6];
	_ =	sdelay $0x3  }
0x36: {  	p1 =	seq.s32 s10, $0x1;
	s10 =	sld [smem:$0x3FA7];
	_ =	sdelay $0x3  }
0x37: {  	[smem:$0x3FA7] =	sst s10  }
0x38: {  	s10 =	sld [smem:$0x3FA8]  }
0x39: {  	_ = 	snop;
	(pc) =	sbr.ind lr, $3  }
0x3a: {  	_ = 	snop  }
0x3b: {  	_ = 	snop  }
0x3c: {  	p2 =	seq.s32 s10, $0x1;
	s10 =	sld [smem:$0x3FA7]  }
0x3d: {  	_ =	shalt  }
0x3e: {  	_ =	shalt  }
0x3f: {  	_ =	shalt  }
0x40: {  	_ =	shalt  }
0x41: {  	_ =	shalt  }
0x42: {  	_ =	shalt  }
0x43: {  	_ =	shalt  }
0x44: {  	_ =	shalt  }
0x45: {  	_ =	shalt  }
0x46: {  	_ =	shalt  }
0x47: {  	_ =	shalt  }
0x48: {  	_ =	shalt  }
0x49: {  	_ =	shalt  }
0x4a: {  	_ =	shalt  }
0x4b: {  	_ =	shalt  }
0x4c: {  	_ =	shalt  }
0x4d: {  	_ =	shalt  }
0x4e: {  	_ =	shalt  }
0x4f: {  	_ =	shalt  }
0x50: {  	_ =	shalt  }
0x51: {  	_ =	shalt  }
0x52: {  	_ =	shalt  }
0x53: {  	_ =	shalt  }
0x54: {  	_ =	shalt  }
0x55: {  	_ =	shalt  }
0x56: {  	_ =	shalt  }
0x57: {  	_ =	shalt  }
0x58: {  	_ =	shalt  }
0x59: {  	_ =	shalt  }
0x5a: {  	_ =	shalt  }
0x5b: {  	_ =	shalt  }
0x5c: {  	_ =	shalt  }
0x5d: {  	_ =	shalt  }
0x5e: {  	_ =	shalt  }
0x5f: {  	_ =	shalt  }
0x60: {  	_ =	shalt  }
0x61: {  	_ =	shalt  }
0x62: {  	_ =	shalt  }
0x63: {  	_ =	shalt  }
0x64: {  	_ =	shalt  }
0x65: {  	_ =	shalt  }
0x66: {  	_ =	shalt  }
0x67: {  	_ =	shalt  }
0x68: {  	_ =	shalt  }
0x69: {  	_ =	shalt  }
0x6a: {  	_ =	shalt  }
0x6b: {  	_ =	shalt  }
0x6c: {  	_ =	shalt  }
0x6d: {  	_ =	shalt  }
0x6e: {  	_ =	shalt  }
0x6f: {  	_ =	shalt  }
0x70: {  	_ =	shalt  }
0x71: {  	_ =	shalt  }
0x72: {  	_ =	shalt  }
0x73: {  	_ =	shalt  }
0x74: {  	_ =	shalt  }
0x75: {  	_ =	shalt  }
0x76: {  	_ =	shalt  }
0x77: {  	_ =	shalt  }
0x78: {  	_ =	shalt  }
0x79: {  	_ =	shalt  }
0x7a: {  	_ =	shalt  }
0x7b: {  	_ =	shalt  }
0x7c: {  	_ =	shalt  }
0x7d: {  	_ =	shalt  }
0x7e: {  	_ =	shalt  }
0x7f: {  	_ =	shalt  }
0x80: {  	_ =	shalt  }
0x81: {  	_ =	shalt  }
0x82: {  	_ =	shalt  }
0x83: {  	_ =	shalt  }
0x84: {  	_ =	shalt  }
0x85: {  	_ =	shalt  }
0x86: {  	_ =	shalt  }
0x87: {  	_ =	shalt  }
.Lfunc_end0:
.L_simem_size_0:
called_computation_lowered:
.L_overlay_start_0:
0x88: {  	s2 =	sld [smem:$0x3FD9]  }
0x89: {  	s3 =	sld [smem:$0x3FFE];
	_ =	sdelay $0x1  }
0x8a: {  	s1 =	srdreg.scid  }
0x8b: {  	s0 =	sand.u32 $0x1, s1  }
0x8c: {  	s16 =	sshll.u32 s0, $0xA;
	s2 =	sadd.s32 s3, s2  }
0x8d: {  	s2 =	sadd.s32 s2, s16  }
0x8e: {  	[smem:$0x3FB3] =	sst s2  }
0x8f: {  	_ = 	snop  }
0x90: {  	(tm) =	ssettm $0x1  }
0x91: {  	s17 =	sld [smem:$0x3FFB];
	_ =	sdelay $0x3  }
0x92: {  	_ =	strace s17  }
0x93: {  	s2 =	sld [smem:$0x3FFC];
	_ =	sdelay $0x3  }
0x94: {  	_ =	strace s2  }
0x95: {  	s2 =	sld [smem:$0x3FFD];
	_ =	sdelay $0x3  }
0x96: {  	_ =	strace s2  }
0x97: {  	_ =	strace $0x8FFFFFFF  }
0x98: {  	s18 =	sld [smem:$0x3FDB];
	_ =	sdelay $0x1  }
0x99: {  	s19 =	simm.s32 $_scs_section_size  }
0x9a: {  	s4 =	simm.s32 $_size__tile_overlayer_lowered;
	s5 =	simm.s32 $_tile_overlayer_lowered  }
0x9b: {  	s22 =	simm.s32 $0x1BFF;
	s21 =	sshll.u32 s5, $0x1;
	s2 =	sadd.s32 s19, s18  }
0x9c: {  	s6 =	simm.s32 $0x0;
	s20 =	sshll.u32 s4, $0x1;
	s4 =	sadd.s32 s21, s2  }
0x9d: {  	[timem:s6], [sflag:s22] =	dma.local [hbm:s4], s20  }
0x9e: {  	_ =	swait.ge [sflag:s22], s20  }
0x9f: {  	s3 =	ssub.s32 $0x0, s20;
	[sflag:s22] =	ssyncset.done $0x0  }
0xa0: {  	[sflag:s22] =	ssyncadd.s32 s3;
	_ =	sdelay $0x1  }
0xa1: {  	s23 =	simm.s32 $0x1B8B  }
0xa2: {  	_ =	swait.ge [sflag:s23], $0x1  }
0xa3: {  	[sflag:s23] =	ssyncset.done $0x0  }
0xa4: {  	s25 =	simm.s32 $0x1B8E;
	s24 =	sld [smem:$0x3FFE];
	[sflag:s23] =	ssyncadd.s32 $0xFFFFFFFF  }
0xa5: {  	s26 =	simm.s32 $execute0_lowered;
	[smem:$0x3FD2] =	sst s25  }
0xa6: {  	s4 =	sshll.u32 s26, $0x1;
	_ =	strace $0x80000046;
	[dreg:$0x1] =	wrdreg $0xFFFFFFFF  }
0xa7: {  	s28 =	simm.s32 $_size_execute0_lowered;
	s2 =	sadd.s32 s2, s4;
	[dreg:$0x0] =	wrdreg $0x0  }
0xa8: {  	s4 =	sshll.u32 s28, $0x1;
	[dreg:$0x2] =	wrdreg s2  }
0xa9: {  	[dreg:$0x3] =	wrdreg s4  }
0xaa: {  	[dreg:$0x4] =	wrdreg $0xC0  }
0xab: {  	_ =	task [dreg:s6], $0x5FFFF  }
0xac: {  	[dreg:$0x1] =	wrdreg $0xFFFFFFFF  }
0xad: {  	[dreg:$0x0] =	wrdreg $0x60  }
0xae: {  	[dreg:$0x2] =	wrdreg s24  }
0xaf: {  	[dreg:$0x3] =	wrdreg $0x82000  }
0xb0: {  	[dreg:$0x4] =	wrdreg $0x9  }
0xb1: {  	_ =	task.clear_ibuf [dreg:s6], $0x5FFFF;
	_ =	strace $0x90000046  }
0xb2: {  	s29 =	simm.s32 $0x9;
	_ =	strace $0x80000048  }
0xb3: {  	_ =	swait.ge [sflag:s29], $0x1  }
0xb4: {  	[sflag:s29] =	ssyncadd.s32 $0xFFFFFFFF  }
0xb5: {  	_ =	strace $0x90000048  }
0xb6: {  	_ =	sfence  }
0xb7: {  	s30 =	sld [smem:$0x0];
	_ =	sdelay $0x2  }
0xb8: {  	s31 =	sshll.u32 s1, $0xD;
	s1 =	sshrl.u32 s1, $0x2  }
0xb9: {  	s3 =	sand.u32 $0x4000, s31;
	s1 =	sadd.s32 s1, s30  }
0xba: {  	s0 =	sor.u32 s3, s0;
	s1 =	sshll.u32 s1, $0x11  }
0xbb: {  	s0 =	sor.u32 s1, s0  }
0xbc: {  	s0 =	sadd.s32 $0x8F2B, s0  }
0xbd: {  	[sflag:s0] =	ssyncadd.remote.s32 $0x1  }
0xbe: {  	_ =	sfence.sel $0xFFFF  }
0xbf: {  	[dreg:$0x0] =	wrdreg $0xFFFFFFFF;
	(pc) =	sbr.abs _section_cstart, $3  }
0xc0: {  	[dreg:$0x1] =	wrdreg $0xFFFFFFFF  }
0xc1: {  	_ =	task.clear_ibuf [dreg:s6], $0x2FFFF;
	_ =	strace $0x9FFFFFFF  }
0xc2: {  	(tm) =	ssettm $0x7FFFFFFF  }
0xc3: {  	_ =	shalt  }
tec
execute0_lowered:
.L_overlay_start_1:
0x0: {  	(tag) =	ssettag $0x1  }
0x1: {  	s0 =	rddreg [dreg:$0x0]  }
0x2: {  	s1 =	rddreg [dreg:$0x1];
	s2 =	srdreg.scid  }
0x3: {  	s3 =	simm.s32 $0x0;
	s10 =	stileid.u32;
	s20 =	simm.s32 $0x100  }
0x4: {  	s21 =	simm.s32 $0x3;
	s28 =	simm.s32 $0x1;
	s29 =	simm.s32 $0x2  }
0x5: {  	s30 =	simm.s32 $0x0;
	s2 =	sand.u32 $0x1, s2;
	s6 =	smul.u32 $0x14000, s10  }
0x6: {  	[smem:$0x7FF] =	sst s3;
	s4 =	sadd.s32 $0x8A00, s0;
	s22 =	smul.u32 $0x50000, s10  }
0x7: {  	s19 =	sadd.s32 $0x5DA00, s0;
	s18 =	sadd.s32 $0x58A00, s0;
	s15 =	smul.u32 $0x1400, s10  }
0x8: {  	s5 =	smul.u32 $0x140000, s2;
	_ =	strace $0x80000047;
	s23 =	ssub.s32 $0x2, s2  }
0x9: {  	s7 =	sshll.u32 s2, $0x4;
	s2 =	smul.u32 $0x14000, s2;
	s8 =	sshrl.u32 s23, $0x1  }
0xa: {  	s7 =	sor.u32 s10, s7;
	s5 =	sadd.s32 s6, s5;
	s6 =	sshrl.u32 s22, $0x2  }
0xb: {  	s13 =	ssub.s32 s23, s8;
	s9 =	smul.u32 $0x1400, s7;
	s2 =	sadd.s32 s15, s2  }
0xc: {  	s22 =	simm.s32 $0x80;
	s23 =	simm.s32 $0x4100;
	s5 =	sshrl.u32 s5, $0x3  }
0xd: {  	s13 =	smax.u32 s13, $0x1;
	s16 =	sor.u32 $0x100, s2;
	s2 =	sor.u32 $0x80, s2  }
0xe: {  	s0 =	sadd.s32 s5, s0;
	s5 =	sadd.s32 s6, s1;
	s14 =	sshrl.u32 s9, $0x3  }
0xf: {  	s26 =	sshrl.u32 s16, $0x3;
	s31 =	sshrl.u32 s2, $0x3;
	s6 =	sadd.s32 $0x4000, s5  }
0x10: {  	s24 =	sadd.s32 $0x8000, s5;
	s8 =	sadd.s32 $0xC000, s5;
	s9 =	sadd.s32 $0x10000, s5  }
0x11: {  	s10 =	sadd.s32 s19, s14;
	s11 =	sadd.s32 s18, s14;
	s12 =	sadd.s32 $0x62A00, s0  }
0x12: {  	s25 =	sadd.s32 $0x270, s14;
	s16 =	sadd.s32 s26, s18;
	[dreg:$0x3] =	wrdreg s6  }
0x13: {  	s17 =	sadd.s32 s26, s19;
	s26 =	simm.s32 $0x4200;
	[dreg:$0x4] =	wrdreg s24  }
0x14: {  	s14 =	sadd.s32 s19, s25;
	s15 =	sadd.s32 s18, s25;
	s18 =	sadd.s32 s31, s18  }
0x15: {  	v0 =	vimm.f32 $0.0e+00;
	s19 =	sadd.s32 s31, s19;
	s24 =	simm.s32 $0x4;
	s25 =	simm.s32 $0x4180  }
.LBB2_1:
0x16: {  	s0 =	sand.u32 $0xFE00, s3  }
0x17: {  	s2 =	sand.u32 $0x70, s3;
	s31 =	sshrl.u32 s0, $0x2  }
0x18: {  	s0 =	simm.s32 $0x40;
	s2 =	sor.u32 s2, s31;
	s31 =	simm.s32 $0x0  }
.LBB2_2:
0x19: {  	p0 =	sne.s32 s0, $0xFFC0  }
0x1a: {  	[tilespmem:s2+$0x100] =	vst v0;
	s31 =	sadd.s32 $0x10, s31;
	s2 =	smov.u32 s0;
	s0 =	sadd.s32 $0x40, s0  }
.Ltmp0:
0x1b: {  	(pc) =	sbr.rel @p0 .LBB2_2-.Ltmp0, $4  }
0x1c: {  	_ = 	snop  }
0x1d: {  	s2 =	sand.u32 $0xFE00, s2  }
0x1e: {  	s6 =	sand.u32 $0x70, s31;
	s2 =	sshrl.u32 s2, $0x2  }
0x1f: {  	s2 =	sor.u32 s6, s2  }
0x20: {  	[tilespmem:s2+$0x100] =	vst v0  }
0x21: {  	[spmem:s5] =	stream.linear.scatter [tilespmem:s20], [sflag:$0x3], $0x4000, $0x38;
	[tilespmem:$0x1C200] =	vst v63  }
0x22: {  	_ =	swait.ge [sflag:s21], $0x4000  }
0x23: {  	[sflag:s21] =	ssyncset.done $0x0  }
0x24: {  	s0 =	rddreg [dreg:$0x3];
	[sflag:s21] =	ssyncadd.s32 $0xFFFFC000  }
0x25: {  	[spmem:s0] =	stream.linear.scatter [tilespmem:s20], [sflag:$0x3], $0x4000, $0x38;
	[tilespmem:$0x1C200] =	vst v63  }
0x26: {  	_ =	swait.ge [sflag:s21], $0x4000  }
0x27: {  	[sflag:s21] =	ssyncset.done $0x0  }
0x28: {  	s2 =	rddreg [dreg:$0x4];
	[sflag:s21] =	ssyncadd.s32 $0xFFFFC000  }
0x29: {  	[spmem:s2] =	stream.linear.scatter [tilespmem:s20], [sflag:$0x3], $0x4000, $0x38;
	[tilespmem:$0x1C200] =	vst v63  }
0x2a: {  	_ =	swait.ge [sflag:s21], $0x4000  }
0x2b: {  	[sflag:s21] =	ssyncset.done $0x0  }
0x2c: {  	[sflag:s21] =	ssyncadd.s32 $0xFFFFC000  }
0x2d: {  	[spmem:s8] =	stream.linear.scatter [tilespmem:s20], [sflag:$0x3], $0x4000, $0x38;
	[tilespmem:$0x1C200] =	vst v63  }
0x2e: {  	_ =	swait.ge [sflag:s21], $0x4000  }
0x2f: {  	[sflag:s21] =	ssyncset.done $0x0  }
0x30: {  	[sflag:s21] =	ssyncadd.s32 $0xFFFFC000  }
0x31: {  	[spmem:s9] =	stream.linear.scatter [tilespmem:s20], [sflag:$0x3], $0x4000, $0x38;
	[tilespmem:$0x1C200] =	vst v63  }
0x32: {  	_ =	swait.ge [sflag:s21], $0x4000  }
0x33: {  	[sflag:s21] =	ssyncset.done $0x0  }
0x34: {  	s6 =	simm.s32 $0x0;
	[sflag:s21] =	ssyncadd.s32 $0xFFFFC000  }
0x35: {  	[tilespmem:s6], [sflag:$0x3] =	stream.linear.gather [hbm4b:s10+s6], $0x80, $0x38;
	[tilespmem:$0x1C200] =	vst v63  }
0x36: {  	_ =	swait.ge [sflag:s21], $0x80  }
0x37: {  	[sflag:s21] =	ssyncset.done $0x0  }
0x38: {  	[sflag:s21] =	ssyncadd.s32 $0xFFFFFF80  }
0x39: {  	[tilespmem:s22], [sflag:$0x3] =	stream.linear.gather [hbm4b:s11+s6], $0x80, $0x38;
	[tilespmem:$0x1C200] =	vst v63  }
0x3a: {  	_ =	swait.ge [sflag:s21], $0x80  }
0x3b: {  	[sflag:s21] =	ssyncset.done $0x0  }
0x3c: {  	[sflag:s21] =	ssyncadd.s32 $0xFFFFFF80  }
0x3d: {  	[tilespmem:s20], [sflag:$0x1] =	stream.indirect.gather [hbm4b:s4+s22], $0x80, s6, s22, $0xb8;
	[tilespmem:$0x1C200] =	vst v63  }
0x3e: {  	s7 =	sadd.s32 $0x0, s19;
	[bflag:$0x0] =	sbarrier.arrive $0xFFFF  }
0x3f: {  	[tilespmem:s23], [sflag:$0x4] =	stream.linear.gather [hbm4b:s7+s3], $0x80, $0x38;
	[tilespmem:$0x1C200] =	vst v63  }
0x40: {  	_ =	swait.ge [sflag:s24], $0x80  }
0x41: {  	[sflag:s24] =	ssyncset.done $0x0  }
0x42: {  	s2 =	sadd.s32 $0x0, s18;
	[sflag:s24] =	ssyncadd.s32 $0xFFFFFF80  }
0x43: {  	[tilespmem:s25], [sflag:$0x4] =	stream.linear.gather [hbm4b:s2+s3], $0x80, $0x38;
	[tilespmem:$0x1C200] =	vst v63  }
0x44: {  	_ =	swait.ge [sflag:s24], $0x80  }
0x45: {  	[sflag:s24] =	ssyncset.done $0x0  }
0x46: {  	[sflag:s24] =	ssyncadd.s32 $0xFFFFFF80  }
0x47: {  	[tilespmem:s26], [sflag:$0x2] =	stream.indirect.gather [hbm4b:s4+s22], $0x80, s23, s22, $0xb8;
	[tilespmem:$0x1C200] =	vst v63  }
0x48: {  	_ =	swait.ge [sflag:s28], $0x4000  }
0x49: {  	[sflag:s28] =	ssyncset.done $0x0  }
0x4a: {  	[sflag:s28] =	ssyncadd.s32 $0xFFFFC000  }
0x4b: {  	[spmem:s1] =	stream.indirect.scatter.add.f32 [tilespmem:s20], [sflag:$0x4], $0x80, s22, s22, $0xb8;
	[tilespmem:$0x1C200] =	vst v63  }
0x4c: {  	_ =	swait.ge [sflag:s24], $0x4000  }
0x4d: {  	[sflag:s24] =	ssyncset.done $0x0  }
0x4e: {  	s6 =	sadd.s32 $0x0, s17;
	[sflag:s24] =	ssyncadd.s32 $0xFFFFC000  }
0x4f: {  	[tilespmem:s3], [sflag:$0x4] =	stream.linear.gather [hbm4b:s6+s3], $0x80, $0x38;
	[tilespmem:$0x1C200] =	vst v63  }
0x50: {  	_ =	swait.ge [sflag:s24], $0x80  }
0x51: {  	[sflag:s24] =	ssyncset.done $0x0  }
0x52: {  	s7 =	sadd.s32 $0x0, s16;
	[sflag:s24] =	ssyncadd.s32 $0xFFFFFF80  }
0x53: {  	[tilespmem:s22], [sflag:$0x4] =	stream.linear.gather [hbm4b:s7+s3], $0x80, $0x38;
	[tilespmem:$0x1C200] =	vst v63  }
0x54: {  	_ =	swait.ge [sflag:s24], $0x80  }
0x55: {  	[sflag:s24] =	ssyncset.done $0x0  }
0x56: {  	[sflag:s24] =	ssyncadd.s32 $0xFFFFFF80  }
0x57: {  	[tilespmem:s20], [sflag:$0x1] =	stream.indirect.gather [hbm4b:s4+s22], $0x80, s3, s22, $0xb8;
	[tilespmem:$0x1C200] =	vst v63  }
0x58: {  	_ =	swait.ge [sflag:s29], $0x4000  }
0x59: {  	[sflag:s29] =	ssyncset.done $0x0  }
0x5a: {  	[sflag:s29] =	ssyncadd.s32 $0xFFFFC000  }
0x5b: {  	[spmem:s1] =	stream.indirect.scatter.add.f32 [tilespmem:s26], [sflag:$0x3], $0x80, s25, s22, $0xb8;
	[tilespmem:$0x1C200] =	vst v63  }
0x5c: {  	_ =	swait.ge [sflag:s21], $0x4000  }
0x5d: {  	s31 =	simm.s32 $0x20;
	s0 =	simm.s32 $0x40;
	[sflag:s21] =	ssyncset.done $0x0  }
.LBB2_4:
0x5e: {  	s6 =	sadd.s32 s31, s19  }
0x5f: {  	[sflag:s21] =	ssyncadd.s32 $0xFFFFC000;
	s7 =	smov.u32 s0;
	s2 =	sadd.s32 $0x20, s0  }
0x60: {  	[tilespmem:s23], [sflag:$0x4] =	stream.linear.gather [hbm4b:s6+s3], $0x80, $0x38;
	[tilespmem:$0x1C200] =	vst v63  }
0x61: {  	p0 =	sne.s32 s0, $0x240;
	_ =	swait.ge [sflag:s24], $0x80  }
0x62: {  	[sflag:s24] =	ssyncset.done $0x0  }
0x63: {  	s0 =	sadd.s32 s31, s18;
	[sflag:s24] =	ssyncadd.s32 $0xFFFFFF80  }
0x64: {  	[tilespmem:s25], [sflag:$0x4] =	stream.linear.gather [hbm4b:s0+s3], $0x80, $0x38;
	[tilespmem:$0x1C200] =	vst v63  }
0x65: {  	_ =	swait.ge [sflag:s24], $0x80  }
0x66: {  	[sflag:s24] =	ssyncset.done $0x0  }
0x67: {  	[sflag:s24] =	ssyncadd.s32 $0xFFFFFF80  }
0x68: {  	[tilespmem:s26], [sflag:$0x2] =	stream.indirect.gather [hbm4b:s4+s22], $0x80, s23, s22, $0xb8;
	[tilespmem:$0x1C200] =	vst v63  }
0x69: {  	_ =	swait.ge [sflag:s28], $0x4000  }
0x6a: {  	[sflag:s28] =	ssyncset.done $0x0  }
0x6b: {  	[sflag:s28] =	ssyncadd.s32 $0xFFFFC000  }
0x6c: {  	[spmem:s1] =	stream.indirect.scatter.add.f32 [tilespmem:s20], [sflag:$0x4], $0x80, s22, s22, $0xb8;
	[tilespmem:$0x1C200] =	vst v63  }
0x6d: {  	_ =	swait.ge [sflag:s24], $0x4000  }
0x6e: {  	[sflag:s24] =	ssyncset.done $0x0  }
0x6f: {  	s0 =	sadd.s32 s31, s17;
	[sflag:s24] =	ssyncadd.s32 $0xFFFFC000  }
0x70: {  	[tilespmem:s3], [sflag:$0x4] =	stream.linear.gather [hbm4b:s0+s3], $0x80, $0x38;
	[tilespmem:$0x1C200] =	vst v63  }
0x71: {  	_ =	swait.ge [sflag:s24], $0x80  }
0x72: {  	[sflag:s24] =	ssyncset.done $0x0  }
0x73: {  	s0 =	sadd.s32 s31, s16;
	s31 =	smov.u32 s7;
	[sflag:s24] =	ssyncadd.s32 $0xFFFFFF80  }
0x74: {  	[tilespmem:s22], [sflag:$0x4] =	stream.linear.gather [hbm4b:s0+s3], $0x80, $0x38;
	[tilespmem:$0x1C200] =	vst v63  }
0x75: {  	_ =	swait.ge [sflag:s24], $0x80  }
0x76: {  	[sflag:s24] =	ssyncset.done $0x0  }
0x77: {  	[sflag:s24] =	ssyncadd.s32 $0xFFFFFF80  }
0x78: {  	[tilespmem:s20], [sflag:$0x1] =	stream.indirect.gather [hbm4b:s4+s22], $0x80, s3, s22, $0xb8;
	[tilespmem:$0x1C200] =	vst v63  }
0x79: {  	_ =	swait.ge [sflag:s29], $0x4000  }
.Ltmp1:
0x7a: {  	[sflag:s29] =	ssyncset.done $0x0;
	(pc) =	sbr.rel @p0 .LBB2_4-.Ltmp1, $4  }
0x7b: {  	[sflag:s29] =	ssyncadd.s32 $0xFFFFC000  }
0x7c: {  	[spmem:s1] =	stream.indirect.scatter.add.f32 [tilespmem:s26], [sflag:$0x3], $0x80, s25, s22, $0xb8;
	[tilespmem:$0x1C200] =	vst v63  }
0x7d: {  	_ =	swait.ge [sflag:s21], $0x4000  }
0x7e: {  	s0 =	smov.u32 s2;
	[sflag:s21] =	ssyncset.done $0x0  }
0x7f: {  	s0 =	sadd.s32 s31, s19;
	[sflag:s21] =	ssyncadd.s32 $0xFFFFC000  }
0x80: {  	[tilespmem:s23], [sflag:$0x4] =	stream.linear.gather [hbm4b:s0+s3], $0x80, $0x38;
	[tilespmem:$0x1C200] =	vst v63  }
0x81: {  	_ =	swait.ge [sflag:s24], $0x80  }
0x82: {  	[sflag:s24] =	ssyncset.done $0x0  }
0x83: {  	s2 =	sadd.s32 s31, s18;
	[sflag:s24] =	ssyncadd.s32 $0xFFFFFF80  }
0x84: {  	[tilespmem:s25], [sflag:$0x4] =	stream.linear.gather [hbm4b:s2+s3], $0x80, $0x38;
	[tilespmem:$0x1C200] =	vst v63  }
0x85: {  	_ =	swait.ge [sflag:s24], $0x80  }
0x86: {  	[sflag:s24] =	ssyncset.done $0x0  }
0x87: {  	[sflag:s24] =	ssyncadd.s32 $0xFFFFFF80  }
0x88: {  	[tilespmem:s26], [sflag:$0x2] =	stream.indirect.gather [hbm4b:s4+s22], $0x80, s23, s22, $0xb8;
	[tilespmem:$0x1C200] =	vst v63  }
0x89: {  	_ =	swait.ge [sflag:s28], $0x4000  }
0x8a: {  	[sflag:s28] =	ssyncset.done $0x0  }
0x8b: {  	[sflag:s28] =	ssyncadd.s32 $0xFFFFC000  }
0x8c: {  	[spmem:s1] =	stream.indirect.scatter.add.f32 [tilespmem:s20], [sflag:$0x4], $0x80, s22, s22, $0xb8;
	[tilespmem:$0x1C200] =	vst v63  }
0x8d: {  	_ =	swait.ge [sflag:s24], $0x4000  }
0x8e: {  	[sflag:s24] =	ssyncset.done $0x0  }
0x8f: {  	s6 =	sadd.s32 s31, s17;
	[sflag:s24] =	ssyncadd.s32 $0xFFFFC000  }
0x90: {  	[tilespmem:s3], [sflag:$0x4] =	stream.linear.gather [hbm4b:s6+s3], $0x80, $0x38;
	[tilespmem:$0x1C200] =	vst v63  }
0x91: {  	_ =	swait.ge [sflag:s24], $0x80  }
0x92: {  	[sflag:s24] =	ssyncset.done $0x0  }
0x93: {  	s7 =	sadd.s32 s31, s16;
	[sflag:s24] =	ssyncadd.s32 $0xFFFFFF80  }
0x94: {  	[tilespmem:s22], [sflag:$0x4] =	stream.linear.gather [hbm4b:s7+s3], $0x80, $0x38;
	[tilespmem:$0x1C200] =	vst v63  }
0x95: {  	_ =	swait.ge [sflag:s24], $0x80  }
0x96: {  	[sflag:s24] =	ssyncset.done $0x0  }
0x97: {  	[sflag:s24] =	ssyncadd.s32 $0xFFFFFF80  }
0x98: {  	[tilespmem:s20], [sflag:$0x1] =	stream.indirect.gather [hbm4b:s4+s22], $0x80, s3, s22, $0xb8;
	[tilespmem:$0x1C200] =	vst v63  }
0x99: {  	_ =	swait.ge [sflag:s29], $0x4000  }
0x9a: {  	[sflag:s29] =	ssyncset.done $0x0  }
0x9b: {  	[sflag:s29] =	ssyncadd.s32 $0xFFFFC000  }
0x9c: {  	[spmem:s1] =	stream.indirect.scatter.add.f32 [tilespmem:s26], [sflag:$0x3], $0x80, s25, s22, $0xb8;
	[tilespmem:$0x1C200] =	vst v63  }
0x9d: {  	_ =	swait.ge [sflag:s21], $0x4000  }
0x9e: {  	[sflag:s21] =	ssyncset.done $0x0  }
0x9f: {  	[sflag:s21] =	ssyncadd.s32 $0xFFFFC000  }
0xa0: {  	[tilespmem:s23], [sflag:$0x4] =	stream.linear.gather [hbm4b:s14+s3], $0x80, $0x38;
	[tilespmem:$0x1C200] =	vst v63  }
0xa1: {  	_ =	swait.ge [sflag:s24], $0x80  }
0xa2: {  	[sflag:s24] =	ssyncset.done $0x0  }
0xa3: {  	[sflag:s24] =	ssyncadd.s32 $0xFFFFFF80  }
0xa4: {  	[tilespmem:s25], [sflag:$0x4] =	stream.linear.gather [hbm4b:s15+s3], $0x80, $0x38;
	[tilespmem:$0x1C200] =	vst v63  }
0xa5: {  	_ =	swait.ge [sflag:s24], $0x80  }
0xa6: {  	[sflag:s24] =	ssyncset.done $0x0  }
0xa7: {  	[sflag:s24] =	ssyncadd.s32 $0xFFFFFF80  }
0xa8: {  	[tilespmem:s26], [sflag:$0x2] =	stream.indirect.gather [hbm4b:s4+s22], $0x80, s23, s22, $0xb8;
	[tilespmem:$0x1C200] =	vst v63  }
0xa9: {  	_ =	swait.ge [sflag:s28], $0x4000  }
0xaa: {  	[sflag:s28] =	ssyncset.done $0x0  }
0xab: {  	[sflag:s28] =	ssyncadd.s32 $0xFFFFC000  }
0xac: {  	[spmem:s1] =	stream.indirect.scatter.add.f32 [tilespmem:s20], [sflag:$0x4], $0x80, s22, s22, $0xb8;
	[tilespmem:$0x1C200] =	vst v63  }
0xad: {  	_ =	swait.ge [sflag:s24], $0x4000  }
0xae: {  	[sflag:s24] =	ssyncset.done $0x0  }
0xaf: {  	[sflag:s24] =	ssyncadd.s32 $0xFFFFC000  }
0xb0: {  	_ =	swait.ge [sflag:s29], $0x4000  }
0xb1: {  	[sflag:s29] =	ssyncset.done $0x0  }
0xb2: {  	[sflag:s29] =	ssyncadd.s32 $0xFFFFC000  }
0xb3: {  	[spmem:s1] =	stream.indirect.scatter.add.f32 [tilespmem:s26], [sflag:$0x3], $0x80, s25, s22, $0xb8;
	[tilespmem:$0x1C200] =	vst v63  }
0xb4: {  	s31 =	stileid.u32;
	_ =	swait.ge [sflag:s21], $0x4000  }
0xb5: {  	s30 =	sadd.s32 $0x1, s30;
	s0 =	sshll.u32 s31, $0x6;
	[sflag:s21] =	ssyncset.done $0x0  }
0xb6: {  	p0 =	sne.s32 s30, s13;
	s0 =	sor.u32 $0x1C03, s0;
	[sflag:s21] =	ssyncadd.s32 $0xFFFFC000  }
.Ltmp2:
0xb7: {  	s2 =	sshrl.u32 s5, $0x3;
	[bflag:$0x0] =	sbarrier.arrive $0xFFFF;
	(pc) =	sbr.rel @p0 .LBB2_1-.Ltmp2, $4  }
0xb8: {  	[hbm:s12], [sflag:s0] =	dma.local [spmem:s2], $0x2800  }
0xb9: {  	_ =	swait.ge [sflag:s21], $0x2800  }
0xba: {  	[sflag:s21] =	ssyncset.done $0x0  }
0xbb: {  	[sflag:s21] =	ssyncadd.s32 $0xFFFFD800  }
0xbc: {  	_ =	sfence.sel $0x180000  }
0xbd: {  	[bflag:$0x0] =	sbarrier.arrive $0xFFFF  }
0xbe: {  	_ =	strace $0x90000047  }
0xbf: {  	s0 =	stileid.u32;
	[bflag:$0x2] =	sbarrier.arrive $0xFFFF  }
0xc0: {  	p0 =	sne.s32 s0, $0x0;
	s0 =	rddreg [dreg:$0x2]  }
0xc1: {  	s0 =	sadd.s32 @!p0 $0x100000, s0  }
0xc2: {  	[sflag:s0] =	ssyncadd.tile.s32 @!p0 $0x1;
	_ =	shalt  }
.Lfunc_end2:
_tile_overlayer_lowered:
.L_overlay_start_2:
0xc3: {  	(tag) =	ssettag $0x2  }
0xc4: {  	s0 =	rddreg [dreg:$0x0];
	s2 =	stileid.u32  }
0xc5: {  	s1 =	rddreg [dreg:$0x1];
	p0 =	sne.s32 s2, $0x0  }
0xc6: {  	s3 =	rddreg [dreg:$0x2];
	[bflag:$0x3] =	sbarrier.arrive $0xFFFF;
	s2 =	simm.s32 @!p0 $0x1C03  }
0xc7: {  	[timem:s3], [sflag:s2] =	dma.local @!p0 [hbm:s0], s1  }
0xc8: {  	s0 =	simm.s32 @!p0 $0x3  }
0xc9: {  	_ =	swait.ge @!p0 [sflag:s0], s1  }
0xca: {  	s1 =	ssub.s32 @!p0 $0x0, s1;
	[sflag:s0] =	ssyncset.done @!p0 $0x0  }
0xcb: {  	[sflag:s0] =	ssyncadd.s32 @!p0 s1  }
0xcc: {  	[bflag:$0x3] =	sbarrier.arrive $0xFFFF  }
0xcd: {  	_ =	shalt  }

// kernel: kernel.19.cloned.1.call-start
scs
__scs_entry_jumppad:
0x0: {  	(pc) =	sbr.rel $0x88, $3  }
0x1: {  	(tag) =	ssettag $0x0;
	lr =	simm.s32 $0x1  }
0x2: {  	[smem:$0x3F8C] =	sst lr;
	_ =	strace $0xD0000000  }
0x3: {  	_ = 	snop  }
0x4: {  	_ = 	snop  }
0x5: {  	_ = 	snop  }
0x6: {  	_ = 	snop  }
0x7: {  	_ = 	snop  }
__scs_overlays_trampoline_lowered:
0x8: {  	[smem:$0x3F9B] =	sst s0  }
0x9: {  	[smem:$0x3F9C] =	sst s1  }
0xa: {  	[smem:$0x3F9D] =	sst s2  }
0xb: {  	[smem:$0x3F9E] =	sst s3  }
0xc: {  	[smem:$0x3F9F] =	sst s4  }
0xd: {  	[smem:$0x3FA0] =	sst s5  }
0xe: {  	[smem:$0x3FA1] =	sst s6  }
0xf: {  	[smem:$0x3FA2] =	sst s7  }
0x10: {  	[smem:$0x3FA3] =	sst s8  }
0x11: {  	[smem:$0x3FA4] =	sst s9;
	s0 =	simm.s32 @!p0 $0x0  }
0x12: {  	s1 =	sld [smem:$0x3F8A];
	s0 =	simm.s32 @p0 $0x1  }
0x13: {  	[smem:$0x3FA5] =	sst s0;
	s0 =	simm.s32 @!p1 $0x0  }
0x14: {  	s2 =	sld [smem:$0x3F89];
	s0 =	simm.s32 @p1 $0x1  }
0x15: {  	[smem:$0x3FA6] =	sst s0;
	s0 =	simm.s32 @!p2 $0x0  }
0x16: {  	s3 =	sld [smem:$0x3FDB];
	s0 =	simm.s32 @p2 $0x1  }
0x17: {  	s4 =	simm.s32 $0x1BF5;
	[smem:$0x3FA8] =	sst s0  }
0x18: {  	s0 =	sld [smem:$0x3F8B];
	_ =	swait.ge [sflag:s4], $0x0  }
0x19: {  	s7 =	sld [smem:$0x3F8C]  }
0x1a: {  	s8 =	sadd.s32 $0xFFFFE003, lr  }
0x1b: {  	s9 =	sadd.s32 $0xFFFFFEF7, lr;
	s5 =	simm.s32 $0xFFFFFFFF;
	p2 =	slt.u32 s8, $0xFFFFF086  }
0x1c: {  	p1 =	slt.u32 s9, $0xF7A;
	s5 =	simm.s32 @!p2 $0x0  }
0x1d: {  	s5 =	simm.s32 @p1 $0x1;
	p0 =	seq.s32 s7, s2  }
0x1e: {  	s7 =	smul.u32 @!p0 $0xF7A, s2;
	p2 =	seq.s32 @!p0 s5, $0x0  }
0x1f: {  	s9 =	smul.u32 $0xF7A, s1;
	s8 =	simm.s32 @!p0 $0x1BF5;
	p2 =	por !p2, p0  }
0x20: {  	[sflag:s8] =	ssyncset.s32 @!p0 $0xFFFFF086;
	s6 =	sadd.s32 @!p0 s3, s7;
	s7 =	simm.s32 @!p0 $0x108  }
0x21: {  	s3 =	sadd.s32 s3, s9;
	s6 =	sadd.s32 @!p0 $0x88, s6;
	s7 =	simm.s32 @p2 $0x1082  }
0x22: {  	[simem:s7], [sflag:s8] =	dma.local @!p0 [hbm:s6], $0xF7A  }
0x23: {  	s9 =	sor.u32 $0xD0000000, s2;
	s6 =	simm.s32 $0x108;
	_ =	swait.ge @!p0 [sflag:s8], $0x0  }
0x24: {  	s3 =	sadd.s32 $0x88, s3;
	s6 =	simm.s32 @!p1 $0x1082;
	[sflag:s4] =	ssyncset.s32 $0xFFFFF086  }
0x25: {  	[simem:s6], [sflag:s4] =	dma.local [hbm:s3], $0xF7A  }
0x26: {  	[smem:$0x3F8C] =	sst s1;
	(tag) =	ssettag s2;
	_ =	strace s9  }
0x27: {  	s1 =	sld [smem:$0x3F9C]  }
0x28: {  	s2 =	sld [smem:$0x3F9D]  }
0x29: {  	s4 =	sld [smem:$0x3F9F]  }
0x2a: {  	p0 =	seq.s32 s5, $0x0;
	s5 =	sld [smem:$0x3FA0]  }
0x2b: {  	s6 =	sld [smem:$0x3FA1]  }
0x2c: {  	s7 =	sld [smem:$0x3FA2]  }
0x2d: {  	s3 =	simm.s32 $0x108;
	s8 =	sld [smem:$0x3FA3]  }
0x2e: {  	s3 =	simm.s32 @!p0 $0x1082;
	s9 =	sld [smem:$0x3FA4]  }
0x2f: {  	lr =	sadd.s32 s0, s3;
	s0 =	sld [smem:$0x3F9B]  }
0x30: {  	s3 =	sld [smem:$0x3F9E]  }
0x31: {  	[smem:$0x3FA7] =	sst s10  }
0x32: {  	s10 =	sld [smem:$0x3FA5];
	_ =	sdelay $0x3  }
0x33: {  	p0 =	seq.s32 s10, $0x1;
	s10 =	sld [smem:$0x3FA7];
	_ =	sdelay $0x3  }
0x34: {  	[smem:$0x3FA7] =	sst s10  }
0x35: {  	s10 =	sld [smem:$0x3FA6];
	_ =	sdelay $0x3  }
0x36: {  	p1 =	seq.s32 s10, $0x1;
	s10 =	sld [smem:$0x3FA7];
	_ =	sdelay $0x3  }
0x37: {  	[smem:$0x3FA7] =	sst s10  }
0x38: {  	s10 =	sld [smem:$0x3FA8]  }
0x39: {  	_ = 	snop;
	(pc) =	sbr.ind lr, $3  }
0x3a: {  	_ = 	snop  }
0x3b: {  	_ = 	snop  }
0x3c: {  	p2 =	seq.s32 s10, $0x1;
	s10 =	sld [smem:$0x3FA7]  }
0x3d: {  	_ =	shalt  }
0x3e: {  	_ =	shalt  }
0x3f: {  	_ =	shalt  }
0x40: {  	_ =	shalt  }
0x41: {  	_ =	shalt  }
0x42: {  	_ =	shalt  }
0x43: {  	_ =	shalt  }
0x44: {  	_ =	shalt  }
0x45: {  	_ =	shalt  }
0x46: {  	_ =	shalt  }
0x47: {  	_ =	shalt  }
0x48: {  	_ =	shalt  }
0x49: {  	_ =	shalt  }
0x4a: {  	_ =	shalt  }
0x4b: {  	_ =	shalt  }
0x4c: {  	_ =	shalt  }
0x4d: {  	_ =	shalt  }
0x4e: {  	_ =	shalt  }
0x4f: {  	_ =	shalt  }
0x50: {  	_ =	shalt  }
0x51: {  	_ =	shalt  }
0x52: {  	_ =	shalt  }
0x53: {  	_ =	shalt  }
0x54: {  	_ =	shalt  }
0x55: {  	_ =	shalt  }
0x56: {  	_ =	shalt  }
0x57: {  	_ =	shalt  }
0x58: {  	_ =	shalt  }
0x59: {  	_ =	shalt  }
0x5a: {  	_ =	shalt  }
0x5b: {  	_ =	shalt  }
0x5c: {  	_ =	shalt  }
0x5d: {  	_ =	shalt  }
0x5e: {  	_ =	shalt  }
0x5f: {  	_ =	shalt  }
0x60: {  	_ =	shalt  }
0x61: {  	_ =	shalt  }
0x62: {  	_ =	shalt  }
0x63: {  	_ =	shalt  }
0x64: {  	_ =	shalt  }
0x65: {  	_ =	shalt  }
0x66: {  	_ =	shalt  }
0x67: {  	_ =	shalt  }
0x68: {  	_ =	shalt  }
0x69: {  	_ =	shalt  }
0x6a: {  	_ =	shalt  }
0x6b: {  	_ =	shalt  }
0x6c: {  	_ =	shalt  }
0x6d: {  	_ =	shalt  }
0x6e: {  	_ =	shalt  }
0x6f: {  	_ =	shalt  }
0x70: {  	_ =	shalt  }
0x71: {  	_ =	shalt  }
0x72: {  	_ =	shalt  }
0x73: {  	_ =	shalt  }
0x74: {  	_ =	shalt  }
0x75: {  	_ =	shalt  }
0x76: {  	_ =	shalt  }
0x77: {  	_ =	shalt  }
0x78: {  	_ =	shalt  }
0x79: {  	_ =	shalt  }
0x7a: {  	_ =	shalt  }
0x7b: {  	_ =	shalt  }
0x7c: {  	_ =	shalt  }
0x7d: {  	_ =	shalt  }
0x7e: {  	_ =	shalt  }
0x7f: {  	_ =	shalt  }
0x80: {  	_ =	shalt  }
0x81: {  	_ =	shalt  }
0x82: {  	_ =	shalt  }
0x83: {  	_ =	shalt  }
0x84: {  	_ =	shalt  }
0x85: {  	_ =	shalt  }
0x86: {  	_ =	shalt  }
0x87: {  	_ =	shalt  }
.Lfunc_end0:
.L_simem_size_0:
called_computation.1_lowered:
.L_overlay_start_0:
0x88: {  	s2 =	sld [smem:$0x3FD9]  }
0x89: {  	s3 =	sld [smem:$0x3FFE];
	_ =	sdelay $0x1  }
0x8a: {  	s1 =	srdreg.scid  }
0x8b: {  	s0 =	sand.u32 $0x1, s1  }
0x8c: {  	s17 =	sshll.u32 s0, $0xA;
	s2 =	sadd.s32 s3, s2  }
0x8d: {  	s2 =	sadd.s32 s2, s17  }
0x8e: {  	[smem:$0x3FB3] =	sst s2  }
0x8f: {  	_ = 	snop  }
0x90: {  	(tm) =	ssettm $0x1  }
0x91: {  	s18 =	sld [smem:$0x3FFB];
	_ =	sdelay $0x3  }
0x92: {  	_ =	strace s18  }
0x93: {  	s2 =	sld [smem:$0x3FFC];
	_ =	sdelay $0x3  }
0x94: {  	_ =	strace s2  }
0x95: {  	s2 =	sld [smem:$0x3FFD];
	_ =	sdelay $0x3  }
0x96: {  	_ =	strace s2  }
0x97: {  	_ =	strace $0x8FFFFFFF  }
0x98: {  	s19 =	sld [smem:$0x3FDB];
	_ =	sdelay $0x1  }
0x99: {  	s20 =	simm.s32 $_scs_section_size  }
0x9a: {  	s4 =	simm.s32 $_size__tile_overlayer_lowered;
	s5 =	simm.s32 $_tile_overlayer_lowered  }
0x9b: {  	s6 =	simm.s32 $0x1BFF;
	s21 =	sshll.u32 s5, $0x1;
	s3 =	sadd.s32 s20, s19  }
0x9c: {  	s22 =	simm.s32 $0x0;
	s4 =	sshll.u32 s4, $0x1;
	s5 =	sadd.s32 s21, s3  }
0x9d: {  	[timem:s22], [sflag:s6] =	dma.local [hbm:s5], s4  }
0x9e: {  	_ =	swait.ge [sflag:s6], s4  }
0x9f: {  	s4 =	ssub.s32 $0x0, s4;
	[sflag:s6] =	ssyncset.done $0x0  }
0xa0: {  	[sflag:s6] =	ssyncadd.s32 s4;
	_ =	sdelay $0x1  }
0xa1: {  	s23 =	simm.s32 $0x1B8B  }
0xa2: {  	_ =	swait.ge [sflag:s23], $0x1  }
0xa3: {  	[sflag:s23] =	ssyncset.done $0x0  }
0xa4: {  	[sflag:s23] =	ssyncadd.s32 $0xFFFFFFFF  }
0xa5: {  	s4 =	sld [smem:$0x0]  }
0xa6: {  	s5 =	sand.u32 $0xFFFFFFFE, s1  }
0xa7: {  	p0 =	sne.s32 s1, s5  }
0xa8: {  	s5 =	sshll.u32 @p0 s5, $0xE  }
0xa9: {  	s5 =	sadd.s32 @p0 $0x11B8D, s5;
	s6 =	sshll.u32 @p0 s4, $0x11  }
0xaa: {  	s5 =	sor.u32 @p0 s6, s5  }
0xab: {  	[sflag:s5] =	ssyncadd.remote.s32 @p0 $0x1;
	_ =	sdelay $0x1  }
0xac: {  	s5 =	simm.s32 @p0 $0x1B8D  }
0xad: {  	_ =	swait.eq @p0 [sflag:s5], $0x1  }
0xae: {  	[sflag:s5] =	ssyncadd.s32 @p0 $0xFFFFFFFF  }
0xaf: {  	s6 =	sshll.u32 @!p0 s1, $0xE  }
0xb0: {  	s6 =	sor.u32 @!p0 $0x4000, s6;
	s5 =	simm.s32 @!p0 $0x1B8D  }
0xb1: {  	s4 =	sshll.u32 @!p0 s4, $0x11;
	s6 =	sadd.s32 @!p0 $0x11B8D, s6;
	_ =	swait.eq @!p0 [sflag:s5], $0x1  }
0xb2: {  	s4 =	sor.u32 @!p0 s4, s6;
	[sflag:s5] =	ssyncadd.s32 @!p0 $0xFFFFFFFF  }
0xb3: {  	s25 =	simm.s32 $0x1B8E;
	s24 =	sld [smem:$0x3FFE];
	[sflag:s4] =	ssyncadd.remote.s32 @!p0 $0x1  }
0xb4: {  	s26 =	simm.s32 $execute0_lowered;
	[smem:$0x3FD2] =	sst s25  }
0xb5: {  	s5 =	sshll.u32 s26, $0x1;
	_ =	strace $0x80000049;
	[dreg:$0x1] =	wrdreg $0xFFFFFFFF  }
0xb6: {  	s28 =	simm.s32 $_size_execute0_lowered;
	s3 =	sadd.s32 s3, s5;
	[dreg:$0x0] =	wrdreg $0x0  }
0xb7: {  	s5 =	sshll.u32 s28, $0x1;
	[dreg:$0x2] =	wrdreg s3  }
0xb8: {  	[dreg:$0x3] =	wrdreg s5  }
0xb9: {  	[dreg:$0x4] =	wrdreg $0xC0  }
0xba: {  	_ =	task [dreg:s22], $0x5FFFF  }
0xbb: {  	[dreg:$0x1] =	wrdreg $0xFFFFFFFF  }
0xbc: {  	[dreg:$0x0] =	wrdreg $0x60  }
0xbd: {  	[dreg:$0x2] =	wrdreg s24  }
0xbe: {  	[dreg:$0x3] =	wrdreg $0x82000  }
0xbf: {  	[dreg:$0x4] =	wrdreg $0xA  }
0xc0: {  	_ =	task.clear_ibuf [dreg:s22], $0x5FFFF;
	_ =	strace $0x90000049  }
0xc1: {  	s29 =	simm.s32 $0xA;
	_ =	strace $0x8000004B  }
0xc2: {  	_ =	swait.ge [sflag:s29], $0x1  }
0xc3: {  	[sflag:s29] =	ssyncadd.s32 $0xFFFFFFFF  }
0xc4: {  	_ =	strace $0x9000004B  }
0xc5: {  	_ =	sfence  }
0xc6: {  	s30 =	sld [smem:$0x0];
	_ =	sdelay $0x2  }
0xc7: {  	s31 =	sshll.u32 s1, $0xD;
	s1 =	sshrl.u32 s1, $0x2  }
0xc8: {  	s4 =	sand.u32 $0x4000, s31;
	s1 =	sadd.s32 s1, s30  }
0xc9: {  	s0 =	sor.u32 s4, s0;
	s1 =	sshll.u32 s1, $0x11  }
0xca: {  	s0 =	sor.u32 s1, s0  }
0xcb: {  	s0 =	sadd.s32 $0x8F2B, s0  }
0xcc: {  	[sflag:s0] =	ssyncadd.remote.s32 $0x1  }
0xcd: {  	_ =	sfence.sel $0xFFFF  }
0xce: {  	[dreg:$0x0] =	wrdreg $0xFFFFFFFF;
	(pc) =	sbr.abs _section_cstart, $3  }
0xcf: {  	[dreg:$0x1] =	wrdreg $0xFFFFFFFF  }
0xd0: {  	_ =	task.clear_ibuf [dreg:s22], $0x2FFFF;
	_ =	strace $0x9FFFFFFF  }
0xd1: {  	(tm) =	ssettm $0x7FFFFFFF  }
tec
execute0_lowered:
.L_overlay_start_1:
0x0: {  	(tag) =	ssettag $0x1  }
0x1: {  	s0 =	rddreg [dreg:$0x0]  }
0x2: {  	s1 =	rddreg [dreg:$0x1];
	s2 =	srdreg.scid  }
0x3: {  	s3 =	simm.s32 $0x0;
	s10 =	stileid.u32;
	s20 =	simm.s32 $0x100  }
0x4: {  	s21 =	simm.s32 $0x3;
	s28 =	simm.s32 $0x1;
	s29 =	simm.s32 $0x2  }
0x5: {  	s30 =	simm.s32 $0x0;
	s2 =	sand.u32 $0x1, s2;
	s6 =	smul.u32 $0x14000, s10  }
0x6: {  	[smem:$0x7FF] =	sst s3;
	s4 =	sadd.s32 $0x30A00, s0;
	s22 =	smul.u32 $0x50000, s10  }
0x7: {  	s19 =	sadd.s32 $0x5DA00, s0;
	s18 =	sadd.s32 $0x58A00, s0;
	s15 =	smul.u32 $0x1400, s10  }
0x8: {  	s5 =	smul.u32 $0x140000, s2;
	_ =	strace $0x8000004A;
	s23 =	ssub.s32 $0x2, s2  }
0x9: {  	s7 =	sshll.u32 s2, $0x4;
	s2 =	smul.u32 $0x14000, s2;
	s8 =	sshrl.u32 s23, $0x1  }
0xa: {  	s7 =	sor.u32 s10, s7;
	s5 =	sadd.s32 s6, s5;
	s6 =	sshrl.u32 s22, $0x2  }
0xb: {  	s13 =	ssub.s32 s23, s8;
	s9 =	smul.u32 $0x1400, s7;
	s2 =	sadd.s32 s15, s2  }
0xc: {  	s22 =	simm.s32 $0x80;
	s23 =	simm.s32 $0x4100;
	s5 =	sshrl.u32 s5, $0x3  }
0xd: {  	s13 =	smax.u32 s13, $0x1;
	s16 =	sor.u32 $0x100, s2;
	s2 =	sor.u32 $0x80, s2  }
0xe: {  	s0 =	sadd.s32 s5, s0;
	s5 =	sadd.s32 s6, s1;
	s14 =	sshrl.u32 s9, $0x3  }
0xf: {  	s26 =	sshrl.u32 s16, $0x3;
	s31 =	sshrl.u32 s2, $0x3;
	s6 =	sadd.s32 $0x4000, s5  }
0x10: {  	s24 =	sadd.s32 $0x8000, s5;
	s8 =	sadd.s32 $0xC000, s5;
	s9 =	sadd.s32 $0x10000, s5  }
0x11: {  	s10 =	sadd.s32 s19, s14;
	s11 =	sadd.s32 s18, s14;
	s12 =	sadd.s32 $0xB2A00, s0  }
0x12: {  	s25 =	sadd.s32 $0x270, s14;
	s16 =	sadd.s32 s26, s18;
	[dreg:$0x3] =	wrdreg s6  }
0x13: {  	s17 =	sadd.s32 s26, s19;
	s26 =	simm.s32 $0x4200;
	[dreg:$0x4] =	wrdreg s24  }
0x14: {  	s14 =	sadd.s32 s19, s25;
	s15 =	sadd.s32 s18, s25;
	s18 =	sadd.s32 s31, s18  }
0x15: {  	v0 =	vimm.f32 $0.0e+00;
	s19 =	sadd.s32 s31, s19;
	s24 =	simm.s32 $0x4;
	s25 =	simm.s32 $0x4180  }
.LBB2_1:
0x16: {  	s0 =	sand.u32 $0xFE00, s3  }
0x17: {  	s2 =	sand.u32 $0x70, s3;
	s31 =	sshrl.u32 s0, $0x2  }
0x18: {  	s0 =	simm.s32 $0x40;
	s2 =	sor.u32 s2, s31;
	s31 =	simm.s32 $0x0  }
.LBB2_2:
0x19: {  	p0 =	sne.s32 s0, $0xFFC0  }
0x1a: {  	[tilespmem:s2+$0x100] =	vst v0;
	s31 =	sadd.s32 $0x10, s31;
	s2 =	smov.u32 s0;
	s0 =	sadd.s32 $0x40, s0  }
.Ltmp0:
0x1b: {  	(pc) =	sbr.rel @p0 .LBB2_2-.Ltmp0, $4  }
0x1c: {  	_ = 	snop  }
0x1d: {  	s2 =	sand.u32 $0xFE00, s2  }
0x1e: {  	s6 =	sand.u32 $0x70, s31;
	s2 =	sshrl.u32 s2, $0x2  }
0x1f: {  	s2 =	sor.u32 s6, s2  }
0x20: {  	[tilespmem:s2+$0x100] =	vst v0  }
0x21: {  	[spmem:s5] =	stream.linear.scatter [tilespmem:s20], [sflag:$0x3], $0x4000, $0x38;
	[tilespmem:$0x1C200] =	vst v63  }
0x22: {  	_ =	swait.ge [sflag:s21], $0x4000  }
0x23: {  	[sflag:s21] =	ssyncset.done $0x0  }
0x24: {  	s0 =	rddreg [dreg:$0x3];
	[sflag:s21] =	ssyncadd.s32 $0xFFFFC000  }
0x25: {  	[spmem:s0] =	stream.linear.scatter [tilespmem:s20], [sflag:$0x3], $0x4000, $0x38;
	[tilespmem:$0x1C200] =	vst v63  }
0x26: {  	_ =	swait.ge [sflag:s21], $0x4000  }
0x27: {  	[sflag:s21] =	ssyncset.done $0x0  }
0x28: {  	s2 =	rddreg [dreg:$0x4];
	[sflag:s21] =	ssyncadd.s32 $0xFFFFC000  }
0x29: {  	[spmem:s2] =	stream.linear.scatter [tilespmem:s20], [sflag:$0x3], $0x4000, $0x38;
	[tilespmem:$0x1C200] =	vst v63  }
0x2a: {  	_ =	swait.ge [sflag:s21], $0x4000  }
0x2b: {  	[sflag:s21] =	ssyncset.done $0x0  }
0x2c: {  	[sflag:s21] =	ssyncadd.s32 $0xFFFFC000  }
0x2d: {  	[spmem:s8] =	stream.linear.scatter [tilespmem:s20], [sflag:$0x3], $0x4000, $0x38;
	[tilespmem:$0x1C200] =	vst v63  }
0x2e: {  	_ =	swait.ge [sflag:s21], $0x4000  }
0x2f: {  	[sflag:s21] =	ssyncset.done $0x0  }
0x30: {  	[sflag:s21] =	ssyncadd.s32 $0xFFFFC000  }
0x31: {  	[spmem:s9] =	stream.linear.scatter [tilespmem:s20], [sflag:$0x3], $0x4000, $0x38;
	[tilespmem:$0x1C200] =	vst v63  }
0x32: {  	_ =	swait.ge [sflag:s21], $0x4000  }
0x33: {  	[sflag:s21] =	ssyncset.done $0x0  }
0x34: {  	s6 =	simm.s32 $0x0;
	[sflag:s21] =	ssyncadd.s32 $0xFFFFC000  }
0x35: {  	[tilespmem:s6], [sflag:$0x3] =	stream.linear.gather [hbm4b:s10+s6], $0x80, $0x38;
	[tilespmem:$0x1C200] =	vst v63  }
0x36: {  	_ =	swait.ge [sflag:s21], $0x80  }
0x37: {  	[sflag:s21] =	ssyncset.done $0x0  }
0x38: {  	[sflag:s21] =	ssyncadd.s32 $0xFFFFFF80  }
0x39: {  	[tilespmem:s22], [sflag:$0x3] =	stream.linear.gather [hbm4b:s11+s6], $0x80, $0x38;
	[tilespmem:$0x1C200] =	vst v63  }
0x3a: {  	_ =	swait.ge [sflag:s21], $0x80  }
0x3b: {  	[sflag:s21] =	ssyncset.done $0x0  }
0x3c: {  	[sflag:s21] =	ssyncadd.s32 $0xFFFFFF80  }
0x3d: {  	[tilespmem:s20], [sflag:$0x1] =	stream.indirect.gather [hbm4b:s4+s22], $0x80, s6, s22, $0xb8;
	[tilespmem:$0x1C200] =	vst v63  }
0x3e: {  	s7 =	sadd.s32 $0x0, s19;
	[bflag:$0x0] =	sbarrier.arrive $0xFFFF  }
0x3f: {  	[tilespmem:s23], [sflag:$0x4] =	stream.linear.gather [hbm4b:s7+s3], $0x80, $0x38;
	[tilespmem:$0x1C200] =	vst v63  }
0x40: {  	_ =	swait.ge [sflag:s24], $0x80  }
0x41: {  	[sflag:s24] =	ssyncset.done $0x0  }
0x42: {  	s2 =	sadd.s32 $0x0, s18;
	[sflag:s24] =	ssyncadd.s32 $0xFFFFFF80  }
0x43: {  	[tilespmem:s25], [sflag:$0x4] =	stream.linear.gather [hbm4b:s2+s3], $0x80, $0x38;
	[tilespmem:$0x1C200] =	vst v63  }
0x44: {  	_ =	swait.ge [sflag:s24], $0x80  }
0x45: {  	[sflag:s24] =	ssyncset.done $0x0  }
0x46: {  	[sflag:s24] =	ssyncadd.s32 $0xFFFFFF80  }
0x47: {  	[tilespmem:s26], [sflag:$0x2] =	stream.indirect.gather [hbm4b:s4+s22], $0x80, s23, s22, $0xb8;
	[tilespmem:$0x1C200] =	vst v63  }
0x48: {  	_ =	swait.ge [sflag:s28], $0x4000  }
0x49: {  	[sflag:s28] =	ssyncset.done $0x0  }
0x4a: {  	[sflag:s28] =	ssyncadd.s32 $0xFFFFC000  }
0x4b: {  	[spmem:s1] =	stream.indirect.scatter.add.f32 [tilespmem:s20], [sflag:$0x4], $0x80, s22, s22, $0xb8;
	[tilespmem:$0x1C200] =	vst v63  }
0x4c: {  	_ =	swait.ge [sflag:s24], $0x4000  }
0x4d: {  	[sflag:s24] =	ssyncset.done $0x0  }
0x4e: {  	s6 =	sadd.s32 $0x0, s17;
	[sflag:s24] =	ssyncadd.s32 $0xFFFFC000  }
0x4f: {  	[tilespmem:s3], [sflag:$0x4] =	stream.linear.gather [hbm4b:s6+s3], $0x80, $0x38;
	[tilespmem:$0x1C200] =	vst v63  }
0x50: {  	_ =	swait.ge [sflag:s24], $0x80  }
0x51: {  	[sflag:s24] =	ssyncset.done $0x0  }
0x52: {  	s7 =	sadd.s32 $0x0, s16;
	[sflag:s24] =	ssyncadd.s32 $0xFFFFFF80  }
0x53: {  	[tilespmem:s22], [sflag:$0x4] =	stream.linear.gather [hbm4b:s7+s3], $0x80, $0x38;
	[tilespmem:$0x1C200] =	vst v63  }
0x54: {  	_ =	swait.ge [sflag:s24], $0x80  }
0x55: {  	[sflag:s24] =	ssyncset.done $0x0  }
0x56: {  	[sflag:s24] =	ssyncadd.s32 $0xFFFFFF80  }
0x57: {  	[tilespmem:s20], [sflag:$0x1] =	stream.indirect.gather [hbm4b:s4+s22], $0x80, s3, s22, $0xb8;
	[tilespmem:$0x1C200] =	vst v63  }
0x58: {  	_ =	swait.ge [sflag:s29], $0x4000  }
0x59: {  	[sflag:s29] =	ssyncset.done $0x0  }
0x5a: {  	[sflag:s29] =	ssyncadd.s32 $0xFFFFC000  }
0x5b: {  	[spmem:s1] =	stream.indirect.scatter.add.f32 [tilespmem:s26], [sflag:$0x3], $0x80, s25, s22, $0xb8;
	[tilespmem:$0x1C200] =	vst v63  }
0x5c: {  	_ =	swait.ge [sflag:s21], $0x4000  }
0x5d: {  	s31 =	simm.s32 $0x20;
	s0 =	simm.s32 $0x40;
	[sflag:s21] =	ssyncset.done $0x0  }
.LBB2_4:
0x5e: {  	s6 =	sadd.s32 s31, s19  }
0x5f: {  	[sflag:s21] =	ssyncadd.s32 $0xFFFFC000;
	s7 =	smov.u32 s0;
	s2 =	sadd.s32 $0x20, s0  }
0x60: {  	[tilespmem:s23], [sflag:$0x4] =	stream.linear.gather [hbm4b:s6+s3], $0x80, $0x38;
	[tilespmem:$0x1C200] =	vst v63  }
0x61: {  	p0 =	sne.s32 s0, $0x240;
	_ =	swait.ge [sflag:s24], $0x80  }
0x62: {  	[sflag:s24] =	ssyncset.done $0x0  }
0x63: {  	s0 =	sadd.s32 s31, s18;
	[sflag:s24] =	ssyncadd.s32 $0xFFFFFF80  }
0x64: {  	[tilespmem:s25], [sflag:$0x4] =	stream.linear.gather [hbm4b:s0+s3], $0x80, $0x38;
	[tilespmem:$0x1C200] =	vst v63  }
0x65: {  	_ =	swait.ge [sflag:s24], $0x80  }
0x66: {  	[sflag:s24] =	ssyncset.done $0x0  }
0x67: {  	[sflag:s24] =	ssyncadd.s32 $0xFFFFFF80  }
0x68: {  	[tilespmem:s26], [sflag:$0x2] =	stream.indirect.gather [hbm4b:s4+s22], $0x80, s23, s22, $0xb8;
	[tilespmem:$0x1C200] =	vst v63  }
0x69: {  	_ =	swait.ge [sflag:s28], $0x4000  }
0x6a: {  	[sflag:s28] =	ssyncset.done $0x0  }
0x6b: {  	[sflag:s28] =	ssyncadd.s32 $0xFFFFC000  }
0x6c: {  	[spmem:s1] =	stream.indirect.scatter.add.f32 [tilespmem:s20], [sflag:$0x4], $0x80, s22, s22, $0xb8;
	[tilespmem:$0x1C200] =	vst v63  }
0x6d: {  	_ =	swait.ge [sflag:s24], $0x4000  }
0x6e: {  	[sflag:s24] =	ssyncset.done $0x0  }
0x6f: {  	s0 =	sadd.s32 s31, s17;
	[sflag:s24] =	ssyncadd.s32 $0xFFFFC000  }
0x70: {  	[tilespmem:s3], [sflag:$0x4] =	stream.linear.gather [hbm4b:s0+s3], $0x80, $0x38;
	[tilespmem:$0x1C200] =	vst v63  }
0x71: {  	_ =	swait.ge [sflag:s24], $0x80  }
0x72: {  	[sflag:s24] =	ssyncset.done $0x0  }
0x73: {  	s0 =	sadd.s32 s31, s16;
	s31 =	smov.u32 s7;
	[sflag:s24] =	ssyncadd.s32 $0xFFFFFF80  }
0x74: {  	[tilespmem:s22], [sflag:$0x4] =	stream.linear.gather [hbm4b:s0+s3], $0x80, $0x38;
	[tilespmem:$0x1C200] =	vst v63  }
0x75: {  	_ =	swait.ge [sflag:s24], $0x80  }
0x76: {  	[sflag:s24] =	ssyncset.done $0x0  }
0x77: {  	[sflag:s24] =	ssyncadd.s32 $0xFFFFFF80  }
0x78: {  	[tilespmem:s20], [sflag:$0x1] =	stream.indirect.gather [hbm4b:s4+s22], $0x80, s3, s22, $0xb8;
	[tilespmem:$0x1C200] =	vst v63  }
0x79: {  	_ =	swait.ge [sflag:s29], $0x4000  }
.Ltmp1:
0x7a: {  	[sflag:s29] =	ssyncset.done $0x0;
	(pc) =	sbr.rel @p0 .LBB2_4-.Ltmp1, $4  }
0x7b: {  	[sflag:s29] =	ssyncadd.s32 $0xFFFFC000  }
0x7c: {  	[spmem:s1] =	stream.indirect.scatter.add.f32 [tilespmem:s26], [sflag:$0x3], $0x80, s25, s22, $0xb8;
	[tilespmem:$0x1C200] =	vst v63  }
0x7d: {  	_ =	swait.ge [sflag:s21], $0x4000  }
0x7e: {  	s0 =	smov.u32 s2;
	[sflag:s21] =	ssyncset.done $0x0  }
0x7f: {  	s0 =	sadd.s32 s31, s19;
	[sflag:s21] =	ssyncadd.s32 $0xFFFFC000  }
0x80: {  	[tilespmem:s23], [sflag:$0x4] =	stream.linear.gather [hbm4b:s0+s3], $0x80, $0x38;
	[tilespmem:$0x1C200] =	vst v63  }
0x81: {  	_ =	swait.ge [sflag:s24], $0x80  }
0x82: {  	[sflag:s24] =	ssyncset.done $0x0  }
0x83: {  	s2 =	sadd.s32 s31, s18;
	[sflag:s24] =	ssyncadd.s32 $0xFFFFFF80  }
0x84: {  	[tilespmem:s25], [sflag:$0x4] =	stream.linear.gather [hbm4b:s2+s3], $0x80, $0x38;
	[tilespmem:$0x1C200] =	vst v63  }
0x85: {  	_ =	swait.ge [sflag:s24], $0x80  }
0x86: {  	[sflag:s24] =	ssyncset.done $0x0  }
0x87: {  	[sflag:s24] =	ssyncadd.s32 $0xFFFFFF80  }
0x88: {  	[tilespmem:s26], [sflag:$0x2] =	stream.indirect.gather [hbm4b:s4+s22], $0x80, s23, s22, $0xb8;
	[tilespmem:$0x1C200] =	vst v63  }
0x89: {  	_ =	swait.ge [sflag:s28], $0x4000  }
0x8a: {  	[sflag:s28] =	ssyncset.done $0x0  }
0x8b: {  	[sflag:s28] =	ssyncadd.s32 $0xFFFFC000  }
0x8c: {  	[spmem:s1] =	stream.indirect.scatter.add.f32 [tilespmem:s20], [sflag:$0x4], $0x80, s22, s22, $0xb8;
	[tilespmem:$0x1C200] =	vst v63  }
0x8d: {  	_ =	swait.ge [sflag:s24], $0x4000  }
0x8e: {  	[sflag:s24] =	ssyncset.done $0x0  }
0x8f: {  	s6 =	sadd.s32 s31, s17;
	[sflag:s24] =	ssyncadd.s32 $0xFFFFC000  }
0x90: {  	[tilespmem:s3], [sflag:$0x4] =	stream.linear.gather [hbm4b:s6+s3], $0x80, $0x38;
	[tilespmem:$0x1C200] =	vst v63  }
0x91: {  	_ =	swait.ge [sflag:s24], $0x80  }
0x92: {  	[sflag:s24] =	ssyncset.done $0x0  }
0x93: {  	s7 =	sadd.s32 s31, s16;
	[sflag:s24] =	ssyncadd.s32 $0xFFFFFF80  }
0x94: {  	[tilespmem:s22], [sflag:$0x4] =	stream.linear.gather [hbm4b:s7+s3], $0x80, $0x38;
	[tilespmem:$0x1C200] =	vst v63  }
0x95: {  	_ =	swait.ge [sflag:s24], $0x80  }
0x96: {  	[sflag:s24] =	ssyncset.done $0x0  }
0x97: {  	[sflag:s24] =	ssyncadd.s32 $0xFFFFFF80  }
0x98: {  	[tilespmem:s20], [sflag:$0x1] =	stream.indirect.gather [hbm4b:s4+s22], $0x80, s3, s22, $0xb8;
	[tilespmem:$0x1C200] =	vst v63  }
0x99: {  	_ =	swait.ge [sflag:s29], $0x4000  }
0x9a: {  	[sflag:s29] =	ssyncset.done $0x0  }
0x9b: {  	[sflag:s29] =	ssyncadd.s32 $0xFFFFC000  }
0x9c: {  	[spmem:s1] =	stream.indirect.scatter.add.f32 [tilespmem:s26], [sflag:$0x3], $0x80, s25, s22, $0xb8;
	[tilespmem:$0x1C200] =	vst v63  }
0x9d: {  	_ =	swait.ge [sflag:s21], $0x4000  }
0x9e: {  	[sflag:s21] =	ssyncset.done $0x0  }
0x9f: {  	[sflag:s21] =	ssyncadd.s32 $0xFFFFC000  }
0xa0: {  	[tilespmem:s23], [sflag:$0x4] =	stream.linear.gather [hbm4b:s14+s3], $0x80, $0x38;
	[tilespmem:$0x1C200] =	vst v63  }
0xa1: {  	_ =	swait.ge [sflag:s24], $0x80  }
0xa2: {  	[sflag:s24] =	ssyncset.done $0x0  }
0xa3: {  	[sflag:s24] =	ssyncadd.s32 $0xFFFFFF80  }
0xa4: {  	[tilespmem:s25], [sflag:$0x4] =	stream.linear.gather [hbm4b:s15+s3], $0x80, $0x38;
	[tilespmem:$0x1C200] =	vst v63  }
0xa5: {  	_ =	swait.ge [sflag:s24], $0x80  }
0xa6: {  	[sflag:s24] =	ssyncset.done $0x0  }
0xa7: {  	[sflag:s24] =	ssyncadd.s32 $0xFFFFFF80  }
0xa8: {  	[tilespmem:s26], [sflag:$0x2] =	stream.indirect.gather [hbm4b:s4+s22], $0x80, s23, s22, $0xb8;
	[tilespmem:$0x1C200] =	vst v63  }
0xa9: {  	_ =	swait.ge [sflag:s28], $0x4000  }
0xaa: {  	[sflag:s28] =	ssyncset.done $0x0  }
0xab: {  	[sflag:s28] =	ssyncadd.s32 $0xFFFFC000  }
0xac: {  	[spmem:s1] =	stream.indirect.scatter.add.f32 [tilespmem:s20], [sflag:$0x4], $0x80, s22, s22, $0xb8;
	[tilespmem:$0x1C200] =	vst v63  }
0xad: {  	_ =	swait.ge [sflag:s24], $0x4000  }
0xae: {  	[sflag:s24] =	ssyncset.done $0x0  }
0xaf: {  	[sflag:s24] =	ssyncadd.s32 $0xFFFFC000  }
0xb0: {  	_ =	swait.ge [sflag:s29], $0x4000  }
0xb1: {  	[sflag:s29] =	ssyncset.done $0x0  }
0xb2: {  	[sflag:s29] =	ssyncadd.s32 $0xFFFFC000  }
0xb3: {  	[spmem:s1] =	stream.indirect.scatter.add.f32 [tilespmem:s26], [sflag:$0x3], $0x80, s25, s22, $0xb8;
	[tilespmem:$0x1C200] =	vst v63  }
0xb4: {  	s31 =	stileid.u32;
	_ =	swait.ge [sflag:s21], $0x4000  }
0xb5: {  	s30 =	sadd.s32 $0x1, s30;
	s0 =	sshll.u32 s31, $0x6;
	[sflag:s21] =	ssyncset.done $0x0  }
0xb6: {  	p0 =	sne.s32 s30, s13;
	s0 =	sor.u32 $0x1C03, s0;
	[sflag:s21] =	ssyncadd.s32 $0xFFFFC000  }
.Ltmp2:
0xb7: {  	s2 =	sshrl.u32 s5, $0x3;
	[bflag:$0x0] =	sbarrier.arrive $0xFFFF;
	(pc) =	sbr.rel @p0 .LBB2_1-.Ltmp2, $4  }
0xb8: {  	[hbm:s12], [sflag:s0] =	dma.local [spmem:s2], $0x2800  }
0xb9: {  	_ =	swait.ge [sflag:s21], $0x2800  }
0xba: {  	[sflag:s21] =	ssyncset.done $0x0  }
0xbb: {  	[sflag:s21] =	ssyncadd.s32 $0xFFFFD800  }
0xbc: {  	_ =	sfence.sel $0x180000  }
0xbd: {  	[bflag:$0x0] =	sbarrier.arrive $0xFFFF  }
0xbe: {  	_ =	strace $0x9000004A  }
0xbf: {  	s0 =	stileid.u32;
	[bflag:$0x2] =	sbarrier.arrive $0xFFFF  }
0xc0: {  	p0 =	sne.s32 s0, $0x0;
	s0 =	rddreg [dreg:$0x2]  }
0xc1: {  	s0 =	sadd.s32 @!p0 $0x100000, s0  }
0xc2: {  	[sflag:s0] =	ssyncadd.tile.s32 @!p0 $0x1;
	_ =	shalt  }
.Lfunc_end2:
_tile_overlayer_lowered:
.L_overlay_start_2:
0xc3: {  	(tag) =	ssettag $0x2  }
0xc4: {  	s0 =	rddreg [dreg:$0x0];
	s2 =	stileid.u32  }
0xc5: {  	s1 =	rddreg [dreg:$0x1];
	p0 =	sne.s32 s2, $0x0  }
0xc6: {  	s3 =	rddreg [dreg:$0x2];
	[bflag:$0x3] =	sbarrier.arrive $0xFFFF;
	s2 =	simm.s32 @!p0 $0x1C03  }
0xc7: {  	[timem:s3], [sflag:s2] =	dma.local @!p0 [hbm:s0], s1  }
0xc8: {  	s0 =	simm.s32 @!p0 $0x3  }
0xc9: {  	_ =	swait.ge @!p0 [sflag:s0], s1  }
0xca: {  	s1 =	ssub.s32 @!p0 $0x0, s1;
	[sflag:s0] =	ssyncset.done @!p0 $0x0  }
0xcb: {  	[sflag:s0] =	ssyncadd.s32 @!p0 s1  }
0xcc: {  	[bflag:$0x3] =	sbarrier.arrive $0xFFFF  }
0xcd: {  	_ =	shalt  }

// kernel: kernel.22.cloned.1.call-start
scs
__scs_entry_jumppad:
0x0: {  	(pc) =	sbr.rel $0x88, $3  }
0x1: {  	(tag) =	ssettag $0x0;
	lr =	simm.s32 $0x1  }
0x2: {  	[smem:$0x3F8C] =	sst lr;
	_ =	strace $0xD0000000  }
0x3: {  	_ = 	snop  }
0x4: {  	_ = 	snop  }
0x5: {  	_ = 	snop  }
0x6: {  	_ = 	snop  }
0x7: {  	_ = 	snop  }
__scs_overlays_trampoline_lowered:
0x8: {  	[smem:$0x3F9B] =	sst s0  }
0x9: {  	[smem:$0x3F9C] =	sst s1  }
0xa: {  	[smem:$0x3F9D] =	sst s2  }
0xb: {  	[smem:$0x3F9E] =	sst s3  }
0xc: {  	[smem:$0x3F9F] =	sst s4  }
0xd: {  	[smem:$0x3FA0] =	sst s5  }
0xe: {  	[smem:$0x3FA1] =	sst s6  }
0xf: {  	[smem:$0x3FA2] =	sst s7  }
0x10: {  	[smem:$0x3FA3] =	sst s8  }
0x11: {  	[smem:$0x3FA4] =	sst s9;
	s0 =	simm.s32 @!p0 $0x0  }
0x12: {  	s1 =	sld [smem:$0x3F8A];
	s0 =	simm.s32 @p0 $0x1  }
0x13: {  	[smem:$0x3FA5] =	sst s0;
	s0 =	simm.s32 @!p1 $0x0  }
0x14: {  	s2 =	sld [smem:$0x3F89];
	s0 =	simm.s32 @p1 $0x1  }
0x15: {  	[smem:$0x3FA6] =	sst s0;
	s0 =	simm.s32 @!p2 $0x0  }
0x16: {  	s3 =	sld [smem:$0x3FDB];
	s0 =	simm.s32 @p2 $0x1  }
0x17: {  	s4 =	simm.s32 $0x1BF5;
	[smem:$0x3FA8] =	sst s0  }
0x18: {  	s0 =	sld [smem:$0x3F8B];
	_ =	swait.ge [sflag:s4], $0x0  }
0x19: {  	s7 =	sld [smem:$0x3F8C]  }
0x1a: {  	s8 =	sadd.s32 $0xFFFFE003, lr  }
0x1b: {  	s9 =	sadd.s32 $0xFFFFFEF7, lr;
	s5 =	simm.s32 $0xFFFFFFFF;
	p2 =	slt.u32 s8, $0xFFFFF086  }
0x1c: {  	p1 =	slt.u32 s9, $0xF7A;
	s5 =	simm.s32 @!p2 $0x0  }
0x1d: {  	s5 =	simm.s32 @p1 $0x1;
	p0 =	seq.s32 s7, s2  }
0x1e: {  	s7 =	smul.u32 @!p0 $0xF7A, s2;
	p2 =	seq.s32 @!p0 s5, $0x0  }
0x1f: {  	s9 =	smul.u32 $0xF7A, s1;
	s8 =	simm.s32 @!p0 $0x1BF5;
	p2 =	por !p2, p0  }
0x20: {  	[sflag:s8] =	ssyncset.s32 @!p0 $0xFFFFF086;
	s6 =	sadd.s32 @!p0 s3, s7;
	s7 =	simm.s32 @!p0 $0x108  }
0x21: {  	s3 =	sadd.s32 s3, s9;
	s6 =	sadd.s32 @!p0 $0x88, s6;
	s7 =	simm.s32 @p2 $0x1082  }
0x22: {  	[simem:s7], [sflag:s8] =	dma.local @!p0 [hbm:s6], $0xF7A  }
0x23: {  	s9 =	sor.u32 $0xD0000000, s2;
	s6 =	simm.s32 $0x108;
	_ =	swait.ge @!p0 [sflag:s8], $0x0  }
0x24: {  	s3 =	sadd.s32 $0x88, s3;
	s6 =	simm.s32 @!p1 $0x1082;
	[sflag:s4] =	ssyncset.s32 $0xFFFFF086  }
0x25: {  	[simem:s6], [sflag:s4] =	dma.local [hbm:s3], $0xF7A  }
0x26: {  	[smem:$0x3F8C] =	sst s1;
	(tag) =	ssettag s2;
	_ =	strace s9  }
0x27: {  	s1 =	sld [smem:$0x3F9C]  }
0x28: {  	s2 =	sld [smem:$0x3F9D]  }
0x29: {  	s4 =	sld [smem:$0x3F9F]  }
0x2a: {  	p0 =	seq.s32 s5, $0x0;
	s5 =	sld [smem:$0x3FA0]  }
0x2b: {  	s6 =	sld [smem:$0x3FA1]  }
0x2c: {  	s7 =	sld [smem:$0x3FA2]  }
0x2d: {  	s3 =	simm.s32 $0x108;
	s8 =	sld [smem:$0x3FA3]  }
0x2e: {  	s3 =	simm.s32 @!p0 $0x1082;
	s9 =	sld [smem:$0x3FA4]  }
0x2f: {  	lr =	sadd.s32 s0, s3;
	s0 =	sld [smem:$0x3F9B]  }
0x30: {  	s3 =	sld [smem:$0x3F9E]  }
0x31: {  	[smem:$0x3FA7] =	sst s10  }
0x32: {  	s10 =	sld [smem:$0x3FA5];
	_ =	sdelay $0x3  }
0x33: {  	p0 =	seq.s32 s10, $0x1;
	s10 =	sld [smem:$0x3FA7];
	_ =	sdelay $0x3  }
0x34: {  	[smem:$0x3FA7] =	sst s10  }
0x35: {  	s10 =	sld [smem:$0x3FA6];
	_ =	sdelay $0x3  }
0x36: {  	p1 =	seq.s32 s10, $0x1;
	s10 =	sld [smem:$0x3FA7];
	_ =	sdelay $0x3  }
0x37: {  	[smem:$0x3FA7] =	sst s10  }
0x38: {  	s10 =	sld [smem:$0x3FA8]  }
0x39: {  	_ = 	snop;
	(pc) =	sbr.ind lr, $3  }
0x3a: {  	_ = 	snop  }
0x3b: {  	_ = 	snop  }
0x3c: {  	p2 =	seq.s32 s10, $0x1;
	s10 =	sld [smem:$0x3FA7]  }
0x3d: {  	_ =	shalt  }
0x3e: {  	_ =	shalt  }
0x3f: {  	_ =	shalt  }
0x40: {  	_ =	shalt  }
0x41: {  	_ =	shalt  }
0x42: {  	_ =	shalt  }
0x43: {  	_ =	shalt  }
0x44: {  	_ =	shalt  }
0x45: {  	_ =	shalt  }
0x46: {  	_ =	shalt  }
0x47: {  	_ =	shalt  }
0x48: {  	_ =	shalt  }
0x49: {  	_ =	shalt  }
0x4a: {  	_ =	shalt  }
0x4b: {  	_ =	shalt  }
0x4c: {  	_ =	shalt  }
0x4d: {  	_ =	shalt  }
0x4e: {  	_ =	shalt  }
0x4f: {  	_ =	shalt  }
0x50: {  	_ =	shalt  }
0x51: {  	_ =	shalt  }
0x52: {  	_ =	shalt  }
0x53: {  	_ =	shalt  }
0x54: {  	_ =	shalt  }
0x55: {  	_ =	shalt  }
0x56: {  	_ =	shalt  }
0x57: {  	_ =	shalt  }
0x58: {  	_ =	shalt  }
0x59: {  	_ =	shalt  }
0x5a: {  	_ =	shalt  }
0x5b: {  	_ =	shalt  }
0x5c: {  	_ =	shalt  }
0x5d: {  	_ =	shalt  }
0x5e: {  	_ =	shalt  }
0x5f: {  	_ =	shalt  }
0x60: {  	_ =	shalt  }
0x61: {  	_ =	shalt  }
0x62: {  	_ =	shalt  }
0x63: {  	_ =	shalt  }
0x64: {  	_ =	shalt  }
0x65: {  	_ =	shalt  }
0x66: {  	_ =	shalt  }
0x67: {  	_ =	shalt  }
0x68: {  	_ =	shalt  }
0x69: {  	_ =	shalt  }
0x6a: {  	_ =	shalt  }
0x6b: {  	_ =	shalt  }
0x6c: {  	_ =	shalt  }
0x6d: {  	_ =	shalt  }
0x6e: {  	_ =	shalt  }
0x6f: {  	_ =	shalt  }
0x70: {  	_ =	shalt  }
0x71: {  	_ =	shalt  }
0x72: {  	_ =	shalt  }
0x73: {  	_ =	shalt  }
0x74: {  	_ =	shalt  }
0x75: {  	_ =	shalt  }
0x76: {  	_ =	shalt  }
0x77: {  	_ =	shalt  }
0x78: {  	_ =	shalt  }
0x79: {  	_ =	shalt  }
0x7a: {  	_ =	shalt  }
0x7b: {  	_ =	shalt  }
0x7c: {  	_ =	shalt  }
0x7d: {  	_ =	shalt  }
0x7e: {  	_ =	shalt  }
0x7f: {  	_ =	shalt  }
0x80: {  	_ =	shalt  }
0x81: {  	_ =	shalt  }
0x82: {  	_ =	shalt  }
0x83: {  	_ =	shalt  }
0x84: {  	_ =	shalt  }
0x85: {  	_ =	shalt  }
0x86: {  	_ =	shalt  }
0x87: {  	_ =	shalt  }
.Lfunc_end0:
.L_simem_size_0:
called_computation.2_lowered:
.L_overlay_start_0:
0x88: {  	s2 =	sld [smem:$0x3FD9]  }
0x89: {  	s3 =	sld [smem:$0x3FFE];
	_ =	sdelay $0x1  }
0x8a: {  	s1 =	srdreg.scid  }
0x8b: {  	s0 =	sand.u32 $0x1, s1  }
0x8c: {  	s16 =	sshll.u32 s0, $0xA;
	s2 =	sadd.s32 s3, s2  }
0x8d: {  	s2 =	sadd.s32 s2, s16  }
0x8e: {  	[smem:$0x3FB3] =	sst s2  }
0x8f: {  	_ = 	snop  }
0x90: {  	(tm) =	ssettm $0x1  }
0x91: {  	s17 =	sld [smem:$0x3FFB];
	_ =	sdelay $0x3  }
0x92: {  	_ =	strace s17  }
0x93: {  	s2 =	sld [smem:$0x3FFC];
	_ =	sdelay $0x3  }
0x94: {  	_ =	strace s2  }
0x95: {  	s2 =	sld [smem:$0x3FFD];
	_ =	sdelay $0x3  }
0x96: {  	_ =	strace s2  }
0x97: {  	_ =	strace $0x8FFFFFFF  }
0x98: {  	s18 =	sld [smem:$0x3FDB];
	_ =	sdelay $0x1  }
0x99: {  	s19 =	simm.s32 $_scs_section_size  }
0x9a: {  	s4 =	simm.s32 $_size__tile_overlayer_lowered;
	s5 =	simm.s32 $_tile_overlayer_lowered  }
0x9b: {  	s22 =	simm.s32 $0x1BFF;
	s21 =	sshll.u32 s5, $0x1;
	s2 =	sadd.s32 s19, s18  }
0x9c: {  	s6 =	simm.s32 $0x0;
	s20 =	sshll.u32 s4, $0x1;
	s4 =	sadd.s32 s21, s2  }
0x9d: {  	[timem:s6], [sflag:s22] =	dma.local [hbm:s4], s20  }
0x9e: {  	_ =	swait.ge [sflag:s22], s20  }
0x9f: {  	s3 =	ssub.s32 $0x0, s20;
	[sflag:s22] =	ssyncset.done $0x0  }
0xa0: {  	[sflag:s22] =	ssyncadd.s32 s3;
	_ =	sdelay $0x1  }
0xa1: {  	s23 =	simm.s32 $0x1B8B  }
0xa2: {  	_ =	swait.ge [sflag:s23], $0x1  }
0xa3: {  	[sflag:s23] =	ssyncset.done $0x0  }
0xa4: {  	s25 =	simm.s32 $0x1B8E;
	s24 =	sld [smem:$0x3FFE];
	[sflag:s23] =	ssyncadd.s32 $0xFFFFFFFF  }
0xa5: {  	s26 =	simm.s32 $execute0_lowered;
	[smem:$0x3FD2] =	sst s25  }
0xa6: {  	s4 =	sshll.u32 s26, $0x1;
	_ =	strace $0x8000004C;
	[dreg:$0x1] =	wrdreg $0xFFFFFFFF  }
0xa7: {  	s28 =	simm.s32 $_size_execute0_lowered;
	s2 =	sadd.s32 s2, s4;
	[dreg:$0x0] =	wrdreg $0x0  }
0xa8: {  	s4 =	sshll.u32 s28, $0x1;
	[dreg:$0x2] =	wrdreg s2  }
0xa9: {  	[dreg:$0x3] =	wrdreg s4  }
0xaa: {  	[dreg:$0x4] =	wrdreg $0xC0  }
0xab: {  	_ =	task [dreg:s6], $0x5FFFF  }
0xac: {  	[dreg:$0x1] =	wrdreg $0xFFFFFFFF  }
0xad: {  	[dreg:$0x0] =	wrdreg $0x60  }
0xae: {  	[dreg:$0x2] =	wrdreg s24  }
0xaf: {  	[dreg:$0x3] =	wrdreg $0x82000  }
0xb0: {  	[dreg:$0x4] =	wrdreg $0x9  }
0xb1: {  	_ =	task.clear_ibuf [dreg:s6], $0x5FFFF;
	_ =	strace $0x9000004C  }
0xb2: {  	s29 =	simm.s32 $0x9;
	_ =	strace $0x8000004E  }
0xb3: {  	_ =	swait.ge [sflag:s29], $0x1  }
0xb4: {  	[sflag:s29] =	ssyncadd.s32 $0xFFFFFFFF  }
0xb5: {  	_ =	strace $0x9000004E  }
0xb6: {  	_ =	sfence  }
0xb7: {  	s30 =	sld [smem:$0x0];
	_ =	sdelay $0x2  }
0xb8: {  	s31 =	sshll.u32 s1, $0xD;
	s1 =	sshrl.u32 s1, $0x2  }
0xb9: {  	s3 =	sand.u32 $0x4000, s31;
	s1 =	sadd.s32 s1, s30  }
0xba: {  	s0 =	sor.u32 s3, s0;
	s1 =	sshll.u32 s1, $0x11  }
0xbb: {  	s0 =	sor.u32 s1, s0  }
0xbc: {  	s0 =	sadd.s32 $0x8F2B, s0  }
0xbd: {  	[sflag:s0] =	ssyncadd.remote.s32 $0x1  }
0xbe: {  	_ =	sfence.sel $0xFFFF  }
0xbf: {  	[dreg:$0x0] =	wrdreg $0xFFFFFFFF;
	(pc) =	sbr.abs _section_cstart, $3  }
0xc0: {  	[dreg:$0x1] =	wrdreg $0xFFFFFFFF  }
0xc1: {  	_ =	task.clear_ibuf [dreg:s6], $0x2FFFF;
	_ =	strace $0x9FFFFFFF  }
0xc2: {  	(tm) =	ssettm $0x7FFFFFFF  }
0xc3: {  	_ =	shalt  }
tec
execute0_lowered:
.L_overlay_start_1:
0x0: {  	(tag) =	ssettag $0x1  }
0x1: {  	s0 =	rddreg [dreg:$0x0]  }
0x2: {  	s1 =	rddreg [dreg:$0x1];
	s2 =	srdreg.scid  }
0x3: {  	s3 =	simm.s32 $0x0;
	s10 =	stileid.u32;
	s20 =	simm.s32 $0x100  }
0x4: {  	s21 =	simm.s32 $0x3;
	s28 =	simm.s32 $0x1;
	s29 =	simm.s32 $0x2  }
0x5: {  	s30 =	simm.s32 $0x0;
	s2 =	sand.u32 $0x1, s2;
	s6 =	smul.u32 $0x14000, s10  }
0x6: {  	[smem:$0x7FF] =	sst s3;
	s4 =	sadd.s32 $0x8A00, s0;
	s22 =	smul.u32 $0x50000, s10  }
0x7: {  	s19 =	sadd.s32 $0x5DA00, s0;
	s18 =	sadd.s32 $0x58A00, s0;
	s15 =	smul.u32 $0x1400, s10  }
0x8: {  	s5 =	smul.u32 $0x140000, s2;
	_ =	strace $0x8000004D;
	s23 =	ssub.s32 $0x2, s2  }
0x9: {  	s7 =	sshll.u32 s2, $0x4;
	s2 =	smul.u32 $0x14000, s2;
	s8 =	sshrl.u32 s23, $0x1  }
0xa: {  	s7 =	sor.u32 s10, s7;
	s5 =	sadd.s32 s6, s5;
	s6 =	sshrl.u32 s22, $0x2  }
0xb: {  	s13 =	ssub.s32 s23, s8;
	s9 =	smul.u32 $0x1400, s7;
	s2 =	sadd.s32 s15, s2  }
0xc: {  	s22 =	simm.s32 $0x80;
	s23 =	simm.s32 $0x4100;
	s5 =	sshrl.u32 s5, $0x3  }
0xd: {  	s13 =	smax.u32 s13, $0x1;
	s16 =	sor.u32 $0x100, s2;
	s2 =	sor.u32 $0x80, s2  }
0xe: {  	s0 =	sadd.s32 s5, s0;
	s5 =	sadd.s32 s6, s1;
	s14 =	sshrl.u32 s9, $0x3  }
0xf: {  	s26 =	sshrl.u32 s16, $0x3;
	s31 =	sshrl.u32 s2, $0x3;
	s6 =	sadd.s32 $0x4000, s5  }
0x10: {  	s24 =	sadd.s32 $0x8000, s5;
	s8 =	sadd.s32 $0xC000, s5;
	s9 =	sadd.s32 $0x10000, s5  }
0x11: {  	s10 =	sadd.s32 s19, s14;
	s11 =	sadd.s32 s18, s14;
	s12 =	sadd.s32 $0x8AA00, s0  }
0x12: {  	s25 =	sadd.s32 $0x270, s14;
	s16 =	sadd.s32 s26, s18;
	[dreg:$0x3] =	wrdreg s6  }
0x13: {  	s17 =	sadd.s32 s26, s19;
	s26 =	simm.s32 $0x4200;
	[dreg:$0x4] =	wrdreg s24  }
0x14: {  	s14 =	sadd.s32 s19, s25;
	s15 =	sadd.s32 s18, s25;
	s18 =	sadd.s32 s31, s18  }
0x15: {  	v0 =	vimm.f32 $0.0e+00;
	s19 =	sadd.s32 s31, s19;
	s24 =	simm.s32 $0x4;
	s25 =	simm.s32 $0x4180  }
.LBB2_1:
0x16: {  	s0 =	sand.u32 $0xFE00, s3  }
0x17: {  	s2 =	sand.u32 $0x70, s3;
	s31 =	sshrl.u32 s0, $0x2  }
0x18: {  	s0 =	simm.s32 $0x40;
	s2 =	sor.u32 s2, s31;
	s31 =	simm.s32 $0x0  }
.LBB2_2:
0x19: {  	p0 =	sne.s32 s0, $0xFFC0  }
0x1a: {  	[tilespmem:s2+$0x100] =	vst v0;
	s31 =	sadd.s32 $0x10, s31;
	s2 =	smov.u32 s0;
	s0 =	sadd.s32 $0x40, s0  }
.Ltmp0:
0x1b: {  	(pc) =	sbr.rel @p0 .LBB2_2-.Ltmp0, $4  }
0x1c: {  	_ = 	snop  }
0x1d: {  	s2 =	sand.u32 $0xFE00, s2  }
0x1e: {  	s6 =	sand.u32 $0x70, s31;
	s2 =	sshrl.u32 s2, $0x2  }
0x1f: {  	s2 =	sor.u32 s6, s2  }
0x20: {  	[tilespmem:s2+$0x100] =	vst v0  }
0x21: {  	[spmem:s5] =	stream.linear.scatter [tilespmem:s20], [sflag:$0x3], $0x4000, $0x38;
	[tilespmem:$0x1C200] =	vst v63  }
0x22: {  	_ =	swait.ge [sflag:s21], $0x4000  }
0x23: {  	[sflag:s21] =	ssyncset.done $0x0  }
0x24: {  	s0 =	rddreg [dreg:$0x3];
	[sflag:s21] =	ssyncadd.s32 $0xFFFFC000  }
0x25: {  	[spmem:s0] =	stream.linear.scatter [tilespmem:s20], [sflag:$0x3], $0x4000, $0x38;
	[tilespmem:$0x1C200] =	vst v63  }
0x26: {  	_ =	swait.ge [sflag:s21], $0x4000  }
0x27: {  	[sflag:s21] =	ssyncset.done $0x0  }
0x28: {  	s2 =	rddreg [dreg:$0x4];
	[sflag:s21] =	ssyncadd.s32 $0xFFFFC000  }
0x29: {  	[spmem:s2] =	stream.linear.scatter [tilespmem:s20], [sflag:$0x3], $0x4000, $0x38;
	[tilespmem:$0x1C200] =	vst v63  }
0x2a: {  	_ =	swait.ge [sflag:s21], $0x4000  }
0x2b: {  	[sflag:s21] =	ssyncset.done $0x0  }
0x2c: {  	[sflag:s21] =	ssyncadd.s32 $0xFFFFC000  }
0x2d: {  	[spmem:s8] =	stream.linear.scatter [tilespmem:s20], [sflag:$0x3], $0x4000, $0x38;
	[tilespmem:$0x1C200] =	vst v63  }
0x2e: {  	_ =	swait.ge [sflag:s21], $0x4000  }
0x2f: {  	[sflag:s21] =	ssyncset.done $0x0  }
0x30: {  	[sflag:s21] =	ssyncadd.s32 $0xFFFFC000  }
0x31: {  	[spmem:s9] =	stream.linear.scatter [tilespmem:s20], [sflag:$0x3], $0x4000, $0x38;
	[tilespmem:$0x1C200] =	vst v63  }
0x32: {  	_ =	swait.ge [sflag:s21], $0x4000  }
0x33: {  	[sflag:s21] =	ssyncset.done $0x0  }
0x34: {  	s6 =	simm.s32 $0x0;
	[sflag:s21] =	ssyncadd.s32 $0xFFFFC000  }
0x35: {  	[tilespmem:s6], [sflag:$0x3] =	stream.linear.gather [hbm4b:s10+s6], $0x80, $0x38;
	[tilespmem:$0x1C200] =	vst v63  }
0x36: {  	_ =	swait.ge [sflag:s21], $0x80  }
0x37: {  	[sflag:s21] =	ssyncset.done $0x0  }
0x38: {  	[sflag:s21] =	ssyncadd.s32 $0xFFFFFF80  }
0x39: {  	[tilespmem:s22], [sflag:$0x3] =	stream.linear.gather [hbm4b:s11+s6], $0x80, $0x38;
	[tilespmem:$0x1C200] =	vst v63  }
0x3a: {  	_ =	swait.ge [sflag:s21], $0x80  }
0x3b: {  	[sflag:s21] =	ssyncset.done $0x0  }
0x3c: {  	[sflag:s21] =	ssyncadd.s32 $0xFFFFFF80  }
0x3d: {  	[tilespmem:s20], [sflag:$0x1] =	stream.indirect.gather [hbm4b:s4+s22], $0x80, s6, s22, $0xb8;
	[tilespmem:$0x1C200] =	vst v63  }
0x3e: {  	s7 =	sadd.s32 $0x0, s19;
	[bflag:$0x0] =	sbarrier.arrive $0xFFFF  }
0x3f: {  	[tilespmem:s23], [sflag:$0x4] =	stream.linear.gather [hbm4b:s7+s3], $0x80, $0x38;
	[tilespmem:$0x1C200] =	vst v63  }
0x40: {  	_ =	swait.ge [sflag:s24], $0x80  }
0x41: {  	[sflag:s24] =	ssyncset.done $0x0  }
0x42: {  	s2 =	sadd.s32 $0x0, s18;
	[sflag:s24] =	ssyncadd.s32 $0xFFFFFF80  }
0x43: {  	[tilespmem:s25], [sflag:$0x4] =	stream.linear.gather [hbm4b:s2+s3], $0x80, $0x38;
	[tilespmem:$0x1C200] =	vst v63  }
0x44: {  	_ =	swait.ge [sflag:s24], $0x80  }
0x45: {  	[sflag:s24] =	ssyncset.done $0x0  }
0x46: {  	[sflag:s24] =	ssyncadd.s32 $0xFFFFFF80  }
0x47: {  	[tilespmem:s26], [sflag:$0x2] =	stream.indirect.gather [hbm4b:s4+s22], $0x80, s23, s22, $0xb8;
	[tilespmem:$0x1C200] =	vst v63  }
0x48: {  	_ =	swait.ge [sflag:s28], $0x4000  }
0x49: {  	[sflag:s28] =	ssyncset.done $0x0  }
0x4a: {  	[sflag:s28] =	ssyncadd.s32 $0xFFFFC000  }
0x4b: {  	[spmem:s1] =	stream.indirect.scatter.add.f32 [tilespmem:s20], [sflag:$0x4], $0x80, s22, s22, $0xb8;
	[tilespmem:$0x1C200] =	vst v63  }
0x4c: {  	_ =	swait.ge [sflag:s24], $0x4000  }
0x4d: {  	[sflag:s24] =	ssyncset.done $0x0  }
0x4e: {  	s6 =	sadd.s32 $0x0, s17;
	[sflag:s24] =	ssyncadd.s32 $0xFFFFC000  }
0x4f: {  	[tilespmem:s3], [sflag:$0x4] =	stream.linear.gather [hbm4b:s6+s3], $0x80, $0x38;
	[tilespmem:$0x1C200] =	vst v63  }
0x50: {  	_ =	swait.ge [sflag:s24], $0x80  }
0x51: {  	[sflag:s24] =	ssyncset.done $0x0  }
0x52: {  	s7 =	sadd.s32 $0x0, s16;
	[sflag:s24] =	ssyncadd.s32 $0xFFFFFF80  }
0x53: {  	[tilespmem:s22], [sflag:$0x4] =	stream.linear.gather [hbm4b:s7+s3], $0x80, $0x38;
	[tilespmem:$0x1C200] =	vst v63  }
0x54: {  	_ =	swait.ge [sflag:s24], $0x80  }
0x55: {  	[sflag:s24] =	ssyncset.done $0x0  }
0x56: {  	[sflag:s24] =	ssyncadd.s32 $0xFFFFFF80  }
0x57: {  	[tilespmem:s20], [sflag:$0x1] =	stream.indirect.gather [hbm4b:s4+s22], $0x80, s3, s22, $0xb8;
	[tilespmem:$0x1C200] =	vst v63  }
0x58: {  	_ =	swait.ge [sflag:s29], $0x4000  }
0x59: {  	[sflag:s29] =	ssyncset.done $0x0  }
0x5a: {  	[sflag:s29] =	ssyncadd.s32 $0xFFFFC000  }
0x5b: {  	[spmem:s1] =	stream.indirect.scatter.add.f32 [tilespmem:s26], [sflag:$0x3], $0x80, s25, s22, $0xb8;
	[tilespmem:$0x1C200] =	vst v63  }
0x5c: {  	_ =	swait.ge [sflag:s21], $0x4000  }
0x5d: {  	s31 =	simm.s32 $0x20;
	s0 =	simm.s32 $0x40;
	[sflag:s21] =	ssyncset.done $0x0  }
.LBB2_4:
0x5e: {  	s6 =	sadd.s32 s31, s19  }
0x5f: {  	[sflag:s21] =	ssyncadd.s32 $0xFFFFC000;
	s7 =	smov.u32 s0;
	s2 =	sadd.s32 $0x20, s0  }
0x60: {  	[tilespmem:s23], [sflag:$0x4] =	stream.linear.gather [hbm4b:s6+s3], $0x80, $0x38;
	[tilespmem:$0x1C200] =	vst v63  }
0x61: {  	p0 =	sne.s32 s0, $0x240;
	_ =	swait.ge [sflag:s24], $0x80  }
0x62: {  	[sflag:s24] =	ssyncset.done $0x0  }
0x63: {  	s0 =	sadd.s32 s31, s18;
	[sflag:s24] =	ssyncadd.s32 $0xFFFFFF80  }
0x64: {  	[tilespmem:s25], [sflag:$0x4] =	stream.linear.gather [hbm4b:s0+s3], $0x80, $0x38;
	[tilespmem:$0x1C200] =	vst v63  }
0x65: {  	_ =	swait.ge [sflag:s24], $0x80  }
0x66: {  	[sflag:s24] =	ssyncset.done $0x0  }
0x67: {  	[sflag:s24] =	ssyncadd.s32 $0xFFFFFF80  }
0x68: {  	[tilespmem:s26], [sflag:$0x2] =	stream.indirect.gather [hbm4b:s4+s22], $0x80, s23, s22, $0xb8;
	[tilespmem:$0x1C200] =	vst v63  }
0x69: {  	_ =	swait.ge [sflag:s28], $0x4000  }
0x6a: {  	[sflag:s28] =	ssyncset.done $0x0  }
0x6b: {  	[sflag:s28] =	ssyncadd.s32 $0xFFFFC000  }
0x6c: {  	[spmem:s1] =	stream.indirect.scatter.add.f32 [tilespmem:s20], [sflag:$0x4], $0x80, s22, s22, $0xb8;
	[tilespmem:$0x1C200] =	vst v63  }
0x6d: {  	_ =	swait.ge [sflag:s24], $0x4000  }
0x6e: {  	[sflag:s24] =	ssyncset.done $0x0  }
0x6f: {  	s0 =	sadd.s32 s31, s17;
	[sflag:s24] =	ssyncadd.s32 $0xFFFFC000  }
0x70: {  	[tilespmem:s3], [sflag:$0x4] =	stream.linear.gather [hbm4b:s0+s3], $0x80, $0x38;
	[tilespmem:$0x1C200] =	vst v63  }
0x71: {  	_ =	swait.ge [sflag:s24], $0x80  }
0x72: {  	[sflag:s24] =	ssyncset.done $0x0  }
0x73: {  	s0 =	sadd.s32 s31, s16;
	s31 =	smov.u32 s7;
	[sflag:s24] =	ssyncadd.s32 $0xFFFFFF80  }
0x74: {  	[tilespmem:s22], [sflag:$0x4] =	stream.linear.gather [hbm4b:s0+s3], $0x80, $0x38;
	[tilespmem:$0x1C200] =	vst v63  }
0x75: {  	_ =	swait.ge [sflag:s24], $0x80  }
0x76: {  	[sflag:s24] =	ssyncset.done $0x0  }
0x77: {  	[sflag:s24] =	ssyncadd.s32 $0xFFFFFF80  }
0x78: {  	[tilespmem:s20], [sflag:$0x1] =	stream.indirect.gather [hbm4b:s4+s22], $0x80, s3, s22, $0xb8;
	[tilespmem:$0x1C200] =	vst v63  }
0x79: {  	_ =	swait.ge [sflag:s29], $0x4000  }
.Ltmp1:
0x7a: {  	[sflag:s29] =	ssyncset.done $0x0;
	(pc) =	sbr.rel @p0 .LBB2_4-.Ltmp1, $4  }
0x7b: {  	[sflag:s29] =	ssyncadd.s32 $0xFFFFC000  }
0x7c: {  	[spmem:s1] =	stream.indirect.scatter.add.f32 [tilespmem:s26], [sflag:$0x3], $0x80, s25, s22, $0xb8;
	[tilespmem:$0x1C200] =	vst v63  }
0x7d: {  	_ =	swait.ge [sflag:s21], $0x4000  }
0x7e: {  	s0 =	smov.u32 s2;
	[sflag:s21] =	ssyncset.done $0x0  }
0x7f: {  	s0 =	sadd.s32 s31, s19;
	[sflag:s21] =	ssyncadd.s32 $0xFFFFC000  }
0x80: {  	[tilespmem:s23], [sflag:$0x4] =	stream.linear.gather [hbm4b:s0+s3], $0x80, $0x38;
	[tilespmem:$0x1C200] =	vst v63  }
0x81: {  	_ =	swait.ge [sflag:s24], $0x80  }
0x82: {  	[sflag:s24] =	ssyncset.done $0x0  }
0x83: {  	s2 =	sadd.s32 s31, s18;
	[sflag:s24] =	ssyncadd.s32 $0xFFFFFF80  }
0x84: {  	[tilespmem:s25], [sflag:$0x4] =	stream.linear.gather [hbm4b:s2+s3], $0x80, $0x38;
	[tilespmem:$0x1C200] =	vst v63  }
0x85: {  	_ =	swait.ge [sflag:s24], $0x80  }
0x86: {  	[sflag:s24] =	ssyncset.done $0x0  }
0x87: {  	[sflag:s24] =	ssyncadd.s32 $0xFFFFFF80  }
0x88: {  	[tilespmem:s26], [sflag:$0x2] =	stream.indirect.gather [hbm4b:s4+s22], $0x80, s23, s22, $0xb8;
	[tilespmem:$0x1C200] =	vst v63  }
0x89: {  	_ =	swait.ge [sflag:s28], $0x4000  }
0x8a: {  	[sflag:s28] =	ssyncset.done $0x0  }
0x8b: {  	[sflag:s28] =	ssyncadd.s32 $0xFFFFC000  }
0x8c: {  	[spmem:s1] =	stream.indirect.scatter.add.f32 [tilespmem:s20], [sflag:$0x4], $0x80, s22, s22, $0xb8;
	[tilespmem:$0x1C200] =	vst v63  }
0x8d: {  	_ =	swait.ge [sflag:s24], $0x4000  }
0x8e: {  	[sflag:s24] =	ssyncset.done $0x0  }
0x8f: {  	s6 =	sadd.s32 s31, s17;
	[sflag:s24] =	ssyncadd.s32 $0xFFFFC000  }
0x90: {  	[tilespmem:s3], [sflag:$0x4] =	stream.linear.gather [hbm4b:s6+s3], $0x80, $0x38;
	[tilespmem:$0x1C200] =	vst v63  }
0x91: {  	_ =	swait.ge [sflag:s24], $0x80  }
0x92: {  	[sflag:s24] =	ssyncset.done $0x0  }
0x93: {  	s7 =	sadd.s32 s31, s16;
	[sflag:s24] =	ssyncadd.s32 $0xFFFFFF80  }
0x94: {  	[tilespmem:s22], [sflag:$0x4] =	stream.linear.gather [hbm4b:s7+s3], $0x80, $0x38;
	[tilespmem:$0x1C200] =	vst v63  }
0x95: {  	_ =	swait.ge [sflag:s24], $0x80  }
0x96: {  	[sflag:s24] =	ssyncset.done $0x0  }
0x97: {  	[sflag:s24] =	ssyncadd.s32 $0xFFFFFF80  }
0x98: {  	[tilespmem:s20], [sflag:$0x1] =	stream.indirect.gather [hbm4b:s4+s22], $0x80, s3, s22, $0xb8;
	[tilespmem:$0x1C200] =	vst v63  }
0x99: {  	_ =	swait.ge [sflag:s29], $0x4000  }
0x9a: {  	[sflag:s29] =	ssyncset.done $0x0  }
0x9b: {  	[sflag:s29] =	ssyncadd.s32 $0xFFFFC000  }
0x9c: {  	[spmem:s1] =	stream.indirect.scatter.add.f32 [tilespmem:s26], [sflag:$0x3], $0x80, s25, s22, $0xb8;
	[tilespmem:$0x1C200] =	vst v63  }
0x9d: {  	_ =	swait.ge [sflag:s21], $0x4000  }
0x9e: {  	[sflag:s21] =	ssyncset.done $0x0  }
0x9f: {  	[sflag:s21] =	ssyncadd.s32 $0xFFFFC000  }
0xa0: {  	[tilespmem:s23], [sflag:$0x4] =	stream.linear.gather [hbm4b:s14+s3], $0x80, $0x38;
	[tilespmem:$0x1C200] =	vst v63  }
0xa1: {  	_ =	swait.ge [sflag:s24], $0x80  }
0xa2: {  	[sflag:s24] =	ssyncset.done $0x0  }
0xa3: {  	[sflag:s24] =	ssyncadd.s32 $0xFFFFFF80  }
0xa4: {  	[tilespmem:s25], [sflag:$0x4] =	stream.linear.gather [hbm4b:s15+s3], $0x80, $0x38;
	[tilespmem:$0x1C200] =	vst v63  }
0xa5: {  	_ =	swait.ge [sflag:s24], $0x80  }
0xa6: {  	[sflag:s24] =	ssyncset.done $0x0  }
0xa7: {  	[sflag:s24] =	ssyncadd.s32 $0xFFFFFF80  }
0xa8: {  	[tilespmem:s26], [sflag:$0x2] =	stream.indirect.gather [hbm4b:s4+s22], $0x80, s23, s22, $0xb8;
	[tilespmem:$0x1C200] =	vst v63  }
0xa9: {  	_ =	swait.ge [sflag:s28], $0x4000  }
0xaa: {  	[sflag:s28] =	ssyncset.done $0x0  }
0xab: {  	[sflag:s28] =	ssyncadd.s32 $0xFFFFC000  }
0xac: {  	[spmem:s1] =	stream.indirect.scatter.add.f32 [tilespmem:s20], [sflag:$0x4], $0x80, s22, s22, $0xb8;
	[tilespmem:$0x1C200] =	vst v63  }
0xad: {  	_ =	swait.ge [sflag:s24], $0x4000  }
0xae: {  	[sflag:s24] =	ssyncset.done $0x0  }
0xaf: {  	[sflag:s24] =	ssyncadd.s32 $0xFFFFC000  }
0xb0: {  	_ =	swait.ge [sflag:s29], $0x4000  }
0xb1: {  	[sflag:s29] =	ssyncset.done $0x0  }
0xb2: {  	[sflag:s29] =	ssyncadd.s32 $0xFFFFC000  }
0xb3: {  	[spmem:s1] =	stream.indirect.scatter.add.f32 [tilespmem:s26], [sflag:$0x3], $0x80, s25, s22, $0xb8;
	[tilespmem:$0x1C200] =	vst v63  }
0xb4: {  	s31 =	stileid.u32;
	_ =	swait.ge [sflag:s21], $0x4000  }
0xb5: {  	s30 =	sadd.s32 $0x1, s30;
	s0 =	sshll.u32 s31, $0x6;
	[sflag:s21] =	ssyncset.done $0x0  }
0xb6: {  	p0 =	sne.s32 s30, s13;
	s0 =	sor.u32 $0x1C03, s0;
	[sflag:s21] =	ssyncadd.s32 $0xFFFFC000  }
.Ltmp2:
0xb7: {  	s2 =	sshrl.u32 s5, $0x3;
	[bflag:$0x0] =	sbarrier.arrive $0xFFFF;
	(pc) =	sbr.rel @p0 .LBB2_1-.Ltmp2, $4  }
0xb8: {  	[hbm:s12], [sflag:s0] =	dma.local [spmem:s2], $0x2800  }
0xb9: {  	_ =	swait.ge [sflag:s21], $0x2800  }
0xba: {  	[sflag:s21] =	ssyncset.done $0x0  }
0xbb: {  	[sflag:s21] =	ssyncadd.s32 $0xFFFFD800  }
0xbc: {  	_ =	sfence.sel $0x180000  }
0xbd: {  	[bflag:$0x0] =	sbarrier.arrive $0xFFFF  }
0xbe: {  	_ =	strace $0x9000004D  }
0xbf: {  	s0 =	stileid.u32;
	[bflag:$0x2] =	sbarrier.arrive $0xFFFF  }
0xc0: {  	p0 =	sne.s32 s0, $0x0;
	s0 =	rddreg [dreg:$0x2]  }
0xc1: {  	s0 =	sadd.s32 @!p0 $0x100000, s0  }
0xc2: {  	[sflag:s0] =	ssyncadd.tile.s32 @!p0 $0x1;
	_ =	shalt  }
.Lfunc_end2:
_tile_overlayer_lowered:
.L_overlay_start_2:
0xc3: {  	(tag) =	ssettag $0x2  }
0xc4: {  	s0 =	rddreg [dreg:$0x0];
	s2 =	stileid.u32  }
0xc5: {  	s1 =	rddreg [dreg:$0x1];
	p0 =	sne.s32 s2, $0x0  }
0xc6: {  	s3 =	rddreg [dreg:$0x2];
	[bflag:$0x3] =	sbarrier.arrive $0xFFFF;
	s2 =	simm.s32 @!p0 $0x1C03  }
0xc7: {  	[timem:s3], [sflag:s2] =	dma.local @!p0 [hbm:s0], s1  }
0xc8: {  	s0 =	simm.s32 @!p0 $0x3  }
0xc9: {  	_ =	swait.ge @!p0 [sflag:s0], s1  }
0xca: {  	s1 =	ssub.s32 @!p0 $0x0, s1;
	[sflag:s0] =	ssyncset.done @!p0 $0x0  }
0xcb: {  	[sflag:s0] =	ssyncadd.s32 @!p0 s1  }
0xcc: {  	[bflag:$0x3] =	sbarrier.arrive $0xFFFF  }
0xcd: {  	_ =	shalt  }

// kernel: kernel.25.cloned.1.call-start
scs
__scs_entry_jumppad:
0x0: {  	(pc) =	sbr.rel $0x88, $3  }
0x1: {  	(tag) =	ssettag $0x0;
	lr =	simm.s32 $0x1  }
0x2: {  	[smem:$0x3F8C] =	sst lr;
	_ =	strace $0xD0000000  }
0x3: {  	_ = 	snop  }
0x4: {  	_ = 	snop  }
0x5: {  	_ = 	snop  }
0x6: {  	_ = 	snop  }
0x7: {  	_ = 	snop  }
__scs_overlays_trampoline_lowered:
0x8: {  	[smem:$0x3F9B] =	sst s0  }
0x9: {  	[smem:$0x3F9C] =	sst s1  }
0xa: {  	[smem:$0x3F9D] =	sst s2  }
0xb: {  	[smem:$0x3F9E] =	sst s3  }
0xc: {  	[smem:$0x3F9F] =	sst s4  }
0xd: {  	[smem:$0x3FA0] =	sst s5  }
0xe: {  	[smem:$0x3FA1] =	sst s6  }
0xf: {  	[smem:$0x3FA2] =	sst s7  }
0x10: {  	[smem:$0x3FA3] =	sst s8  }
0x11: {  	[smem:$0x3FA4] =	sst s9;
	s0 =	simm.s32 @!p0 $0x0  }
0x12: {  	s1 =	sld [smem:$0x3F8A];
	s0 =	simm.s32 @p0 $0x1  }
0x13: {  	[smem:$0x3FA5] =	sst s0;
	s0 =	simm.s32 @!p1 $0x0  }
0x14: {  	s2 =	sld [smem:$0x3F89];
	s0 =	simm.s32 @p1 $0x1  }
0x15: {  	[smem:$0x3FA6] =	sst s0;
	s0 =	simm.s32 @!p2 $0x0  }
0x16: {  	s3 =	sld [smem:$0x3FDB];
	s0 =	simm.s32 @p2 $0x1  }
0x17: {  	s4 =	simm.s32 $0x1BF5;
	[smem:$0x3FA8] =	sst s0  }
0x18: {  	s0 =	sld [smem:$0x3F8B];
	_ =	swait.ge [sflag:s4], $0x0  }
0x19: {  	s7 =	sld [smem:$0x3F8C]  }
0x1a: {  	s8 =	sadd.s32 $0xFFFFE003, lr  }
0x1b: {  	s9 =	sadd.s32 $0xFFFFFEF7, lr;
	s5 =	simm.s32 $0xFFFFFFFF;
	p2 =	slt.u32 s8, $0xFFFFF086  }
0x1c: {  	p1 =	slt.u32 s9, $0xF7A;
	s5 =	simm.s32 @!p2 $0x0  }
0x1d: {  	s5 =	simm.s32 @p1 $0x1;
	p0 =	seq.s32 s7, s2  }
0x1e: {  	s7 =	smul.u32 @!p0 $0xF7A, s2;
	p2 =	seq.s32 @!p0 s5, $0x0  }
0x1f: {  	s9 =	smul.u32 $0xF7A, s1;
	s8 =	simm.s32 @!p0 $0x1BF5;
	p2 =	por !p2, p0  }
0x20: {  	[sflag:s8] =	ssyncset.s32 @!p0 $0xFFFFF086;
	s6 =	sadd.s32 @!p0 s3, s7;
	s7 =	simm.s32 @!p0 $0x108  }
0x21: {  	s3 =	sadd.s32 s3, s9;
	s6 =	sadd.s32 @!p0 $0x88, s6;
	s7 =	simm.s32 @p2 $0x1082  }
0x22: {  	[simem:s7], [sflag:s8] =	dma.local @!p0 [hbm:s6], $0xF7A  }
0x23: {  	s9 =	sor.u32 $0xD0000000, s2;
	s6 =	simm.s32 $0x108;
	_ =	swait.ge @!p0 [sflag:s8], $0x0  }
0x24: {  	s3 =	sadd.s32 $0x88, s3;
	s6 =	simm.s32 @!p1 $0x1082;
	[sflag:s4] =	ssyncset.s32 $0xFFFFF086  }
0x25: {  	[simem:s6], [sflag:s4] =	dma.local [hbm:s3], $0xF7A  }
0x26: {  	[smem:$0x3F8C] =	sst s1;
	(tag) =	ssettag s2;
	_ =	strace s9  }
0x27: {  	s1 =	sld [smem:$0x3F9C]  }
0x28: {  	s2 =	sld [smem:$0x3F9D]  }
0x29: {  	s4 =	sld [smem:$0x3F9F]  }
0x2a: {  	p0 =	seq.s32 s5, $0x0;
	s5 =	sld [smem:$0x3FA0]  }
0x2b: {  	s6 =	sld [smem:$0x3FA1]  }
0x2c: {  	s7 =	sld [smem:$0x3FA2]  }
0x2d: {  	s3 =	simm.s32 $0x108;
	s8 =	sld [smem:$0x3FA3]  }
0x2e: {  	s3 =	simm.s32 @!p0 $0x1082;
	s9 =	sld [smem:$0x3FA4]  }
0x2f: {  	lr =	sadd.s32 s0, s3;
	s0 =	sld [smem:$0x3F9B]  }
0x30: {  	s3 =	sld [smem:$0x3F9E]  }
0x31: {  	[smem:$0x3FA7] =	sst s10  }
0x32: {  	s10 =	sld [smem:$0x3FA5];
	_ =	sdelay $0x3  }
0x33: {  	p0 =	seq.s32 s10, $0x1;
	s10 =	sld [smem:$0x3FA7];
	_ =	sdelay $0x3  }
0x34: {  	[smem:$0x3FA7] =	sst s10  }
0x35: {  	s10 =	sld [smem:$0x3FA6];
	_ =	sdelay $0x3  }
0x36: {  	p1 =	seq.s32 s10, $0x1;
	s10 =	sld [smem:$0x3FA7];
	_ =	sdelay $0x3  }
0x37: {  	[smem:$0x3FA7] =	sst s10  }
0x38: {  	s10 =	sld [smem:$0x3FA8]  }
0x39: {  	_ = 	snop;
	(pc) =	sbr.ind lr, $3  }
0x3a: {  	_ = 	snop  }
0x3b: {  	_ = 	snop  }
0x3c: {  	p2 =	seq.s32 s10, $0x1;
	s10 =	sld [smem:$0x3FA7]  }
0x3d: {  	_ =	shalt  }
0x3e: {  	_ =	shalt  }
0x3f: {  	_ =	shalt  }
0x40: {  	_ =	shalt  }
0x41: {  	_ =	shalt  }
0x42: {  	_ =	shalt  }
0x43: {  	_ =	shalt  }
0x44: {  	_ =	shalt  }
0x45: {  	_ =	shalt  }
0x46: {  	_ =	shalt  }
0x47: {  	_ =	shalt  }
0x48: {  	_ =	shalt  }
0x49: {  	_ =	shalt  }
0x4a: {  	_ =	shalt  }
0x4b: {  	_ =	shalt  }
0x4c: {  	_ =	shalt  }
0x4d: {  	_ =	shalt  }
0x4e: {  	_ =	shalt  }
0x4f: {  	_ =	shalt  }
0x50: {  	_ =	shalt  }
0x51: {  	_ =	shalt  }
0x52: {  	_ =	shalt  }
0x53: {  	_ =	shalt  }
0x54: {  	_ =	shalt  }
0x55: {  	_ =	shalt  }
0x56: {  	_ =	shalt  }
0x57: {  	_ =	shalt  }
0x58: {  	_ =	shalt  }
0x59: {  	_ =	shalt  }
0x5a: {  	_ =	shalt  }
0x5b: {  	_ =	shalt  }
0x5c: {  	_ =	shalt  }
0x5d: {  	_ =	shalt  }
0x5e: {  	_ =	shalt  }
0x5f: {  	_ =	shalt  }
0x60: {  	_ =	shalt  }
0x61: {  	_ =	shalt  }
0x62: {  	_ =	shalt  }
0x63: {  	_ =	shalt  }
0x64: {  	_ =	shalt  }
0x65: {  	_ =	shalt  }
0x66: {  	_ =	shalt  }
0x67: {  	_ =	shalt  }
0x68: {  	_ =	shalt  }
0x69: {  	_ =	shalt  }
0x6a: {  	_ =	shalt  }
0x6b: {  	_ =	shalt  }
0x6c: {  	_ =	shalt  }
0x6d: {  	_ =	shalt  }
0x6e: {  	_ =	shalt  }
0x6f: {  	_ =	shalt  }
0x70: {  	_ =	shalt  }
0x71: {  	_ =	shalt  }
0x72: {  	_ =	shalt  }
0x73: {  	_ =	shalt  }
0x74: {  	_ =	shalt  }
0x75: {  	_ =	shalt  }
0x76: {  	_ =	shalt  }
0x77: {  	_ =	shalt  }
0x78: {  	_ =	shalt  }
0x79: {  	_ =	shalt  }
0x7a: {  	_ =	shalt  }
0x7b: {  	_ =	shalt  }
0x7c: {  	_ =	shalt  }
0x7d: {  	_ =	shalt  }
0x7e: {  	_ =	shalt  }
0x7f: {  	_ =	shalt  }
0x80: {  	_ =	shalt  }
0x81: {  	_ =	shalt  }
0x82: {  	_ =	shalt  }
0x83: {  	_ =	shalt  }
0x84: {  	_ =	shalt  }
0x85: {  	_ =	shalt  }
0x86: {  	_ =	shalt  }
0x87: {  	_ =	shalt  }
.Lfunc_end0:
.L_simem_size_0:
called_computation.3_lowered:
.L_overlay_start_0:
0x88: {  	s2 =	sld [smem:$0x3FD9]  }
0x89: {  	s3 =	sld [smem:$0x3FFE];
	_ =	sdelay $0x1  }
0x8a: {  	s1 =	srdreg.scid  }
0x8b: {  	s0 =	sand.u32 $0x1, s1  }
0x8c: {  	s16 =	sshll.u32 s0, $0xA;
	s2 =	sadd.s32 s3, s2  }
0x8d: {  	s2 =	sadd.s32 s2, s16  }
0x8e: {  	[smem:$0x3FB3] =	sst s2  }
0x8f: {  	_ = 	snop  }
0x90: {  	(tm) =	ssettm $0x1  }
0x91: {  	s17 =	sld [smem:$0x3FFB];
	_ =	sdelay $0x3  }
0x92: {  	_ =	strace s17  }
0x93: {  	s2 =	sld [smem:$0x3FFC];
	_ =	sdelay $0x3  }
0x94: {  	_ =	strace s2  }
0x95: {  	s2 =	sld [smem:$0x3FFD];
	_ =	sdelay $0x3  }
0x96: {  	_ =	strace s2  }
0x97: {  	_ =	strace $0x8FFFFFFF  }
0x98: {  	s18 =	sld [smem:$0x3FDB];
	_ =	sdelay $0x1  }
0x99: {  	s19 =	simm.s32 $_scs_section_size  }
0x9a: {  	s4 =	simm.s32 $_size__tile_overlayer_lowered;
	s5 =	simm.s32 $_tile_overlayer_lowered  }
0x9b: {  	s22 =	simm.s32 $0x1BFF;
	s21 =	sshll.u32 s5, $0x1;
	s2 =	sadd.s32 s19, s18  }
0x9c: {  	s6 =	simm.s32 $0x0;
	s20 =	sshll.u32 s4, $0x1;
	s4 =	sadd.s32 s21, s2  }
0x9d: {  	[timem:s6], [sflag:s22] =	dma.local [hbm:s4], s20  }
0x9e: {  	_ =	swait.ge [sflag:s22], s20  }
0x9f: {  	s3 =	ssub.s32 $0x0, s20;
	[sflag:s22] =	ssyncset.done $0x0  }
0xa0: {  	[sflag:s22] =	ssyncadd.s32 s3;
	_ =	sdelay $0x1  }
0xa1: {  	s23 =	simm.s32 $0x1B8B  }
0xa2: {  	_ =	swait.ge [sflag:s23], $0x1  }
0xa3: {  	[sflag:s23] =	ssyncset.done $0x0  }
0xa4: {  	s25 =	simm.s32 $0x1B8E;
	s24 =	sld [smem:$0x3FFE];
	[sflag:s23] =	ssyncadd.s32 $0xFFFFFFFF  }
0xa5: {  	s26 =	simm.s32 $execute0_lowered;
	[smem:$0x3FD2] =	sst s25  }
0xa6: {  	s4 =	sshll.u32 s26, $0x1;
	_ =	strace $0x8000004F;
	[dreg:$0x1] =	wrdreg $0xFFFFFFFF  }
0xa7: {  	s28 =	simm.s32 $_size_execute0_lowered;
	s2 =	sadd.s32 s2, s4;
	[dreg:$0x0] =	wrdreg $0x0  }
0xa8: {  	s4 =	sshll.u32 s28, $0x1;
	[dreg:$0x2] =	wrdreg s2  }
0xa9: {  	[dreg:$0x3] =	wrdreg s4  }
0xaa: {  	[dreg:$0x4] =	wrdreg $0xC0  }
0xab: {  	_ =	task [dreg:s6], $0x5FFFF  }
0xac: {  	[dreg:$0x1] =	wrdreg $0xFFFFFFFF  }
0xad: {  	[dreg:$0x0] =	wrdreg $0x60  }
0xae: {  	[dreg:$0x2] =	wrdreg s24  }
0xaf: {  	[dreg:$0x3] =	wrdreg $0x82000  }
0xb0: {  	[dreg:$0x4] =	wrdreg $0x9  }
0xb1: {  	_ =	task.clear_ibuf [dreg:s6], $0x5FFFF;
	_ =	strace $0x9000004F  }
0xb2: {  	s29 =	simm.s32 $0x9;
	_ =	strace $0x80000051  }
0xb3: {  	_ =	swait.ge [sflag:s29], $0x1  }
0xb4: {  	[sflag:s29] =	ssyncadd.s32 $0xFFFFFFFF  }
0xb5: {  	_ =	strace $0x90000051  }
0xb6: {  	_ =	sfence  }
0xb7: {  	s30 =	sld [smem:$0x0];
	_ =	sdelay $0x2  }
0xb8: {  	s31 =	sshll.u32 s1, $0xD;
	s1 =	sshrl.u32 s1, $0x2  }
0xb9: {  	s3 =	sand.u32 $0x4000, s31;
	s1 =	sadd.s32 s1, s30  }
0xba: {  	s0 =	sor.u32 s3, s0;
	s1 =	sshll.u32 s1, $0x11  }
0xbb: {  	s0 =	sor.u32 s1, s0  }
0xbc: {  	s0 =	sadd.s32 $0x8F2B, s0  }
0xbd: {  	[sflag:s0] =	ssyncadd.remote.s32 $0x1  }
0xbe: {  	_ =	sfence.sel $0xFFFF  }
0xbf: {  	[dreg:$0x0] =	wrdreg $0xFFFFFFFF;
	(pc) =	sbr.abs _section_cstart, $3  }
0xc0: {  	[dreg:$0x1] =	wrdreg $0xFFFFFFFF  }
0xc1: {  	_ =	task.clear_ibuf [dreg:s6], $0x2FFFF;
	_ =	strace $0x9FFFFFFF  }
0xc2: {  	(tm) =	ssettm $0x7FFFFFFF  }
0xc3: {  	_ =	shalt  }
tec
execute0_lowered:
.L_overlay_start_1:
0x0: {  	(tag) =	ssettag $0x1  }
0x1: {  	s0 =	rddreg [dreg:$0x0]  }
0x2: {  	s1 =	rddreg [dreg:$0x1];
	s2 =	srdreg.scid  }
0x3: {  	s3 =	simm.s32 $0x0;
	s10 =	stileid.u32;
	s20 =	simm.s32 $0x100  }
0x4: {  	s21 =	simm.s32 $0x3;
	s28 =	simm.s32 $0x1;
	s29 =	simm.s32 $0x2  }
0x5: {  	s30 =	simm.s32 $0x0;
	s2 =	sand.u32 $0x1, s2;
	s6 =	smul.u32 $0x14000, s10  }
0x6: {  	[smem:$0x7FF] =	sst s3;
	s4 =	sadd.s32 $0x8A00, s0;
	s22 =	smul.u32 $0x50000, s10  }
0x7: {  	s19 =	sadd.s32 $0x5DA00, s0;
	s18 =	sadd.s32 $0x58A00, s0;
	s15 =	smul.u32 $0x1400, s10  }
0x8: {  	s5 =	smul.u32 $0x140000, s2;
	_ =	strace $0x80000050;
	s23 =	ssub.s32 $0x2, s2  }
0x9: {  	s7 =	sshll.u32 s2, $0x4;
	s2 =	smul.u32 $0x14000, s2;
	s8 =	sshrl.u32 s23, $0x1  }
0xa: {  	s7 =	sor.u32 s10, s7;
	s5 =	sadd.s32 s6, s5;
	s6 =	sshrl.u32 s22, $0x2  }
0xb: {  	s13 =	ssub.s32 s23, s8;
	s9 =	smul.u32 $0x1400, s7;
	s2 =	sadd.s32 s15, s2  }
0xc: {  	s22 =	simm.s32 $0x80;
	s23 =	simm.s32 $0x4100;
	s5 =	sshrl.u32 s5, $0x3  }
0xd: {  	s13 =	smax.u32 s13, $0x1;
	s16 =	sor.u32 $0x100, s2;
	s2 =	sor.u32 $0x80, s2  }
0xe: {  	s0 =	sadd.s32 s5, s0;
	s5 =	sadd.s32 s6, s1;
	s14 =	sshrl.u32 s9, $0x3  }
0xf: {  	s26 =	sshrl.u32 s16, $0x3;
	s31 =	sshrl.u32 s2, $0x3;
	s6 =	sadd.s32 $0x4000, s5  }
0x10: {  	s24 =	sadd.s32 $0x8000, s5;
	s8 =	sadd.s32 $0xC000, s5;
	s9 =	sadd.s32 $0x10000, s5  }
0x11: {  	s10 =	sadd.s32 s19, s14;
	s11 =	sadd.s32 s18, s14;
	s12 =	sadd.s32 $0x8AA00, s0  }
0x12: {  	s25 =	sadd.s32 $0x270, s14;
	s16 =	sadd.s32 s26, s18;
	[dreg:$0x3] =	wrdreg s6  }
0x13: {  	s17 =	sadd.s32 s26, s19;
	s26 =	simm.s32 $0x4200;
	[dreg:$0x4] =	wrdreg s24  }
0x14: {  	s14 =	sadd.s32 s19, s25;
	s15 =	sadd.s32 s18, s25;
	s18 =	sadd.s32 s31, s18  }
0x15: {  	v0 =	vimm.f32 $0.0e+00;
	s19 =	sadd.s32 s31, s19;
	s24 =	simm.s32 $0x4;
	s25 =	simm.s32 $0x4180  }
.LBB2_1:
0x16: {  	s0 =	sand.u32 $0xFE00, s3  }
0x17: {  	s2 =	sand.u32 $0x70, s3;
	s31 =	sshrl.u32 s0, $0x2  }
0x18: {  	s0 =	simm.s32 $0x40;
	s2 =	sor.u32 s2, s31;
	s31 =	simm.s32 $0x0  }
.LBB2_2:
0x19: {  	p0 =	sne.s32 s0, $0xFFC0  }
0x1a: {  	[tilespmem:s2+$0x100] =	vst v0;
	s31 =	sadd.s32 $0x10, s31;
	s2 =	smov.u32 s0;
	s0 =	sadd.s32 $0x40, s0  }
.Ltmp0:
0x1b: {  	(pc) =	sbr.rel @p0 .LBB2_2-.Ltmp0, $4  }
0x1c: {  	_ = 	snop  }
0x1d: {  	s2 =	sand.u32 $0xFE00, s2  }
0x1e: {  	s6 =	sand.u32 $0x70, s31;
	s2 =	sshrl.u32 s2, $0x2  }
0x1f: {  	s2 =	sor.u32 s6, s2  }
0x20: {  	[tilespmem:s2+$0x100] =	vst v0  }
0x21: {  	[spmem:s5] =	stream.linear.scatter [tilespmem:s20], [sflag:$0x3], $0x4000, $0x38;
	[tilespmem:$0x1C200] =	vst v63  }
0x22: {  	_ =	swait.ge [sflag:s21], $0x4000  }
0x23: {  	[sflag:s21] =	ssyncset.done $0x0  }
0x24: {  	s0 =	rddreg [dreg:$0x3];
	[sflag:s21] =	ssyncadd.s32 $0xFFFFC000  }
0x25: {  	[spmem:s0] =	stream.linear.scatter [tilespmem:s20], [sflag:$0x3], $0x4000, $0x38;
	[tilespmem:$0x1C200] =	vst v63  }
0x26: {  	_ =	swait.ge [sflag:s21], $0x4000  }
0x27: {  	[sflag:s21] =	ssyncset.done $0x0  }
0x28: {  	s2 =	rddreg [dreg:$0x4];
	[sflag:s21] =	ssyncadd.s32 $0xFFFFC000  }
0x29: {  	[spmem:s2] =	stream.linear.scatter [tilespmem:s20], [sflag:$0x3], $0x4000, $0x38;
	[tilespmem:$0x1C200] =	vst v63  }
0x2a: {  	_ =	swait.ge [sflag:s21], $0x4000  }
0x2b: {  	[sflag:s21] =	ssyncset.done $0x0  }
0x2c: {  	[sflag:s21] =	ssyncadd.s32 $0xFFFFC000  }
0x2d: {  	[spmem:s8] =	stream.linear.scatter [tilespmem:s20], [sflag:$0x3], $0x4000, $0x38;
	[tilespmem:$0x1C200] =	vst v63  }
0x2e: {  	_ =	swait.ge [sflag:s21], $0x4000  }
0x2f: {  	[sflag:s21] =	ssyncset.done $0x0  }
0x30: {  	[sflag:s21] =	ssyncadd.s32 $0xFFFFC000  }
0x31: {  	[spmem:s9] =	stream.linear.scatter [tilespmem:s20], [sflag:$0x3], $0x4000, $0x38;
	[tilespmem:$0x1C200] =	vst v63  }
0x32: {  	_ =	swait.ge [sflag:s21], $0x4000  }
0x33: {  	[sflag:s21] =	ssyncset.done $0x0  }
0x34: {  	s6 =	simm.s32 $0x0;
	[sflag:s21] =	ssyncadd.s32 $0xFFFFC000  }
0x35: {  	[tilespmem:s6], [sflag:$0x3] =	stream.linear.gather [hbm4b:s10+s6], $0x80, $0x38;
	[tilespmem:$0x1C200] =	vst v63  }
0x36: {  	_ =	swait.ge [sflag:s21], $0x80  }
0x37: {  	[sflag:s21] =	ssyncset.done $0x0  }
0x38: {  	[sflag:s21] =	ssyncadd.s32 $0xFFFFFF80  }
0x39: {  	[tilespmem:s22], [sflag:$0x3] =	stream.linear.gather [hbm4b:s11+s6], $0x80, $0x38;
	[tilespmem:$0x1C200] =	vst v63  }
0x3a: {  	_ =	swait.ge [sflag:s21], $0x80  }
0x3b: {  	[sflag:s21] =	ssyncset.done $0x0  }
0x3c: {  	[sflag:s21] =	ssyncadd.s32 $0xFFFFFF80  }
0x3d: {  	[tilespmem:s20], [sflag:$0x1] =	stream.indirect.gather [hbm4b:s4+s22], $0x80, s6, s22, $0xb8;
	[tilespmem:$0x1C200] =	vst v63  }
0x3e: {  	s7 =	sadd.s32 $0x0, s19;
	[bflag:$0x0] =	sbarrier.arrive $0xFFFF  }
0x3f: {  	[tilespmem:s23], [sflag:$0x4] =	stream.linear.gather [hbm4b:s7+s3], $0x80, $0x38;
	[tilespmem:$0x1C200] =	vst v63  }
0x40: {  	_ =	swait.ge [sflag:s24], $0x80  }
0x41: {  	[sflag:s24] =	ssyncset.done $0x0  }
0x42: {  	s2 =	sadd.s32 $0x0, s18;
	[sflag:s24] =	ssyncadd.s32 $0xFFFFFF80  }
0x43: {  	[tilespmem:s25], [sflag:$0x4] =	stream.linear.gather [hbm4b:s2+s3], $0x80, $0x38;
	[tilespmem:$0x1C200] =	vst v63  }
0x44: {  	_ =	swait.ge [sflag:s24], $0x80  }
0x45: {  	[sflag:s24] =	ssyncset.done $0x0  }
0x46: {  	[sflag:s24] =	ssyncadd.s32 $0xFFFFFF80  }
0x47: {  	[tilespmem:s26], [sflag:$0x2] =	stream.indirect.gather [hbm4b:s4+s22], $0x80, s23, s22, $0xb8;
	[tilespmem:$0x1C200] =	vst v63  }
0x48: {  	_ =	swait.ge [sflag:s28], $0x4000  }
0x49: {  	[sflag:s28] =	ssyncset.done $0x0  }
0x4a: {  	[sflag:s28] =	ssyncadd.s32 $0xFFFFC000  }
0x4b: {  	[spmem:s1] =	stream.indirect.scatter.add.f32 [tilespmem:s20], [sflag:$0x4], $0x80, s22, s22, $0xb8;
	[tilespmem:$0x1C200] =	vst v63  }
0x4c: {  	_ =	swait.ge [sflag:s24], $0x4000  }
0x4d: {  	[sflag:s24] =	ssyncset.done $0x0  }
0x4e: {  	s6 =	sadd.s32 $0x0, s17;
	[sflag:s24] =	ssyncadd.s32 $0xFFFFC000  }
0x4f: {  	[tilespmem:s3], [sflag:$0x4] =	stream.linear.gather [hbm4b:s6+s3], $0x80, $0x38;
	[tilespmem:$0x1C200] =	vst v63  }
0x50: {  	_ =	swait.ge [sflag:s24], $0x80  }
0x51: {  	[sflag:s24] =	ssyncset.done $0x0  }
0x52: {  	s7 =	sadd.s32 $0x0, s16;
	[sflag:s24] =	ssyncadd.s32 $0xFFFFFF80  }
0x53: {  	[tilespmem:s22], [sflag:$0x4] =	stream.linear.gather [hbm4b:s7+s3], $0x80, $0x38;
	[tilespmem:$0x1C200] =	vst v63  }
0x54: {  	_ =	swait.ge [sflag:s24], $0x80  }
0x55: {  	[sflag:s24] =	ssyncset.done $0x0  }
0x56: {  	[sflag:s24] =	ssyncadd.s32 $0xFFFFFF80  }
0x57: {  	[tilespmem:s20], [sflag:$0x1] =	stream.indirect.gather [hbm4b:s4+s22], $0x80, s3, s22, $0xb8;
	[tilespmem:$0x1C200] =	vst v63  }
0x58: {  	_ =	swait.ge [sflag:s29], $0x4000  }
0x59: {  	[sflag:s29] =	ssyncset.done $0x0  }
0x5a: {  	[sflag:s29] =	ssyncadd.s32 $0xFFFFC000  }
0x5b: {  	[spmem:s1] =	stream.indirect.scatter.add.f32 [tilespmem:s26], [sflag:$0x3], $0x80, s25, s22, $0xb8;
	[tilespmem:$0x1C200] =	vst v63  }
0x5c: {  	_ =	swait.ge [sflag:s21], $0x4000  }
0x5d: {  	s31 =	simm.s32 $0x20;
	s0 =	simm.s32 $0x40;
	[sflag:s21] =	ssyncset.done $0x0  }
.LBB2_4:
0x5e: {  	s6 =	sadd.s32 s31, s19  }
0x5f: {  	[sflag:s21] =	ssyncadd.s32 $0xFFFFC000;
	s7 =	smov.u32 s0;
	s2 =	sadd.s32 $0x20, s0  }
0x60: {  	[tilespmem:s23], [sflag:$0x4] =	stream.linear.gather [hbm4b:s6+s3], $0x80, $0x38;
	[tilespmem:$0x1C200] =	vst v63  }
0x61: {  	p0 =	sne.s32 s0, $0x240;
	_ =	swait.ge [sflag:s24], $0x80  }
0x62: {  	[sflag:s24] =	ssyncset.done $0x0  }
0x63: {  	s0 =	sadd.s32 s31, s18;
	[sflag:s24] =	ssyncadd.s32 $0xFFFFFF80  }
0x64: {  	[tilespmem:s25], [sflag:$0x4] =	stream.linear.gather [hbm4b:s0+s3], $0x80, $0x38;
	[tilespmem:$0x1C200] =	vst v63  }
0x65: {  	_ =	swait.ge [sflag:s24], $0x80  }
0x66: {  	[sflag:s24] =	ssyncset.done $0x0  }
0x67: {  	[sflag:s24] =	ssyncadd.s32 $0xFFFFFF80  }
0x68: {  	[tilespmem:s26], [sflag:$0x2] =	stream.indirect.gather [hbm4b:s4+s22], $0x80, s23, s22, $0xb8;
	[tilespmem:$0x1C200] =	vst v63  }
0x69: {  	_ =	swait.ge [sflag:s28], $0x4000  }
0x6a: {  	[sflag:s28] =	ssyncset.done $0x0  }
0x6b: {  	[sflag:s28] =	ssyncadd.s32 $0xFFFFC000  }
0x6c: {  	[spmem:s1] =	stream.indirect.scatter.add.f32 [tilespmem:s20], [sflag:$0x4], $0x80, s22, s22, $0xb8;
	[tilespmem:$0x1C200] =	vst v63  }
0x6d: {  	_ =	swait.ge [sflag:s24], $0x4000  }
0x6e: {  	[sflag:s24] =	ssyncset.done $0x0  }
0x6f: {  	s0 =	sadd.s32 s31, s17;
	[sflag:s24] =	ssyncadd.s32 $0xFFFFC000  }
0x70: {  	[tilespmem:s3], [sflag:$0x4] =	stream.linear.gather [hbm4b:s0+s3], $0x80, $0x38;
	[tilespmem:$0x1C200] =	vst v63  }
0x71: {  	_ =	swait.ge [sflag:s24], $0x80  }
0x72: {  	[sflag:s24] =	ssyncset.done $0x0  }
0x73: {  	s0 =	sadd.s32 s31, s16;
	s31 =	smov.u32 s7;
	[sflag:s24] =	ssyncadd.s32 $0xFFFFFF80  }
0x74: {  	[tilespmem:s22], [sflag:$0x4] =	stream.linear.gather [hbm4b:s0+s3], $0x80, $0x38;
	[tilespmem:$0x1C200] =	vst v63  }
0x75: {  	_ =	swait.ge [sflag:s24], $0x80  }
0x76: {  	[sflag:s24] =	ssyncset.done $0x0  }
0x77: {  	[sflag:s24] =	ssyncadd.s32 $0xFFFFFF80  }
0x78: {  	[tilespmem:s20], [sflag:$0x1] =	stream.indirect.gather [hbm4b:s4+s22], $0x80, s3, s22, $0xb8;
	[tilespmem:$0x1C200] =	vst v63  }
0x79: {  	_ =	swait.ge [sflag:s29], $0x4000  }
.Ltmp1:
0x7a: {  	[sflag:s29] =	ssyncset.done $0x0;
	(pc) =	sbr.rel @p0 .LBB2_4-.Ltmp1, $4  }
0x7b: {  	[sflag:s29] =	ssyncadd.s32 $0xFFFFC000  }
0x7c: {  	[spmem:s1] =	stream.indirect.scatter.add.f32 [tilespmem:s26], [sflag:$0x3], $0x80, s25, s22, $0xb8;
	[tilespmem:$0x1C200] =	vst v63  }
0x7d: {  	_ =	swait.ge [sflag:s21], $0x4000  }
0x7e: {  	s0 =	smov.u32 s2;
	[sflag:s21] =	ssyncset.done $0x0  }
0x7f: {  	s0 =	sadd.s32 s31, s19;
	[sflag:s21] =	ssyncadd.s32 $0xFFFFC000  }
0x80: {  	[tilespmem:s23], [sflag:$0x4] =	stream.linear.gather [hbm4b:s0+s3], $0x80, $0x38;
	[tilespmem:$0x1C200] =	vst v63  }
0x81: {  	_ =	swait.ge [sflag:s24], $0x80  }
0x82: {  	[sflag:s24] =	ssyncset.done $0x0  }
0x83: {  	s2 =	sadd.s32 s31, s18;
	[sflag:s24] =	ssyncadd.s32 $0xFFFFFF80  }
0x84: {  	[tilespmem:s25], [sflag:$0x4] =	stream.linear.gather [hbm4b:s2+s3], $0x80, $0x38;
	[tilespmem:$0x1C200] =	vst v63  }
0x85: {  	_ =	swait.ge [sflag:s24], $0x80  }
0x86: {  	[sflag:s24] =	ssyncset.done $0x0  }
0x87: {  	[sflag:s24] =	ssyncadd.s32 $0xFFFFFF80  }
0x88: {  	[tilespmem:s26], [sflag:$0x2] =	stream.indirect.gather [hbm4b:s4+s22], $0x80, s23, s22, $0xb8;
	[tilespmem:$0x1C200] =	vst v63  }
0x89: {  	_ =	swait.ge [sflag:s28], $0x4000  }
0x8a: {  	[sflag:s28] =	ssyncset.done $0x0  }
0x8b: {  	[sflag:s28] =	ssyncadd.s32 $0xFFFFC000  }
0x8c: {  	[spmem:s1] =	stream.indirect.scatter.add.f32 [tilespmem:s20], [sflag:$0x4], $0x80, s22, s22, $0xb8;
	[tilespmem:$0x1C200] =	vst v63  }
0x8d: {  	_ =	swait.ge [sflag:s24], $0x4000  }
0x8e: {  	[sflag:s24] =	ssyncset.done $0x0  }
0x8f: {  	s6 =	sadd.s32 s31, s17;
	[sflag:s24] =	ssyncadd.s32 $0xFFFFC000  }
0x90: {  	[tilespmem:s3], [sflag:$0x4] =	stream.linear.gather [hbm4b:s6+s3], $0x80, $0x38;
	[tilespmem:$0x1C200] =	vst v63  }
0x91: {  	_ =	swait.ge [sflag:s24], $0x80  }
0x92: {  	[sflag:s24] =	ssyncset.done $0x0  }
0x93: {  	s7 =	sadd.s32 s31, s16;
	[sflag:s24] =	ssyncadd.s32 $0xFFFFFF80  }
0x94: {  	[tilespmem:s22], [sflag:$0x4] =	stream.linear.gather [hbm4b:s7+s3], $0x80, $0x38;
	[tilespmem:$0x1C200] =	vst v63  }
0x95: {  	_ =	swait.ge [sflag:s24], $0x80  }
0x96: {  	[sflag:s24] =	ssyncset.done $0x0  }
0x97: {  	[sflag:s24] =	ssyncadd.s32 $0xFFFFFF80  }
0x98: {  	[tilespmem:s20], [sflag:$0x1] =	stream.indirect.gather [hbm4b:s4+s22], $0x80, s3, s22, $0xb8;
	[tilespmem:$0x1C200] =	vst v63  }
0x99: {  	_ =	swait.ge [sflag:s29], $0x4000  }
0x9a: {  	[sflag:s29] =	ssyncset.done $0x0  }
0x9b: {  	[sflag:s29] =	ssyncadd.s32 $0xFFFFC000  }
0x9c: {  	[spmem:s1] =	stream.indirect.scatter.add.f32 [tilespmem:s26], [sflag:$0x3], $0x80, s25, s22, $0xb8;
	[tilespmem:$0x1C200] =	vst v63  }
0x9d: {  	_ =	swait.ge [sflag:s21], $0x4000  }
0x9e: {  	[sflag:s21] =	ssyncset.done $0x0  }
0x9f: {  	[sflag:s21] =	ssyncadd.s32 $0xFFFFC000  }
0xa0: {  	[tilespmem:s23], [sflag:$0x4] =	stream.linear.gather [hbm4b:s14+s3], $0x80, $0x38;
	[tilespmem:$0x1C200] =	vst v63  }
0xa1: {  	_ =	swait.ge [sflag:s24], $0x80  }
0xa2: {  	[sflag:s24] =	ssyncset.done $0x0  }
0xa3: {  	[sflag:s24] =	ssyncadd.s32 $0xFFFFFF80  }
0xa4: {  	[tilespmem:s25], [sflag:$0x4] =	stream.linear.gather [hbm4b:s15+s3], $0x80, $0x38;
	[tilespmem:$0x1C200] =	vst v63  }
0xa5: {  	_ =	swait.ge [sflag:s24], $0x80  }
0xa6: {  	[sflag:s24] =	ssyncset.done $0x0  }
0xa7: {  	[sflag:s24] =	ssyncadd.s32 $0xFFFFFF80  }
0xa8: {  	[tilespmem:s26], [sflag:$0x2] =	stream.indirect.gather [hbm4b:s4+s22], $0x80, s23, s22, $0xb8;
	[tilespmem:$0x1C200] =	vst v63  }
0xa9: {  	_ =	swait.ge [sflag:s28], $0x4000  }
0xaa: {  	[sflag:s28] =	ssyncset.done $0x0  }
0xab: {  	[sflag:s28] =	ssyncadd.s32 $0xFFFFC000  }
0xac: {  	[spmem:s1] =	stream.indirect.scatter.add.f32 [tilespmem:s20], [sflag:$0x4], $0x80, s22, s22, $0xb8;
	[tilespmem:$0x1C200] =	vst v63  }
0xad: {  	_ =	swait.ge [sflag:s24], $0x4000  }
0xae: {  	[sflag:s24] =	ssyncset.done $0x0  }
0xaf: {  	[sflag:s24] =	ssyncadd.s32 $0xFFFFC000  }
0xb0: {  	_ =	swait.ge [sflag:s29], $0x4000  }
0xb1: {  	[sflag:s29] =	ssyncset.done $0x0  }
0xb2: {  	[sflag:s29] =	ssyncadd.s32 $0xFFFFC000  }
0xb3: {  	[spmem:s1] =	stream.indirect.scatter.add.f32 [tilespmem:s26], [sflag:$0x3], $0x80, s25, s22, $0xb8;
	[tilespmem:$0x1C200] =	vst v63  }
0xb4: {  	s31 =	stileid.u32;
	_ =	swait.ge [sflag:s21], $0x4000  }
0xb5: {  	s30 =	sadd.s32 $0x1, s30;
	s0 =	sshll.u32 s31, $0x6;
	[sflag:s21] =	ssyncset.done $0x0  }
0xb6: {  	p0 =	sne.s32 s30, s13;
	s0 =	sor.u32 $0x1C03, s0;
	[sflag:s21] =	ssyncadd.s32 $0xFFFFC000  }
.Ltmp2:
0xb7: {  	s2 =	sshrl.u32 s5, $0x3;
	[bflag:$0x0] =	sbarrier.arrive $0xFFFF;
	(pc) =	sbr.rel @p0 .LBB2_1-.Ltmp2, $4  }
0xb8: {  	[hbm:s12], [sflag:s0] =	dma.local [spmem:s2], $0x2800  }
0xb9: {  	_ =	swait.ge [sflag:s21], $0x2800  }
0xba: {  	[sflag:s21] =	ssyncset.done $0x0  }
0xbb: {  	[sflag:s21] =	ssyncadd.s32 $0xFFFFD800  }
0xbc: {  	_ =	sfence.sel $0x180000  }
0xbd: {  	[bflag:$0x0] =	sbarrier.arrive $0xFFFF  }
0xbe: {  	_ =	strace $0x90000050  }
0xbf: {  	s0 =	stileid.u32;
	[bflag:$0x2] =	sbarrier.arrive $0xFFFF  }
0xc0: {  	p0 =	sne.s32 s0, $0x0;
	s0 =	rddreg [dreg:$0x2]  }
0xc1: {  	s0 =	sadd.s32 @!p0 $0x100000, s0  }
0xc2: {  	[sflag:s0] =	ssyncadd.tile.s32 @!p0 $0x1;
	_ =	shalt  }
.Lfunc_end2:
_tile_overlayer_lowered:
.L_overlay_start_2:
0xc3: {  	(tag) =	ssettag $0x2  }
0xc4: {  	s0 =	rddreg [dreg:$0x0];
	s2 =	stileid.u32  }
0xc5: {  	s1 =	rddreg [dreg:$0x1];
	p0 =	sne.s32 s2, $0x0  }
0xc6: {  	s3 =	rddreg [dreg:$0x2];
	[bflag:$0x3] =	sbarrier.arrive $0xFFFF;
	s2 =	simm.s32 @!p0 $0x1C03  }
0xc7: {  	[timem:s3], [sflag:s2] =	dma.local @!p0 [hbm:s0], s1  }
0xc8: {  	s0 =	simm.s32 @!p0 $0x3  }
0xc9: {  	_ =	swait.ge @!p0 [sflag:s0], s1  }
0xca: {  	s1 =	ssub.s32 @!p0 $0x0, s1;
	[sflag:s0] =	ssyncset.done @!p0 $0x0  }
0xcb: {  	[sflag:s0] =	ssyncadd.s32 @!p0 s1  }
0xcc: {  	[bflag:$0x3] =	sbarrier.arrive $0xFFFF  }
0xcd: {  	_ =	shalt  }

</sc_bundles>
